<compile_context>
chip_gen: v7x
topology: tpu7x:2x2x1
jax: 0.10.2.dev20260603
libtpu: 0.0.44.dev20260713+nightly
codegen_flags: <defaults>
</compile_context>

<pallas_src>
import jax
import jax.numpy as jnp
from jax import lax
from jax.experimental import pallas as pl
from jax.experimental.pallas import tpu as pltpu
from jax.experimental.pallas import tpu_sc as plsc

N = 200000
C = 20
LABEL_SHIFT = 2
NUM_BUCKETS = 8192
RADIUS = 0.04
SCORE_THR = 0.05
NCLS = C - LABEL_SHIFT
NC = 2
NS = 16
CLS_PER_CORE = NCLS // NC
CORE_ROWS = CLS_PER_CORE * NUM_BUCKETS

NPAD = 204800
PTS_PER_TILE = NPAD // NS
BLK_PTS = 128
N_STEPS = PTS_PER_TILE // (2 * BLK_PTS)

ACC_ROWS = CORE_ROWS
ZROWS = ACC_ROWS // NS

A_BLK = 5120
A_GRID = NPAD // A_BLK

V_W = 24


def _prep_body(scores_ref, off_ref, coords_ref, batch_ref, v_ref, sm_ref):
    s = scores_ref[...]
    m = jnp.max(s, axis=0, keepdims=True)
    e = jnp.exp(s - m)
    p = e / jnp.sum(e, axis=0, keepdims=True)
    keep = (p[LABEL_SHIFT:, :] > SCORE_THR).astype(jnp.int32)
    bits = lax.broadcasted_iota(jnp.int32, (NCLS, 1), 0) + 13
    mask = jnp.sum(keep << bits, axis=0, keepdims=True)

    shifted = coords_ref[...] + off_ref[...]
    vox = jnp.floor(shifted / jnp.float32(RADIUS)).astype(jnp.int32)
    h = ((vox[0:1, :] * 73856093) ^ (vox[1:2, :] * 19349663)
         ^ (vox[2:3, :] * 83492791) ^ (batch_ref[...] * 1000003))
    sm_ref[...] = ((jnp.abs(h) & (NUM_BUCKETS - 1)) | mask).reshape(A_BLK)

    vt = jnp.concatenate(
        [s, shifted, jnp.ones((1, A_BLK), jnp.float32)], axis=0)
    v_ref[...] = vt.T


def _prep(scores_t, offsets_t, coords_t, batch_t):
    return pl.pallas_call(
        _prep_body,
        grid=(A_GRID,),
        in_specs=[
            pl.BlockSpec((C, A_BLK), lambda i: (0, i)),
            pl.BlockSpec((3, A_BLK), lambda i: (0, i)),
            pl.BlockSpec((3, A_BLK), lambda i: (0, i)),
            pl.BlockSpec((1, A_BLK), lambda i: (0, i)),
        ],
        out_specs=[
            pl.BlockSpec((A_BLK, V_W), lambda i: (i, 0)),
            pl.BlockSpec((A_BLK,), lambda i: (i,)),
        ],
        out_shape=[
            jax.ShapeDtypeStruct((NPAD, V_W), jnp.float32),
            jax.ShapeDtypeStruct((NPAD,), jnp.int32),
        ],
    )(scores_t, offsets_t, coords_t, batch_t)


def _scatter_body(v_hbm, sm_hbm, zero_hbm, out_hbm,
                  va, vb, sma, smb, idx2d, fin_out,
                  sem_in_a, sem_in_b, sem_sc_a, sem_sc_b, acc):
    core = lax.axis_index("c")
    sid = lax.axis_index("s")
    cls_base = core * CLS_PER_CORE

    pltpu.sync_copy(zero_hbm, acc.at[pl.ds(sid * ZROWS, ZROWS)])
    plsc.subcore_barrier()

    base = sid * PTS_PER_TILE
    bufs = ((va, sma, sem_in_a, sem_sc_a, 0), (vb, smb, sem_in_b, sem_sc_b, 9))

    def load(i, vv, ss, sem):
        off = base + i * BLK_PTS
        pltpu.async_copy(v_hbm.at[pl.ds(off, BLK_PTS)], vv, sem)
        pltpu.async_copy(sm_hbm.at[pl.ds(off, BLK_PTS)], ss, sem)

    def wait_load(vv, ss, sem):
        pltpu.make_async_copy(v_hbm.at[pl.ds(0, BLK_PTS)], vv, sem).wait()
        pltpu.make_async_copy(sm_hbm.at[pl.ds(0, BLK_PTS)], ss, sem).wait()

    def fire_scatters(vv, ss, sem, row0):
        segs, msks = [], []
        for j in range(BLK_PTS // 16):
            w = ss[pl.ds(j * 16, 16)]
            segs.append(w & (NUM_BUCKETS - 1))
            msks.append(lax.shift_right_logical(w, 13 + cls_base))
        for c in range(CLS_PER_CORE):
            for j in range(BLK_PTS // 16):
                kept = (lax.shift_right_logical(msks[j], c) & 1) == 1
                idx2d[row0 + c, pl.ds(j * 16, 16)] = jnp.where(
                    kept, segs[j] + c * NUM_BUCKETS, -1)
            pltpu.async_copy(
                vv, acc.at[plsc.Indices(idx2d.at[row0 + c], ignored_value=-1)],
                sem, add=True)

    def drain_scatters(vv, sem, row0):
        for c in range(CLS_PER_CORE):
            pltpu.make_async_copy(
                vv, acc.at[plsc.Indices(idx2d.at[row0 + c], ignored_value=-1)],
                sem).wait()

    load(0, va, sma, sem_in_a)
    load(1, vb, smb, sem_in_b)

    def step(s, _):
        for k, (vv, ss, sem_in, sem_sc, row0) in enumerate(bufs):
            wait_load(vv, ss, sem_in)
            fire_scatters(vv, ss, sem_sc, row0)

        @pl.when(s < N_STEPS - 1)
        def _():
            for k, (vv, ss, sem_in, sem_sc, row0) in enumerate(bufs):
                drain_scatters(vv, sem_sc, row0)
                load(2 * s + 2 + k, vv, ss, sem_in)
        return 0

    lax.fori_loop(0, N_STEPS, step, 0)
    for vv, ss, sem_in, sem_sc, row0 in bufs:
        drain_scatters(vv, sem_sc, row0)
    plsc.subcore_barrier()

    drain = CORE_ROWS // NS
    FCH = BLK_PTS
    fin_in = va

    def fin_chunk(k, _):
        pltpu.sync_copy(acc.at[pl.ds(sid * drain + k * FCH, FCH)], fin_in)

        def fin_row(r, _):
            hi = fin_in[r, pl.ds(7, 16)]
            cntv = fin_in[r, pl.ds(8, 16)]
            inv = (1.0 / jnp.maximum(cntv, 1.0))[15]
            fin_out[r, pl.ds(0, 16)] = fin_in[r, pl.ds(2, 16)] * inv
            fin_out[r, pl.ds(5, 16)] = hi * inv
            return 0
        lax.fori_loop(0, FCH, fin_row, 0)
        pltpu.sync_copy(
            fin_out,
            out_hbm.at[pl.ds(core * CORE_ROWS + sid * drain + k * FCH, FCH)])
        return 0
    lax.fori_loop(0, drain // FCH, fin_chunk, 0)

def _scatter(v, sm, zrows):
    f = pl.kernel(
        _scatter_body,
        out_type=jax.ShapeDtypeStruct((NCLS * NUM_BUCKETS, 21), jnp.float32),
        mesh=plsc.VectorSubcoreMesh(core_axis_name="c", subcore_axis_name="s"),
        compiler_params=pltpu.CompilerParams(use_tc_tiling_on_sc=False),
        scratch_types=[
            pltpu.VMEM((BLK_PTS, V_W), jnp.float32),
            pltpu.VMEM((BLK_PTS, V_W), jnp.float32),
            pltpu.VMEM((BLK_PTS,), jnp.int32),
            pltpu.VMEM((BLK_PTS,), jnp.int32),
            pltpu.VMEM((2 * CLS_PER_CORE, BLK_PTS), jnp.int32),
            pltpu.VMEM((BLK_PTS, 21), jnp.float32),
            pltpu.SemaphoreType.DMA,
            pltpu.SemaphoreType.DMA,
            pltpu.SemaphoreType.DMA,
            pltpu.SemaphoreType.DMA,
            pltpu.VMEM_SHARED((ACC_ROWS, V_W), jnp.float32),
        ],
    )
    return f(v, sm, zrows)


def kernel(batch_size, semantic_scores, pt_offsets, batch_idxs, coords_float):
    pad = NPAD - N
    scores_t = jnp.pad(semantic_scores.T, ((0, 0), (0, pad)))
    offsets_t = jnp.pad(pt_offsets.T, ((0, 0), (0, pad)))
    coords_t = jnp.pad(coords_float.T, ((0, 0), (0, pad)))
    batch_t = jnp.pad(batch_idxs, (0, pad)).reshape(1, NPAD)

    v, sm = _prep(scores_t, offsets_t, coords_t, batch_t)
    zrows = jnp.zeros((ZROWS, V_W), jnp.float32)
    return _scatter(v, sm, zrows)

# --- scband reference (transcript-rebuilt; emitter-appended) ---
"""Pipeline reference for scband-inst-head-5291399708799 (READ-ONLY COPY).

The authoritative reference and input builder live on the scoring server;
editing this copy changes nothing except your own understanding.
"""

import jax, jax.numpy as jnp
import numpy as np

N = 200000
C = 20
LABEL_SHIFT = 2
NUM_BUCKETS = 8192
RADIUS = 0.04
SCORE_THR = 0.05
BATCH_SIZE = 4


def setup_inputs(seed: int = 0) -> dict:
    key = jax.random.key(seed)
    k1, k2, k3, k4 = jax.random.split(key, 4)
    semantic_scores = jax.random.normal(k1, (N, C), dtype=jnp.float32)
    pt_offsets = jax.random.normal(k2, (N, 3), dtype=jnp.float32) * 0.1
    coords_float = jax.random.uniform(k3, (N, 3), dtype=jnp.float32) * 50.0
    batch_idxs = jnp.sort(jax.random.randint(k4, (N,), 0, BATCH_SIZE, dtype=jnp.int32))
    return {
        'batch_size': BATCH_SIZE,
        'semantic_scores': semantic_scores,
        'pt_offsets': pt_offsets,
        'batch_idxs': batch_idxs,
        'coords_float': coords_float,
    }


def _bucket_ids(shifted, batch_idxs):
    # Voxel-hash proxy for ballquery_batch_p + bfs_cluster: points whose
    # offset-shifted coords land in the same radius-sized voxel (within the
    # same batch element) are grouped into the same proposal bucket.
    vox = jnp.floor(shifted / RADIUS).astype(jnp.int32)
    h = (vox[:, 0] * 73856093) ^ (vox[:, 1] * 19349663) ^ (vox[:, 2] * 83492791) ^ (batch_idxs.astype(jnp.int32) * 1000003)
    return jnp.abs(h) % NUM_BUCKETS


def reference(batch_size, semantic_scores, pt_offsets, batch_idxs, coords_float):
    # forward_grouping: softmax semantics, per-class score thresholding,
    # cluster points by (shifted-coordinate) proximity, then scatter_mean the
    # raw semantic scores (and centroids) over each proposal.
    probs = jax.nn.softmax(semantic_scores, axis=-1)
    shifted = coords_float + pt_offsets
    seg = _bucket_ids(jax.lax.stop_gradient(shifted), batch_idxs)
    outs = []
    for class_id in range(LABEL_SHIFT, C):
        keep = (probs[:, class_id] > SCORE_THR).astype(probs.dtype)
        w = keep[:, None]
        num = jax.ops.segment_sum(semantic_scores * w, seg, num_segments=NUM_BUCKETS)
        cen = jax.ops.segment_sum(shifted * w, seg, num_segments=NUM_BUCKETS)
        cnt = jax.ops.segment_sum(w, seg, num_segments=NUM_BUCKETS)
        denom = jnp.maximum(cnt, 1.0)
        cls_scores = num / denom  # scatter_mean of _semantic_scores per proposal
        proposal_centroid = cen / denom
        outs.append(jnp.concatenate([cls_scores[:, LABEL_SHIFT:], proposal_centroid], axis=-1))
    proposals_sem_scores = jnp.concatenate(outs, axis=0)
    return proposals_sem_scores

if __name__ == "__main__":
    import jax
    _d = setup_inputs()
    print(jax.jit(kernel)(*tuple(_d.values())))

</pallas_src>

<mosaic_0001>
#map = affine_map<(d0, d1) -> (0, 0)>
#map1 = affine_map<(d0, d1) -> (0)>
module attributes {stable_mosaic.version = 14 : i64} {
  func.func @_scatter_body(%arg0: i32, %arg1: i32, %arg2: memref<204800x24xf32, #tpu.memory_space<hbm>>, %arg3: memref<204800xi32, #tpu.memory_space<hbm>>, %arg4: memref<4608x24xf32, #tpu.memory_space<hbm>>, %arg5: memref<147456x21xf32, #tpu.memory_space<hbm>>, %arg6: memref<128x24xf32, #tpu.memory_space<vmem>>, %arg7: memref<128x24xf32, #tpu.memory_space<vmem>>, %arg8: memref<128xi32, #tpu.memory_space<vmem>>, %arg9: memref<128xi32, #tpu.memory_space<vmem>>, %arg10: memref<18x128xi32, #tpu.memory_space<vmem>>, %arg11: memref<128x21xf32, #tpu.memory_space<vmem>>, %arg12: memref<!tpu.dma_semaphore, #tpu.memory_space<semaphore_mem>>, %arg13: memref<!tpu.dma_semaphore, #tpu.memory_space<semaphore_mem>>, %arg14: memref<!tpu.dma_semaphore, #tpu.memory_space<semaphore_mem>>, %arg15: memref<!tpu.dma_semaphore, #tpu.memory_space<semaphore_mem>>, %arg16: memref<73728x24xf32, #tpu.memory_space<vmem_shared>>) attributes {dimension_semantics = [#tpu.dimension_semantics<core_parallel>, #tpu.dimension_semantics<subcore_parallel>], iteration_bounds = array<i64: 2, 16>, scalar_prefetch = 0 : i64, scratch_operands = 11 : i64, tpu.core_type = #tpu.core_type<sc_vector_subcore>, window_params = [{transform_indices = #map}, {transform_indices = #map1}, {transform_indices = #map}, {transform_indices = #map}]} {
    %mul3A = arith.constant 9 : i32
    %mul3A_0 = arith.muli %arg0, %mul3A : i32
    %mul3A_1 = arith.constant 4608 : i32
    %mul3A_2 = arith.muli %arg1, %mul3A_1 : i32
    "tpu.region"() ({
      %run_scoped3A = tpu.sem_alloc : memref<!tpu.dma_semaphore, #tpu.memory_space<semaphore_mem>>
      %dma_start3A_158 = arith.constant 0 : i32
      %dma_start3A_159 = tpu.memref_slice %arg16[%mul3A_2, %dma_start3A_158] : memref<73728x24xf32, #tpu.memory_space<vmem_shared>> -> memref<4608x24xf32, #tpu.memory_space<vmem_shared>>
      tpu.enqueue_dma source(%arg4 : memref<4608x24xf32, #tpu.memory_space<hbm>>) target(%dma_start3A_159 : memref<4608x24xf32, #tpu.memory_space<vmem_shared>>) target_semaphore(%run_scoped3A : memref<!tpu.dma_semaphore, #tpu.memory_space<semaphore_mem>>)
      %dma_wait3A_160 = arith.constant 0 : i32
      %dma_wait3A_161 = tpu.memref_slice %arg16[%mul3A_2, %dma_wait3A_160] : memref<73728x24xf32, #tpu.memory_space<vmem_shared>> -> memref<4608x24xf32, #tpu.memory_space<vmem_shared>>
      tpu.wait_dma2 semaphore(%run_scoped3A : memref<!tpu.dma_semaphore, #tpu.memory_space<semaphore_mem>>) src(%arg4 : memref<4608x24xf32, #tpu.memory_space<hbm>>) dst(%dma_wait3A_161 : memref<4608x24xf32, #tpu.memory_space<vmem_shared>>)
      tpu.yield
    }) : () -> ()
    %barrier3A = arith.constant 0 : index
    tpu.barrier barrier_id(%barrier3A)
    %mul3A_3 = arith.constant 12800 : i32
    %mul3A_4 = arith.muli %arg1, %mul3A_3 : i32
    %add3A = arith.constant 0 : i32
    %add3A_5 = arith.addi %mul3A_4, %add3A : i32
    %dma_start3A = arith.constant 0 : i32
    %dma_start3A_6 = tpu.memref_slice %arg2[%add3A_5, %dma_start3A] : memref<204800x24xf32, #tpu.memory_space<hbm>> -> memref<128x24xf32, #tpu.memory_space<hbm>>
    %dma_start3A_7 = arith.constant 0 : i32
    %dma_start3A_8 = tpu.memref_slice %arg2[%add3A_5, %dma_start3A_7] : memref<204800x24xf32, #tpu.memory_space<hbm>> -> memref<128x24xf32, #tpu.memory_space<hbm>>
    tpu.enqueue_dma source(%dma_start3A_8 : memref<128x24xf32, #tpu.memory_space<hbm>>) target(%arg6 : memref<128x24xf32, #tpu.memory_space<vmem>>) target_semaphore(%arg12 : memref<!tpu.dma_semaphore, #tpu.memory_space<semaphore_mem>>)
    %dma_start3A_9 = tpu.memref_slice %arg3[%add3A_5] : memref<204800xi32, #tpu.memory_space<hbm>> -> memref<128xi32, #tpu.memory_space<hbm>>
    %dma_start3A_10 = tpu.memref_slice %arg3[%add3A_5] : memref<204800xi32, #tpu.memory_space<hbm>> -> memref<128xi32, #tpu.memory_space<hbm>>
    tpu.enqueue_dma source(%dma_start3A_10 : memref<128xi32, #tpu.memory_space<hbm>>) target(%arg8 : memref<128xi32, #tpu.memory_space<vmem>>) target_semaphore(%arg12 : memref<!tpu.dma_semaphore, #tpu.memory_space<semaphore_mem>>)
    %add3A_11 = arith.constant 128 : i32
    %add3A_12 = arith.addi %mul3A_4, %add3A_11 : i32
    %dma_start3A_13 = arith.constant 0 : i32
    %dma_start3A_14 = tpu.memref_slice %arg2[%add3A_12, %dma_start3A_13] : memref<204800x24xf32, #tpu.memory_space<hbm>> -> memref<128x24xf32, #tpu.memory_space<hbm>>
    %dma_start3A_15 = arith.constant 0 : i32
    %dma_start3A_16 = tpu.memref_slice %arg2[%add3A_12, %dma_start3A_15] : memref<204800x24xf32, #tpu.memory_space<hbm>> -> memref<128x24xf32, #tpu.memory_space<hbm>>
    tpu.enqueue_dma source(%dma_start3A_16 : memref<128x24xf32, #tpu.memory_space<hbm>>) target(%arg7 : memref<128x24xf32, #tpu.memory_space<vmem>>) target_semaphore(%arg13 : memref<!tpu.dma_semaphore, #tpu.memory_space<semaphore_mem>>)
    %dma_start3A_17 = tpu.memref_slice %arg3[%add3A_12] : memref<204800xi32, #tpu.memory_space<hbm>> -> memref<128xi32, #tpu.memory_space<hbm>>
    %dma_start3A_18 = tpu.memref_slice %arg3[%add3A_12] : memref<204800xi32, #tpu.memory_space<hbm>> -> memref<128xi32, #tpu.memory_space<hbm>>
    tpu.enqueue_dma source(%dma_start3A_18 : memref<128xi32, #tpu.memory_space<hbm>>) target(%arg9 : memref<128xi32, #tpu.memory_space<vmem>>) target_semaphore(%arg13 : memref<!tpu.dma_semaphore, #tpu.memory_space<semaphore_mem>>)
    %scan3A = arith.constant 0 : i32
    %scan3A_19 = arith.constant 0 : i32
    %scan3A_20 = arith.constant 50 : i32
    %scan3A_21 = arith.addi %scan3A_19, %scan3A_20 : i32
    %scan3A_22 = arith.constant 1 : i32
    %scan3A_23 = scf.for %scan3A_158 = %scan3A_19 to %scan3A_21 step %scan3A_22 iter_args(%scan3A_159 = %scan3A) -> (i32)  : i32 {
      %dma_wait3A_160 = arith.constant 0 : i32
      %dma_wait3A_161 = arith.constant 0 : i32
      %dma_wait3A_162 = tpu.memref_slice %arg2[%dma_wait3A_160, %dma_wait3A_161] : memref<204800x24xf32, #tpu.memory_space<hbm>> -> memref<128x24xf32, #tpu.memory_space<hbm>>
      %dma_wait3A_163 = arith.constant 0 : i32
      %dma_wait3A_164 = arith.constant 0 : i32
      %dma_wait3A_165 = tpu.memref_slice %arg2[%dma_wait3A_163, %dma_wait3A_164] : memref<204800x24xf32, #tpu.memory_space<hbm>> -> memref<128x24xf32, #tpu.memory_space<hbm>>
      tpu.wait_dma2 semaphore(%arg12 : memref<!tpu.dma_semaphore, #tpu.memory_space<semaphore_mem>>) src(%dma_wait3A_165 : memref<128x24xf32, #tpu.memory_space<hbm>>) dst(%arg6 : memref<128x24xf32, #tpu.memory_space<vmem>>)
      %dma_wait3A_166 = arith.constant 0 : i32
      %dma_wait3A_167 = tpu.memref_slice %arg3[%dma_wait3A_166] : memref<204800xi32, #tpu.memory_space<hbm>> -> memref<128xi32, #tpu.memory_space<hbm>>
      %dma_wait3A_168 = arith.constant 0 : i32
      %dma_wait3A_169 = tpu.memref_slice %arg3[%dma_wait3A_168] : memref<204800xi32, #tpu.memory_space<hbm>> -> memref<128xi32, #tpu.memory_space<hbm>>
      tpu.wait_dma2 semaphore(%arg12 : memref<!tpu.dma_semaphore, #tpu.memory_space<semaphore_mem>>) src(%dma_wait3A_169 : memref<128xi32, #tpu.memory_space<hbm>>) dst(%arg8 : memref<128xi32, #tpu.memory_space<vmem>>)
      %get3A = arith.constant 0 : index
      %get3A_170 = tpu.vector_load %arg8[%get3A] {strides = array<i32>} : memref<128xi32, #tpu.memory_space<vmem>>, vector<16xi32>,
      %get3A_171 = vector.shape_cast %get3A_170 : vector<16xi32> to vector<16xi32>
      %and3A = arith.constant 8191 : i32
      %and3A_172 = vector.broadcast %and3A : i32 to vector<16xi32>
      %and3A_173 = arith.andi %get3A_171, %and3A_172 : vector<16xi32>
      %add3A_174 = arith.constant 13 : i32
      %add3A_175 = arith.addi %add3A_174, %mul3A_0 : i32
      %shift_right_logical3A = vector.broadcast %add3A_175 : i32 to vector<16xi32>
      %shift_right_logical3A_176 = arith.shrui %get3A_171, %shift_right_logical3A : vector<16xi32>
      %get3A_177 = arith.constant 16 : index
      %get3A_178 = tpu.vector_load %arg8[%get3A_177] {strides = array<i32>} : memref<128xi32, #tpu.memory_space<vmem>>, vector<16xi32>,
      %get3A_179 = vector.shape_cast %get3A_178 : vector<16xi32> to vector<16xi32>
      %and3A_180 = arith.constant 8191 : i32
      %and3A_181 = vector.broadcast %and3A_180 : i32 to vector<16xi32>
      %and3A_182 = arith.andi %get3A_179, %and3A_181 : vector<16xi32>
      %add3A_183 = arith.constant 13 : i32
      %add3A_184 = arith.addi %add3A_183, %mul3A_0 : i32
      %shift_right_logical3A_185 = vector.broadcast %add3A_184 : i32 to vector<16xi32>
      %shift_right_logical3A_186 = arith.shrui %get3A_179, %shift_right_logical3A_185 : vector<16xi32>
      %get3A_187 = arith.constant 32 : index
      %get3A_188 = tpu.vector_load %arg8[%get3A_187] {strides = array<i32>} : memref<128xi32, #tpu.memory_space<vmem>>, vector<16xi32>,
      %get3A_189 = vector.shape_cast %get3A_188 : vector<16xi32> to vector<16xi32>
      %and3A_190 = arith.constant 8191 : i32
      %and3A_191 = vector.broadcast %and3A_190 : i32 to vector<16xi32>
      %and3A_192 = arith.andi %get3A_189, %and3A_191 : vector<16xi32>
      %add3A_193 = arith.constant 13 : i32
      %add3A_194 = arith.addi %add3A_193, %mul3A_0 : i32
      %shift_right_logical3A_195 = vector.broadcast %add3A_194 : i32 to vector<16xi32>
      %shift_right_logical3A_196 = arith.shrui %get3A_189, %shift_right_logical3A_195 : vector<16xi32>
      %get3A_197 = arith.constant 48 : index
      %get3A_198 = tpu.vector_load %arg8[%get3A_197] {strides = array<i32>} : memref<128xi32, #tpu.memory_space<vmem>>, vector<16xi32>,
      %get3A_199 = vector.shape_cast %get3A_198 : vector<16xi32> to vector<16xi32>
      %and3A_200 = arith.constant 8191 : i32
      %and3A_201 = vector.broadcast %and3A_200 : i32 to vector<16xi32>
      %and3A_202 = arith.andi %get3A_199, %and3A_201 : vector<16xi32>
      %add3A_203 = arith.constant 13 : i32
      %add3A_204 = arith.addi %add3A_203, %mul3A_0 : i32
      %shift_right_logical3A_205 = vector.broadcast %add3A_204 : i32 to vector<16xi32>
      %shift_right_logical3A_206 = arith.shrui %get3A_199, %shift_right_logical3A_205 : vector<16xi32>
      %get3A_207 = arith.constant 64 : index
      %get3A_208 = tpu.vector_load %arg8[%get3A_207] {strides = array<i32>} : memref<128xi32, #tpu.memory_space<vmem>>, vector<16xi32>,
      %get3A_209 = vector.shape_cast %get3A_208 : vector<16xi32> to vector<16xi32>
      %and3A_210 = arith.constant 8191 : i32
      %and3A_211 = vector.broadcast %and3A_210 : i32 to vector<16xi32>
      %and3A_212 = arith.andi %get3A_209, %and3A_211 : vector<16xi32>
      %add3A_213 = arith.constant 13 : i32
      %add3A_214 = arith.addi %add3A_213, %mul3A_0 : i32
      %shift_right_logical3A_215 = vector.broadcast %add3A_214 : i32 to vector<16xi32>
      %shift_right_logical3A_216 = arith.shrui %get3A_209, %shift_right_logical3A_215 : vector<16xi32>
      %get3A_217 = arith.constant 80 : index
      %get3A_218 = tpu.vector_load %arg8[%get3A_217] {strides = array<i32>} : memref<128xi32, #tpu.memory_space<vmem>>, vector<16xi32>,
      %get3A_219 = vector.shape_cast %get3A_218 : vector<16xi32> to vector<16xi32>
      %and3A_220 = arith.constant 8191 : i32
      %and3A_221 = vector.broadcast %and3A_220 : i32 to vector<16xi32>
      %and3A_222 = arith.andi %get3A_219, %and3A_221 : vector<16xi32>
      %add3A_223 = arith.constant 13 : i32
      %add3A_224 = arith.addi %add3A_223, %mul3A_0 : i32
      %shift_right_logical3A_225 = vector.broadcast %add3A_224 : i32 to vector<16xi32>
      %shift_right_logical3A_226 = arith.shrui %get3A_219, %shift_right_logical3A_225 : vector<16xi32>
      %get3A_227 = arith.constant 96 : index
      %get3A_228 = tpu.vector_load %arg8[%get3A_227] {strides = array<i32>} : memref<128xi32, #tpu.memory_space<vmem>>, vector<16xi32>,
      %get3A_229 = vector.shape_cast %get3A_228 : vector<16xi32> to vector<16xi32>
      %and3A_230 = arith.constant 8191 : i32
      %and3A_231 = vector.broadcast %and3A_230 : i32 to vector<16xi32>
      %and3A_232 = arith.andi %get3A_229, %and3A_231 : vector<16xi32>
      %add3A_233 = arith.constant 13 : i32
      %add3A_234 = arith.addi %add3A_233, %mul3A_0 : i32
      %shift_right_logical3A_235 = vector.broadcast %add3A_234 : i32 to vector<16xi32>
      %shift_right_logical3A_236 = arith.shrui %get3A_229, %shift_right_logical3A_235 : vector<16xi32>
      %get3A_237 = arith.constant 112 : index
      %get3A_238 = tpu.vector_load %arg8[%get3A_237] {strides = array<i32>} : memref<128xi32, #tpu.memory_space<vmem>>, vector<16xi32>,
      %get3A_239 = vector.shape_cast %get3A_238 : vector<16xi32> to vector<16xi32>
      %and3A_240 = arith.constant 8191 : i32
      %and3A_241 = vector.broadcast %and3A_240 : i32 to vector<16xi32>
      %and3A_242 = arith.andi %get3A_239, %and3A_241 : vector<16xi32>
      %add3A_243 = arith.constant 13 : i32
      %add3A_244 = arith.addi %add3A_243, %mul3A_0 : i32
      %shift_right_logical3A_245 = vector.broadcast %add3A_244 : i32 to vector<16xi32>
      %shift_right_logical3A_246 = arith.shrui %get3A_239, %shift_right_logical3A_245 : vector<16xi32>
      %shift_right_logical3A_247 = arith.constant 0 : i32
      %shift_right_logical3A_248 = vector.broadcast %shift_right_logical3A_247 : i32 to vector<16xi32>
      %shift_right_logical3A_249 = arith.shrui %shift_right_logical3A_176, %shift_right_logical3A_248 : vector<16xi32>
      %and3A_250 = arith.constant 1 : i32
      %and3A_251 = vector.broadcast %and3A_250 : i32 to vector<16xi32>
      %and3A_252 = arith.andi %shift_right_logical3A_249, %and3A_251 : vector<16xi32>
      %eq3A = arith.constant 1 : i32
      %eq3A_253 = vector.broadcast %eq3A : i32 to vector<16xi32>
      %eq3A_254 = arith.cmpi eq, %and3A_252, %eq3A_253 : vector<16xi32>
      %add3A_255 = arith.constant 0 : i32
      %add3A_256 = vector.broadcast %add3A_255 : i32 to vector<16xi32>
      %add3A_257 = arith.addi %and3A_173, %add3A_256 : vector<16xi32>
      %jit3A = arith.constant -1 : i32
      %broadcast_in_dim3A = vector.broadcast %jit3A : i32 to vector<16xi32>
      %select_n3A = arith.select %eq3A_254, %add3A_257, %broadcast_in_dim3A : vector<16xi1>, vector<16xi32>
      %swap3A = arith.constant 0 : i32
      %swap3A_258 = arith.index_cast %swap3A : i32 to index
      %swap3A_259 = arith.constant 0 : index
      %swap3A_260 = tpu.vector_load %arg10[%swap3A_258, %swap3A_259] {strides = array<i32>} : memref<18x128xi32, #tpu.memory_space<vmem>>, vector<1x16xi32>,
      %swap3A_261 = vector.shape_cast %swap3A_260 : vector<1x16xi32> to vector<16xi32>
      %swap3A_262 = vector.shape_cast %select_n3A : vector<16xi32> to vector<1x16xi32>
      tpu.vector_store %arg10[%swap3A_258, %swap3A_259], %swap3A_262 {strides = array<i32>} : memref<18x128xi32, #tpu.memory_space<vmem>>, vector<1x16xi32>,
      %shift_right_logical3A_263 = arith.constant 0 : i32
      %shift_right_logical3A_264 = vector.broadcast %shift_right_logical3A_263 : i32 to vector<16xi32>
      %shift_right_logical3A_265 = arith.shrui %shift_right_logical3A_186, %shift_right_logical3A_264 : vector<16xi32>
      %and3A_266 = arith.constant 1 : i32
      %and3A_267 = vector.broadcast %and3A_266 : i32 to vector<16xi32>
      %and3A_268 = arith.andi %shift_right_logical3A_265, %and3A_267 : vector<16xi32>
      %eq3A_269 = arith.constant 1 : i32
      %eq3A_270 = vector.broadcast %eq3A_269 : i32 to vector<16xi32>
      %eq3A_271 = arith.cmpi eq, %and3A_268, %eq3A_270 : vector<16xi32>
      %add3A_272 = arith.constant 0 : i32
      %add3A_273 = vector.broadcast %add3A_272 : i32 to vector<16xi32>
      %add3A_274 = arith.addi %and3A_182, %add3A_273 : vector<16xi32>
      %jit3A_275 = arith.constant -1 : i32
      %broadcast_in_dim3A_276 = vector.broadcast %jit3A_275 : i32 to vector<16xi32>
      %select_n3A_277 = arith.select %eq3A_271, %add3A_274, %broadcast_in_dim3A_276 : vector<16xi1>, vector<16xi32>
      %swap3A_278 = arith.constant 0 : i32
      %swap3A_279 = arith.index_cast %swap3A_278 : i32 to index
      %swap3A_280 = arith.constant 16 : index
      %swap3A_281 = tpu.vector_load %arg10[%swap3A_279, %swap3A_280] {strides = array<i32>} : memref<18x128xi32, #tpu.memory_space<vmem>>, vector<1x16xi32>,
      %swap3A_282 = vector.shape_cast %swap3A_281 : vector<1x16xi32> to vector<16xi32>
      %swap3A_283 = vector.shape_cast %select_n3A_277 : vector<16xi32> to vector<1x16xi32>
      tpu.vector_store %arg10[%swap3A_279, %swap3A_280], %swap3A_283 {strides = array<i32>} : memref<18x128xi32, #tpu.memory_space<vmem>>, vector<1x16xi32>,
      %shift_right_logical3A_284 = arith.constant 0 : i32
      %shift_right_logical3A_285 = vector.broadcast %shift_right_logical3A_284 : i32 to vector<16xi32>
      %shift_right_logical3A_286 = arith.shrui %shift_right_logical3A_196, %shift_right_logical3A_285 : vector<16xi32>
      %and3A_287 = arith.constant 1 : i32
      %and3A_288 = vector.broadcast %and3A_287 : i32 to vector<16xi32>
      %and3A_289 = arith.andi %shift_right_logical3A_286, %and3A_288 : vector<16xi32>
      %eq3A_290 = arith.constant 1 : i32
      %eq3A_291 = vector.broadcast %eq3A_290 : i32 to vector<16xi32>
      %eq3A_292 = arith.cmpi eq, %and3A_289, %eq3A_291 : vector<16xi32>
      %add3A_293 = arith.constant 0 : i32
      %add3A_294 = vector.broadcast %add3A_293 : i32 to vector<16xi32>
      %add3A_295 = arith.addi %and3A_192, %add3A_294 : vector<16xi32>
      %jit3A_296 = arith.constant -1 : i32
      %broadcast_in_dim3A_297 = vector.broadcast %jit3A_296 : i32 to vector<16xi32>
      %select_n3A_298 = arith.select %eq3A_292, %add3A_295, %broadcast_in_dim3A_297 : vector<16xi1>, vector<16xi32>
      %swap3A_299 = arith.constant 0 : i32
      %swap3A_300 = arith.index_cast %swap3A_299 : i32 to index
      %swap3A_301 = arith.constant 32 : index
      %swap3A_302 = tpu.vector_load %arg10[%swap3A_300, %swap3A_301] {strides = array<i32>} : memref<18x128xi32, #tpu.memory_space<vmem>>, vector<1x16xi32>,
      %swap3A_303 = vector.shape_cast %swap3A_302 : vector<1x16xi32> to vector<16xi32>
      %swap3A_304 = vector.shape_cast %select_n3A_298 : vector<16xi32> to vector<1x16xi32>
      tpu.vector_store %arg10[%swap3A_300, %swap3A_301], %swap3A_304 {strides = array<i32>} : memref<18x128xi32, #tpu.memory_space<vmem>>, vector<1x16xi32>,
      %shift_right_logical3A_305 = arith.constant 0 : i32
      %shift_right_logical3A_306 = vector.broadcast %shift_right_logical3A_305 : i32 to vector<16xi32>
      %shift_right_logical3A_307 = arith.shrui %shift_right_logical3A_206, %shift_right_logical3A_306 : vector<16xi32>
      %and3A_308 = arith.constant 1 : i32
      %and3A_309 = vector.broadcast %and3A_308 : i32 to vector<16xi32>
      %and3A_310 = arith.andi %shift_right_logical3A_307, %and3A_309 : vector<16xi32>
      %eq3A_311 = arith.constant 1 : i32
      %eq3A_312 = vector.broadcast %eq3A_311 : i32 to vector<16xi32>
      %eq3A_313 = arith.cmpi eq, %and3A_310, %eq3A_312 : vector<16xi32>
      %add3A_314 = arith.constant 0 : i32
      %add3A_315 = vector.broadcast %add3A_314 : i32 to vector<16xi32>
      %add3A_316 = arith.addi %and3A_202, %add3A_315 : vector<16xi32>
      %jit3A_317 = arith.constant -1 : i32
      %broadcast_in_dim3A_318 = vector.broadcast %jit3A_317 : i32 to vector<16xi32>
      %select_n3A_319 = arith.select %eq3A_313, %add3A_316, %broadcast_in_dim3A_318 : vector<16xi1>, vector<16xi32>
      %swap3A_320 = arith.constant 0 : i32
      %swap3A_321 = arith.index_cast %swap3A_320 : i32 to index
      %swap3A_322 = arith.constant 48 : index
      %swap3A_323 = tpu.vector_load %arg10[%swap3A_321, %swap3A_322] {strides = array<i32>} : memref<18x128xi32, #tpu.memory_space<vmem>>, vector<1x16xi32>,
      %swap3A_324 = vector.shape_cast %swap3A_323 : vector<1x16xi32> to vector<16xi32>
      %swap3A_325 = vector.shape_cast %select_n3A_319 : vector<16xi32> to vector<1x16xi32>
      tpu.vector_store %arg10[%swap3A_321, %swap3A_322], %swap3A_325 {strides = array<i32>} : memref<18x128xi32, #tpu.memory_space<vmem>>, vector<1x16xi32>,
      %shift_right_logical3A_326 = arith.constant 0 : i32
      %shift_right_logical3A_327 = vector.broadcast %shift_right_logical3A_326 : i32 to vector<16xi32>
      %shift_right_logical3A_328 = arith.shrui %shift_right_logical3A_216, %shift_right_logical3A_327 : vector<16xi32>
      %and3A_329 = arith.constant 1 : i32
      %and3A_330 = vector.broadcast %and3A_329 : i32 to vector<16xi32>
      %and3A_331 = arith.andi %shift_right_logical3A_328, %and3A_330 : vector<16xi32>
      %eq3A_332 = arith.constant 1 : i32
      %eq3A_333 = vector.broadcast %eq3A_332 : i32 to vector<16xi32>
      %eq3A_334 = arith.cmpi eq, %and3A_331, %eq3A_333 : vector<16xi32>
      %add3A_335 = arith.constant 0 : i32
      %add3A_336 = vector.broadcast %add3A_335 : i32 to vector<16xi32>
      %add3A_337 = arith.addi %and3A_212, %add3A_336 : vector<16xi32>
      %jit3A_338 = arith.constant -1 : i32
      %broadcast_in_dim3A_339 = vector.broadcast %jit3A_338 : i32 to vector<16xi32>
      %select_n3A_340 = arith.select %eq3A_334, %add3A_337, %broadcast_in_dim3A_339 : vector<16xi1>, vector<16xi32>
      %swap3A_341 = arith.constant 0 : i32
      %swap3A_342 = arith.index_cast %swap3A_341 : i32 to index
      %swap3A_343 = arith.constant 64 : index
      %swap3A_344 = tpu.vector_load %arg10[%swap3A_342, %swap3A_343] {strides = array<i32>} : memref<18x128xi32, #tpu.memory_space<vmem>>, vector<1x16xi32>,
      %swap3A_345 = vector.shape_cast %swap3A_344 : vector<1x16xi32> to vector<16xi32>
      %swap3A_346 = vector.shape_cast %select_n3A_340 : vector<16xi32> to vector<1x16xi32>
      tpu.vector_store %arg10[%swap3A_342, %swap3A_343], %swap3A_346 {strides = array<i32>} : memref<18x128xi32, #tpu.memory_space<vmem>>, vector<1x16xi32>,
      %shift_right_logical3A_347 = arith.constant 0 : i32
      %shift_right_logical3A_348 = vector.broadcast %shift_right_logical3A_347 : i32 to vector<16xi32>
      %shift_right_logical3A_349 = arith.shrui %shift_right_logical3A_226, %shift_right_logical3A_348 : vector<16xi32>
      %and3A_350 = arith.constant 1 : i32
      %and3A_351 = vector.broadcast %and3A_350 : i32 to vector<16xi32>
      %and3A_352 = arith.andi %shift_right_logical3A_349, %and3A_351 : vector<16xi32>
      %eq3A_353 = arith.constant 1 : i32
      %eq3A_354 = vector.broadcast %eq3A_353 : i32 to vector<16xi32>
      %eq3A_355 = arith.cmpi eq, %and3A_352, %eq3A_354 : vector<16xi32>
      %add3A_356 = arith.constant 0 : i32
      %add3A_357 = vector.broadcast %add3A_356 : i32 to vector<16xi32>
      %add3A_358 = arith.addi %and3A_222, %add3A_357 : vector<16xi32>
      %jit3A_359 = arith.constant -1 : i32
      %broadcast_in_dim3A_360 = vector.broadcast %jit3A_359 : i32 to vector<16xi32>
      %select_n3A_361 = arith.select %eq3A_355, %add3A_358, %broadcast_in_dim3A_360 : vector<16xi1>, vector<16xi32>
      %swap3A_362 = arith.constant 0 : i32
      %swap3A_363 = arith.index_cast %swap3A_362 : i32 to index
      %swap3A_364 = arith.constant 80 : index
      %swap3A_365 = tpu.vector_load %arg10[%swap3A_363, %swap3A_364] {strides = array<i32>} : memref<18x128xi32, #tpu.memory_space<vmem>>, vector<1x16xi32>,
      %swap3A_366 = vector.shape_cast %swap3A_365 : vector<1x16xi32> to vector<16xi32>
      %swap3A_367 = vector.shape_cast %select_n3A_361 : vector<16xi32> to vector<1x16xi32>
      tpu.vector_store %arg10[%swap3A_363, %swap3A_364], %swap3A_367 {strides = array<i32>} : memref<18x128xi32, #tpu.memory_space<vmem>>, vector<1x16xi32>,
      %shift_right_logical3A_368 = arith.constant 0 : i32
      %shift_right_logical3A_369 = vector.broadcast %shift_right_logical3A_368 : i32 to vector<16xi32>
      %shift_right_logical3A_370 = arith.shrui %shift_right_logical3A_236, %shift_right_logical3A_369 : vector<16xi32>
      %and3A_371 = arith.constant 1 : i32
      %and3A_372 = vector.broadcast %and3A_371 : i32 to vector<16xi32>
      %and3A_373 = arith.andi %shift_right_logical3A_370, %and3A_372 : vector<16xi32>
      %eq3A_374 = arith.constant 1 : i32
      %eq3A_375 = vector.broadcast %eq3A_374 : i32 to vector<16xi32>
      %eq3A_376 = arith.cmpi eq, %and3A_373, %eq3A_375 : vector<16xi32>
      %add3A_377 = arith.constant 0 : i32
      %add3A_378 = vector.broadcast %add3A_377 : i32 to vector<16xi32>
      %add3A_379 = arith.addi %and3A_232, %add3A_378 : vector<16xi32>
      %jit3A_380 = arith.constant -1 : i32
      %broadcast_in_dim3A_381 = vector.broadcast %jit3A_380 : i32 to vector<16xi32>
      %select_n3A_382 = arith.select %eq3A_376, %add3A_379, %broadcast_in_dim3A_381 : vector<16xi1>, vector<16xi32>
      %swap3A_383 = arith.constant 0 : i32
      %swap3A_384 = arith.index_cast %swap3A_383 : i32 to index
      %swap3A_385 = arith.constant 96 : index
      %swap3A_386 = tpu.vector_load %arg10[%swap3A_384, %swap3A_385] {strides = array<i32>} : memref<18x128xi32, #tpu.memory_space<vmem>>, vector<1x16xi32>,
      %swap3A_387 = vector.shape_cast %swap3A_386 : vector<1x16xi32> to vector<16xi32>
      %swap3A_388 = vector.shape_cast %select_n3A_382 : vector<16xi32> to vector<1x16xi32>
      tpu.vector_store %arg10[%swap3A_384, %swap3A_385], %swap3A_388 {strides = array<i32>} : memref<18x128xi32, #tpu.memory_space<vmem>>, vector<1x16xi32>,
      %shift_right_logical3A_389 = arith.constant 0 : i32
      %shift_right_logical3A_390 = vector.broadcast %shift_right_logical3A_389 : i32 to vector<16xi32>
      %shift_right_logical3A_391 = arith.shrui %shift_right_logical3A_246, %shift_right_logical3A_390 : vector<16xi32>
      %and3A_392 = arith.constant 1 : i32
      %and3A_393 = vector.broadcast %and3A_392 : i32 to vector<16xi32>
      %and3A_394 = arith.andi %shift_right_logical3A_391, %and3A_393 : vector<16xi32>
      %eq3A_395 = arith.constant 1 : i32
      %eq3A_396 = vector.broadcast %eq3A_395 : i32 to vector<16xi32>
      %eq3A_397 = arith.cmpi eq, %and3A_394, %eq3A_396 : vector<16xi32>
      %add3A_398 = arith.constant 0 : i32
      %add3A_399 = vector.broadcast %add3A_398 : i32 to vector<16xi32>
      %add3A_400 = arith.addi %and3A_242, %add3A_399 : vector<16xi32>
      %jit3A_401 = arith.constant -1 : i32
      %broadcast_in_dim3A_402 = vector.broadcast %jit3A_401 : i32 to vector<16xi32>
      %select_n3A_403 = arith.select %eq3A_397, %add3A_400, %broadcast_in_dim3A_402 : vector<16xi1>, vector<16xi32>
      %swap3A_404 = arith.constant 0 : i32
      %swap3A_405 = arith.index_cast %swap3A_404 : i32 to index
      %swap3A_406 = arith.constant 112 : index
      %swap3A_407 = tpu.vector_load %arg10[%swap3A_405, %swap3A_406] {strides = array<i32>} : memref<18x128xi32, #tpu.memory_space<vmem>>, vector<1x16xi32>,
      %swap3A_408 = vector.shape_cast %swap3A_407 : vector<1x16xi32> to vector<16xi32>
      %swap3A_409 = vector.shape_cast %select_n3A_403 : vector<16xi32> to vector<1x16xi32>
      tpu.vector_store %arg10[%swap3A_405, %swap3A_406], %swap3A_409 {strides = array<i32>} : memref<18x128xi32, #tpu.memory_space<vmem>>, vector<1x16xi32>,
      %dma_start3A_410 = arith.constant 0 : i32
      %dma_start3A_411 = arith.constant 0 : i32
      %dma_start3A_412 = tpu.memref_slice %arg10[%dma_start3A_410, %dma_start3A_411] : memref<18x128xi32, #tpu.memory_space<vmem>> -> memref<1x128xi32, #tpu.memory_space<vmem>>
      %dma_start3A_413 = tpu.memref_squeeze %dma_start3A_412 : memref<1x128xi32, #tpu.memory_space<vmem>> -> memref<128xi32, #tpu.memory_space<vmem>>
      %dma_start3A_414 = arith.constant 0 : i32
      %dma_start3A_415 = arith.constant 0 : i32
      %dma_start3A_416 = tpu.memref_slice %arg16[%dma_start3A_414, %dma_start3A_415] : memref<73728x24xf32, #tpu.memory_space<vmem_shared>> -> memref<73728x24xf32, #tpu.memory_space<vmem_shared>>
      %dma_start3A_417 = arith.constant -1 : i32
      tpu.enqueue_indirect_dma source(%arg6 : memref<128x24xf32, #tpu.memory_space<vmem>>) target(%dma_start3A_416 : memref<73728x24xf32, #tpu.memory_space<vmem_shared>>) offsets(%dma_start3A_413 : memref<128xi32, #tpu.memory_space<vmem>>) offset_filter(%dma_start3A_417) semaphore(%arg14 : memref<!tpu.dma_semaphore, #tpu.memory_space<semaphore_mem>>) {add = true}
      %shift_right_logical3A_418 = arith.constant 1 : i32
      %shift_right_logical3A_419 = vector.broadcast %shift_right_logical3A_418 : i32 to vector<16xi32>
      %shift_right_logical3A_420 = arith.shrui %shift_right_logical3A_176, %shift_right_logical3A_419 : vector<16xi32>
      %and3A_421 = arith.constant 1 : i32
      %and3A_422 = vector.broadcast %and3A_421 : i32 to vector<16xi32>
      %and3A_423 = arith.andi %shift_right_logical3A_420, %and3A_422 : vector<16xi32>
      %eq3A_424 = arith.constant 1 : i32
      %eq3A_425 = vector.broadcast %eq3A_424 : i32 to vector<16xi32>
      %eq3A_426 = arith.cmpi eq, %and3A_423, %eq3A_425 : vector<16xi32>
      %add3A_427 = arith.constant 8192 : i32
      %add3A_428 = vector.broadcast %add3A_427 : i32 to vector<16xi32>
      %add3A_429 = arith.addi %and3A_173, %add3A_428 : vector<16xi32>
      %jit3A_430 = arith.constant -1 : i32
      %broadcast_in_dim3A_431 = vector.broadcast %jit3A_430 : i32 to vector<16xi32>
      %select_n3A_432 = arith.select %eq3A_426, %add3A_429, %broadcast_in_dim3A_431 : vector<16xi1>, vector<16xi32>
      %swap3A_433 = arith.constant 1 : i32
      %swap3A_434 = arith.index_cast %swap3A_433 : i32 to index
      %swap3A_435 = arith.constant 0 : index
      %swap3A_436 = tpu.vector_load %arg10[%swap3A_434, %swap3A_435] {strides = array<i32>} : memref<18x128xi32, #tpu.memory_space<vmem>>, vector<1x16xi32>,
      %swap3A_437 = vector.shape_cast %swap3A_436 : vector<1x16xi32> to vector<16xi32>
      %swap3A_438 = vector.shape_cast %select_n3A_432 : vector<16xi32> to vector<1x16xi32>
      tpu.vector_store %arg10[%swap3A_434, %swap3A_435], %swap3A_438 {strides = array<i32>} : memref<18x128xi32, #tpu.memory_space<vmem>>, vector<1x16xi32>,
      %shift_right_logical3A_439 = arith.constant 1 : i32
      %shift_right_logical3A_440 = vector.broadcast %shift_right_logical3A_439 : i32 to vector<16xi32>
      %shift_right_logical3A_441 = arith.shrui %shift_right_logical3A_186, %shift_right_logical3A_440 : vector<16xi32>
      %and3A_442 = arith.constant 1 : i32
      %and3A_443 = vector.broadcast %and3A_442 : i32 to vector<16xi32>
      %and3A_444 = arith.andi %shift_right_logical3A_441, %and3A_443 : vector<16xi32>
      %eq3A_445 = arith.constant 1 : i32
      %eq3A_446 = vector.broadcast %eq3A_445 : i32 to vector<16xi32>
      %eq3A_447 = arith.cmpi eq, %and3A_444, %eq3A_446 : vector<16xi32>
      %add3A_448 = arith.constant 8192 : i32
      %add3A_449 = vector.broadcast %add3A_448 : i32 to vector<16xi32>
      %add3A_450 = arith.addi %and3A_182, %add3A_449 : vector<16xi32>
      %jit3A_451 = arith.constant -1 : i32
      %broadcast_in_dim3A_452 = vector.broadcast %jit3A_451 : i32 to vector<16xi32>
      %select_n3A_453 = arith.select %eq3A_447, %add3A_450, %broadcast_in_dim3A_452 : vector<16xi1>, vector<16xi32>
      %swap3A_454 = arith.constant 1 : i32
      %swap3A_455 = arith.index_cast %swap3A_454 : i32 to index
      %swap3A_456 = arith.constant 16 : index
      %swap3A_457 = tpu.vector_load %arg10[%swap3A_455, %swap3A_456] {strides = array<i32>} : memref<18x128xi32, #tpu.memory_space<vmem>>, vector<1x16xi32>,
      %swap3A_458 = vector.shape_cast %swap3A_457 : vector<1x16xi32> to vector<16xi32>
      %swap3A_459 = vector.shape_cast %select_n3A_453 : vector<16xi32> to vector<1x16xi32>
      tpu.vector_store %arg10[%swap3A_455, %swap3A_456], %swap3A_459 {strides = array<i32>} : memref<18x128xi32, #tpu.memory_space<vmem>>, vector<1x16xi32>,
      %shift_right_logical3A_460 = arith.constant 1 : i32
      %shift_right_logical3A_461 = vector.broadcast %shift_right_logical3A_460 : i32 to vector<16xi32>
      %shift_right_logical3A_462 = arith.shrui %shift_right_logical3A_196, %shift_right_logical3A_461 : vector<16xi32>
      %and3A_463 = arith.constant 1 : i32
      %and3A_464 = vector.broadcast %and3A_463 : i32 to vector<16xi32>
      %and3A_465 = arith.andi %shift_right_logical3A_462, %and3A_464 : vector<16xi32>
      %eq3A_466 = arith.constant 1 : i32
      %eq3A_467 = vector.broadcast %eq3A_466 : i32 to vector<16xi32>
      %eq3A_468 = arith.cmpi eq, %and3A_465, %eq3A_467 : vector<16xi32>
      %add3A_469 = arith.constant 8192 : i32
      %add3A_470 = vector.broadcast %add3A_469 : i32 to vector<16xi32>
      %add3A_471 = arith.addi %and3A_192, %add3A_470 : vector<16xi32>
      %jit3A_472 = arith.constant -1 : i32
      %broadcast_in_dim3A_473 = vector.broadcast %jit3A_472 : i32 to vector<16xi32>
      %select_n3A_474 = arith.select %eq3A_468, %add3A_471, %broadcast_in_dim3A_473 : vector<16xi1>, vector<16xi32>
      %swap3A_475 = arith.constant 1 : i32
      %swap3A_476 = arith.index_cast %swap3A_475 : i32 to index
      %swap3A_477 = arith.constant 32 : index
      %swap3A_478 = tpu.vector_load %arg10[%swap3A_476, %swap3A_477] {strides = array<i32>} : memref<18x128xi32, #tpu.memory_space<vmem>>, vector<1x16xi32>,
      %swap3A_479 = vector.shape_cast %swap3A_478 : vector<1x16xi32> to vector<16xi32>
      %swap3A_480 = vector.shape_cast %select_n3A_474 : vector<16xi32> to vector<1x16xi32>
      tpu.vector_store %arg10[%swap3A_476, %swap3A_477], %swap3A_480 {strides = array<i32>} : memref<18x128xi32, #tpu.memory_space<vmem>>, vector<1x16xi32>,
      %shift_right_logical3A_481 = arith.constant 1 : i32
      %shift_right_logical3A_482 = vector.broadcast %shift_right_logical3A_481 : i32 to vector<16xi32>
      %shift_right_logical3A_483 = arith.shrui %shift_right_logical3A_206, %shift_right_logical3A_482 : vector<16xi32>
      %and3A_484 = arith.constant 1 : i32
      %and3A_485 = vector.broadcast %and3A_484 : i32 to vector<16xi32>
      %and3A_486 = arith.andi %shift_right_logical3A_483, %and3A_485 : vector<16xi32>
      %eq3A_487 = arith.constant 1 : i32
      %eq3A_488 = vector.broadcast %eq3A_487 : i32 to vector<16xi32>
      %eq3A_489 = arith.cmpi eq, %and3A_486, %eq3A_488 : vector<16xi32>
      %add3A_490 = arith.constant 8192 : i32
      %add3A_491 = vector.broadcast %add3A_490 : i32 to vector<16xi32>
      %add3A_492 = arith.addi %and3A_202, %add3A_491 : vector<16xi32>
      %jit3A_493 = arith.constant -1 : i32
      %broadcast_in_dim3A_494 = vector.broadcast %jit3A_493 : i32 to vector<16xi32>
      %select_n3A_495 = arith.select %eq3A_489, %add3A_492, %broadcast_in_dim3A_494 : vector<16xi1>, vector<16xi32>
      %swap3A_496 = arith.constant 1 : i32
      %swap3A_497 = arith.index_cast %swap3A_496 : i32 to index
      %swap3A_498 = arith.constant 48 : index
      %swap3A_499 = tpu.vector_load %arg10[%swap3A_497, %swap3A_498] {strides = array<i32>} : memref<18x128xi32, #tpu.memory_space<vmem>>, vector<1x16xi32>,
      %swap3A_500 = vector.shape_cast %swap3A_499 : vector<1x16xi32> to vector<16xi32>
      %swap3A_501 = vector.shape_cast %select_n3A_495 : vector<16xi32> to vector<1x16xi32>
      tpu.vector_store %arg10[%swap3A_497, %swap3A_498], %swap3A_501 {strides = array<i32>} : memref<18x128xi32, #tpu.memory_space<vmem>>, vector<1x16xi32>,
      %shift_right_logical3A_502 = arith.constant 1 : i32
      %shift_right_logical3A_503 = vector.broadcast %shift_right_logical3A_502 : i32 to vector<16xi32>
      %shift_right_logical3A_504 = arith.shrui %shift_right_logical3A_216, %shift_right_logical3A_503 : vector<16xi32>
      %and3A_505 = arith.constant 1 : i32
      %and3A_506 = vector.broadcast %and3A_505 : i32 to vector<16xi32>
      %and3A_507 = arith.andi %shift_right_logical3A_504, %and3A_506 : vector<16xi32>
      %eq3A_508 = arith.constant 1 : i32
      %eq3A_509 = vector.broadcast %eq3A_508 : i32 to vector<16xi32>
      %eq3A_510 = arith.cmpi eq, %and3A_507, %eq3A_509 : vector<16xi32>
      %add3A_511 = arith.constant 8192 : i32
      %add3A_512 = vector.broadcast %add3A_511 : i32 to vector<16xi32>
      %add3A_513 = arith.addi %and3A_212, %add3A_512 : vector<16xi32>
      %jit3A_514 = arith.constant -1 : i32
      %broadcast_in_dim3A_515 = vector.broadcast %jit3A_514 : i32 to vector<16xi32>
      %select_n3A_516 = arith.select %eq3A_510, %add3A_513, %broadcast_in_dim3A_515 : vector<16xi1>, vector<16xi32>
      %swap3A_517 = arith.constant 1 : i32
      %swap3A_518 = arith.index_cast %swap3A_517 : i32 to index
      %swap3A_519 = arith.constant 64 : index
      %swap3A_520 = tpu.vector_load %arg10[%swap3A_518, %swap3A_519] {strides = array<i32>} : memref<18x128xi32, #tpu.memory_space<vmem>>, vector<1x16xi32>,
      %swap3A_521 = vector.shape_cast %swap3A_520 : vector<1x16xi32> to vector<16xi32>
      %swap3A_522 = vector.shape_cast %select_n3A_516 : vector<16xi32> to vector<1x16xi32>
      tpu.vector_store %arg10[%swap3A_518, %swap3A_519], %swap3A_522 {strides = array<i32>} : memref<18x128xi32, #tpu.memory_space<vmem>>, vector<1x16xi32>,
      %shift_right_logical3A_523 = arith.constant 1 : i32
      %shift_right_logical3A_524 = vector.broadcast %shift_right_logical3A_523 : i32 to vector<16xi32>
      %shift_right_logical3A_525 = arith.shrui %shift_right_logical3A_226, %shift_right_logical3A_524 : vector<16xi32>
      %and3A_526 = arith.constant 1 : i32
      %and3A_527 = vector.broadcast %and3A_526 : i32 to vector<16xi32>
      %and3A_528 = arith.andi %shift_right_logical3A_525, %and3A_527 : vector<16xi32>
      %eq3A_529 = arith.constant 1 : i32
      %eq3A_530 = vector.broadcast %eq3A_529 : i32 to vector<16xi32>
      %eq3A_531 = arith.cmpi eq, %and3A_528, %eq3A_530 : vector<16xi32>
      %add3A_532 = arith.constant 8192 : i32
      %add3A_533 = vector.broadcast %add3A_532 : i32 to vector<16xi32>
      %add3A_534 = arith.addi %and3A_222, %add3A_533 : vector<16xi32>
      %jit3A_535 = arith.constant -1 : i32
      %broadcast_in_dim3A_536 = vector.broadcast %jit3A_535 : i32 to vector<16xi32>
      %select_n3A_537 = arith.select %eq3A_531, %add3A_534, %broadcast_in_dim3A_536 : vector<16xi1>, vector<16xi32>
      %swap3A_538 = arith.constant 1 : i32
      %swap3A_539 = arith.index_cast %swap3A_538 : i32 to index
      %swap3A_540 = arith.constant 80 : index
      %swap3A_541 = tpu.vector_load %arg10[%swap3A_539, %swap3A_540] {strides = array<i32>} : memref<18x128xi32, #tpu.memory_space<vmem>>, vector<1x16xi32>,
      %swap3A_542 = vector.shape_cast %swap3A_541 : vector<1x16xi32> to vector<16xi32>
      %swap3A_543 = vector.shape_cast %select_n3A_537 : vector<16xi32> to vector<1x16xi32>
      tpu.vector_store %arg10[%swap3A_539, %swap3A_540], %swap3A_543 {strides = array<i32>} : memref<18x128xi32, #tpu.memory_space<vmem>>, vector<1x16xi32>,
      %shift_right_logical3A_544 = arith.constant 1 : i32
      %shift_right_logical3A_545 = vector.broadcast %shift_right_logical3A_544 : i32 to vector<16xi32>
      %shift_right_logical3A_546 = arith.shrui %shift_right_logical3A_236, %shift_right_logical3A_545 : vector<16xi32>
      %and3A_547 = arith.constant 1 : i32
      %and3A_548 = vector.broadcast %and3A_547 : i32 to vector<16xi32>
      %and3A_549 = arith.andi %shift_right_logical3A_546, %and3A_548 : vector<16xi32>
      %eq3A_550 = arith.constant 1 : i32
      %eq3A_551 = vector.broadcast %eq3A_550 : i32 to vector<16xi32>
      %eq3A_552 = arith.cmpi eq, %and3A_549, %eq3A_551 : vector<16xi32>
      %add3A_553 = arith.constant 8192 : i32
      %add3A_554 = vector.broadcast %add3A_553 : i32 to vector<16xi32>
      %add3A_555 = arith.addi %and3A_232, %add3A_554 : vector<16xi32>
      %jit3A_556 = arith.constant -1 : i32
      %broadcast_in_dim3A_557 = vector.broadcast %jit3A_556 : i32 to vector<16xi32>
      %select_n3A_558 = arith.select %eq3A_552, %add3A_555, %broadcast_in_dim3A_557 : vector<16xi1>, vector<16xi32>
      %swap3A_559 = arith.constant 1 : i32
      %swap3A_560 = arith.index_cast %swap3A_559 : i32 to index
      %swap3A_561 = arith.constant 96 : index
      %swap3A_562 = tpu.vector_load %arg10[%swap3A_560, %swap3A_561] {strides = array<i32>} : memref<18x128xi32, #tpu.memory_space<vmem>>, vector<1x16xi32>,
      %swap3A_563 = vector.shape_cast %swap3A_562 : vector<1x16xi32> to vector<16xi32>
      %swap3A_564 = vector.shape_cast %select_n3A_558 : vector<16xi32> to vector<1x16xi32>
      tpu.vector_store %arg10[%swap3A_560, %swap3A_561], %swap3A_564 {strides = array<i32>} : memref<18x128xi32, #tpu.memory_space<vmem>>, vector<1x16xi32>,
      %shift_right_logical3A_565 = arith.constant 1 : i32
      %shift_right_logical3A_566 = vector.broadcast %shift_right_logical3A_565 : i32 to vector<16xi32>
      %shift_right_logical3A_567 = arith.shrui %shift_right_logical3A_246, %shift_right_logical3A_566 : vector<16xi32>
      %and3A_568 = arith.constant 1 : i32
      %and3A_569 = vector.broadcast %and3A_568 : i32 to vector<16xi32>
      %and3A_570 = arith.andi %shift_right_logical3A_567, %and3A_569 : vector<16xi32>
      %eq3A_571 = arith.constant 1 : i32
      %eq3A_572 = vector.broadcast %eq3A_571 : i32 to vector<16xi32>
      %eq3A_573 = arith.cmpi eq, %and3A_570, %eq3A_572 : vector<16xi32>
      %add3A_574 = arith.constant 8192 : i32
      %add3A_575 = vector.broadcast %add3A_574 : i32 to vector<16xi32>
      %add3A_576 = arith.addi %and3A_242, %add3A_575 : vector<16xi32>
      %jit3A_577 = arith.constant -1 : i32
      %broadcast_in_dim3A_578 = vector.broadcast %jit3A_577 : i32 to vector<16xi32>
      %select_n3A_579 = arith.select %eq3A_573, %add3A_576, %broadcast_in_dim3A_578 : vector<16xi1>, vector<16xi32>
      %swap3A_580 = arith.constant 1 : i32
      %swap3A_581 = arith.index_cast %swap3A_580 : i32 to index
      %swap3A_582 = arith.constant 112 : index
      %swap3A_583 = tpu.vector_load %arg10[%swap3A_581, %swap3A_582] {strides = array<i32>} : memref<18x128xi32, #tpu.memory_space<vmem>>, vector<1x16xi32>,
      %swap3A_584 = vector.shape_cast %swap3A_583 : vector<1x16xi32> to vector<16xi32>
      %swap3A_585 = vector.shape_cast %select_n3A_579 : vector<16xi32> to vector<1x16xi32>
      tpu.vector_store %arg10[%swap3A_581, %swap3A_582], %swap3A_585 {strides = array<i32>} : memref<18x128xi32, #tpu.memory_space<vmem>>, vector<1x16xi32>,
      %dma_start3A_586 = arith.constant 1 : i32
      %dma_start3A_587 = arith.constant 0 : i32
      %dma_start3A_588 = tpu.memref_slice %arg10[%dma_start3A_586, %dma_start3A_587] : memref<18x128xi32, #tpu.memory_space<vmem>> -> memref<1x128xi32, #tpu.memory_space<vmem>>
      %dma_start3A_589 = tpu.memref_squeeze %dma_start3A_588 : memref<1x128xi32, #tpu.memory_space<vmem>> -> memref<128xi32, #tpu.memory_space<vmem>>
      %dma_start3A_590 = arith.constant 0 : i32
      %dma_start3A_591 = arith.constant 0 : i32
      %dma_start3A_592 = tpu.memref_slice %arg16[%dma_start3A_590, %dma_start3A_591] : memref<73728x24xf32, #tpu.memory_space<vmem_shared>> -> memref<73728x24xf32, #tpu.memory_space<vmem_shared>>
      %dma_start3A_593 = arith.constant -1 : i32
      tpu.enqueue_indirect_dma source(%arg6 : memref<128x24xf32, #tpu.memory_space<vmem>>) target(%dma_start3A_592 : memref<73728x24xf32, #tpu.memory_space<vmem_shared>>) offsets(%dma_start3A_589 : memref<128xi32, #tpu.memory_space<vmem>>) offset_filter(%dma_start3A_593) semaphore(%arg14 : memref<!tpu.dma_semaphore, #tpu.memory_space<semaphore_mem>>) {add = true}
      %shift_right_logical3A_594 = arith.constant 2 : i32
      %shift_right_logical3A_595 = vector.broadcast %shift_right_logical3A_594 : i32 to vector<16xi32>
      %shift_right_logical3A_596 = arith.shrui %shift_right_logical3A_176, %shift_right_logical3A_595 : vector<16xi32>
      %and3A_597 = arith.constant 1 : i32
      %and3A_598 = vector.broadcast %and3A_597 : i32 to vector<16xi32>
      %and3A_599 = arith.andi %shift_right_logical3A_596, %and3A_598 : vector<16xi32>
      %eq3A_600 = arith.constant 1 : i32
      %eq3A_601 = vector.broadcast %eq3A_600 : i32 to vector<16xi32>
      %eq3A_602 = arith.cmpi eq, %and3A_599, %eq3A_601 : vector<16xi32>
      %add3A_603 = arith.constant 16384 : i32
      %add3A_604 = vector.broadcast %add3A_603 : i32 to vector<16xi32>
      %add3A_605 = arith.addi %and3A_173, %add3A_604 : vector<16xi32>
      %jit3A_606 = arith.constant -1 : i32
      %broadcast_in_dim3A_607 = vector.broadcast %jit3A_606 : i32 to vector<16xi32>
      %select_n3A_608 = arith.select %eq3A_602, %add3A_605, %broadcast_in_dim3A_607 : vector<16xi1>, vector<16xi32>
      %swap3A_609 = arith.constant 2 : i32
      %swap3A_610 = arith.index_cast %swap3A_609 : i32 to index
      %swap3A_611 = arith.constant 0 : index
      %swap3A_612 = tpu.vector_load %arg10[%swap3A_610, %swap3A_611] {strides = array<i32>} : memref<18x128xi32, #tpu.memory_space<vmem>>, vector<1x16xi32>,
      %swap3A_613 = vector.shape_cast %swap3A_612 : vector<1x16xi32> to vector<16xi32>
      %swap3A_614 = vector.shape_cast %select_n3A_608 : vector<16xi32> to vector<1x16xi32>
      tpu.vector_store %arg10[%swap3A_610, %swap3A_611], %swap3A_614 {strides = array<i32>} : memref<18x128xi32, #tpu.memory_space<vmem>>, vector<1x16xi32>,
      %shift_right_logical3A_615 = arith.constant 2 : i32
      %shift_right_logical3A_616 = vector.broadcast %shift_right_logical3A_615 : i32 to vector<16xi32>
      %shift_right_logical3A_617 = arith.shrui %shift_right_logical3A_186, %shift_right_logical3A_616 : vector<16xi32>
      %and3A_618 = arith.constant 1 : i32
      %and3A_619 = vector.broadcast %and3A_618 : i32 to vector<16xi32>
      %and3A_620 = arith.andi %shift_right_logical3A_617, %and3A_619 : vector<16xi32>
      %eq3A_621 = arith.constant 1 : i32
      %eq3A_622 = vector.broadcast %eq3A_621 : i32 to vector<16xi32>
      %eq3A_623 = arith.cmpi eq, %and3A_620, %eq3A_622 : vector<16xi32>
      %add3A_624 = arith.constant 16384 : i32
      %add3A_625 = vector.broadcast %add3A_624 : i32 to vector<16xi32>
      %add3A_626 = arith.addi %and3A_182, %add3A_625 : vector<16xi32>
      %jit3A_627 = arith.constant -1 : i32
      %broadcast_in_dim3A_628 = vector.broadcast %jit3A_627 : i32 to vector<16xi32>
      %select_n3A_629 = arith.select %eq3A_623, %add3A_626, %broadcast_in_dim3A_628 : vector<16xi1>, vector<16xi32>
      %swap3A_630 = arith.constant 2 : i32
      %swap3A_631 = arith.index_cast %swap3A_630 : i32 to index
      %swap3A_632 = arith.constant 16 : index
      %swap3A_633 = tpu.vector_load %arg10[%swap3A_631, %swap3A_632] {strides = array<i32>} : memref<18x128xi32, #tpu.memory_space<vmem>>, vector<1x16xi32>,
      %swap3A_634 = vector.shape_cast %swap3A_633 : vector<1x16xi32> to vector<16xi32>
      %swap3A_635 = vector.shape_cast %select_n3A_629 : vector<16xi32> to vector<1x16xi32>
      tpu.vector_store %arg10[%swap3A_631, %swap3A_632], %swap3A_635 {strides = array<i32>} : memref<18x128xi32, #tpu.memory_space<vmem>>, vector<1x16xi32>,
      %shift_right_logical3A_636 = arith.constant 2 : i32
      %shift_right_logical3A_637 = vector.broadcast %shift_right_logical3A_636 : i32 to vector<16xi32>
      %shift_right_logical3A_638 = arith.shrui %shift_right_logical3A_196, %shift_right_logical3A_637 : vector<16xi32>
      %and3A_639 = arith.constant 1 : i32
      %and3A_640 = vector.broadcast %and3A_639 : i32 to vector<16xi32>
      %and3A_641 = arith.andi %shift_right_logical3A_638, %and3A_640 : vector<16xi32>
      %eq3A_642 = arith.constant 1 : i32
      %eq3A_643 = vector.broadcast %eq3A_642 : i32 to vector<16xi32>
      %eq3A_644 = arith.cmpi eq, %and3A_641, %eq3A_643 : vector<16xi32>
      %add3A_645 = arith.constant 16384 : i32
      %add3A_646 = vector.broadcast %add3A_645 : i32 to vector<16xi32>
      %add3A_647 = arith.addi %and3A_192, %add3A_646 : vector<16xi32>
      %jit3A_648 = arith.constant -1 : i32
      %broadcast_in_dim3A_649 = vector.broadcast %jit3A_648 : i32 to vector<16xi32>
      %select_n3A_650 = arith.select %eq3A_644, %add3A_647, %broadcast_in_dim3A_649 : vector<16xi1>, vector<16xi32>
      %swap3A_651 = arith.constant 2 : i32
      %swap3A_652 = arith.index_cast %swap3A_651 : i32 to index
      %swap3A_653 = arith.constant 32 : index
      %swap3A_654 = tpu.vector_load %arg10[%swap3A_652, %swap3A_653] {strides = array<i32>} : memref<18x128xi32, #tpu.memory_space<vmem>>, vector<1x16xi32>,
      %swap3A_655 = vector.shape_cast %swap3A_654 : vector<1x16xi32> to vector<16xi32>
      %swap3A_656 = vector.shape_cast %select_n3A_650 : vector<16xi32> to vector<1x16xi32>
      tpu.vector_store %arg10[%swap3A_652, %swap3A_653], %swap3A_656 {strides = array<i32>} : memref<18x128xi32, #tpu.memory_space<vmem>>, vector<1x16xi32>,
      %shift_right_logical3A_657 = arith.constant 2 : i32
      %shift_right_logical3A_658 = vector.broadcast %shift_right_logical3A_657 : i32 to vector<16xi32>
      %shift_right_logical3A_659 = arith.shrui %shift_right_logical3A_206, %shift_right_logical3A_658 : vector<16xi32>
      %and3A_660 = arith.constant 1 : i32
      %and3A_661 = vector.broadcast %and3A_660 : i32 to vector<16xi32>
      %and3A_662 = arith.andi %shift_right_logical3A_659, %and3A_661 : vector<16xi32>
      %eq3A_663 = arith.constant 1 : i32
      %eq3A_664 = vector.broadcast %eq3A_663 : i32 to vector<16xi32>
      %eq3A_665 = arith.cmpi eq, %and3A_662, %eq3A_664 : vector<16xi32>
      %add3A_666 = arith.constant 16384 : i32
      %add3A_667 = vector.broadcast %add3A_666 : i32 to vector<16xi32>
      %add3A_668 = arith.addi %and3A_202, %add3A_667 : vector<16xi32>
      %jit3A_669 = arith.constant -1 : i32
      %broadcast_in_dim3A_670 = vector.broadcast %jit3A_669 : i32 to vector<16xi32>
      %select_n3A_671 = arith.select %eq3A_665, %add3A_668, %broadcast_in_dim3A_670 : vector<16xi1>, vector<16xi32>
      %swap3A_672 = arith.constant 2 : i32
      %swap3A_673 = arith.index_cast %swap3A_672 : i32 to index
      %swap3A_674 = arith.constant 48 : index
      %swap3A_675 = tpu.vector_load %arg10[%swap3A_673, %swap3A_674] {strides = array<i32>} : memref<18x128xi32, #tpu.memory_space<vmem>>, vector<1x16xi32>,
      %swap3A_676 = vector.shape_cast %swap3A_675 : vector<1x16xi32> to vector<16xi32>
      %swap3A_677 = vector.shape_cast %select_n3A_671 : vector<16xi32> to vector<1x16xi32>
      tpu.vector_store %arg10[%swap3A_673, %swap3A_674], %swap3A_677 {strides = array<i32>} : memref<18x128xi32, #tpu.memory_space<vmem>>, vector<1x16xi32>,
      %shift_right_logical3A_678 = arith.constant 2 : i32
      %shift_right_logical3A_679 = vector.broadcast %shift_right_logical3A_678 : i32 to vector<16xi32>
      %shift_right_logical3A_680 = arith.shrui %shift_right_logical3A_216, %shift_right_logical3A_679 : vector<16xi32>
      %and3A_681 = arith.constant 1 : i32
      %and3A_682 = vector.broadcast %and3A_681 : i32 to vector<16xi32>
      %and3A_683 = arith.andi %shift_right_logical3A_680, %and3A_682 : vector<16xi32>
      %eq3A_684 = arith.constant 1 : i32
      %eq3A_685 = vector.broadcast %eq3A_684 : i32 to vector<16xi32>
      %eq3A_686 = arith.cmpi eq, %and3A_683, %eq3A_685 : vector<16xi32>
      %add3A_687 = arith.constant 16384 : i32
      %add3A_688 = vector.broadcast %add3A_687 : i32 to vector<16xi32>
      %add3A_689 = arith.addi %and3A_212, %add3A_688 : vector<16xi32>
      %jit3A_690 = arith.constant -1 : i32
      %broadcast_in_dim3A_691 = vector.broadcast %jit3A_690 : i32 to vector<16xi32>
      %select_n3A_692 = arith.select %eq3A_686, %add3A_689, %broadcast_in_dim3A_691 : vector<16xi1>, vector<16xi32>
      %swap3A_693 = arith.constant 2 : i32
      %swap3A_694 = arith.index_cast %swap3A_693 : i32 to index
      %swap3A_695 = arith.constant 64 : index
      %swap3A_696 = tpu.vector_load %arg10[%swap3A_694, %swap3A_695] {strides = array<i32>} : memref<18x128xi32, #tpu.memory_space<vmem>>, vector<1x16xi32>,
      %swap3A_697 = vector.shape_cast %swap3A_696 : vector<1x16xi32> to vector<16xi32>
      %swap3A_698 = vector.shape_cast %select_n3A_692 : vector<16xi32> to vector<1x16xi32>
      tpu.vector_store %arg10[%swap3A_694, %swap3A_695], %swap3A_698 {strides = array<i32>} : memref<18x128xi32, #tpu.memory_space<vmem>>, vector<1x16xi32>,
      %shift_right_logical3A_699 = arith.constant 2 : i32
      %shift_right_logical3A_700 = vector.broadcast %shift_right_logical3A_699 : i32 to vector<16xi32>
      %shift_right_logical3A_701 = arith.shrui %shift_right_logical3A_226, %shift_right_logical3A_700 : vector<16xi32>
      %and3A_702 = arith.constant 1 : i32
      %and3A_703 = vector.broadcast %and3A_702 : i32 to vector<16xi32>
      %and3A_704 = arith.andi %shift_right_logical3A_701, %and3A_703 : vector<16xi32>
      %eq3A_705 = arith.constant 1 : i32
      %eq3A_706 = vector.broadcast %eq3A_705 : i32 to vector<16xi32>
      %eq3A_707 = arith.cmpi eq, %and3A_704, %eq3A_706 : vector<16xi32>
      %add3A_708 = arith.constant 16384 : i32
      %add3A_709 = vector.broadcast %add3A_708 : i32 to vector<16xi32>
      %add3A_710 = arith.addi %and3A_222, %add3A_709 : vector<16xi32>
      %jit3A_711 = arith.constant -1 : i32
      %broadcast_in_dim3A_712 = vector.broadcast %jit3A_711 : i32 to vector<16xi32>
      %select_n3A_713 = arith.select %eq3A_707, %add3A_710, %broadcast_in_dim3A_712 : vector<16xi1>, vector<16xi32>
      %swap3A_714 = arith.constant 2 : i32
      %swap3A_715 = arith.index_cast %swap3A_714 : i32 to index
      %swap3A_716 = arith.constant 80 : index
      %swap3A_717 = tpu.vector_load %arg10[%swap3A_715, %swap3A_716] {strides = array<i32>} : memref<18x128xi32, #tpu.memory_space<vmem>>, vector<1x16xi32>,
      %swap3A_718 = vector.shape_cast %swap3A_717 : vector<1x16xi32> to vector<16xi32>
      %swap3A_719 = vector.shape_cast %select_n3A_713 : vector<16xi32> to vector<1x16xi32>
      tpu.vector_store %arg10[%swap3A_715, %swap3A_716], %swap3A_719 {strides = array<i32>} : memref<18x128xi32, #tpu.memory_space<vmem>>, vector<1x16xi32>,
      %shift_right_logical3A_720 = arith.constant 2 : i32
      %shift_right_logical3A_721 = vector.broadcast %shift_right_logical3A_720 : i32 to vector<16xi32>
      %shift_right_logical3A_722 = arith.shrui %shift_right_logical3A_236, %shift_right_logical3A_721 : vector<16xi32>
      %and3A_723 = arith.constant 1 : i32
      %and3A_724 = vector.broadcast %and3A_723 : i32 to vector<16xi32>
      %and3A_725 = arith.andi %shift_right_logical3A_722, %and3A_724 : vector<16xi32>
      %eq3A_726 = arith.constant 1 : i32
      %eq3A_727 = vector.broadcast %eq3A_726 : i32 to vector<16xi32>
      %eq3A_728 = arith.cmpi eq, %and3A_725, %eq3A_727 : vector<16xi32>
      %add3A_729 = arith.constant 16384 : i32
      %add3A_730 = vector.broadcast %add3A_729 : i32 to vector<16xi32>
      %add3A_731 = arith.addi %and3A_232, %add3A_730 : vector<16xi32>
      %jit3A_732 = arith.constant -1 : i32
      %broadcast_in_dim3A_733 = vector.broadcast %jit3A_732 : i32 to vector<16xi32>
      %select_n3A_734 = arith.select %eq3A_728, %add3A_731, %broadcast_in_dim3A_733 : vector<16xi1>, vector<16xi32>
      %swap3A_735 = arith.constant 2 : i32
      %swap3A_736 = arith.index_cast %swap3A_735 : i32 to index
      %swap3A_737 = arith.constant 96 : index
      %swap3A_738 = tpu.vector_load %arg10[%swap3A_736, %swap3A_737] {strides = array<i32>} : memref<18x128xi32, #tpu.memory_space<vmem>>, vector<1x16xi32>,
      %swap3A_739 = vector.shape_cast %swap3A_738 : vector<1x16xi32> to vector<16xi32>
      %swap3A_740 = vector.shape_cast %select_n3A_734 : vector<16xi32> to vector<1x16xi32>
      tpu.vector_store %arg10[%swap3A_736, %swap3A_737], %swap3A_740 {strides = array<i32>} : memref<18x128xi32, #tpu.memory_space<vmem>>, vector<1x16xi32>,
      %shift_right_logical3A_741 = arith.constant 2 : i32
      %shift_right_logical3A_742 = vector.broadcast %shift_right_logical3A_741 : i32 to vector<16xi32>
      %shift_right_logical3A_743 = arith.shrui %shift_right_logical3A_246, %shift_right_logical3A_742 : vector<16xi32>
      %and3A_744 = arith.constant 1 : i32
      %and3A_745 = vector.broadcast %and3A_744 : i32 to vector<16xi32>
      %and3A_746 = arith.andi %shift_right_logical3A_743, %and3A_745 : vector<16xi32>
      %eq3A_747 = arith.constant 1 : i32
      %eq3A_748 = vector.broadcast %eq3A_747 : i32 to vector<16xi32>
      %eq3A_749 = arith.cmpi eq, %and3A_746, %eq3A_748 : vector<16xi32>
      %add3A_750 = arith.constant 16384 : i32
      %add3A_751 = vector.broadcast %add3A_750 : i32 to vector<16xi32>
      %add3A_752 = arith.addi %and3A_242, %add3A_751 : vector<16xi32>
      %jit3A_753 = arith.constant -1 : i32
      %broadcast_in_dim3A_754 = vector.broadcast %jit3A_753 : i32 to vector<16xi32>
      %select_n3A_755 = arith.select %eq3A_749, %add3A_752, %broadcast_in_dim3A_754 : vector<16xi1>, vector<16xi32>
      %swap3A_756 = arith.constant 2 : i32
      %swap3A_757 = arith.index_cast %swap3A_756 : i32 to index
      %swap3A_758 = arith.constant 112 : index
      %swap3A_759 = tpu.vector_load %arg10[%swap3A_757, %swap3A_758] {strides = array<i32>} : memref<18x128xi32, #tpu.memory_space<vmem>>, vector<1x16xi32>,
      %swap3A_760 = vector.shape_cast %swap3A_759 : vector<1x16xi32> to vector<16xi32>
      %swap3A_761 = vector.shape_cast %select_n3A_755 : vector<16xi32> to vector<1x16xi32>
      tpu.vector_store %arg10[%swap3A_757, %swap3A_758], %swap3A_761 {strides = array<i32>} : memref<18x128xi32, #tpu.memory_space<vmem>>, vector<1x16xi32>,
      %dma_start3A_762 = arith.constant 2 : i32
      %dma_start3A_763 = arith.constant 0 : i32
      %dma_start3A_764 = tpu.memref_slice %arg10[%dma_start3A_762, %dma_start3A_763] : memref<18x128xi32, #tpu.memory_space<vmem>> -> memref<1x128xi32, #tpu.memory_space<vmem>>
      %dma_start3A_765 = tpu.memref_squeeze %dma_start3A_764 : memref<1x128xi32, #tpu.memory_space<vmem>> -> memref<128xi32, #tpu.memory_space<vmem>>
      %dma_start3A_766 = arith.constant 0 : i32
      %dma_start3A_767 = arith.constant 0 : i32
      %dma_start3A_768 = tpu.memref_slice %arg16[%dma_start3A_766, %dma_start3A_767] : memref<73728x24xf32, #tpu.memory_space<vmem_shared>> -> memref<73728x24xf32, #tpu.memory_space<vmem_shared>>
      %dma_start3A_769 = arith.constant -1 : i32
      tpu.enqueue_indirect_dma source(%arg6 : memref<128x24xf32, #tpu.memory_space<vmem>>) target(%dma_start3A_768 : memref<73728x24xf32, #tpu.memory_space<vmem_shared>>) offsets(%dma_start3A_765 : memref<128xi32, #tpu.memory_space<vmem>>) offset_filter(%dma_start3A_769) semaphore(%arg14 : memref<!tpu.dma_semaphore, #tpu.memory_space<semaphore_mem>>) {add = true}
      %shift_right_logical3A_770 = arith.constant 3 : i32
      %shift_right_logical3A_771 = vector.broadcast %shift_right_logical3A_770 : i32 to vector<16xi32>
      %shift_right_logical3A_772 = arith.shrui %shift_right_logical3A_176, %shift_right_logical3A_771 : vector<16xi32>
      %and3A_773 = arith.constant 1 : i32
      %and3A_774 = vector.broadcast %and3A_773 : i32 to vector<16xi32>
      %and3A_775 = arith.andi %shift_right_logical3A_772, %and3A_774 : vector<16xi32>
      %eq3A_776 = arith.constant 1 : i32
      %eq3A_777 = vector.broadcast %eq3A_776 : i32 to vector<16xi32>
      %eq3A_778 = arith.cmpi eq, %and3A_775, %eq3A_777 : vector<16xi32>
      %add3A_779 = arith.constant 24576 : i32
      %add3A_780 = vector.broadcast %add3A_779 : i32 to vector<16xi32>
      %add3A_781 = arith.addi %and3A_173, %add3A_780 : vector<16xi32>
      %jit3A_782 = arith.constant -1 : i32
      %broadcast_in_dim3A_783 = vector.broadcast %jit3A_782 : i32 to vector<16xi32>
      %select_n3A_784 = arith.select %eq3A_778, %add3A_781, %broadcast_in_dim3A_783 : vector<16xi1>, vector<16xi32>
      %swap3A_785 = arith.constant 3 : i32
      %swap3A_786 = arith.index_cast %swap3A_785 : i32 to index
      %swap3A_787 = arith.constant 0 : index
      %swap3A_788 = tpu.vector_load %arg10[%swap3A_786, %swap3A_787] {strides = array<i32>} : memref<18x128xi32, #tpu.memory_space<vmem>>, vector<1x16xi32>,
      %swap3A_789 = vector.shape_cast %swap3A_788 : vector<1x16xi32> to vector<16xi32>
      %swap3A_790 = vector.shape_cast %select_n3A_784 : vector<16xi32> to vector<1x16xi32>
      tpu.vector_store %arg10[%swap3A_786, %swap3A_787], %swap3A_790 {strides = array<i32>} : memref<18x128xi32, #tpu.memory_space<vmem>>, vector<1x16xi32>,
      %shift_right_logical3A_791 = arith.constant 3 : i32
      %shift_right_logical3A_792 = vector.broadcast %shift_right_logical3A_791 : i32 to vector<16xi32>
      %shift_right_logical3A_793 = arith.shrui %shift_right_logical3A_186, %shift_right_logical3A_792 : vector<16xi32>
      %and3A_794 = arith.constant 1 : i32
      %and3A_795 = vector.broadcast %and3A_794 : i32 to vector<16xi32>
      %and3A_796 = arith.andi %shift_right_logical3A_793, %and3A_795 : vector<16xi32>
      %eq3A_797 = arith.constant 1 : i32
      %eq3A_798 = vector.broadcast %eq3A_797 : i32 to vector<16xi32>
      %eq3A_799 = arith.cmpi eq, %and3A_796, %eq3A_798 : vector<16xi32>
      %add3A_800 = arith.constant 24576 : i32
      %add3A_801 = vector.broadcast %add3A_800 : i32 to vector<16xi32>
      %add3A_802 = arith.addi %and3A_182, %add3A_801 : vector<16xi32>
      %jit3A_803 = arith.constant -1 : i32
      %broadcast_in_dim3A_804 = vector.broadcast %jit3A_803 : i32 to vector<16xi32>
      %select_n3A_805 = arith.select %eq3A_799, %add3A_802, %broadcast_in_dim3A_804 : vector<16xi1>, vector<16xi32>
      %swap3A_806 = arith.constant 3 : i32
      %swap3A_807 = arith.index_cast %swap3A_806 : i32 to index
      %swap3A_808 = arith.constant 16 : index
      %swap3A_809 = tpu.vector_load %arg10[%swap3A_807, %swap3A_808] {strides = array<i32>} : memref<18x128xi32, #tpu.memory_space<vmem>>, vector<1x16xi32>,
      %swap3A_810 = vector.shape_cast %swap3A_809 : vector<1x16xi32> to vector<16xi32>
      %swap3A_811 = vector.shape_cast %select_n3A_805 : vector<16xi32> to vector<1x16xi32>
      tpu.vector_store %arg10[%swap3A_807, %swap3A_808], %swap3A_811 {strides = array<i32>} : memref<18x128xi32, #tpu.memory_space<vmem>>, vector<1x16xi32>,
      %shift_right_logical3A_812 = arith.constant 3 : i32
      %shift_right_logical3A_813 = vector.broadcast %shift_right_logical3A_812 : i32 to vector<16xi32>
      %shift_right_logical3A_814 = arith.shrui %shift_right_logical3A_196, %shift_right_logical3A_813 : vector<16xi32>
      %and3A_815 = arith.constant 1 : i32
      %and3A_816 = vector.broadcast %and3A_815 : i32 to vector<16xi32>
      %and3A_817 = arith.andi %shift_right_logical3A_814, %and3A_816 : vector<16xi32>
      %eq3A_818 = arith.constant 1 : i32
      %eq3A_819 = vector.broadcast %eq3A_818 : i32 to vector<16xi32>
      %eq3A_820 = arith.cmpi eq, %and3A_817, %eq3A_819 : vector<16xi32>
      %add3A_821 = arith.constant 24576 : i32
      %add3A_822 = vector.broadcast %add3A_821 : i32 to vector<16xi32>
      %add3A_823 = arith.addi %and3A_192, %add3A_822 : vector<16xi32>
      %jit3A_824 = arith.constant -1 : i32
      %broadcast_in_dim3A_825 = vector.broadcast %jit3A_824 : i32 to vector<16xi32>
      %select_n3A_826 = arith.select %eq3A_820, %add3A_823, %broadcast_in_dim3A_825 : vector<16xi1>, vector<16xi32>
      %swap3A_827 = arith.constant 3 : i32
      %swap3A_828 = arith.index_cast %swap3A_827 : i32 to index
      %swap3A_829 = arith.constant 32 : index
      %swap3A_830 = tpu.vector_load %arg10[%swap3A_828, %swap3A_829] {strides = array<i32>} : memref<18x128xi32, #tpu.memory_space<vmem>>, vector<1x16xi32>,
      %swap3A_831 = vector.shape_cast %swap3A_830 : vector<1x16xi32> to vector<16xi32>
      %swap3A_832 = vector.shape_cast %select_n3A_826 : vector<16xi32> to vector<1x16xi32>
      tpu.vector_store %arg10[%swap3A_828, %swap3A_829], %swap3A_832 {strides = array<i32>} : memref<18x128xi32, #tpu.memory_space<vmem>>, vector<1x16xi32>,
      %shift_right_logical3A_833 = arith.constant 3 : i32
      %shift_right_logical3A_834 = vector.broadcast %shift_right_logical3A_833 : i32 to vector<16xi32>
      %shift_right_logical3A_835 = arith.shrui %shift_right_logical3A_206, %shift_right_logical3A_834 : vector<16xi32>
      %and3A_836 = arith.constant 1 : i32
      %and3A_837 = vector.broadcast %and3A_836 : i32 to vector<16xi32>
      %and3A_838 = arith.andi %shift_right_logical3A_835, %and3A_837 : vector<16xi32>
      %eq3A_839 = arith.constant 1 : i32
      %eq3A_840 = vector.broadcast %eq3A_839 : i32 to vector<16xi32>
      %eq3A_841 = arith.cmpi eq, %and3A_838, %eq3A_840 : vector<16xi32>
      %add3A_842 = arith.constant 24576 : i32
      %add3A_843 = vector.broadcast %add3A_842 : i32 to vector<16xi32>
      %add3A_844 = arith.addi %and3A_202, %add3A_843 : vector<16xi32>
      %jit3A_845 = arith.constant -1 : i32
      %broadcast_in_dim3A_846 = vector.broadcast %jit3A_845 : i32 to vector<16xi32>
      %select_n3A_847 = arith.select %eq3A_841, %add3A_844, %broadcast_in_dim3A_846 : vector<16xi1>, vector<16xi32>
      %swap3A_848 = arith.constant 3 : i32
      %swap3A_849 = arith.index_cast %swap3A_848 : i32 to index
      %swap3A_850 = arith.constant 48 : index
      %swap3A_851 = tpu.vector_load %arg10[%swap3A_849, %swap3A_850] {strides = array<i32>} : memref<18x128xi32, #tpu.memory_space<vmem>>, vector<1x16xi32>,
      %swap3A_852 = vector.shape_cast %swap3A_851 : vector<1x16xi32> to vector<16xi32>
      %swap3A_853 = vector.shape_cast %select_n3A_847 : vector<16xi32> to vector<1x16xi32>
      tpu.vector_store %arg10[%swap3A_849, %swap3A_850], %swap3A_853 {strides = array<i32>} : memref<18x128xi32, #tpu.memory_space<vmem>>, vector<1x16xi32>,
      %shift_right_logical3A_854 = arith.constant 3 : i32
      %shift_right_logical3A_855 = vector.broadcast %shift_right_logical3A_854 : i32 to vector<16xi32>
      %shift_right_logical3A_856 = arith.shrui %shift_right_logical3A_216, %shift_right_logical3A_855 : vector<16xi32>
      %and3A_857 = arith.constant 1 : i32
      %and3A_858 = vector.broadcast %and3A_857 : i32 to vector<16xi32>
      %and3A_859 = arith.andi %shift_right_logical3A_856, %and3A_858 : vector<16xi32>
      %eq3A_860 = arith.constant 1 : i32
      %eq3A_861 = vector.broadcast %eq3A_860 : i32 to vector<16xi32>
      %eq3A_862 = arith.cmpi eq, %and3A_859, %eq3A_861 : vector<16xi32>
      %add3A_863 = arith.constant 24576 : i32
      %add3A_864 = vector.broadcast %add3A_863 : i32 to vector<16xi32>
      %add3A_865 = arith.addi %and3A_212, %add3A_864 : vector<16xi32>
      %jit3A_866 = arith.constant -1 : i32
      %broadcast_in_dim3A_867 = vector.broadcast %jit3A_866 : i32 to vector<16xi32>
      %select_n3A_868 = arith.select %eq3A_862, %add3A_865, %broadcast_in_dim3A_867 : vector<16xi1>, vector<16xi32>
      %swap3A_869 = arith.constant 3 : i32
      %swap3A_870 = arith.index_cast %swap3A_869 : i32 to index
      %swap3A_871 = arith.constant 64 : index
      %swap3A_872 = tpu.vector_load %arg10[%swap3A_870, %swap3A_871] {strides = array<i32>} : memref<18x128xi32, #tpu.memory_space<vmem>>, vector<1x16xi32>,
      %swap3A_873 = vector.shape_cast %swap3A_872 : vector<1x16xi32> to vector<16xi32>
      %swap3A_874 = vector.shape_cast %select_n3A_868 : vector<16xi32> to vector<1x16xi32>
      tpu.vector_store %arg10[%swap3A_870, %swap3A_871], %swap3A_874 {strides = array<i32>} : memref<18x128xi32, #tpu.memory_space<vmem>>, vector<1x16xi32>,
      %shift_right_logical3A_875 = arith.constant 3 : i32
      %shift_right_logical3A_876 = vector.broadcast %shift_right_logical3A_875 : i32 to vector<16xi32>
      %shift_right_logical3A_877 = arith.shrui %shift_right_logical3A_226, %shift_right_logical3A_876 : vector<16xi32>
      %and3A_878 = arith.constant 1 : i32
      %and3A_879 = vector.broadcast %and3A_878 : i32 to vector<16xi32>
      %and3A_880 = arith.andi %shift_right_logical3A_877, %and3A_879 : vector<16xi32>
      %eq3A_881 = arith.constant 1 : i32
      %eq3A_882 = vector.broadcast %eq3A_881 : i32 to vector<16xi32>
      %eq3A_883 = arith.cmpi eq, %and3A_880, %eq3A_882 : vector<16xi32>
      %add3A_884 = arith.constant 24576 : i32
      %add3A_885 = vector.broadcast %add3A_884 : i32 to vector<16xi32>
      %add3A_886 = arith.addi %and3A_222, %add3A_885 : vector<16xi32>
      %jit3A_887 = arith.constant -1 : i32
      %broadcast_in_dim3A_888 = vector.broadcast %jit3A_887 : i32 to vector<16xi32>
      %select_n3A_889 = arith.select %eq3A_883, %add3A_886, %broadcast_in_dim3A_888 : vector<16xi1>, vector<16xi32>
      %swap3A_890 = arith.constant 3 : i32
      %swap3A_891 = arith.index_cast %swap3A_890 : i32 to index
      %swap3A_892 = arith.constant 80 : index
      %swap3A_893 = tpu.vector_load %arg10[%swap3A_891, %swap3A_892] {strides = array<i32>} : memref<18x128xi32, #tpu.memory_space<vmem>>, vector<1x16xi32>,
      %swap3A_894 = vector.shape_cast %swap3A_893 : vector<1x16xi32> to vector<16xi32>
      %swap3A_895 = vector.shape_cast %select_n3A_889 : vector<16xi32> to vector<1x16xi32>
      tpu.vector_store %arg10[%swap3A_891, %swap3A_892], %swap3A_895 {strides = array<i32>} : memref<18x128xi32, #tpu.memory_space<vmem>>, vector<1x16xi32>,
      %shift_right_logical3A_896 = arith.constant 3 : i32
      %shift_right_logical3A_897 = vector.broadcast %shift_right_logical3A_896 : i32 to vector<16xi32>
      %shift_right_logical3A_898 = arith.shrui %shift_right_logical3A_236, %shift_right_logical3A_897 : vector<16xi32>
      %and3A_899 = arith.constant 1 : i32
      %and3A_900 = vector.broadcast %and3A_899 : i32 to vector<16xi32>
      %and3A_901 = arith.andi %shift_right_logical3A_898, %and3A_900 : vector<16xi32>
      %eq3A_902 = arith.constant 1 : i32
      %eq3A_903 = vector.broadcast %eq3A_902 : i32 to vector<16xi32>
      %eq3A_904 = arith.cmpi eq, %and3A_901, %eq3A_903 : vector<16xi32>
      %add3A_905 = arith.constant 24576 : i32
      %add3A_906 = vector.broadcast %add3A_905 : i32 to vector<16xi32>
      %add3A_907 = arith.addi %and3A_232, %add3A_906 : vector<16xi32>
      %jit3A_908 = arith.constant -1 : i32
      %broadcast_in_dim3A_909 = vector.broadcast %jit3A_908 : i32 to vector<16xi32>
      %select_n3A_910 = arith.select %eq3A_904, %add3A_907, %broadcast_in_dim3A_909 : vector<16xi1>, vector<16xi32>
      %swap3A_911 = arith.constant 3 : i32
      %swap3A_912 = arith.index_cast %swap3A_911 : i32 to index
      %swap3A_913 = arith.constant 96 : index
      %swap3A_914 = tpu.vector_load %arg10[%swap3A_912, %swap3A_913] {strides = array<i32>} : memref<18x128xi32, #tpu.memory_space<vmem>>, vector<1x16xi32>,
      %swap3A_915 = vector.shape_cast %swap3A_914 : vector<1x16xi32> to vector<16xi32>
      %swap3A_916 = vector.shape_cast %select_n3A_910 : vector<16xi32> to vector<1x16xi32>
      tpu.vector_store %arg10[%swap3A_912, %swap3A_913], %swap3A_916 {strides = array<i32>} : memref<18x128xi32, #tpu.memory_space<vmem>>, vector<1x16xi32>,
      %shift_right_logical3A_917 = arith.constant 3 : i32
      %shift_right_logical3A_918 = vector.broadcast %shift_right_logical3A_917 : i32 to vector<16xi32>
      %shift_right_logical3A_919 = arith.shrui %shift_right_logical3A_246, %shift_right_logical3A_918 : vector<16xi32>
      %and3A_920 = arith.constant 1 : i32
      %and3A_921 = vector.broadcast %and3A_920 : i32 to vector<16xi32>
      %and3A_922 = arith.andi %shift_right_logical3A_919, %and3A_921 : vector<16xi32>
      %eq3A_923 = arith.constant 1 : i32
      %eq3A_924 = vector.broadcast %eq3A_923 : i32 to vector<16xi32>
      %eq3A_925 = arith.cmpi eq, %and3A_922, %eq3A_924 : vector<16xi32>
      %add3A_926 = arith.constant 24576 : i32
      %add3A_927 = vector.broadcast %add3A_926 : i32 to vector<16xi32>
      %add3A_928 = arith.addi %and3A_242, %add3A_927 : vector<16xi32>
      %jit3A_929 = arith.constant -1 : i32
      %broadcast_in_dim3A_930 = vector.broadcast %jit3A_929 : i32 to vector<16xi32>
      %select_n3A_931 = arith.select %eq3A_925, %add3A_928, %broadcast_in_dim3A_930 : vector<16xi1>, vector<16xi32>
      %swap3A_932 = arith.constant 3 : i32
      %swap3A_933 = arith.index_cast %swap3A_932 : i32 to index
      %swap3A_934 = arith.constant 112 : index
      %swap3A_935 = tpu.vector_load %arg10[%swap3A_933, %swap3A_934] {strides = array<i32>} : memref<18x128xi32, #tpu.memory_space<vmem>>, vector<1x16xi32>,
      %swap3A_936 = vector.shape_cast %swap3A_935 : vector<1x16xi32> to vector<16xi32>
      %swap3A_937 = vector.shape_cast %select_n3A_931 : vector<16xi32> to vector<1x16xi32>
      tpu.vector_store %arg10[%swap3A_933, %swap3A_934], %swap3A_937 {strides = array<i32>} : memref<18x128xi32, #tpu.memory_space<vmem>>, vector<1x16xi32>,
      %dma_start3A_938 = arith.constant 3 : i32
      %dma_start3A_939 = arith.constant 0 : i32
      %dma_start3A_940 = tpu.memref_slice %arg10[%dma_start3A_938, %dma_start3A_939] : memref<18x128xi32, #tpu.memory_space<vmem>> -> memref<1x128xi32, #tpu.memory_space<vmem>>
      %dma_start3A_941 = tpu.memref_squeeze %dma_start3A_940 : memref<1x128xi32, #tpu.memory_space<vmem>> -> memref<128xi32, #tpu.memory_space<vmem>>
      %dma_start3A_942 = arith.constant 0 : i32
      %dma_start3A_943 = arith.constant 0 : i32
      %dma_start3A_944 = tpu.memref_slice %arg16[%dma_start3A_942, %dma_start3A_943] : memref<73728x24xf32, #tpu.memory_space<vmem_shared>> -> memref<73728x24xf32, #tpu.memory_space<vmem_shared>>
      %dma_start3A_945 = arith.constant -1 : i32
      tpu.enqueue_indirect_dma source(%arg6 : memref<128x24xf32, #tpu.memory_space<vmem>>) target(%dma_start3A_944 : memref<73728x24xf32, #tpu.memory_space<vmem_shared>>) offsets(%dma_start3A_941 : memref<128xi32, #tpu.memory_space<vmem>>) offset_filter(%dma_start3A_945) semaphore(%arg14 : memref<!tpu.dma_semaphore, #tpu.memory_space<semaphore_mem>>) {add = true}
      %shift_right_logical3A_946 = arith.constant 4 : i32
      %shift_right_logical3A_947 = vector.broadcast %shift_right_logical3A_946 : i32 to vector<16xi32>
      %shift_right_logical3A_948 = arith.shrui %shift_right_logical3A_176, %shift_right_logical3A_947 : vector<16xi32>
      %and3A_949 = arith.constant 1 : i32
      %and3A_950 = vector.broadcast %and3A_949 : i32 to vector<16xi32>
      %and3A_951 = arith.andi %shift_right_logical3A_948, %and3A_950 : vector<16xi32>
      %eq3A_952 = arith.constant 1 : i32
      %eq3A_953 = vector.broadcast %eq3A_952 : i32 to vector<16xi32>
      %eq3A_954 = arith.cmpi eq, %and3A_951, %eq3A_953 : vector<16xi32>
      %add3A_955 = arith.constant 32768 : i32
      %add3A_956 = vector.broadcast %add3A_955 : i32 to vector<16xi32>
      %add3A_957 = arith.addi %and3A_173, %add3A_956 : vector<16xi32>
      %jit3A_958 = arith.constant -1 : i32
      %broadcast_in_dim3A_959 = vector.broadcast %jit3A_958 : i32 to vector<16xi32>
      %select_n3A_960 = arith.select %eq3A_954, %add3A_957, %broadcast_in_dim3A_959 : vector<16xi1>, vector<16xi32>
      %swap3A_961 = arith.constant 4 : i32
      %swap3A_962 = arith.index_cast %swap3A_961 : i32 to index
      %swap3A_963 = arith.constant 0 : index
      %swap3A_964 = tpu.vector_load %arg10[%swap3A_962, %swap3A_963] {strides = array<i32>} : memref<18x128xi32, #tpu.memory_space<vmem>>, vector<1x16xi32>,
      %swap3A_965 = vector.shape_cast %swap3A_964 : vector<1x16xi32> to vector<16xi32>
      %swap3A_966 = vector.shape_cast %select_n3A_960 : vector<16xi32> to vector<1x16xi32>
      tpu.vector_store %arg10[%swap3A_962, %swap3A_963], %swap3A_966 {strides = array<i32>} : memref<18x128xi32, #tpu.memory_space<vmem>>, vector<1x16xi32>,
      %shift_right_logical3A_967 = arith.constant 4 : i32
      %shift_right_logical3A_968 = vector.broadcast %shift_right_logical3A_967 : i32 to vector<16xi32>
      %shift_right_logical3A_969 = arith.shrui %shift_right_logical3A_186, %shift_right_logical3A_968 : vector<16xi32>
      %and3A_970 = arith.constant 1 : i32
      %and3A_971 = vector.broadcast %and3A_970 : i32 to vector<16xi32>
      %and3A_972 = arith.andi %shift_right_logical3A_969, %and3A_971 : vector<16xi32>
      %eq3A_973 = arith.constant 1 : i32
      %eq3A_974 = vector.broadcast %eq3A_973 : i32 to vector<16xi32>
      %eq3A_975 = arith.cmpi eq, %and3A_972, %eq3A_974 : vector<16xi32>
      %add3A_976 = arith.constant 32768 : i32
      %add3A_977 = vector.broadcast %add3A_976 : i32 to vector<16xi32>
      %add3A_978 = arith.addi %and3A_182, %add3A_977 : vector<16xi32>
      %jit3A_979 = arith.constant -1 : i32
      %broadcast_in_dim3A_980 = vector.broadcast %jit3A_979 : i32 to vector<16xi32>
      %select_n3A_981 = arith.select %eq3A_975, %add3A_978, %broadcast_in_dim3A_980 : vector<16xi1>, vector<16xi32>
      %swap3A_982 = arith.constant 4 : i32
      %swap3A_983 = arith.index_cast %swap3A_982 : i32 to index
      %swap3A_984 = arith.constant 16 : index
      %swap3A_985 = tpu.vector_load %arg10[%swap3A_983, %swap3A_984] {strides = array<i32>} : memref<18x128xi32, #tpu.memory_space<vmem>>, vector<1x16xi32>,
      %swap3A_986 = vector.shape_cast %swap3A_985 : vector<1x16xi32> to vector<16xi32>
      %swap3A_987 = vector.shape_cast %select_n3A_981 : vector<16xi32> to vector<1x16xi32>
      tpu.vector_store %arg10[%swap3A_983, %swap3A_984], %swap3A_987 {strides = array<i32>} : memref<18x128xi32, #tpu.memory_space<vmem>>, vector<1x16xi32>,
      %shift_right_logical3A_988 = arith.constant 4 : i32
      %shift_right_logical3A_989 = vector.broadcast %shift_right_logical3A_988 : i32 to vector<16xi32>
      %shift_right_logical3A_990 = arith.shrui %shift_right_logical3A_196, %shift_right_logical3A_989 : vector<16xi32>
      %and3A_991 = arith.constant 1 : i32
      %and3A_992 = vector.broadcast %and3A_991 : i32 to vector<16xi32>
      %and3A_993 = arith.andi %shift_right_logical3A_990, %and3A_992 : vector<16xi32>
      %eq3A_994 = arith.constant 1 : i32
      %eq3A_995 = vector.broadcast %eq3A_994 : i32 to vector<16xi32>
      %eq3A_996 = arith.cmpi eq, %and3A_993, %eq3A_995 : vector<16xi32>
      %add3A_997 = arith.constant 32768 : i32
      %add3A_998 = vector.broadcast %add3A_997 : i32 to vector<16xi32>
      %add3A_999 = arith.addi %and3A_192, %add3A_998 : vector<16xi32>
      %jit3A_1000 = arith.constant -1 : i32
      %broadcast_in_dim3A_1001 = vector.broadcast %jit3A_1000 : i32 to vector<16xi32>
      %select_n3A_1002 = arith.select %eq3A_996, %add3A_999, %broadcast_in_dim3A_1001 : vector<16xi1>, vector<16xi32>
      %swap3A_1003 = arith.constant 4 : i32
      %swap3A_1004 = arith.index_cast %swap3A_1003 : i32 to index
      %swap3A_1005 = arith.constant 32 : index
      %swap3A_1006 = tpu.vector_load %arg10[%swap3A_1004, %swap3A_1005] {strides = array<i32>} : memref<18x128xi32, #tpu.memory_space<vmem>>, vector<1x16xi32>,
      %swap3A_1007 = vector.shape_cast %swap3A_1006 : vector<1x16xi32> to vector<16xi32>
      %swap3A_1008 = vector.shape_cast %select_n3A_1002 : vector<16xi32> to vector<1x16xi32>
      tpu.vector_store %arg10[%swap3A_1004, %swap3A_1005], %swap3A_1008 {strides = array<i32>} : memref<18x128xi32, #tpu.memory_space<vmem>>, vector<1x16xi32>,
      %shift_right_logical3A_1009 = arith.constant 4 : i32
      %shift_right_logical3A_1010 = vector.broadcast %shift_right_logical3A_1009 : i32 to vector<16xi32>
      %shift_right_logical3A_1011 = arith.shrui %shift_right_logical3A_206, %shift_right_logical3A_1010 : vector<16xi32>
      %and3A_1012 = arith.constant 1 : i32
      %and3A_1013 = vector.broadcast %and3A_1012 : i32 to vector<16xi32>
      %and3A_1014 = arith.andi %shift_right_logical3A_1011, %and3A_1013 : vector<16xi32>
      %eq3A_1015 = arith.constant 1 : i32
      %eq3A_1016 = vector.broadcast %eq3A_1015 : i32 to vector<16xi32>
      %eq3A_1017 = arith.cmpi eq, %and3A_1014, %eq3A_1016 : vector<16xi32>
      %add3A_1018 = arith.constant 32768 : i32
      %add3A_1019 = vector.broadcast %add3A_1018 : i32 to vector<16xi32>
      %add3A_1020 = arith.addi %and3A_202, %add3A_1019 : vector<16xi32>
      %jit3A_1021 = arith.constant -1 : i32
      %broadcast_in_dim3A_1022 = vector.broadcast %jit3A_1021 : i32 to vector<16xi32>
      %select_n3A_1023 = arith.select %eq3A_1017, %add3A_1020, %broadcast_in_dim3A_1022 : vector<16xi1>, vector<16xi32>
      %swap3A_1024 = arith.constant 4 : i32
      %swap3A_1025 = arith.index_cast %swap3A_1024 : i32 to index
      %swap3A_1026 = arith.constant 48 : index
      %swap3A_1027 = tpu.vector_load %arg10[%swap3A_1025, %swap3A_1026] {strides = array<i32>} : memref<18x128xi32, #tpu.memory_space<vmem>>, vector<1x16xi32>,
      %swap3A_1028 = vector.shape_cast %swap3A_1027 : vector<1x16xi32> to vector<16xi32>
      %swap3A_1029 = vector.shape_cast %select_n3A_1023 : vector<16xi32> to vector<1x16xi32>
      tpu.vector_store %arg10[%swap3A_1025, %swap3A_1026], %swap3A_1029 {strides = array<i32>} : memref<18x128xi32, #tpu.memory_space<vmem>>, vector<1x16xi32>,
      %shift_right_logical3A_1030 = arith.constant 4 : i32
      %shift_right_logical3A_1031 = vector.broadcast %shift_right_logical3A_1030 : i32 to vector<16xi32>
      %shift_right_logical3A_1032 = arith.shrui %shift_right_logical3A_216, %shift_right_logical3A_1031 : vector<16xi32>
      %and3A_1033 = arith.constant 1 : i32
      %and3A_1034 = vector.broadcast %and3A_1033 : i32 to vector<16xi32>
      %and3A_1035 = arith.andi %shift_right_logical3A_1032, %and3A_1034 : vector<16xi32>
      %eq3A_1036 = arith.constant 1 : i32
      %eq3A_1037 = vector.broadcast %eq3A_1036 : i32 to vector<16xi32>
      %eq3A_1038 = arith.cmpi eq, %and3A_1035, %eq3A_1037 : vector<16xi32>
      %add3A_1039 = arith.constant 32768 : i32
      %add3A_1040 = vector.broadcast %add3A_1039 : i32 to vector<16xi32>
      %add3A_1041 = arith.addi %and3A_212, %add3A_1040 : vector<16xi32>
      %jit3A_1042 = arith.constant -1 : i32
      %broadcast_in_dim3A_1043 = vector.broadcast %jit3A_1042 : i32 to vector<16xi32>
      %select_n3A_1044 = arith.select %eq3A_1038, %add3A_1041, %broadcast_in_dim3A_1043 : vector<16xi1>, vector<16xi32>
      %swap3A_1045 = arith.constant 4 : i32
      %swap3A_1046 = arith.index_cast %swap3A_1045 : i32 to index
      %swap3A_1047 = arith.constant 64 : index
      %swap3A_1048 = tpu.vector_load %arg10[%swap3A_1046, %swap3A_1047] {strides = array<i32>} : memref<18x128xi32, #tpu.memory_space<vmem>>, vector<1x16xi32>,
      %swap3A_1049 = vector.shape_cast %swap3A_1048 : vector<1x16xi32> to vector<16xi32>
      %swap3A_1050 = vector.shape_cast %select_n3A_1044 : vector<16xi32> to vector<1x16xi32>
      tpu.vector_store %arg10[%swap3A_1046, %swap3A_1047], %swap3A_1050 {strides = array<i32>} : memref<18x128xi32, #tpu.memory_space<vmem>>, vector<1x16xi32>,
      %shift_right_logical3A_1051 = arith.constant 4 : i32
      %shift_right_logical3A_1052 = vector.broadcast %shift_right_logical3A_1051 : i32 to vector<16xi32>
      %shift_right_logical3A_1053 = arith.shrui %shift_right_logical3A_226, %shift_right_logical3A_1052 : vector<16xi32>
      %and3A_1054 = arith.constant 1 : i32
      %and3A_1055 = vector.broadcast %and3A_1054 : i32 to vector<16xi32>
      %and3A_1056 = arith.andi %shift_right_logical3A_1053, %and3A_1055 : vector<16xi32>
      %eq3A_1057 = arith.constant 1 : i32
      %eq3A_1058 = vector.broadcast %eq3A_1057 : i32 to vector<16xi32>
      %eq3A_1059 = arith.cmpi eq, %and3A_1056, %eq3A_1058 : vector<16xi32>
      %add3A_1060 = arith.constant 32768 : i32
      %add3A_1061 = vector.broadcast %add3A_1060 : i32 to vector<16xi32>
      %add3A_1062 = arith.addi %and3A_222, %add3A_1061 : vector<16xi32>
      %jit3A_1063 = arith.constant -1 : i32
      %broadcast_in_dim3A_1064 = vector.broadcast %jit3A_1063 : i32 to vector<16xi32>
      %select_n3A_1065 = arith.select %eq3A_1059, %add3A_1062, %broadcast_in_dim3A_1064 : vector<16xi1>, vector<16xi32>
      %swap3A_1066 = arith.constant 4 : i32
      %swap3A_1067 = arith.index_cast %swap3A_1066 : i32 to index
      %swap3A_1068 = arith.constant 80 : index
      %swap3A_1069 = tpu.vector_load %arg10[%swap3A_1067, %swap3A_1068] {strides = array<i32>} : memref<18x128xi32, #tpu.memory_space<vmem>>, vector<1x16xi32>,
      %swap3A_1070 = vector.shape_cast %swap3A_1069 : vector<1x16xi32> to vector<16xi32>
      %swap3A_1071 = vector.shape_cast %select_n3A_1065 : vector<16xi32> to vector<1x16xi32>
      tpu.vector_store %arg10[%swap3A_1067, %swap3A_1068], %swap3A_1071 {strides = array<i32>} : memref<18x128xi32, #tpu.memory_space<vmem>>, vector<1x16xi32>,
      %shift_right_logical3A_1072 = arith.constant 4 : i32
      %shift_right_logical3A_1073 = vector.broadcast %shift_right_logical3A_1072 : i32 to vector<16xi32>
      %shift_right_logical3A_1074 = arith.shrui %shift_right_logical3A_236, %shift_right_logical3A_1073 : vector<16xi32>
      %and3A_1075 = arith.constant 1 : i32
      %and3A_1076 = vector.broadcast %and3A_1075 : i32 to vector<16xi32>
      %and3A_1077 = arith.andi %shift_right_logical3A_1074, %and3A_1076 : vector<16xi32>
      %eq3A_1078 = arith.constant 1 : i32
      %eq3A_1079 = vector.broadcast %eq3A_1078 : i32 to vector<16xi32>
      %eq3A_1080 = arith.cmpi eq, %and3A_1077, %eq3A_1079 : vector<16xi32>
      %add3A_1081 = arith.constant 32768 : i32
      %add3A_1082 = vector.broadcast %add3A_1081 : i32 to vector<16xi32>
      %add3A_1083 = arith.addi %and3A_232, %add3A_1082 : vector<16xi32>
      %jit3A_1084 = arith.constant -1 : i32
      %broadcast_in_dim3A_1085 = vector.broadcast %jit3A_1084 : i32 to vector<16xi32>
      %select_n3A_1086 = arith.select %eq3A_1080, %add3A_1083, %broadcast_in_dim3A_1085 : vector<16xi1>, vector<16xi32>
      %swap3A_1087 = arith.constant 4 : i32
      %swap3A_1088 = arith.index_cast %swap3A_1087 : i32 to index
      %swap3A_1089 = arith.constant 96 : index
      %swap3A_1090 = tpu.vector_load %arg10[%swap3A_1088, %swap3A_1089] {strides = array<i32>} : memref<18x128xi32, #tpu.memory_space<vmem>>, vector<1x16xi32>,
      %swap3A_1091 = vector.shape_cast %swap3A_1090 : vector<1x16xi32> to vector<16xi32>
      %swap3A_1092 = vector.shape_cast %select_n3A_1086 : vector<16xi32> to vector<1x16xi32>
      tpu.vector_store %arg10[%swap3A_1088, %swap3A_1089], %swap3A_1092 {strides = array<i32>} : memref<18x128xi32, #tpu.memory_space<vmem>>, vector<1x16xi32>,
      %shift_right_logical3A_1093 = arith.constant 4 : i32
      %shift_right_logical3A_1094 = vector.broadcast %shift_right_logical3A_1093 : i32 to vector<16xi32>
      %shift_right_logical3A_1095 = arith.shrui %shift_right_logical3A_246, %shift_right_logical3A_1094 : vector<16xi32>
      %and3A_1096 = arith.constant 1 : i32
      %and3A_1097 = vector.broadcast %and3A_1096 : i32 to vector<16xi32>
      %and3A_1098 = arith.andi %shift_right_logical3A_1095, %and3A_1097 : vector<16xi32>
      %eq3A_1099 = arith.constant 1 : i32
      %eq3A_1100 = vector.broadcast %eq3A_1099 : i32 to vector<16xi32>
      %eq3A_1101 = arith.cmpi eq, %and3A_1098, %eq3A_1100 : vector<16xi32>
      %add3A_1102 = arith.constant 32768 : i32
      %add3A_1103 = vector.broadcast %add3A_1102 : i32 to vector<16xi32>
      %add3A_1104 = arith.addi %and3A_242, %add3A_1103 : vector<16xi32>
      %jit3A_1105 = arith.constant -1 : i32
      %broadcast_in_dim3A_1106 = vector.broadcast %jit3A_1105 : i32 to vector<16xi32>
      %select_n3A_1107 = arith.select %eq3A_1101, %add3A_1104, %broadcast_in_dim3A_1106 : vector<16xi1>, vector<16xi32>
      %swap3A_1108 = arith.constant 4 : i32
      %swap3A_1109 = arith.index_cast %swap3A_1108 : i32 to index
      %swap3A_1110 = arith.constant 112 : index
      %swap3A_1111 = tpu.vector_load %arg10[%swap3A_1109, %swap3A_1110] {strides = array<i32>} : memref<18x128xi32, #tpu.memory_space<vmem>>, vector<1x16xi32>,
      %swap3A_1112 = vector.shape_cast %swap3A_1111 : vector<1x16xi32> to vector<16xi32>
      %swap3A_1113 = vector.shape_cast %select_n3A_1107 : vector<16xi32> to vector<1x16xi32>
      tpu.vector_store %arg10[%swap3A_1109, %swap3A_1110], %swap3A_1113 {strides = array<i32>} : memref<18x128xi32, #tpu.memory_space<vmem>>, vector<1x16xi32>,
      %dma_start3A_1114 = arith.constant 4 : i32
      %dma_start3A_1115 = arith.constant 0 : i32
      %dma_start3A_1116 = tpu.memref_slice %arg10[%dma_start3A_1114, %dma_start3A_1115] : memref<18x128xi32, #tpu.memory_space<vmem>> -> memref<1x128xi32, #tpu.memory_space<vmem>>
      %dma_start3A_1117 = tpu.memref_squeeze %dma_start3A_1116 : memref<1x128xi32, #tpu.memory_space<vmem>> -> memref<128xi32, #tpu.memory_space<vmem>>
      %dma_start3A_1118 = arith.constant 0 : i32
      %dma_start3A_1119 = arith.constant 0 : i32
      %dma_start3A_1120 = tpu.memref_slice %arg16[%dma_start3A_1118, %dma_start3A_1119] : memref<73728x24xf32, #tpu.memory_space<vmem_shared>> -> memref<73728x24xf32, #tpu.memory_space<vmem_shared>>
      %dma_start3A_1121 = arith.constant -1 : i32
      tpu.enqueue_indirect_dma source(%arg6 : memref<128x24xf32, #tpu.memory_space<vmem>>) target(%dma_start3A_1120 : memref<73728x24xf32, #tpu.memory_space<vmem_shared>>) offsets(%dma_start3A_1117 : memref<128xi32, #tpu.memory_space<vmem>>) offset_filter(%dma_start3A_1121) semaphore(%arg14 : memref<!tpu.dma_semaphore, #tpu.memory_space<semaphore_mem>>) {add = true}
      %shift_right_logical3A_1122 = arith.constant 5 : i32
      %shift_right_logical3A_1123 = vector.broadcast %shift_right_logical3A_1122 : i32 to vector<16xi32>
      %shift_right_logical3A_1124 = arith.shrui %shift_right_logical3A_176, %shift_right_logical3A_1123 : vector<16xi32>
      %and3A_1125 = arith.constant 1 : i32
      %and3A_1126 = vector.broadcast %and3A_1125 : i32 to vector<16xi32>
      %and3A_1127 = arith.andi %shift_right_logical3A_1124, %and3A_1126 : vector<16xi32>
      %eq3A_1128 = arith.constant 1 : i32
      %eq3A_1129 = vector.broadcast %eq3A_1128 : i32 to vector<16xi32>
      %eq3A_1130 = arith.cmpi eq, %and3A_1127, %eq3A_1129 : vector<16xi32>
      %add3A_1131 = arith.constant 40960 : i32
      %add3A_1132 = vector.broadcast %add3A_1131 : i32 to vector<16xi32>
      %add3A_1133 = arith.addi %and3A_173, %add3A_1132 : vector<16xi32>
      %jit3A_1134 = arith.constant -1 : i32
      %broadcast_in_dim3A_1135 = vector.broadcast %jit3A_1134 : i32 to vector<16xi32>
      %select_n3A_1136 = arith.select %eq3A_1130, %add3A_1133, %broadcast_in_dim3A_1135 : vector<16xi1>, vector<16xi32>
      %swap3A_1137 = arith.constant 5 : i32
      %swap3A_1138 = arith.index_cast %swap3A_1137 : i32 to index
      %swap3A_1139 = arith.constant 0 : index
      %swap3A_1140 = tpu.vector_load %arg10[%swap3A_1138, %swap3A_1139] {strides = array<i32>} : memref<18x128xi32, #tpu.memory_space<vmem>>, vector<1x16xi32>,
      %swap3A_1141 = vector.shape_cast %swap3A_1140 : vector<1x16xi32> to vector<16xi32>
      %swap3A_1142 = vector.shape_cast %select_n3A_1136 : vector<16xi32> to vector<1x16xi32>
      tpu.vector_store %arg10[%swap3A_1138, %swap3A_1139], %swap3A_1142 {strides = array<i32>} : memref<18x128xi32, #tpu.memory_space<vmem>>, vector<1x16xi32>,
      %shift_right_logical3A_1143 = arith.constant 5 : i32
      %shift_right_logical3A_1144 = vector.broadcast %shift_right_logical3A_1143 : i32 to vector<16xi32>
      %shift_right_logical3A_1145 = arith.shrui %shift_right_logical3A_186, %shift_right_logical3A_1144 : vector<16xi32>
      %and3A_1146 = arith.constant 1 : i32
      %and3A_1147 = vector.broadcast %and3A_1146 : i32 to vector<16xi32>
      %and3A_1148 = arith.andi %shift_right_logical3A_1145, %and3A_1147 : vector<16xi32>
      %eq3A_1149 = arith.constant 1 : i32
      %eq3A_1150 = vector.broadcast %eq3A_1149 : i32 to vector<16xi32>
      %eq3A_1151 = arith.cmpi eq, %and3A_1148, %eq3A_1150 : vector<16xi32>
      %add3A_1152 = arith.constant 40960 : i32
      %add3A_1153 = vector.broadcast %add3A_1152 : i32 to vector<16xi32>
      %add3A_1154 = arith.addi %and3A_182, %add3A_1153 : vector<16xi32>
      %jit3A_1155 = arith.constant -1 : i32
      %broadcast_in_dim3A_1156 = vector.broadcast %jit3A_1155 : i32 to vector<16xi32>
      %select_n3A_1157 = arith.select %eq3A_1151, %add3A_1154, %broadcast_in_dim3A_1156 : vector<16xi1>, vector<16xi32>
      %swap3A_1158 = arith.constant 5 : i32
      %swap3A_1159 = arith.index_cast %swap3A_1158 : i32 to index
      %swap3A_1160 = arith.constant 16 : index
      %swap3A_1161 = tpu.vector_load %arg10[%swap3A_1159, %swap3A_1160] {strides = array<i32>} : memref<18x128xi32, #tpu.memory_space<vmem>>, vector<1x16xi32>,
      %swap3A_1162 = vector.shape_cast %swap3A_1161 : vector<1x16xi32> to vector<16xi32>
      %swap3A_1163 = vector.shape_cast %select_n3A_1157 : vector<16xi32> to vector<1x16xi32>
      tpu.vector_store %arg10[%swap3A_1159, %swap3A_1160], %swap3A_1163 {strides = array<i32>} : memref<18x128xi32, #tpu.memory_space<vmem>>, vector<1x16xi32>,
      %shift_right_logical3A_1164 = arith.constant 5 : i32
      %shift_right_logical3A_1165 = vector.broadcast %shift_right_logical3A_1164 : i32 to vector<16xi32>
      %shift_right_logical3A_1166 = arith.shrui %shift_right_logical3A_196, %shift_right_logical3A_1165 : vector<16xi32>
      %and3A_1167 = arith.constant 1 : i32
      %and3A_1168 = vector.broadcast %and3A_1167 : i32 to vector<16xi32>
      %and3A_1169 = arith.andi %shift_right_logical3A_1166, %and3A_1168 : vector<16xi32>
      %eq3A_1170 = arith.constant 1 : i32
      %eq3A_1171 = vector.broadcast %eq3A_1170 : i32 to vector<16xi32>
      %eq3A_1172 = arith.cmpi eq, %and3A_1169, %eq3A_1171 : vector<16xi32>
      %add3A_1173 = arith.constant 40960 : i32
      %add3A_1174 = vector.broadcast %add3A_1173 : i32 to vector<16xi32>
      %add3A_1175 = arith.addi %and3A_192, %add3A_1174 : vector<16xi32>
      %jit3A_1176 = arith.constant -1 : i32
      %broadcast_in_dim3A_1177 = vector.broadcast %jit3A_1176 : i32 to vector<16xi32>
      %select_n3A_1178 = arith.select %eq3A_1172, %add3A_1175, %broadcast_in_dim3A_1177 : vector<16xi1>, vector<16xi32>
      %swap3A_1179 = arith.constant 5 : i32
      %swap3A_1180 = arith.index_cast %swap3A_1179 : i32 to index
      %swap3A_1181 = arith.constant 32 : index
      %swap3A_1182 = tpu.vector_load %arg10[%swap3A_1180, %swap3A_1181] {strides = array<i32>} : memref<18x128xi32, #tpu.memory_space<vmem>>, vector<1x16xi32>,
      %swap3A_1183 = vector.shape_cast %swap3A_1182 : vector<1x16xi32> to vector<16xi32>
      %swap3A_1184 = vector.shape_cast %select_n3A_1178 : vector<16xi32> to vector<1x16xi32>
      tpu.vector_store %arg10[%swap3A_1180, %swap3A_1181], %swap3A_1184 {strides = array<i32>} : memref<18x128xi32, #tpu.memory_space<vmem>>, vector<1x16xi32>,
      %shift_right_logical3A_1185 = arith.constant 5 : i32
      %shift_right_logical3A_1186 = vector.broadcast %shift_right_logical3A_1185 : i32 to vector<16xi32>
      %shift_right_logical3A_1187 = arith.shrui %shift_right_logical3A_206, %shift_right_logical3A_1186 : vector<16xi32>
      %and3A_1188 = arith.constant 1 : i32
      %and3A_1189 = vector.broadcast %and3A_1188 : i32 to vector<16xi32>
      %and3A_1190 = arith.andi %shift_right_logical3A_1187, %and3A_1189 : vector<16xi32>
      %eq3A_1191 = arith.constant 1 : i32
      %eq3A_1192 = vector.broadcast %eq3A_1191 : i32 to vector<16xi32>
      %eq3A_1193 = arith.cmpi eq, %and3A_1190, %eq3A_1192 : vector<16xi32>
      %add3A_1194 = arith.constant 40960 : i32
      %add3A_1195 = vector.broadcast %add3A_1194 : i32 to vector<16xi32>
      %add3A_1196 = arith.addi %and3A_202, %add3A_1195 : vector<16xi32>
      %jit3A_1197 = arith.constant -1 : i32
      %broadcast_in_dim3A_1198 = vector.broadcast %jit3A_1197 : i32 to vector<16xi32>
      %select_n3A_1199 = arith.select %eq3A_1193, %add3A_1196, %broadcast_in_dim3A_1198 : vector<16xi1>, vector<16xi32>
      %swap3A_1200 = arith.constant 5 : i32
      %swap3A_1201 = arith.index_cast %swap3A_1200 : i32 to index
      %swap3A_1202 = arith.constant 48 : index
      %swap3A_1203 = tpu.vector_load %arg10[%swap3A_1201, %swap3A_1202] {strides = array<i32>} : memref<18x128xi32, #tpu.memory_space<vmem>>, vector<1x16xi32>,
      %swap3A_1204 = vector.shape_cast %swap3A_1203 : vector<1x16xi32> to vector<16xi32>
      %swap3A_1205 = vector.shape_cast %select_n3A_1199 : vector<16xi32> to vector<1x16xi32>
      tpu.vector_store %arg10[%swap3A_1201, %swap3A_1202], %swap3A_1205 {strides = array<i32>} : memref<18x128xi32, #tpu.memory_space<vmem>>, vector<1x16xi32>,
      %shift_right_logical3A_1206 = arith.constant 5 : i32
      %shift_right_logical3A_1207 = vector.broadcast %shift_right_logical3A_1206 : i32 to vector<16xi32>
      %shift_right_logical3A_1208 = arith.shrui %shift_right_logical3A_216, %shift_right_logical3A_1207 : vector<16xi32>
      %and3A_1209 = arith.constant 1 : i32
      %and3A_1210 = vector.broadcast %and3A_1209 : i32 to vector<16xi32>
      %and3A_1211 = arith.andi %shift_right_logical3A_1208, %and3A_1210 : vector<16xi32>
      %eq3A_1212 = arith.constant 1 : i32
      %eq3A_1213 = vector.broadcast %eq3A_1212 : i32 to vector<16xi32>
      %eq3A_1214 = arith.cmpi eq, %and3A_1211, %eq3A_1213 : vector<16xi32>
      %add3A_1215 = arith.constant 40960 : i32
      %add3A_1216 = vector.broadcast %add3A_1215 : i32 to vector<16xi32>
      %add3A_1217 = arith.addi %and3A_212, %add3A_1216 : vector<16xi32>
      %jit3A_1218 = arith.constant -1 : i32
      %broadcast_in_dim3A_1219 = vector.broadcast %jit3A_1218 : i32 to vector<16xi32>
      %select_n3A_1220 = arith.select %eq3A_1214, %add3A_1217, %broadcast_in_dim3A_1219 : vector<16xi1>, vector<16xi32>
      %swap3A_1221 = arith.constant 5 : i32
      %swap3A_1222 = arith.index_cast %swap3A_1221 : i32 to index
      %swap3A_1223 = arith.constant 64 : index
      %swap3A_1224 = tpu.vector_load %arg10[%swap3A_1222, %swap3A_1223] {strides = array<i32>} : memref<18x128xi32, #tpu.memory_space<vmem>>, vector<1x16xi32>,
      %swap3A_1225 = vector.shape_cast %swap3A_1224 : vector<1x16xi32> to vector<16xi32>
      %swap3A_1226 = vector.shape_cast %select_n3A_1220 : vector<16xi32> to vector<1x16xi32>
      tpu.vector_store %arg10[%swap3A_1222, %swap3A_1223], %swap3A_1226 {strides = array<i32>} : memref<18x128xi32, #tpu.memory_space<vmem>>, vector<1x16xi32>,
      %shift_right_logical3A_1227 = arith.constant 5 : i32
      %shift_right_logical3A_1228 = vector.broadcast %shift_right_logical3A_1227 : i32 to vector<16xi32>
      %shift_right_logical3A_1229 = arith.shrui %shift_right_logical3A_226, %shift_right_logical3A_1228 : vector<16xi32>
      %and3A_1230 = arith.constant 1 : i32
      %and3A_1231 = vector.broadcast %and3A_1230 : i32 to vector<16xi32>
      %and3A_1232 = arith.andi %shift_right_logical3A_1229, %and3A_1231 : vector<16xi32>
      %eq3A_1233 = arith.constant 1 : i32
      %eq3A_1234 = vector.broadcast %eq3A_1233 : i32 to vector<16xi32>
      %eq3A_1235 = arith.cmpi eq, %and3A_1232, %eq3A_1234 : vector<16xi32>
      %add3A_1236 = arith.constant 40960 : i32
      %add3A_1237 = vector.broadcast %add3A_1236 : i32 to vector<16xi32>
      %add3A_1238 = arith.addi %and3A_222, %add3A_1237 : vector<16xi32>
      %jit3A_1239 = arith.constant -1 : i32
      %broadcast_in_dim3A_1240 = vector.broadcast %jit3A_1239 : i32 to vector<16xi32>
      %select_n3A_1241 = arith.select %eq3A_1235, %add3A_1238, %broadcast_in_dim3A_1240 : vector<16xi1>, vector<16xi32>
      %swap3A_1242 = arith.constant 5 : i32
      %swap3A_1243 = arith.index_cast %swap3A_1242 : i32 to index
      %swap3A_1244 = arith.constant 80 : index
      %swap3A_1245 = tpu.vector_load %arg10[%swap3A_1243, %swap3A_1244] {strides = array<i32>} : memref<18x128xi32, #tpu.memory_space<vmem>>, vector<1x16xi32>,
      %swap3A_1246 = vector.shape_cast %swap3A_1245 : vector<1x16xi32> to vector<16xi32>
      %swap3A_1247 = vector.shape_cast %select_n3A_1241 : vector<16xi32> to vector<1x16xi32>
      tpu.vector_store %arg10[%swap3A_1243, %swap3A_1244], %swap3A_1247 {strides = array<i32>} : memref<18x128xi32, #tpu.memory_space<vmem>>, vector<1x16xi32>,
      %shift_right_logical3A_1248 = arith.constant 5 : i32
      %shift_right_logical3A_1249 = vector.broadcast %shift_right_logical3A_1248 : i32 to vector<16xi32>
      %shift_right_logical3A_1250 = arith.shrui %shift_right_logical3A_236, %shift_right_logical3A_1249 : vector<16xi32>
      %and3A_1251 = arith.constant 1 : i32
      %and3A_1252 = vector.broadcast %and3A_1251 : i32 to vector<16xi32>
      %and3A_1253 = arith.andi %shift_right_logical3A_1250, %and3A_1252 : vector<16xi32>
      %eq3A_1254 = arith.constant 1 : i32
      %eq3A_1255 = vector.broadcast %eq3A_1254 : i32 to vector<16xi32>
      %eq3A_1256 = arith.cmpi eq, %and3A_1253, %eq3A_1255 : vector<16xi32>
      %add3A_1257 = arith.constant 40960 : i32
      %add3A_1258 = vector.broadcast %add3A_1257 : i32 to vector<16xi32>
      %add3A_1259 = arith.addi %and3A_232, %add3A_1258 : vector<16xi32>
      %jit3A_1260 = arith.constant -1 : i32
      %broadcast_in_dim3A_1261 = vector.broadcast %jit3A_1260 : i32 to vector<16xi32>
      %select_n3A_1262 = arith.select %eq3A_1256, %add3A_1259, %broadcast_in_dim3A_1261 : vector<16xi1>, vector<16xi32>
      %swap3A_1263 = arith.constant 5 : i32
      %swap3A_1264 = arith.index_cast %swap3A_1263 : i32 to index
      %swap3A_1265 = arith.constant 96 : index
      %swap3A_1266 = tpu.vector_load %arg10[%swap3A_1264, %swap3A_1265] {strides = array<i32>} : memref<18x128xi32, #tpu.memory_space<vmem>>, vector<1x16xi32>,
      %swap3A_1267 = vector.shape_cast %swap3A_1266 : vector<1x16xi32> to vector<16xi32>
      %swap3A_1268 = vector.shape_cast %select_n3A_1262 : vector<16xi32> to vector<1x16xi32>
      tpu.vector_store %arg10[%swap3A_1264, %swap3A_1265], %swap3A_1268 {strides = array<i32>} : memref<18x128xi32, #tpu.memory_space<vmem>>, vector<1x16xi32>,
      %shift_right_logical3A_1269 = arith.constant 5 : i32
      %shift_right_logical3A_1270 = vector.broadcast %shift_right_logical3A_1269 : i32 to vector<16xi32>
      %shift_right_logical3A_1271 = arith.shrui %shift_right_logical3A_246, %shift_right_logical3A_1270 : vector<16xi32>
      %and3A_1272 = arith.constant 1 : i32
      %and3A_1273 = vector.broadcast %and3A_1272 : i32 to vector<16xi32>
      %and3A_1274 = arith.andi %shift_right_logical3A_1271, %and3A_1273 : vector<16xi32>
      %eq3A_1275 = arith.constant 1 : i32
      %eq3A_1276 = vector.broadcast %eq3A_1275 : i32 to vector<16xi32>
      %eq3A_1277 = arith.cmpi eq, %and3A_1274, %eq3A_1276 : vector<16xi32>
      %add3A_1278 = arith.constant 40960 : i32
      %add3A_1279 = vector.broadcast %add3A_1278 : i32 to vector<16xi32>
      %add3A_1280 = arith.addi %and3A_242, %add3A_1279 : vector<16xi32>
      %jit3A_1281 = arith.constant -1 : i32
      %broadcast_in_dim3A_1282 = vector.broadcast %jit3A_1281 : i32 to vector<16xi32>
      %select_n3A_1283 = arith.select %eq3A_1277, %add3A_1280, %broadcast_in_dim3A_1282 : vector<16xi1>, vector<16xi32>
      %swap3A_1284 = arith.constant 5 : i32
      %swap3A_1285 = arith.index_cast %swap3A_1284 : i32 to index
      %swap3A_1286 = arith.constant 112 : index
      %swap3A_1287 = tpu.vector_load %arg10[%swap3A_1285, %swap3A_1286] {strides = array<i32>} : memref<18x128xi32, #tpu.memory_space<vmem>>, vector<1x16xi32>,
      %swap3A_1288 = vector.shape_cast %swap3A_1287 : vector<1x16xi32> to vector<16xi32>
      %swap3A_1289 = vector.shape_cast %select_n3A_1283 : vector<16xi32> to vector<1x16xi32>
      tpu.vector_store %arg10[%swap3A_1285, %swap3A_1286], %swap3A_1289 {strides = array<i32>} : memref<18x128xi32, #tpu.memory_space<vmem>>, vector<1x16xi32>,
      %dma_start3A_1290 = arith.constant 5 : i32
      %dma_start3A_1291 = arith.constant 0 : i32
      %dma_start3A_1292 = tpu.memref_slice %arg10[%dma_start3A_1290, %dma_start3A_1291] : memref<18x128xi32, #tpu.memory_space<vmem>> -> memref<1x128xi32, #tpu.memory_space<vmem>>
      %dma_start3A_1293 = tpu.memref_squeeze %dma_start3A_1292 : memref<1x128xi32, #tpu.memory_space<vmem>> -> memref<128xi32, #tpu.memory_space<vmem>>
      %dma_start3A_1294 = arith.constant 0 : i32
      %dma_start3A_1295 = arith.constant 0 : i32
      %dma_start3A_1296 = tpu.memref_slice %arg16[%dma_start3A_1294, %dma_start3A_1295] : memref<73728x24xf32, #tpu.memory_space<vmem_shared>> -> memref<73728x24xf32, #tpu.memory_space<vmem_shared>>
      %dma_start3A_1297 = arith.constant -1 : i32
      tpu.enqueue_indirect_dma source(%arg6 : memref<128x24xf32, #tpu.memory_space<vmem>>) target(%dma_start3A_1296 : memref<73728x24xf32, #tpu.memory_space<vmem_shared>>) offsets(%dma_start3A_1293 : memref<128xi32, #tpu.memory_space<vmem>>) offset_filter(%dma_start3A_1297) semaphore(%arg14 : memref<!tpu.dma_semaphore, #tpu.memory_space<semaphore_mem>>) {add = true}
      %shift_right_logical3A_1298 = arith.constant 6 : i32
      %shift_right_logical3A_1299 = vector.broadcast %shift_right_logical3A_1298 : i32 to vector<16xi32>
      %shift_right_logical3A_1300 = arith.shrui %shift_right_logical3A_176, %shift_right_logical3A_1299 : vector<16xi32>
      %and3A_1301 = arith.constant 1 : i32
      %and3A_1302 = vector.broadcast %and3A_1301 : i32 to vector<16xi32>
      %and3A_1303 = arith.andi %shift_right_logical3A_1300, %and3A_1302 : vector<16xi32>
      %eq3A_1304 = arith.constant 1 : i32
      %eq3A_1305 = vector.broadcast %eq3A_1304 : i32 to vector<16xi32>
      %eq3A_1306 = arith.cmpi eq, %and3A_1303, %eq3A_1305 : vector<16xi32>
      %add3A_1307 = arith.constant 49152 : i32
      %add3A_1308 = vector.broadcast %add3A_1307 : i32 to vector<16xi32>
      %add3A_1309 = arith.addi %and3A_173, %add3A_1308 : vector<16xi32>
      %jit3A_1310 = arith.constant -1 : i32
      %broadcast_in_dim3A_1311 = vector.broadcast %jit3A_1310 : i32 to vector<16xi32>
      %select_n3A_1312 = arith.select %eq3A_1306, %add3A_1309, %broadcast_in_dim3A_1311 : vector<16xi1>, vector<16xi32>
      %swap3A_1313 = arith.constant 6 : i32
      %swap3A_1314 = arith.index_cast %swap3A_1313 : i32 to index
      %swap3A_1315 = arith.constant 0 : index
      %swap3A_1316 = tpu.vector_load %arg10[%swap3A_1314, %swap3A_1315] {strides = array<i32>} : memref<18x128xi32, #tpu.memory_space<vmem>>, vector<1x16xi32>,
      %swap3A_1317 = vector.shape_cast %swap3A_1316 : vector<1x16xi32> to vector<16xi32>
      %swap3A_1318 = vector.shape_cast %select_n3A_1312 : vector<16xi32> to vector<1x16xi32>
      tpu.vector_store %arg10[%swap3A_1314, %swap3A_1315], %swap3A_1318 {strides = array<i32>} : memref<18x128xi32, #tpu.memory_space<vmem>>, vector<1x16xi32>,
      %shift_right_logical3A_1319 = arith.constant 6 : i32
      %shift_right_logical3A_1320 = vector.broadcast %shift_right_logical3A_1319 : i32 to vector<16xi32>
      %shift_right_logical3A_1321 = arith.shrui %shift_right_logical3A_186, %shift_right_logical3A_1320 : vector<16xi32>
      %and3A_1322 = arith.constant 1 : i32
      %and3A_1323 = vector.broadcast %and3A_1322 : i32 to vector<16xi32>
      %and3A_1324 = arith.andi %shift_right_logical3A_1321, %and3A_1323 : vector<16xi32>
      %eq3A_1325 = arith.constant 1 : i32
      %eq3A_1326 = vector.broadcast %eq3A_1325 : i32 to vector<16xi32>
      %eq3A_1327 = arith.cmpi eq, %and3A_1324, %eq3A_1326 : vector<16xi32>
      %add3A_1328 = arith.constant 49152 : i32
      %add3A_1329 = vector.broadcast %add3A_1328 : i32 to vector<16xi32>
      %add3A_1330 = arith.addi %and3A_182, %add3A_1329 : vector<16xi32>
      %jit3A_1331 = arith.constant -1 : i32
      %broadcast_in_dim3A_1332 = vector.broadcast %jit3A_1331 : i32 to vector<16xi32>
      %select_n3A_1333 = arith.select %eq3A_1327, %add3A_1330, %broadcast_in_dim3A_1332 : vector<16xi1>, vector<16xi32>
      %swap3A_1334 = arith.constant 6 : i32
      %swap3A_1335 = arith.index_cast %swap3A_1334 : i32 to index
      %swap3A_1336 = arith.constant 16 : index
      %swap3A_1337 = tpu.vector_load %arg10[%swap3A_1335, %swap3A_1336] {strides = array<i32>} : memref<18x128xi32, #tpu.memory_space<vmem>>, vector<1x16xi32>,
      %swap3A_1338 = vector.shape_cast %swap3A_1337 : vector<1x16xi32> to vector<16xi32>
      %swap3A_1339 = vector.shape_cast %select_n3A_1333 : vector<16xi32> to vector<1x16xi32>
      tpu.vector_store %arg10[%swap3A_1335, %swap3A_1336], %swap3A_1339 {strides = array<i32>} : memref<18x128xi32, #tpu.memory_space<vmem>>, vector<1x16xi32>,
      %shift_right_logical3A_1340 = arith.constant 6 : i32
      %shift_right_logical3A_1341 = vector.broadcast %shift_right_logical3A_1340 : i32 to vector<16xi32>
      %shift_right_logical3A_1342 = arith.shrui %shift_right_logical3A_196, %shift_right_logical3A_1341 : vector<16xi32>
      %and3A_1343 = arith.constant 1 : i32
      %and3A_1344 = vector.broadcast %and3A_1343 : i32 to vector<16xi32>
      %and3A_1345 = arith.andi %shift_right_logical3A_1342, %and3A_1344 : vector<16xi32>
      %eq3A_1346 = arith.constant 1 : i32
      %eq3A_1347 = vector.broadcast %eq3A_1346 : i32 to vector<16xi32>
      %eq3A_1348 = arith.cmpi eq, %and3A_1345, %eq3A_1347 : vector<16xi32>
      %add3A_1349 = arith.constant 49152 : i32
      %add3A_1350 = vector.broadcast %add3A_1349 : i32 to vector<16xi32>
      %add3A_1351 = arith.addi %and3A_192, %add3A_1350 : vector<16xi32>
      %jit3A_1352 = arith.constant -1 : i32
      %broadcast_in_dim3A_1353 = vector.broadcast %jit3A_1352 : i32 to vector<16xi32>
      %select_n3A_1354 = arith.select %eq3A_1348, %add3A_1351, %broadcast_in_dim3A_1353 : vector<16xi1>, vector<16xi32>
      %swap3A_1355 = arith.constant 6 : i32
      %swap3A_1356 = arith.index_cast %swap3A_1355 : i32 to index
      %swap3A_1357 = arith.constant 32 : index
      %swap3A_1358 = tpu.vector_load %arg10[%swap3A_1356, %swap3A_1357] {strides = array<i32>} : memref<18x128xi32, #tpu.memory_space<vmem>>, vector<1x16xi32>,
      %swap3A_1359 = vector.shape_cast %swap3A_1358 : vector<1x16xi32> to vector<16xi32>
      %swap3A_1360 = vector.shape_cast %select_n3A_1354 : vector<16xi32> to vector<1x16xi32>
      tpu.vector_store %arg10[%swap3A_1356, %swap3A_1357], %swap3A_1360 {strides = array<i32>} : memref<18x128xi32, #tpu.memory_space<vmem>>, vector<1x16xi32>,
      %shift_right_logical3A_1361 = arith.constant 6 : i32
      %shift_right_logical3A_1362 = vector.broadcast %shift_right_logical3A_1361 : i32 to vector<16xi32>
      %shift_right_logical3A_1363 = arith.shrui %shift_right_logical3A_206, %shift_right_logical3A_1362 : vector<16xi32>
      %and3A_1364 = arith.constant 1 : i32
      %and3A_1365 = vector.broadcast %and3A_1364 : i32 to vector<16xi32>
      %and3A_1366 = arith.andi %shift_right_logical3A_1363, %and3A_1365 : vector<16xi32>
      %eq3A_1367 = arith.constant 1 : i32
      %eq3A_1368 = vector.broadcast %eq3A_1367 : i32 to vector<16xi32>
      %eq3A_1369 = arith.cmpi eq, %and3A_1366, %eq3A_1368 : vector<16xi32>
      %add3A_1370 = arith.constant 49152 : i32
      %add3A_1371 = vector.broadcast %add3A_1370 : i32 to vector<16xi32>
      %add3A_1372 = arith.addi %and3A_202, %add3A_1371 : vector<16xi32>
      %jit3A_1373 = arith.constant -1 : i32
      %broadcast_in_dim3A_1374 = vector.broadcast %jit3A_1373 : i32 to vector<16xi32>
      %select_n3A_1375 = arith.select %eq3A_1369, %add3A_1372, %broadcast_in_dim3A_1374 : vector<16xi1>, vector<16xi32>
      %swap3A_1376 = arith.constant 6 : i32
      %swap3A_1377 = arith.index_cast %swap3A_1376 : i32 to index
      %swap3A_1378 = arith.constant 48 : index
      %swap3A_1379 = tpu.vector_load %arg10[%swap3A_1377, %swap3A_1378] {strides = array<i32>} : memref<18x128xi32, #tpu.memory_space<vmem>>, vector<1x16xi32>,
      %swap3A_1380 = vector.shape_cast %swap3A_1379 : vector<1x16xi32> to vector<16xi32>
      %swap3A_1381 = vector.shape_cast %select_n3A_1375 : vector<16xi32> to vector<1x16xi32>
      tpu.vector_store %arg10[%swap3A_1377, %swap3A_1378], %swap3A_1381 {strides = array<i32>} : memref<18x128xi32, #tpu.memory_space<vmem>>, vector<1x16xi32>,
      %shift_right_logical3A_1382 = arith.constant 6 : i32
      %shift_right_logical3A_1383 = vector.broadcast %shift_right_logical3A_1382 : i32 to vector<16xi32>
      %shift_right_logical3A_1384 = arith.shrui %shift_right_logical3A_216, %shift_right_logical3A_1383 : vector<16xi32>
      %and3A_1385 = arith.constant 1 : i32
      %and3A_1386 = vector.broadcast %and3A_1385 : i32 to vector<16xi32>
      %and3A_1387 = arith.andi %shift_right_logical3A_1384, %and3A_1386 : vector<16xi32>
      %eq3A_1388 = arith.constant 1 : i32
      %eq3A_1389 = vector.broadcast %eq3A_1388 : i32 to vector<16xi32>
      %eq3A_1390 = arith.cmpi eq, %and3A_1387, %eq3A_1389 : vector<16xi32>
      %add3A_1391 = arith.constant 49152 : i32
      %add3A_1392 = vector.broadcast %add3A_1391 : i32 to vector<16xi32>
      %add3A_1393 = arith.addi %and3A_212, %add3A_1392 : vector<16xi32>
      %jit3A_1394 = arith.constant -1 : i32
      %broadcast_in_dim3A_1395 = vector.broadcast %jit3A_1394 : i32 to vector<16xi32>
      %select_n3A_1396 = arith.select %eq3A_1390, %add3A_1393, %broadcast_in_dim3A_1395 : vector<16xi1>, vector<16xi32>
      %swap3A_1397 = arith.constant 6 : i32
      %swap3A_1398 = arith.index_cast %swap3A_1397 : i32 to index
      %swap3A_1399 = arith.constant 64 : index
      %swap3A_1400 = tpu.vector_load %arg10[%swap3A_1398, %swap3A_1399] {strides = array<i32>} : memref<18x128xi32, #tpu.memory_space<vmem>>, vector<1x16xi32>,
      %swap3A_1401 = vector.shape_cast %swap3A_1400 : vector<1x16xi32> to vector<16xi32>
      %swap3A_1402 = vector.shape_cast %select_n3A_1396 : vector<16xi32> to vector<1x16xi32>
      tpu.vector_store %arg10[%swap3A_1398, %swap3A_1399], %swap3A_1402 {strides = array<i32>} : memref<18x128xi32, #tpu.memory_space<vmem>>, vector<1x16xi32>,
      %shift_right_logical3A_1403 = arith.constant 6 : i32
      %shift_right_logical3A_1404 = vector.broadcast %shift_right_logical3A_1403 : i32 to vector<16xi32>
      %shift_right_logical3A_1405 = arith.shrui %shift_right_logical3A_226, %shift_right_logical3A_1404 : vector<16xi32>
      %and3A_1406 = arith.constant 1 : i32
      %and3A_1407 = vector.broadcast %and3A_1406 : i32 to vector<16xi32>
      %and3A_1408 = arith.andi %shift_right_logical3A_1405, %and3A_1407 : vector<16xi32>
      %eq3A_1409 = arith.constant 1 : i32
      %eq3A_1410 = vector.broadcast %eq3A_1409 : i32 to vector<16xi32>
      %eq3A_1411 = arith.cmpi eq, %and3A_1408, %eq3A_1410 : vector<16xi32>
      %add3A_1412 = arith.constant 49152 : i32
      %add3A_1413 = vector.broadcast %add3A_1412 : i32 to vector<16xi32>
      %add3A_1414 = arith.addi %and3A_222, %add3A_1413 : vector<16xi32>
      %jit3A_1415 = arith.constant -1 : i32
      %broadcast_in_dim3A_1416 = vector.broadcast %jit3A_1415 : i32 to vector<16xi32>
      %select_n3A_1417 = arith.select %eq3A_1411, %add3A_1414, %broadcast_in_dim3A_1416 : vector<16xi1>, vector<16xi32>
      %swap3A_1418 = arith.constant 6 : i32
      %swap3A_1419 = arith.index_cast %swap3A_1418 : i32 to index
      %swap3A_1420 = arith.constant 80 : index
      %swap3A_1421 = tpu.vector_load %arg10[%swap3A_1419, %swap3A_1420] {strides = array<i32>} : memref<18x128xi32, #tpu.memory_space<vmem>>, vector<1x16xi32>,
      %swap3A_1422 = vector.shape_cast %swap3A_1421 : vector<1x16xi32> to vector<16xi32>
      %swap3A_1423 = vector.shape_cast %select_n3A_1417 : vector<16xi32> to vector<1x16xi32>
      tpu.vector_store %arg10[%swap3A_1419, %swap3A_1420], %swap3A_1423 {strides = array<i32>} : memref<18x128xi32, #tpu.memory_space<vmem>>, vector<1x16xi32>,
      %shift_right_logical3A_1424 = arith.constant 6 : i32
      %shift_right_logical3A_1425 = vector.broadcast %shift_right_logical3A_1424 : i32 to vector<16xi32>
      %shift_right_logical3A_1426 = arith.shrui %shift_right_logical3A_236, %shift_right_logical3A_1425 : vector<16xi32>
      %and3A_1427 = arith.constant 1 : i32
      %and3A_1428 = vector.broadcast %and3A_1427 : i32 to vector<16xi32>
      %and3A_1429 = arith.andi %shift_right_logical3A_1426, %and3A_1428 : vector<16xi32>
      %eq3A_1430 = arith.constant 1 : i32
      %eq3A_1431 = vector.broadcast %eq3A_1430 : i32 to vector<16xi32>
      %eq3A_1432 = arith.cmpi eq, %and3A_1429, %eq3A_1431 : vector<16xi32>
      %add3A_1433 = arith.constant 49152 : i32
      %add3A_1434 = vector.broadcast %add3A_1433 : i32 to vector<16xi32>
      %add3A_1435 = arith.addi %and3A_232, %add3A_1434 : vector<16xi32>
      %jit3A_1436 = arith.constant -1 : i32
      %broadcast_in_dim3A_1437 = vector.broadcast %jit3A_1436 : i32 to vector<16xi32>
      %select_n3A_1438 = arith.select %eq3A_1432, %add3A_1435, %broadcast_in_dim3A_1437 : vector<16xi1>, vector<16xi32>
      %swap3A_1439 = arith.constant 6 : i32
      %swap3A_1440 = arith.index_cast %swap3A_1439 : i32 to index
      %swap3A_1441 = arith.constant 96 : index
      %swap3A_1442 = tpu.vector_load %arg10[%swap3A_1440, %swap3A_1441] {strides = array<i32>} : memref<18x128xi32, #tpu.memory_space<vmem>>, vector<1x16xi32>,
      %swap3A_1443 = vector.shape_cast %swap3A_1442 : vector<1x16xi32> to vector<16xi32>
      %swap3A_1444 = vector.shape_cast %select_n3A_1438 : vector<16xi32> to vector<1x16xi32>
      tpu.vector_store %arg10[%swap3A_1440, %swap3A_1441], %swap3A_1444 {strides = array<i32>} : memref<18x128xi32, #tpu.memory_space<vmem>>, vector<1x16xi32>,
      %shift_right_logical3A_1445 = arith.constant 6 : i32
      %shift_right_logical3A_1446 = vector.broadcast %shift_right_logical3A_1445 : i32 to vector<16xi32>
      %shift_right_logical3A_1447 = arith.shrui %shift_right_logical3A_246, %shift_right_logical3A_1446 : vector<16xi32>
      %and3A_1448 = arith.constant 1 : i32
      %and3A_1449 = vector.broadcast %and3A_1448 : i32 to vector<16xi32>
      %and3A_1450 = arith.andi %shift_right_logical3A_1447, %and3A_1449 : vector<16xi32>
      %eq3A_1451 = arith.constant 1 : i32
      %eq3A_1452 = vector.broadcast %eq3A_1451 : i32 to vector<16xi32>
      %eq3A_1453 = arith.cmpi eq, %and3A_1450, %eq3A_1452 : vector<16xi32>
      %add3A_1454 = arith.constant 49152 : i32
      %add3A_1455 = vector.broadcast %add3A_1454 : i32 to vector<16xi32>
      %add3A_1456 = arith.addi %and3A_242, %add3A_1455 : vector<16xi32>
      %jit3A_1457 = arith.constant -1 : i32
      %broadcast_in_dim3A_1458 = vector.broadcast %jit3A_1457 : i32 to vector<16xi32>
      %select_n3A_1459 = arith.select %eq3A_1453, %add3A_1456, %broadcast_in_dim3A_1458 : vector<16xi1>, vector<16xi32>
      %swap3A_1460 = arith.constant 6 : i32
      %swap3A_1461 = arith.index_cast %swap3A_1460 : i32 to index
      %swap3A_1462 = arith.constant 112 : index
      %swap3A_1463 = tpu.vector_load %arg10[%swap3A_1461, %swap3A_1462] {strides = array<i32>} : memref<18x128xi32, #tpu.memory_space<vmem>>, vector<1x16xi32>,
      %swap3A_1464 = vector.shape_cast %swap3A_1463 : vector<1x16xi32> to vector<16xi32>
      %swap3A_1465 = vector.shape_cast %select_n3A_1459 : vector<16xi32> to vector<1x16xi32>
      tpu.vector_store %arg10[%swap3A_1461, %swap3A_1462], %swap3A_1465 {strides = array<i32>} : memref<18x128xi32, #tpu.memory_space<vmem>>, vector<1x16xi32>,
      %dma_start3A_1466 = arith.constant 6 : i32
      %dma_start3A_1467 = arith.constant 0 : i32
      %dma_start3A_1468 = tpu.memref_slice %arg10[%dma_start3A_1466, %dma_start3A_1467] : memref<18x128xi32, #tpu.memory_space<vmem>> -> memref<1x128xi32, #tpu.memory_space<vmem>>
      %dma_start3A_1469 = tpu.memref_squeeze %dma_start3A_1468 : memref<1x128xi32, #tpu.memory_space<vmem>> -> memref<128xi32, #tpu.memory_space<vmem>>
      %dma_start3A_1470 = arith.constant 0 : i32
      %dma_start3A_1471 = arith.constant 0 : i32
      %dma_start3A_1472 = tpu.memref_slice %arg16[%dma_start3A_1470, %dma_start3A_1471] : memref<73728x24xf32, #tpu.memory_space<vmem_shared>> -> memref<73728x24xf32, #tpu.memory_space<vmem_shared>>
      %dma_start3A_1473 = arith.constant -1 : i32
      tpu.enqueue_indirect_dma source(%arg6 : memref<128x24xf32, #tpu.memory_space<vmem>>) target(%dma_start3A_1472 : memref<73728x24xf32, #tpu.memory_space<vmem_shared>>) offsets(%dma_start3A_1469 : memref<128xi32, #tpu.memory_space<vmem>>) offset_filter(%dma_start3A_1473) semaphore(%arg14 : memref<!tpu.dma_semaphore, #tpu.memory_space<semaphore_mem>>) {add = true}
      %shift_right_logical3A_1474 = arith.constant 7 : i32
      %shift_right_logical3A_1475 = vector.broadcast %shift_right_logical3A_1474 : i32 to vector<16xi32>
      %shift_right_logical3A_1476 = arith.shrui %shift_right_logical3A_176, %shift_right_logical3A_1475 : vector<16xi32>
      %and3A_1477 = arith.constant 1 : i32
      %and3A_1478 = vector.broadcast %and3A_1477 : i32 to vector<16xi32>
      %and3A_1479 = arith.andi %shift_right_logical3A_1476, %and3A_1478 : vector<16xi32>
      %eq3A_1480 = arith.constant 1 : i32
      %eq3A_1481 = vector.broadcast %eq3A_1480 : i32 to vector<16xi32>
      %eq3A_1482 = arith.cmpi eq, %and3A_1479, %eq3A_1481 : vector<16xi32>
      %add3A_1483 = arith.constant 57344 : i32
      %add3A_1484 = vector.broadcast %add3A_1483 : i32 to vector<16xi32>
      %add3A_1485 = arith.addi %and3A_173, %add3A_1484 : vector<16xi32>
      %jit3A_1486 = arith.constant -1 : i32
      %broadcast_in_dim3A_1487 = vector.broadcast %jit3A_1486 : i32 to vector<16xi32>
      %select_n3A_1488 = arith.select %eq3A_1482, %add3A_1485, %broadcast_in_dim3A_1487 : vector<16xi1>, vector<16xi32>
      %swap3A_1489 = arith.constant 7 : i32
      %swap3A_1490 = arith.index_cast %swap3A_1489 : i32 to index
      %swap3A_1491 = arith.constant 0 : index
      %swap3A_1492 = tpu.vector_load %arg10[%swap3A_1490, %swap3A_1491] {strides = array<i32>} : memref<18x128xi32, #tpu.memory_space<vmem>>, vector<1x16xi32>,
      %swap3A_1493 = vector.shape_cast %swap3A_1492 : vector<1x16xi32> to vector<16xi32>
      %swap3A_1494 = vector.shape_cast %select_n3A_1488 : vector<16xi32> to vector<1x16xi32>
      tpu.vector_store %arg10[%swap3A_1490, %swap3A_1491], %swap3A_1494 {strides = array<i32>} : memref<18x128xi32, #tpu.memory_space<vmem>>, vector<1x16xi32>,
      %shift_right_logical3A_1495 = arith.constant 7 : i32
      %shift_right_logical3A_1496 = vector.broadcast %shift_right_logical3A_1495 : i32 to vector<16xi32>
      %shift_right_logical3A_1497 = arith.shrui %shift_right_logical3A_186, %shift_right_logical3A_1496 : vector<16xi32>
      %and3A_1498 = arith.constant 1 : i32
      %and3A_1499 = vector.broadcast %and3A_1498 : i32 to vector<16xi32>
      %and3A_1500 = arith.andi %shift_right_logical3A_1497, %and3A_1499 : vector<16xi32>
      %eq3A_1501 = arith.constant 1 : i32
      %eq3A_1502 = vector.broadcast %eq3A_1501 : i32 to vector<16xi32>
      %eq3A_1503 = arith.cmpi eq, %and3A_1500, %eq3A_1502 : vector<16xi32>
      %add3A_1504 = arith.constant 57344 : i32
      %add3A_1505 = vector.broadcast %add3A_1504 : i32 to vector<16xi32>
      %add3A_1506 = arith.addi %and3A_182, %add3A_1505 : vector<16xi32>
      %jit3A_1507 = arith.constant -1 : i32
      %broadcast_in_dim3A_1508 = vector.broadcast %jit3A_1507 : i32 to vector<16xi32>
      %select_n3A_1509 = arith.select %eq3A_1503, %add3A_1506, %broadcast_in_dim3A_1508 : vector<16xi1>, vector<16xi32>
      %swap3A_1510 = arith.constant 7 : i32
      %swap3A_1511 = arith.index_cast %swap3A_1510 : i32 to index
      %swap3A_1512 = arith.constant 16 : index
      %swap3A_1513 = tpu.vector_load %arg10[%swap3A_1511, %swap3A_1512] {strides = array<i32>} : memref<18x128xi32, #tpu.memory_space<vmem>>, vector<1x16xi32>,
      %swap3A_1514 = vector.shape_cast %swap3A_1513 : vector<1x16xi32> to vector<16xi32>
      %swap3A_1515 = vector.shape_cast %select_n3A_1509 : vector<16xi32> to vector<1x16xi32>
      tpu.vector_store %arg10[%swap3A_1511, %swap3A_1512], %swap3A_1515 {strides = array<i32>} : memref<18x128xi32, #tpu.memory_space<vmem>>, vector<1x16xi32>,
      %shift_right_logical3A_1516 = arith.constant 7 : i32
      %shift_right_logical3A_1517 = vector.broadcast %shift_right_logical3A_1516 : i32 to vector<16xi32>
      %shift_right_logical3A_1518 = arith.shrui %shift_right_logical3A_196, %shift_right_logical3A_1517 : vector<16xi32>
      %and3A_1519 = arith.constant 1 : i32
      %and3A_1520 = vector.broadcast %and3A_1519 : i32 to vector<16xi32>
      %and3A_1521 = arith.andi %shift_right_logical3A_1518, %and3A_1520 : vector<16xi32>
      %eq3A_1522 = arith.constant 1 : i32
      %eq3A_1523 = vector.broadcast %eq3A_1522 : i32 to vector<16xi32>
      %eq3A_1524 = arith.cmpi eq, %and3A_1521, %eq3A_1523 : vector<16xi32>
      %add3A_1525 = arith.constant 57344 : i32
      %add3A_1526 = vector.broadcast %add3A_1525 : i32 to vector<16xi32>
      %add3A_1527 = arith.addi %and3A_192, %add3A_1526 : vector<16xi32>
      %jit3A_1528 = arith.constant -1 : i32
      %broadcast_in_dim3A_1529 = vector.broadcast %jit3A_1528 : i32 to vector<16xi32>
      %select_n3A_1530 = arith.select %eq3A_1524, %add3A_1527, %broadcast_in_dim3A_1529 : vector<16xi1>, vector<16xi32>
      %swap3A_1531 = arith.constant 7 : i32
      %swap3A_1532 = arith.index_cast %swap3A_1531 : i32 to index
      %swap3A_1533 = arith.constant 32 : index
      %swap3A_1534 = tpu.vector_load %arg10[%swap3A_1532, %swap3A_1533] {strides = array<i32>} : memref<18x128xi32, #tpu.memory_space<vmem>>, vector<1x16xi32>,
      %swap3A_1535 = vector.shape_cast %swap3A_1534 : vector<1x16xi32> to vector<16xi32>
      %swap3A_1536 = vector.shape_cast %select_n3A_1530 : vector<16xi32> to vector<1x16xi32>
      tpu.vector_store %arg10[%swap3A_1532, %swap3A_1533], %swap3A_1536 {strides = array<i32>} : memref<18x128xi32, #tpu.memory_space<vmem>>, vector<1x16xi32>,
      %shift_right_logical3A_1537 = arith.constant 7 : i32
      %shift_right_logical3A_1538 = vector.broadcast %shift_right_logical3A_1537 : i32 to vector<16xi32>
      %shift_right_logical3A_1539 = arith.shrui %shift_right_logical3A_206, %shift_right_logical3A_1538 : vector<16xi32>
      %and3A_1540 = arith.constant 1 : i32
      %and3A_1541 = vector.broadcast %and3A_1540 : i32 to vector<16xi32>
      %and3A_1542 = arith.andi %shift_right_logical3A_1539, %and3A_1541 : vector<16xi32>
      %eq3A_1543 = arith.constant 1 : i32
      %eq3A_1544 = vector.broadcast %eq3A_1543 : i32 to vector<16xi32>
      %eq3A_1545 = arith.cmpi eq, %and3A_1542, %eq3A_1544 : vector<16xi32>
      %add3A_1546 = arith.constant 57344 : i32
      %add3A_1547 = vector.broadcast %add3A_1546 : i32 to vector<16xi32>
      %add3A_1548 = arith.addi %and3A_202, %add3A_1547 : vector<16xi32>
      %jit3A_1549 = arith.constant -1 : i32
      %broadcast_in_dim3A_1550 = vector.broadcast %jit3A_1549 : i32 to vector<16xi32>
      %select_n3A_1551 = arith.select %eq3A_1545, %add3A_1548, %broadcast_in_dim3A_1550 : vector<16xi1>, vector<16xi32>
      %swap3A_1552 = arith.constant 7 : i32
      %swap3A_1553 = arith.index_cast %swap3A_1552 : i32 to index
      %swap3A_1554 = arith.constant 48 : index
      %swap3A_1555 = tpu.vector_load %arg10[%swap3A_1553, %swap3A_1554] {strides = array<i32>} : memref<18x128xi32, #tpu.memory_space<vmem>>, vector<1x16xi32>,
      %swap3A_1556 = vector.shape_cast %swap3A_1555 : vector<1x16xi32> to vector<16xi32>
      %swap3A_1557 = vector.shape_cast %select_n3A_1551 : vector<16xi32> to vector<1x16xi32>
      tpu.vector_store %arg10[%swap3A_1553, %swap3A_1554], %swap3A_1557 {strides = array<i32>} : memref<18x128xi32, #tpu.memory_space<vmem>>, vector<1x16xi32>,
      %shift_right_logical3A_1558 = arith.constant 7 : i32
      %shift_right_logical3A_1559 = vector.broadcast %shift_right_logical3A_1558 : i32 to vector<16xi32>
      %shift_right_logical3A_1560 = arith.shrui %shift_right_logical3A_216, %shift_right_logical3A_1559 : vector<16xi32>
      %and3A_1561 = arith.constant 1 : i32
      %and3A_1562 = vector.broadcast %and3A_1561 : i32 to vector<16xi32>
      %and3A_1563 = arith.andi %shift_right_logical3A_1560, %and3A_1562 : vector<16xi32>
      %eq3A_1564 = arith.constant 1 : i32
      %eq3A_1565 = vector.broadcast %eq3A_1564 : i32 to vector<16xi32>
      %eq3A_1566 = arith.cmpi eq, %and3A_1563, %eq3A_1565 : vector<16xi32>
      %add3A_1567 = arith.constant 57344 : i32
      %add3A_1568 = vector.broadcast %add3A_1567 : i32 to vector<16xi32>
      %add3A_1569 = arith.addi %and3A_212, %add3A_1568 : vector<16xi32>
      %jit3A_1570 = arith.constant -1 : i32
      %broadcast_in_dim3A_1571 = vector.broadcast %jit3A_1570 : i32 to vector<16xi32>
      %select_n3A_1572 = arith.select %eq3A_1566, %add3A_1569, %broadcast_in_dim3A_1571 : vector<16xi1>, vector<16xi32>
      %swap3A_1573 = arith.constant 7 : i32
      %swap3A_1574 = arith.index_cast %swap3A_1573 : i32 to index
      %swap3A_1575 = arith.constant 64 : index
      %swap3A_1576 = tpu.vector_load %arg10[%swap3A_1574, %swap3A_1575] {strides = array<i32>} : memref<18x128xi32, #tpu.memory_space<vmem>>, vector<1x16xi32>,
      %swap3A_1577 = vector.shape_cast %swap3A_1576 : vector<1x16xi32> to vector<16xi32>
      %swap3A_1578 = vector.shape_cast %select_n3A_1572 : vector<16xi32> to vector<1x16xi32>
      tpu.vector_store %arg10[%swap3A_1574, %swap3A_1575], %swap3A_1578 {strides = array<i32>} : memref<18x128xi32, #tpu.memory_space<vmem>>, vector<1x16xi32>,
      %shift_right_logical3A_1579 = arith.constant 7 : i32
      %shift_right_logical3A_1580 = vector.broadcast %shift_right_logical3A_1579 : i32 to vector<16xi32>
      %shift_right_logical3A_1581 = arith.shrui %shift_right_logical3A_226, %shift_right_logical3A_1580 : vector<16xi32>
      %and3A_1582 = arith.constant 1 : i32
      %and3A_1583 = vector.broadcast %and3A_1582 : i32 to vector<16xi32>
      %and3A_1584 = arith.andi %shift_right_logical3A_1581, %and3A_1583 : vector<16xi32>
      %eq3A_1585 = arith.constant 1 : i32
      %eq3A_1586 = vector.broadcast %eq3A_1585 : i32 to vector<16xi32>
      %eq3A_1587 = arith.cmpi eq, %and3A_1584, %eq3A_1586 : vector<16xi32>
      %add3A_1588 = arith.constant 57344 : i32
      %add3A_1589 = vector.broadcast %add3A_1588 : i32 to vector<16xi32>
      %add3A_1590 = arith.addi %and3A_222, %add3A_1589 : vector<16xi32>
      %jit3A_1591 = arith.constant -1 : i32
      %broadcast_in_dim3A_1592 = vector.broadcast %jit3A_1591 : i32 to vector<16xi32>
      %select_n3A_1593 = arith.select %eq3A_1587, %add3A_1590, %broadcast_in_dim3A_1592 : vector<16xi1>, vector<16xi32>
      %swap3A_1594 = arith.constant 7 : i32
      %swap3A_1595 = arith.index_cast %swap3A_1594 : i32 to index
      %swap3A_1596 = arith.constant 80 : index
      %swap3A_1597 = tpu.vector_load %arg10[%swap3A_1595, %swap3A_1596] {strides = array<i32>} : memref<18x128xi32, #tpu.memory_space<vmem>>, vector<1x16xi32>,
      %swap3A_1598 = vector.shape_cast %swap3A_1597 : vector<1x16xi32> to vector<16xi32>
      %swap3A_1599 = vector.shape_cast %select_n3A_1593 : vector<16xi32> to vector<1x16xi32>
      tpu.vector_store %arg10[%swap3A_1595, %swap3A_1596], %swap3A_1599 {strides = array<i32>} : memref<18x128xi32, #tpu.memory_space<vmem>>, vector<1x16xi32>,
      %shift_right_logical3A_1600 = arith.constant 7 : i32
      %shift_right_logical3A_1601 = vector.broadcast %shift_right_logical3A_1600 : i32 to vector<16xi32>
      %shift_right_logical3A_1602 = arith.shrui %shift_right_logical3A_236, %shift_right_logical3A_1601 : vector<16xi32>
      %and3A_1603 = arith.constant 1 : i32
      %and3A_1604 = vector.broadcast %and3A_1603 : i32 to vector<16xi32>
      %and3A_1605 = arith.andi %shift_right_logical3A_1602, %and3A_1604 : vector<16xi32>
      %eq3A_1606 = arith.constant 1 : i32
      %eq3A_1607 = vector.broadcast %eq3A_1606 : i32 to vector<16xi32>
      %eq3A_1608 = arith.cmpi eq, %and3A_1605, %eq3A_1607 : vector<16xi32>
      %add3A_1609 = arith.constant 57344 : i32
      %add3A_1610 = vector.broadcast %add3A_1609 : i32 to vector<16xi32>
      %add3A_1611 = arith.addi %and3A_232, %add3A_1610 : vector<16xi32>
      %jit3A_1612 = arith.constant -1 : i32
      %broadcast_in_dim3A_1613 = vector.broadcast %jit3A_1612 : i32 to vector<16xi32>
      %select_n3A_1614 = arith.select %eq3A_1608, %add3A_1611, %broadcast_in_dim3A_1613 : vector<16xi1>, vector<16xi32>
      %swap3A_1615 = arith.constant 7 : i32
      %swap3A_1616 = arith.index_cast %swap3A_1615 : i32 to index
      %swap3A_1617 = arith.constant 96 : index
      %swap3A_1618 = tpu.vector_load %arg10[%swap3A_1616, %swap3A_1617] {strides = array<i32>} : memref<18x128xi32, #tpu.memory_space<vmem>>, vector<1x16xi32>,
      %swap3A_1619 = vector.shape_cast %swap3A_1618 : vector<1x16xi32> to vector<16xi32>
      %swap3A_1620 = vector.shape_cast %select_n3A_1614 : vector<16xi32> to vector<1x16xi32>
      tpu.vector_store %arg10[%swap3A_1616, %swap3A_1617], %swap3A_1620 {strides = array<i32>} : memref<18x128xi32, #tpu.memory_space<vmem>>, vector<1x16xi32>,
      %shift_right_logical3A_1621 = arith.constant 7 : i32
      %shift_right_logical3A_1622 = vector.broadcast %shift_right_logical3A_1621 : i32 to vector<16xi32>
      %shift_right_logical3A_1623 = arith.shrui %shift_right_logical3A_246, %shift_right_logical3A_1622 : vector<16xi32>
      %and3A_1624 = arith.constant 1 : i32
      %and3A_1625 = vector.broadcast %and3A_1624 : i32 to vector<16xi32>
      %and3A_1626 = arith.andi %shift_right_logical3A_1623, %and3A_1625 : vector<16xi32>
      %eq3A_1627 = arith.constant 1 : i32
      %eq3A_1628 = vector.broadcast %eq3A_1627 : i32 to vector<16xi32>
      %eq3A_1629 = arith.cmpi eq, %and3A_1626, %eq3A_1628 : vector<16xi32>
      %add3A_1630 = arith.constant 57344 : i32
      %add3A_1631 = vector.broadcast %add3A_1630 : i32 to vector<16xi32>
      %add3A_1632 = arith.addi %and3A_242, %add3A_1631 : vector<16xi32>
      %jit3A_1633 = arith.constant -1 : i32
      %broadcast_in_dim3A_1634 = vector.broadcast %jit3A_1633 : i32 to vector<16xi32>
      %select_n3A_1635 = arith.select %eq3A_1629, %add3A_1632, %broadcast_in_dim3A_1634 : vector<16xi1>, vector<16xi32>
      %swap3A_1636 = arith.constant 7 : i32
      %swap3A_1637 = arith.index_cast %swap3A_1636 : i32 to index
      %swap3A_1638 = arith.constant 112 : index
      %swap3A_1639 = tpu.vector_load %arg10[%swap3A_1637, %swap3A_1638] {strides = array<i32>} : memref<18x128xi32, #tpu.memory_space<vmem>>, vector<1x16xi32>,
      %swap3A_1640 = vector.shape_cast %swap3A_1639 : vector<1x16xi32> to vector<16xi32>
      %swap3A_1641 = vector.shape_cast %select_n3A_1635 : vector<16xi32> to vector<1x16xi32>
      tpu.vector_store %arg10[%swap3A_1637, %swap3A_1638], %swap3A_1641 {strides = array<i32>} : memref<18x128xi32, #tpu.memory_space<vmem>>, vector<1x16xi32>,
      %dma_start3A_1642 = arith.constant 7 : i32
      %dma_start3A_1643 = arith.constant 0 : i32
      %dma_start3A_1644 = tpu.memref_slice %arg10[%dma_start3A_1642, %dma_start3A_1643] : memref<18x128xi32, #tpu.memory_space<vmem>> -> memref<1x128xi32, #tpu.memory_space<vmem>>
      %dma_start3A_1645 = tpu.memref_squeeze %dma_start3A_1644 : memref<1x128xi32, #tpu.memory_space<vmem>> -> memref<128xi32, #tpu.memory_space<vmem>>
      %dma_start3A_1646 = arith.constant 0 : i32
      %dma_start3A_1647 = arith.constant 0 : i32
      %dma_start3A_1648 = tpu.memref_slice %arg16[%dma_start3A_1646, %dma_start3A_1647] : memref<73728x24xf32, #tpu.memory_space<vmem_shared>> -> memref<73728x24xf32, #tpu.memory_space<vmem_shared>>
      %dma_start3A_1649 = arith.constant -1 : i32
      tpu.enqueue_indirect_dma source(%arg6 : memref<128x24xf32, #tpu.memory_space<vmem>>) target(%dma_start3A_1648 : memref<73728x24xf32, #tpu.memory_space<vmem_shared>>) offsets(%dma_start3A_1645 : memref<128xi32, #tpu.memory_space<vmem>>) offset_filter(%dma_start3A_1649) semaphore(%arg14 : memref<!tpu.dma_semaphore, #tpu.memory_space<semaphore_mem>>) {add = true}
      %shift_right_logical3A_1650 = arith.constant 8 : i32
      %shift_right_logical3A_1651 = vector.broadcast %shift_right_logical3A_1650 : i32 to vector<16xi32>
      %shift_right_logical3A_1652 = arith.shrui %shift_right_logical3A_176, %shift_right_logical3A_1651 : vector<16xi32>
      %and3A_1653 = arith.constant 1 : i32
      %and3A_1654 = vector.broadcast %and3A_1653 : i32 to vector<16xi32>
      %and3A_1655 = arith.andi %shift_right_logical3A_1652, %and3A_1654 : vector<16xi32>
      %eq3A_1656 = arith.constant 1 : i32
      %eq3A_1657 = vector.broadcast %eq3A_1656 : i32 to vector<16xi32>
      %eq3A_1658 = arith.cmpi eq, %and3A_1655, %eq3A_1657 : vector<16xi32>
      %add3A_1659 = arith.constant 65536 : i32
      %add3A_1660 = vector.broadcast %add3A_1659 : i32 to vector<16xi32>
      %add3A_1661 = arith.addi %and3A_173, %add3A_1660 : vector<16xi32>
      %jit3A_1662 = arith.constant -1 : i32
      %broadcast_in_dim3A_1663 = vector.broadcast %jit3A_1662 : i32 to vector<16xi32>
      %select_n3A_1664 = arith.select %eq3A_1658, %add3A_1661, %broadcast_in_dim3A_1663 : vector<16xi1>, vector<16xi32>
      %swap3A_1665 = arith.constant 8 : i32
      %swap3A_1666 = arith.index_cast %swap3A_1665 : i32 to index
      %swap3A_1667 = arith.constant 0 : index
      %swap3A_1668 = tpu.vector_load %arg10[%swap3A_1666, %swap3A_1667] {strides = array<i32>} : memref<18x128xi32, #tpu.memory_space<vmem>>, vector<1x16xi32>,
      %swap3A_1669 = vector.shape_cast %swap3A_1668 : vector<1x16xi32> to vector<16xi32>
      %swap3A_1670 = vector.shape_cast %select_n3A_1664 : vector<16xi32> to vector<1x16xi32>
      tpu.vector_store %arg10[%swap3A_1666, %swap3A_1667], %swap3A_1670 {strides = array<i32>} : memref<18x128xi32, #tpu.memory_space<vmem>>, vector<1x16xi32>,
      %shift_right_logical3A_1671 = arith.constant 8 : i32
      %shift_right_logical3A_1672 = vector.broadcast %shift_right_logical3A_1671 : i32 to vector<16xi32>
      %shift_right_logical3A_1673 = arith.shrui %shift_right_logical3A_186, %shift_right_logical3A_1672 : vector<16xi32>
      %and3A_1674 = arith.constant 1 : i32
      %and3A_1675 = vector.broadcast %and3A_1674 : i32 to vector<16xi32>
      %and3A_1676 = arith.andi %shift_right_logical3A_1673, %and3A_1675 : vector<16xi32>
      %eq3A_1677 = arith.constant 1 : i32
      %eq3A_1678 = vector.broadcast %eq3A_1677 : i32 to vector<16xi32>
      %eq3A_1679 = arith.cmpi eq, %and3A_1676, %eq3A_1678 : vector<16xi32>
      %add3A_1680 = arith.constant 65536 : i32
      %add3A_1681 = vector.broadcast %add3A_1680 : i32 to vector<16xi32>
      %add3A_1682 = arith.addi %and3A_182, %add3A_1681 : vector<16xi32>
      %jit3A_1683 = arith.constant -1 : i32
      %broadcast_in_dim3A_1684 = vector.broadcast %jit3A_1683 : i32 to vector<16xi32>
      %select_n3A_1685 = arith.select %eq3A_1679, %add3A_1682, %broadcast_in_dim3A_1684 : vector<16xi1>, vector<16xi32>
      %swap3A_1686 = arith.constant 8 : i32
      %swap3A_1687 = arith.index_cast %swap3A_1686 : i32 to index
      %swap3A_1688 = arith.constant 16 : index
      %swap3A_1689 = tpu.vector_load %arg10[%swap3A_1687, %swap3A_1688] {strides = array<i32>} : memref<18x128xi32, #tpu.memory_space<vmem>>, vector<1x16xi32>,
      %swap3A_1690 = vector.shape_cast %swap3A_1689 : vector<1x16xi32> to vector<16xi32>
      %swap3A_1691 = vector.shape_cast %select_n3A_1685 : vector<16xi32> to vector<1x16xi32>
      tpu.vector_store %arg10[%swap3A_1687, %swap3A_1688], %swap3A_1691 {strides = array<i32>} : memref<18x128xi32, #tpu.memory_space<vmem>>, vector<1x16xi32>,
      %shift_right_logical3A_1692 = arith.constant 8 : i32
      %shift_right_logical3A_1693 = vector.broadcast %shift_right_logical3A_1692 : i32 to vector<16xi32>
      %shift_right_logical3A_1694 = arith.shrui %shift_right_logical3A_196, %shift_right_logical3A_1693 : vector<16xi32>
      %and3A_1695 = arith.constant 1 : i32
      %and3A_1696 = vector.broadcast %and3A_1695 : i32 to vector<16xi32>
      %and3A_1697 = arith.andi %shift_right_logical3A_1694, %and3A_1696 : vector<16xi32>
      %eq3A_1698 = arith.constant 1 : i32
      %eq3A_1699 = vector.broadcast %eq3A_1698 : i32 to vector<16xi32>
      %eq3A_1700 = arith.cmpi eq, %and3A_1697, %eq3A_1699 : vector<16xi32>
      %add3A_1701 = arith.constant 65536 : i32
      %add3A_1702 = vector.broadcast %add3A_1701 : i32 to vector<16xi32>
      %add3A_1703 = arith.addi %and3A_192, %add3A_1702 : vector<16xi32>
      %jit3A_1704 = arith.constant -1 : i32
      %broadcast_in_dim3A_1705 = vector.broadcast %jit3A_1704 : i32 to vector<16xi32>
      %select_n3A_1706 = arith.select %eq3A_1700, %add3A_1703, %broadcast_in_dim3A_1705 : vector<16xi1>, vector<16xi32>
      %swap3A_1707 = arith.constant 8 : i32
      %swap3A_1708 = arith.index_cast %swap3A_1707 : i32 to index
      %swap3A_1709 = arith.constant 32 : index
      %swap3A_1710 = tpu.vector_load %arg10[%swap3A_1708, %swap3A_1709] {strides = array<i32>} : memref<18x128xi32, #tpu.memory_space<vmem>>, vector<1x16xi32>,
      %swap3A_1711 = vector.shape_cast %swap3A_1710 : vector<1x16xi32> to vector<16xi32>
      %swap3A_1712 = vector.shape_cast %select_n3A_1706 : vector<16xi32> to vector<1x16xi32>
      tpu.vector_store %arg10[%swap3A_1708, %swap3A_1709], %swap3A_1712 {strides = array<i32>} : memref<18x128xi32, #tpu.memory_space<vmem>>, vector<1x16xi32>,
      %shift_right_logical3A_1713 = arith.constant 8 : i32
      %shift_right_logical3A_1714 = vector.broadcast %shift_right_logical3A_1713 : i32 to vector<16xi32>
      %shift_right_logical3A_1715 = arith.shrui %shift_right_logical3A_206, %shift_right_logical3A_1714 : vector<16xi32>
      %and3A_1716 = arith.constant 1 : i32
      %and3A_1717 = vector.broadcast %and3A_1716 : i32 to vector<16xi32>
      %and3A_1718 = arith.andi %shift_right_logical3A_1715, %and3A_1717 : vector<16xi32>
      %eq3A_1719 = arith.constant 1 : i32
      %eq3A_1720 = vector.broadcast %eq3A_1719 : i32 to vector<16xi32>
      %eq3A_1721 = arith.cmpi eq, %and3A_1718, %eq3A_1720 : vector<16xi32>
      %add3A_1722 = arith.constant 65536 : i32
      %add3A_1723 = vector.broadcast %add3A_1722 : i32 to vector<16xi32>
      %add3A_1724 = arith.addi %and3A_202, %add3A_1723 : vector<16xi32>
      %jit3A_1725 = arith.constant -1 : i32
      %broadcast_in_dim3A_1726 = vector.broadcast %jit3A_1725 : i32 to vector<16xi32>
      %select_n3A_1727 = arith.select %eq3A_1721, %add3A_1724, %broadcast_in_dim3A_1726 : vector<16xi1>, vector<16xi32>
      %swap3A_1728 = arith.constant 8 : i32
      %swap3A_1729 = arith.index_cast %swap3A_1728 : i32 to index
      %swap3A_1730 = arith.constant 48 : index
      %swap3A_1731 = tpu.vector_load %arg10[%swap3A_1729, %swap3A_1730] {strides = array<i32>} : memref<18x128xi32, #tpu.memory_space<vmem>>, vector<1x16xi32>,
      %swap3A_1732 = vector.shape_cast %swap3A_1731 : vector<1x16xi32> to vector<16xi32>
      %swap3A_1733 = vector.shape_cast %select_n3A_1727 : vector<16xi32> to vector<1x16xi32>
      tpu.vector_store %arg10[%swap3A_1729, %swap3A_1730], %swap3A_1733 {strides = array<i32>} : memref<18x128xi32, #tpu.memory_space<vmem>>, vector<1x16xi32>,
      %shift_right_logical3A_1734 = arith.constant 8 : i32
      %shift_right_logical3A_1735 = vector.broadcast %shift_right_logical3A_1734 : i32 to vector<16xi32>
      %shift_right_logical3A_1736 = arith.shrui %shift_right_logical3A_216, %shift_right_logical3A_1735 : vector<16xi32>
      %and3A_1737 = arith.constant 1 : i32
      %and3A_1738 = vector.broadcast %and3A_1737 : i32 to vector<16xi32>
      %and3A_1739 = arith.andi %shift_right_logical3A_1736, %and3A_1738 : vector<16xi32>
      %eq3A_1740 = arith.constant 1 : i32
      %eq3A_1741 = vector.broadcast %eq3A_1740 : i32 to vector<16xi32>
      %eq3A_1742 = arith.cmpi eq, %and3A_1739, %eq3A_1741 : vector<16xi32>
      %add3A_1743 = arith.constant 65536 : i32
      %add3A_1744 = vector.broadcast %add3A_1743 : i32 to vector<16xi32>
      %add3A_1745 = arith.addi %and3A_212, %add3A_1744 : vector<16xi32>
      %jit3A_1746 = arith.constant -1 : i32
      %broadcast_in_dim3A_1747 = vector.broadcast %jit3A_1746 : i32 to vector<16xi32>
      %select_n3A_1748 = arith.select %eq3A_1742, %add3A_1745, %broadcast_in_dim3A_1747 : vector<16xi1>, vector<16xi32>
      %swap3A_1749 = arith.constant 8 : i32
      %swap3A_1750 = arith.index_cast %swap3A_1749 : i32 to index
      %swap3A_1751 = arith.constant 64 : index
      %swap3A_1752 = tpu.vector_load %arg10[%swap3A_1750, %swap3A_1751] {strides = array<i32>} : memref<18x128xi32, #tpu.memory_space<vmem>>, vector<1x16xi32>,
      %swap3A_1753 = vector.shape_cast %swap3A_1752 : vector<1x16xi32> to vector<16xi32>
      %swap3A_1754 = vector.shape_cast %select_n3A_1748 : vector<16xi32> to vector<1x16xi32>
      tpu.vector_store %arg10[%swap3A_1750, %swap3A_1751], %swap3A_1754 {strides = array<i32>} : memref<18x128xi32, #tpu.memory_space<vmem>>, vector<1x16xi32>,
      %shift_right_logical3A_1755 = arith.constant 8 : i32
      %shift_right_logical3A_1756 = vector.broadcast %shift_right_logical3A_1755 : i32 to vector<16xi32>
      %shift_right_logical3A_1757 = arith.shrui %shift_right_logical3A_226, %shift_right_logical3A_1756 : vector<16xi32>
      %and3A_1758 = arith.constant 1 : i32
      %and3A_1759 = vector.broadcast %and3A_1758 : i32 to vector<16xi32>
      %and3A_1760 = arith.andi %shift_right_logical3A_1757, %and3A_1759 : vector<16xi32>
      %eq3A_1761 = arith.constant 1 : i32
      %eq3A_1762 = vector.broadcast %eq3A_1761 : i32 to vector<16xi32>
      %eq3A_1763 = arith.cmpi eq, %and3A_1760, %eq3A_1762 : vector<16xi32>
      %add3A_1764 = arith.constant 65536 : i32
      %add3A_1765 = vector.broadcast %add3A_1764 : i32 to vector<16xi32>
      %add3A_1766 = arith.addi %and3A_222, %add3A_1765 : vector<16xi32>
      %jit3A_1767 = arith.constant -1 : i32
      %broadcast_in_dim3A_1768 = vector.broadcast %jit3A_1767 : i32 to vector<16xi32>
      %select_n3A_1769 = arith.select %eq3A_1763, %add3A_1766, %broadcast_in_dim3A_1768 : vector<16xi1>, vector<16xi32>
      %swap3A_1770 = arith.constant 8 : i32
      %swap3A_1771 = arith.index_cast %swap3A_1770 : i32 to index
      %swap3A_1772 = arith.constant 80 : index
      %swap3A_1773 = tpu.vector_load %arg10[%swap3A_1771, %swap3A_1772] {strides = array<i32>} : memref<18x128xi32, #tpu.memory_space<vmem>>, vector<1x16xi32>,
      %swap3A_1774 = vector.shape_cast %swap3A_1773 : vector<1x16xi32> to vector<16xi32>
      %swap3A_1775 = vector.shape_cast %select_n3A_1769 : vector<16xi32> to vector<1x16xi32>
      tpu.vector_store %arg10[%swap3A_1771, %swap3A_1772], %swap3A_1775 {strides = array<i32>} : memref<18x128xi32, #tpu.memory_space<vmem>>, vector<1x16xi32>,
      %shift_right_logical3A_1776 = arith.constant 8 : i32
      %shift_right_logical3A_1777 = vector.broadcast %shift_right_logical3A_1776 : i32 to vector<16xi32>
      %shift_right_logical3A_1778 = arith.shrui %shift_right_logical3A_236, %shift_right_logical3A_1777 : vector<16xi32>
      %and3A_1779 = arith.constant 1 : i32
      %and3A_1780 = vector.broadcast %and3A_1779 : i32 to vector<16xi32>
      %and3A_1781 = arith.andi %shift_right_logical3A_1778, %and3A_1780 : vector<16xi32>
      %eq3A_1782 = arith.constant 1 : i32
      %eq3A_1783 = vector.broadcast %eq3A_1782 : i32 to vector<16xi32>
      %eq3A_1784 = arith.cmpi eq, %and3A_1781, %eq3A_1783 : vector<16xi32>
      %add3A_1785 = arith.constant 65536 : i32
      %add3A_1786 = vector.broadcast %add3A_1785 : i32 to vector<16xi32>
      %add3A_1787 = arith.addi %and3A_232, %add3A_1786 : vector<16xi32>
      %jit3A_1788 = arith.constant -1 : i32
      %broadcast_in_dim3A_1789 = vector.broadcast %jit3A_1788 : i32 to vector<16xi32>
      %select_n3A_1790 = arith.select %eq3A_1784, %add3A_1787, %broadcast_in_dim3A_1789 : vector<16xi1>, vector<16xi32>
      %swap3A_1791 = arith.constant 8 : i32
      %swap3A_1792 = arith.index_cast %swap3A_1791 : i32 to index
      %swap3A_1793 = arith.constant 96 : index
      %swap3A_1794 = tpu.vector_load %arg10[%swap3A_1792, %swap3A_1793] {strides = array<i32>} : memref<18x128xi32, #tpu.memory_space<vmem>>, vector<1x16xi32>,
      %swap3A_1795 = vector.shape_cast %swap3A_1794 : vector<1x16xi32> to vector<16xi32>
      %swap3A_1796 = vector.shape_cast %select_n3A_1790 : vector<16xi32> to vector<1x16xi32>
      tpu.vector_store %arg10[%swap3A_1792, %swap3A_1793], %swap3A_1796 {strides = array<i32>} : memref<18x128xi32, #tpu.memory_space<vmem>>, vector<1x16xi32>,
      %shift_right_logical3A_1797 = arith.constant 8 : i32
      %shift_right_logical3A_1798 = vector.broadcast %shift_right_logical3A_1797 : i32 to vector<16xi32>
      %shift_right_logical3A_1799 = arith.shrui %shift_right_logical3A_246, %shift_right_logical3A_1798 : vector<16xi32>
      %and3A_1800 = arith.constant 1 : i32
      %and3A_1801 = vector.broadcast %and3A_1800 : i32 to vector<16xi32>
      %and3A_1802 = arith.andi %shift_right_logical3A_1799, %and3A_1801 : vector<16xi32>
      %eq3A_1803 = arith.constant 1 : i32
      %eq3A_1804 = vector.broadcast %eq3A_1803 : i32 to vector<16xi32>
      %eq3A_1805 = arith.cmpi eq, %and3A_1802, %eq3A_1804 : vector<16xi32>
      %add3A_1806 = arith.constant 65536 : i32
      %add3A_1807 = vector.broadcast %add3A_1806 : i32 to vector<16xi32>
      %add3A_1808 = arith.addi %and3A_242, %add3A_1807 : vector<16xi32>
      %jit3A_1809 = arith.constant -1 : i32
      %broadcast_in_dim3A_1810 = vector.broadcast %jit3A_1809 : i32 to vector<16xi32>
      %select_n3A_1811 = arith.select %eq3A_1805, %add3A_1808, %broadcast_in_dim3A_1810 : vector<16xi1>, vector<16xi32>
      %swap3A_1812 = arith.constant 8 : i32
      %swap3A_1813 = arith.index_cast %swap3A_1812 : i32 to index
      %swap3A_1814 = arith.constant 112 : index
      %swap3A_1815 = tpu.vector_load %arg10[%swap3A_1813, %swap3A_1814] {strides = array<i32>} : memref<18x128xi32, #tpu.memory_space<vmem>>, vector<1x16xi32>,
      %swap3A_1816 = vector.shape_cast %swap3A_1815 : vector<1x16xi32> to vector<16xi32>
      %swap3A_1817 = vector.shape_cast %select_n3A_1811 : vector<16xi32> to vector<1x16xi32>
      tpu.vector_store %arg10[%swap3A_1813, %swap3A_1814], %swap3A_1817 {strides = array<i32>} : memref<18x128xi32, #tpu.memory_space<vmem>>, vector<1x16xi32>,
      %dma_start3A_1818 = arith.constant 8 : i32
      %dma_start3A_1819 = arith.constant 0 : i32
      %dma_start3A_1820 = tpu.memref_slice %arg10[%dma_start3A_1818, %dma_start3A_1819] : memref<18x128xi32, #tpu.memory_space<vmem>> -> memref<1x128xi32, #tpu.memory_space<vmem>>
      %dma_start3A_1821 = tpu.memref_squeeze %dma_start3A_1820 : memref<1x128xi32, #tpu.memory_space<vmem>> -> memref<128xi32, #tpu.memory_space<vmem>>
      %dma_start3A_1822 = arith.constant 0 : i32
      %dma_start3A_1823 = arith.constant 0 : i32
      %dma_start3A_1824 = tpu.memref_slice %arg16[%dma_start3A_1822, %dma_start3A_1823] : memref<73728x24xf32, #tpu.memory_space<vmem_shared>> -> memref<73728x24xf32, #tpu.memory_space<vmem_shared>>
      %dma_start3A_1825 = arith.constant -1 : i32
      tpu.enqueue_indirect_dma source(%arg6 : memref<128x24xf32, #tpu.memory_space<vmem>>) target(%dma_start3A_1824 : memref<73728x24xf32, #tpu.memory_space<vmem_shared>>) offsets(%dma_start3A_1821 : memref<128xi32, #tpu.memory_space<vmem>>) offset_filter(%dma_start3A_1825) semaphore(%arg14 : memref<!tpu.dma_semaphore, #tpu.memory_space<semaphore_mem>>) {add = true}
      %dma_wait3A_1826 = arith.constant 0 : i32
      %dma_wait3A_1827 = arith.constant 0 : i32
      %dma_wait3A_1828 = tpu.memref_slice %arg2[%dma_wait3A_1826, %dma_wait3A_1827] : memref<204800x24xf32, #tpu.memory_space<hbm>> -> memref<128x24xf32, #tpu.memory_space<hbm>>
      %dma_wait3A_1829 = arith.constant 0 : i32
      %dma_wait3A_1830 = arith.constant 0 : i32
      %dma_wait3A_1831 = tpu.memref_slice %arg2[%dma_wait3A_1829, %dma_wait3A_1830] : memref<204800x24xf32, #tpu.memory_space<hbm>> -> memref<128x24xf32, #tpu.memory_space<hbm>>
      tpu.wait_dma2 semaphore(%arg13 : memref<!tpu.dma_semaphore, #tpu.memory_space<semaphore_mem>>) src(%dma_wait3A_1831 : memref<128x24xf32, #tpu.memory_space<hbm>>) dst(%arg7 : memref<128x24xf32, #tpu.memory_space<vmem>>)
      %dma_wait3A_1832 = arith.constant 0 : i32
      %dma_wait3A_1833 = tpu.memref_slice %arg3[%dma_wait3A_1832] : memref<204800xi32, #tpu.memory_space<hbm>> -> memref<128xi32, #tpu.memory_space<hbm>>
      %dma_wait3A_1834 = arith.constant 0 : i32
      %dma_wait3A_1835 = tpu.memref_slice %arg3[%dma_wait3A_1834] : memref<204800xi32, #tpu.memory_space<hbm>> -> memref<128xi32, #tpu.memory_space<hbm>>
      tpu.wait_dma2 semaphore(%arg13 : memref<!tpu.dma_semaphore, #tpu.memory_space<semaphore_mem>>) src(%dma_wait3A_1835 : memref<128xi32, #tpu.memory_space<hbm>>) dst(%arg9 : memref<128xi32, #tpu.memory_space<vmem>>)
      %get3A_1836 = arith.constant 0 : index
      %get3A_1837 = tpu.vector_load %arg9[%get3A_1836] {strides = array<i32>} : memref<128xi32, #tpu.memory_space<vmem>>, vector<16xi32>,
      %get3A_1838 = vector.shape_cast %get3A_1837 : vector<16xi32> to vector<16xi32>
      %and3A_1839 = arith.constant 8191 : i32
      %and3A_1840 = vector.broadcast %and3A_1839 : i32 to vector<16xi32>
      %and3A_1841 = arith.andi %get3A_1838, %and3A_1840 : vector<16xi32>
      %add3A_1842 = arith.constant 13 : i32
      %add3A_1843 = arith.addi %add3A_1842, %mul3A_0 : i32
      %shift_right_logical3A_1844 = vector.broadcast %add3A_1843 : i32 to vector<16xi32>
      %shift_right_logical3A_1845 = arith.shrui %get3A_1838, %shift_right_logical3A_1844 : vector<16xi32>
      %get3A_1846 = arith.constant 16 : index
      %get3A_1847 = tpu.vector_load %arg9[%get3A_1846] {strides = array<i32>} : memref<128xi32, #tpu.memory_space<vmem>>, vector<16xi32>,
      %get3A_1848 = vector.shape_cast %get3A_1847 : vector<16xi32> to vector<16xi32>
      %and3A_1849 = arith.constant 8191 : i32
      %and3A_1850 = vector.broadcast %and3A_1849 : i32 to vector<16xi32>
      %and3A_1851 = arith.andi %get3A_1848, %and3A_1850 : vector<16xi32>
      %add3A_1852 = arith.constant 13 : i32
      %add3A_1853 = arith.addi %add3A_1852, %mul3A_0 : i32
      %shift_right_logical3A_1854 = vector.broadcast %add3A_1853 : i32 to vector<16xi32>
      %shift_right_logical3A_1855 = arith.shrui %get3A_1848, %shift_right_logical3A_1854 : vector<16xi32>
      %get3A_1856 = arith.constant 32 : index
      %get3A_1857 = tpu.vector_load %arg9[%get3A_1856] {strides = array<i32>} : memref<128xi32, #tpu.memory_space<vmem>>, vector<16xi32>,
      %get3A_1858 = vector.shape_cast %get3A_1857 : vector<16xi32> to vector<16xi32>
      %and3A_1859 = arith.constant 8191 : i32
      %and3A_1860 = vector.broadcast %and3A_1859 : i32 to vector<16xi32>
      %and3A_1861 = arith.andi %get3A_1858, %and3A_1860 : vector<16xi32>
      %add3A_1862 = arith.constant 13 : i32
      %add3A_1863 = arith.addi %add3A_1862, %mul3A_0 : i32
      %shift_right_logical3A_1864 = vector.broadcast %add3A_1863 : i32 to vector<16xi32>
      %shift_right_logical3A_1865 = arith.shrui %get3A_1858, %shift_right_logical3A_1864 : vector<16xi32>
      %get3A_1866 = arith.constant 48 : index
      %get3A_1867 = tpu.vector_load %arg9[%get3A_1866] {strides = array<i32>} : memref<128xi32, #tpu.memory_space<vmem>>, vector<16xi32>,
      %get3A_1868 = vector.shape_cast %get3A_1867 : vector<16xi32> to vector<16xi32>
      %and3A_1869 = arith.constant 8191 : i32
      %and3A_1870 = vector.broadcast %and3A_1869 : i32 to vector<16xi32>
      %and3A_1871 = arith.andi %get3A_1868, %and3A_1870 : vector<16xi32>
      %add3A_1872 = arith.constant 13 : i32
      %add3A_1873 = arith.addi %add3A_1872, %mul3A_0 : i32
      %shift_right_logical3A_1874 = vector.broadcast %add3A_1873 : i32 to vector<16xi32>
      %shift_right_logical3A_1875 = arith.shrui %get3A_1868, %shift_right_logical3A_1874 : vector<16xi32>
      %get3A_1876 = arith.constant 64 : index
      %get3A_1877 = tpu.vector_load %arg9[%get3A_1876] {strides = array<i32>} : memref<128xi32, #tpu.memory_space<vmem>>, vector<16xi32>,
      %get3A_1878 = vector.shape_cast %get3A_1877 : vector<16xi32> to vector<16xi32>
      %and3A_1879 = arith.constant 8191 : i32
      %and3A_1880 = vector.broadcast %and3A_1879 : i32 to vector<16xi32>
      %and3A_1881 = arith.andi %get3A_1878, %and3A_1880 : vector<16xi32>
      %add3A_1882 = arith.constant 13 : i32
      %add3A_1883 = arith.addi %add3A_1882, %mul3A_0 : i32
      %shift_right_logical3A_1884 = vector.broadcast %add3A_1883 : i32 to vector<16xi32>
      %shift_right_logical3A_1885 = arith.shrui %get3A_1878, %shift_right_logical3A_1884 : vector<16xi32>
      %get3A_1886 = arith.constant 80 : index
      %get3A_1887 = tpu.vector_load %arg9[%get3A_1886] {strides = array<i32>} : memref<128xi32, #tpu.memory_space<vmem>>, vector<16xi32>,
      %get3A_1888 = vector.shape_cast %get3A_1887 : vector<16xi32> to vector<16xi32>
      %and3A_1889 = arith.constant 8191 : i32
      %and3A_1890 = vector.broadcast %and3A_1889 : i32 to vector<16xi32>
      %and3A_1891 = arith.andi %get3A_1888, %and3A_1890 : vector<16xi32>
      %add3A_1892 = arith.constant 13 : i32
      %add3A_1893 = arith.addi %add3A_1892, %mul3A_0 : i32
      %shift_right_logical3A_1894 = vector.broadcast %add3A_1893 : i32 to vector<16xi32>
      %shift_right_logical3A_1895 = arith.shrui %get3A_1888, %shift_right_logical3A_1894 : vector<16xi32>
      %get3A_1896 = arith.constant 96 : index
      %get3A_1897 = tpu.vector_load %arg9[%get3A_1896] {strides = array<i32>} : memref<128xi32, #tpu.memory_space<vmem>>, vector<16xi32>,
      %get3A_1898 = vector.shape_cast %get3A_1897 : vector<16xi32> to vector<16xi32>
      %and3A_1899 = arith.constant 8191 : i32
      %and3A_1900 = vector.broadcast %and3A_1899 : i32 to vector<16xi32>
      %and3A_1901 = arith.andi %get3A_1898, %and3A_1900 : vector<16xi32>
      %add3A_1902 = arith.constant 13 : i32
      %add3A_1903 = arith.addi %add3A_1902, %mul3A_0 : i32
      %shift_right_logical3A_1904 = vector.broadcast %add3A_1903 : i32 to vector<16xi32>
      %shift_right_logical3A_1905 = arith.shrui %get3A_1898, %shift_right_logical3A_1904 : vector<16xi32>
      %get3A_1906 = arith.constant 112 : index
      %get3A_1907 = tpu.vector_load %arg9[%get3A_1906] {strides = array<i32>} : memref<128xi32, #tpu.memory_space<vmem>>, vector<16xi32>,
      %get3A_1908 = vector.shape_cast %get3A_1907 : vector<16xi32> to vector<16xi32>
      %and3A_1909 = arith.constant 8191 : i32
      %and3A_1910 = vector.broadcast %and3A_1909 : i32 to vector<16xi32>
      %and3A_1911 = arith.andi %get3A_1908, %and3A_1910 : vector<16xi32>
      %add3A_1912 = arith.constant 13 : i32
      %add3A_1913 = arith.addi %add3A_1912, %mul3A_0 : i32
      %shift_right_logical3A_1914 = vector.broadcast %add3A_1913 : i32 to vector<16xi32>
      %shift_right_logical3A_1915 = arith.shrui %get3A_1908, %shift_right_logical3A_1914 : vector<16xi32>
      %shift_right_logical3A_1916 = arith.constant 0 : i32
      %shift_right_logical3A_1917 = vector.broadcast %shift_right_logical3A_1916 : i32 to vector<16xi32>
      %shift_right_logical3A_1918 = arith.shrui %shift_right_logical3A_1845, %shift_right_logical3A_1917 : vector<16xi32>
      %and3A_1919 = arith.constant 1 : i32
      %and3A_1920 = vector.broadcast %and3A_1919 : i32 to vector<16xi32>
      %and3A_1921 = arith.andi %shift_right_logical3A_1918, %and3A_1920 : vector<16xi32>
      %eq3A_1922 = arith.constant 1 : i32
      %eq3A_1923 = vector.broadcast %eq3A_1922 : i32 to vector<16xi32>
      %eq3A_1924 = arith.cmpi eq, %and3A_1921, %eq3A_1923 : vector<16xi32>
      %add3A_1925 = arith.constant 0 : i32
      %add3A_1926 = vector.broadcast %add3A_1925 : i32 to vector<16xi32>
      %add3A_1927 = arith.addi %and3A_1841, %add3A_1926 : vector<16xi32>
      %jit3A_1928 = arith.constant -1 : i32
      %broadcast_in_dim3A_1929 = vector.broadcast %jit3A_1928 : i32 to vector<16xi32>
      %select_n3A_1930 = arith.select %eq3A_1924, %add3A_1927, %broadcast_in_dim3A_1929 : vector<16xi1>, vector<16xi32>
      %swap3A_1931 = arith.constant 9 : i32
      %swap3A_1932 = arith.index_cast %swap3A_1931 : i32 to index
      %swap3A_1933 = arith.constant 0 : index
      %swap3A_1934 = tpu.vector_load %arg10[%swap3A_1932, %swap3A_1933] {strides = array<i32>} : memref<18x128xi32, #tpu.memory_space<vmem>>, vector<1x16xi32>,
      %swap3A_1935 = vector.shape_cast %swap3A_1934 : vector<1x16xi32> to vector<16xi32>
      %swap3A_1936 = vector.shape_cast %select_n3A_1930 : vector<16xi32> to vector<1x16xi32>
      tpu.vector_store %arg10[%swap3A_1932, %swap3A_1933], %swap3A_1936 {strides = array<i32>} : memref<18x128xi32, #tpu.memory_space<vmem>>, vector<1x16xi32>,
      %shift_right_logical3A_1937 = arith.constant 0 : i32
      %shift_right_logical3A_1938 = vector.broadcast %shift_right_logical3A_1937 : i32 to vector<16xi32>
      %shift_right_logical3A_1939 = arith.shrui %shift_right_logical3A_1855, %shift_right_logical3A_1938 : vector<16xi32>
      %and3A_1940 = arith.constant 1 : i32
      %and3A_1941 = vector.broadcast %and3A_1940 : i32 to vector<16xi32>
      %and3A_1942 = arith.andi %shift_right_logical3A_1939, %and3A_1941 : vector<16xi32>
      %eq3A_1943 = arith.constant 1 : i32
      %eq3A_1944 = vector.broadcast %eq3A_1943 : i32 to vector<16xi32>
      %eq3A_1945 = arith.cmpi eq, %and3A_1942, %eq3A_1944 : vector<16xi32>
      %add3A_1946 = arith.constant 0 : i32
      %add3A_1947 = vector.broadcast %add3A_1946 : i32 to vector<16xi32>
      %add3A_1948 = arith.addi %and3A_1851, %add3A_1947 : vector<16xi32>
      %jit3A_1949 = arith.constant -1 : i32
      %broadcast_in_dim3A_1950 = vector.broadcast %jit3A_1949 : i32 to vector<16xi32>
      %select_n3A_1951 = arith.select %eq3A_1945, %add3A_1948, %broadcast_in_dim3A_1950 : vector<16xi1>, vector<16xi32>
      %swap3A_1952 = arith.constant 9 : i32
      %swap3A_1953 = arith.index_cast %swap3A_1952 : i32 to index
      %swap3A_1954 = arith.constant 16 : index
      %swap3A_1955 = tpu.vector_load %arg10[%swap3A_1953, %swap3A_1954] {strides = array<i32>} : memref<18x128xi32, #tpu.memory_space<vmem>>, vector<1x16xi32>,
      %swap3A_1956 = vector.shape_cast %swap3A_1955 : vector<1x16xi32> to vector<16xi32>
      %swap3A_1957 = vector.shape_cast %select_n3A_1951 : vector<16xi32> to vector<1x16xi32>
      tpu.vector_store %arg10[%swap3A_1953, %swap3A_1954], %swap3A_1957 {strides = array<i32>} : memref<18x128xi32, #tpu.memory_space<vmem>>, vector<1x16xi32>,
      %shift_right_logical3A_1958 = arith.constant 0 : i32
      %shift_right_logical3A_1959 = vector.broadcast %shift_right_logical3A_1958 : i32 to vector<16xi32>
      %shift_right_logical3A_1960 = arith.shrui %shift_right_logical3A_1865, %shift_right_logical3A_1959 : vector<16xi32>
      %and3A_1961 = arith.constant 1 : i32
      %and3A_1962 = vector.broadcast %and3A_1961 : i32 to vector<16xi32>
      %and3A_1963 = arith.andi %shift_right_logical3A_1960, %and3A_1962 : vector<16xi32>
      %eq3A_1964 = arith.constant 1 : i32
      %eq3A_1965 = vector.broadcast %eq3A_1964 : i32 to vector<16xi32>
      %eq3A_1966 = arith.cmpi eq, %and3A_1963, %eq3A_1965 : vector<16xi32>
      %add3A_1967 = arith.constant 0 : i32
      %add3A_1968 = vector.broadcast %add3A_1967 : i32 to vector<16xi32>
      %add3A_1969 = arith.addi %and3A_1861, %add3A_1968 : vector<16xi32>
      %jit3A_1970 = arith.constant -1 : i32
      %broadcast_in_dim3A_1971 = vector.broadcast %jit3A_1970 : i32 to vector<16xi32>
      %select_n3A_1972 = arith.select %eq3A_1966, %add3A_1969, %broadcast_in_dim3A_1971 : vector<16xi1>, vector<16xi32>
      %swap3A_1973 = arith.constant 9 : i32
      %swap3A_1974 = arith.index_cast %swap3A_1973 : i32 to index
      %swap3A_1975 = arith.constant 32 : index
      %swap3A_1976 = tpu.vector_load %arg10[%swap3A_1974, %swap3A_1975] {strides = array<i32>} : memref<18x128xi32, #tpu.memory_space<vmem>>, vector<1x16xi32>,
      %swap3A_1977 = vector.shape_cast %swap3A_1976 : vector<1x16xi32> to vector<16xi32>
      %swap3A_1978 = vector.shape_cast %select_n3A_1972 : vector<16xi32> to vector<1x16xi32>
      tpu.vector_store %arg10[%swap3A_1974, %swap3A_1975], %swap3A_1978 {strides = array<i32>} : memref<18x128xi32, #tpu.memory_space<vmem>>, vector<1x16xi32>,
      %shift_right_logical3A_1979 = arith.constant 0 : i32
      %shift_right_logical3A_1980 = vector.broadcast %shift_right_logical3A_1979 : i32 to vector<16xi32>
      %shift_right_logical3A_1981 = arith.shrui %shift_right_logical3A_1875, %shift_right_logical3A_1980 : vector<16xi32>
      %and3A_1982 = arith.constant 1 : i32
      %and3A_1983 = vector.broadcast %and3A_1982 : i32 to vector<16xi32>
      %and3A_1984 = arith.andi %shift_right_logical3A_1981, %and3A_1983 : vector<16xi32>
      %eq3A_1985 = arith.constant 1 : i32
      %eq3A_1986 = vector.broadcast %eq3A_1985 : i32 to vector<16xi32>
      %eq3A_1987 = arith.cmpi eq, %and3A_1984, %eq3A_1986 : vector<16xi32>
      %add3A_1988 = arith.constant 0 : i32
      %add3A_1989 = vector.broadcast %add3A_1988 : i32 to vector<16xi32>
      %add3A_1990 = arith.addi %and3A_1871, %add3A_1989 : vector<16xi32>
      %jit3A_1991 = arith.constant -1 : i32
      %broadcast_in_dim3A_1992 = vector.broadcast %jit3A_1991 : i32 to vector<16xi32>
      %select_n3A_1993 = arith.select %eq3A_1987, %add3A_1990, %broadcast_in_dim3A_1992 : vector<16xi1>, vector<16xi32>
      %swap3A_1994 = arith.constant 9 : i32
      %swap3A_1995 = arith.index_cast %swap3A_1994 : i32 to index
      %swap3A_1996 = arith.constant 48 : index
      %swap3A_1997 = tpu.vector_load %arg10[%swap3A_1995, %swap3A_1996] {strides = array<i32>} : memref<18x128xi32, #tpu.memory_space<vmem>>, vector<1x16xi32>,
      %swap3A_1998 = vector.shape_cast %swap3A_1997 : vector<1x16xi32> to vector<16xi32>
      %swap3A_1999 = vector.shape_cast %select_n3A_1993 : vector<16xi32> to vector<1x16xi32>
      tpu.vector_store %arg10[%swap3A_1995, %swap3A_1996], %swap3A_1999 {strides = array<i32>} : memref<18x128xi32, #tpu.memory_space<vmem>>, vector<1x16xi32>,
      %shift_right_logical3A_2000 = arith.constant 0 : i32
      %shift_right_logical3A_2001 = vector.broadcast %shift_right_logical3A_2000 : i32 to vector<16xi32>
      %shift_right_logical3A_2002 = arith.shrui %shift_right_logical3A_1885, %shift_right_logical3A_2001 : vector<16xi32>
      %and3A_2003 = arith.constant 1 : i32
      %and3A_2004 = vector.broadcast %and3A_2003 : i32 to vector<16xi32>
      %and3A_2005 = arith.andi %shift_right_logical3A_2002, %and3A_2004 : vector<16xi32>
      %eq3A_2006 = arith.constant 1 : i32
      %eq3A_2007 = vector.broadcast %eq3A_2006 : i32 to vector<16xi32>
      %eq3A_2008 = arith.cmpi eq, %and3A_2005, %eq3A_2007 : vector<16xi32>
      %add3A_2009 = arith.constant 0 : i32
      %add3A_2010 = vector.broadcast %add3A_2009 : i32 to vector<16xi32>
      %add3A_2011 = arith.addi %and3A_1881, %add3A_2010 : vector<16xi32>
      %jit3A_2012 = arith.constant -1 : i32
      %broadcast_in_dim3A_2013 = vector.broadcast %jit3A_2012 : i32 to vector<16xi32>
      %select_n3A_2014 = arith.select %eq3A_2008, %add3A_2011, %broadcast_in_dim3A_2013 : vector<16xi1>, vector<16xi32>
      %swap3A_2015 = arith.constant 9 : i32
      %swap3A_2016 = arith.index_cast %swap3A_2015 : i32 to index
      %swap3A_2017 = arith.constant 64 : index
      %swap3A_2018 = tpu.vector_load %arg10[%swap3A_2016, %swap3A_2017] {strides = array<i32>} : memref<18x128xi32, #tpu.memory_space<vmem>>, vector<1x16xi32>,
      %swap3A_2019 = vector.shape_cast %swap3A_2018 : vector<1x16xi32> to vector<16xi32>
      %swap3A_2020 = vector.shape_cast %select_n3A_2014 : vector<16xi32> to vector<1x16xi32>
      tpu.vector_store %arg10[%swap3A_2016, %swap3A_2017], %swap3A_2020 {strides = array<i32>} : memref<18x128xi32, #tpu.memory_space<vmem>>, vector<1x16xi32>,
      %shift_right_logical3A_2021 = arith.constant 0 : i32
      %shift_right_logical3A_2022 = vector.broadcast %shift_right_logical3A_2021 : i32 to vector<16xi32>
      %shift_right_logical3A_2023 = arith.shrui %shift_right_logical3A_1895, %shift_right_logical3A_2022 : vector<16xi32>
      %and3A_2024 = arith.constant 1 : i32
      %and3A_2025 = vector.broadcast %and3A_2024 : i32 to vector<16xi32>
      %and3A_2026 = arith.andi %shift_right_logical3A_2023, %and3A_2025 : vector<16xi32>
      %eq3A_2027 = arith.constant 1 : i32
      %eq3A_2028 = vector.broadcast %eq3A_2027 : i32 to vector<16xi32>
      %eq3A_2029 = arith.cmpi eq, %and3A_2026, %eq3A_2028 : vector<16xi32>
      %add3A_2030 = arith.constant 0 : i32
      %add3A_2031 = vector.broadcast %add3A_2030 : i32 to vector<16xi32>
      %add3A_2032 = arith.addi %and3A_1891, %add3A_2031 : vector<16xi32>
      %jit3A_2033 = arith.constant -1 : i32
      %broadcast_in_dim3A_2034 = vector.broadcast %jit3A_2033 : i32 to vector<16xi32>
      %select_n3A_2035 = arith.select %eq3A_2029, %add3A_2032, %broadcast_in_dim3A_2034 : vector<16xi1>, vector<16xi32>
      %swap3A_2036 = arith.constant 9 : i32
      %swap3A_2037 = arith.index_cast %swap3A_2036 : i32 to index
      %swap3A_2038 = arith.constant 80 : index
      %swap3A_2039 = tpu.vector_load %arg10[%swap3A_2037, %swap3A_2038] {strides = array<i32>} : memref<18x128xi32, #tpu.memory_space<vmem>>, vector<1x16xi32>,
      %swap3A_2040 = vector.shape_cast %swap3A_2039 : vector<1x16xi32> to vector<16xi32>
      %swap3A_2041 = vector.shape_cast %select_n3A_2035 : vector<16xi32> to vector<1x16xi32>
      tpu.vector_store %arg10[%swap3A_2037, %swap3A_2038], %swap3A_2041 {strides = array<i32>} : memref<18x128xi32, #tpu.memory_space<vmem>>, vector<1x16xi32>,
      %shift_right_logical3A_2042 = arith.constant 0 : i32
      %shift_right_logical3A_2043 = vector.broadcast %shift_right_logical3A_2042 : i32 to vector<16xi32>
      %shift_right_logical3A_2044 = arith.shrui %shift_right_logical3A_1905, %shift_right_logical3A_2043 : vector<16xi32>
      %and3A_2045 = arith.constant 1 : i32
      %and3A_2046 = vector.broadcast %and3A_2045 : i32 to vector<16xi32>
      %and3A_2047 = arith.andi %shift_right_logical3A_2044, %and3A_2046 : vector<16xi32>
      %eq3A_2048 = arith.constant 1 : i32
      %eq3A_2049 = vector.broadcast %eq3A_2048 : i32 to vector<16xi32>
      %eq3A_2050 = arith.cmpi eq, %and3A_2047, %eq3A_2049 : vector<16xi32>
      %add3A_2051 = arith.constant 0 : i32
      %add3A_2052 = vector.broadcast %add3A_2051 : i32 to vector<16xi32>
      %add3A_2053 = arith.addi %and3A_1901, %add3A_2052 : vector<16xi32>
      %jit3A_2054 = arith.constant -1 : i32
      %broadcast_in_dim3A_2055 = vector.broadcast %jit3A_2054 : i32 to vector<16xi32>
      %select_n3A_2056 = arith.select %eq3A_2050, %add3A_2053, %broadcast_in_dim3A_2055 : vector<16xi1>, vector<16xi32>
      %swap3A_2057 = arith.constant 9 : i32
      %swap3A_2058 = arith.index_cast %swap3A_2057 : i32 to index
      %swap3A_2059 = arith.constant 96 : index
      %swap3A_2060 = tpu.vector_load %arg10[%swap3A_2058, %swap3A_2059] {strides = array<i32>} : memref<18x128xi32, #tpu.memory_space<vmem>>, vector<1x16xi32>,
      %swap3A_2061 = vector.shape_cast %swap3A_2060 : vector<1x16xi32> to vector<16xi32>
      %swap3A_2062 = vector.shape_cast %select_n3A_2056 : vector<16xi32> to vector<1x16xi32>
      tpu.vector_store %arg10[%swap3A_2058, %swap3A_2059], %swap3A_2062 {strides = array<i32>} : memref<18x128xi32, #tpu.memory_space<vmem>>, vector<1x16xi32>,
      %shift_right_logical3A_2063 = arith.constant 0 : i32
      %shift_right_logical3A_2064 = vector.broadcast %shift_right_logical3A_2063 : i32 to vector<16xi32>
      %shift_right_logical3A_2065 = arith.shrui %shift_right_logical3A_1915, %shift_right_logical3A_2064 : vector<16xi32>
      %and3A_2066 = arith.constant 1 : i32
      %and3A_2067 = vector.broadcast %and3A_2066 : i32 to vector<16xi32>
      %and3A_2068 = arith.andi %shift_right_logical3A_2065, %and3A_2067 : vector<16xi32>
      %eq3A_2069 = arith.constant 1 : i32
      %eq3A_2070 = vector.broadcast %eq3A_2069 : i32 to vector<16xi32>
      %eq3A_2071 = arith.cmpi eq, %and3A_2068, %eq3A_2070 : vector<16xi32>
      %add3A_2072 = arith.constant 0 : i32
      %add3A_2073 = vector.broadcast %add3A_2072 : i32 to vector<16xi32>
      %add3A_2074 = arith.addi %and3A_1911, %add3A_2073 : vector<16xi32>
      %jit3A_2075 = arith.constant -1 : i32
      %broadcast_in_dim3A_2076 = vector.broadcast %jit3A_2075 : i32 to vector<16xi32>
      %select_n3A_2077 = arith.select %eq3A_2071, %add3A_2074, %broadcast_in_dim3A_2076 : vector<16xi1>, vector<16xi32>
      %swap3A_2078 = arith.constant 9 : i32
      %swap3A_2079 = arith.index_cast %swap3A_2078 : i32 to index
      %swap3A_2080 = arith.constant 112 : index
      %swap3A_2081 = tpu.vector_load %arg10[%swap3A_2079, %swap3A_2080] {strides = array<i32>} : memref<18x128xi32, #tpu.memory_space<vmem>>, vector<1x16xi32>,
      %swap3A_2082 = vector.shape_cast %swap3A_2081 : vector<1x16xi32> to vector<16xi32>
      %swap3A_2083 = vector.shape_cast %select_n3A_2077 : vector<16xi32> to vector<1x16xi32>
      tpu.vector_store %arg10[%swap3A_2079, %swap3A_2080], %swap3A_2083 {strides = array<i32>} : memref<18x128xi32, #tpu.memory_space<vmem>>, vector<1x16xi32>,
      %dma_start3A_2084 = arith.constant 9 : i32
      %dma_start3A_2085 = arith.constant 0 : i32
      %dma_start3A_2086 = tpu.memref_slice %arg10[%dma_start3A_2084, %dma_start3A_2085] : memref<18x128xi32, #tpu.memory_space<vmem>> -> memref<1x128xi32, #tpu.memory_space<vmem>>
      %dma_start3A_2087 = tpu.memref_squeeze %dma_start3A_2086 : memref<1x128xi32, #tpu.memory_space<vmem>> -> memref<128xi32, #tpu.memory_space<vmem>>
      %dma_start3A_2088 = arith.constant 0 : i32
      %dma_start3A_2089 = arith.constant 0 : i32
      %dma_start3A_2090 = tpu.memref_slice %arg16[%dma_start3A_2088, %dma_start3A_2089] : memref<73728x24xf32, #tpu.memory_space<vmem_shared>> -> memref<73728x24xf32, #tpu.memory_space<vmem_shared>>
      %dma_start3A_2091 = arith.constant -1 : i32
      tpu.enqueue_indirect_dma source(%arg7 : memref<128x24xf32, #tpu.memory_space<vmem>>) target(%dma_start3A_2090 : memref<73728x24xf32, #tpu.memory_space<vmem_shared>>) offsets(%dma_start3A_2087 : memref<128xi32, #tpu.memory_space<vmem>>) offset_filter(%dma_start3A_2091) semaphore(%arg15 : memref<!tpu.dma_semaphore, #tpu.memory_space<semaphore_mem>>) {add = true}
      %shift_right_logical3A_2092 = arith.constant 1 : i32
      %shift_right_logical3A_2093 = vector.broadcast %shift_right_logical3A_2092 : i32 to vector<16xi32>
      %shift_right_logical3A_2094 = arith.shrui %shift_right_logical3A_1845, %shift_right_logical3A_2093 : vector<16xi32>
      %and3A_2095 = arith.constant 1 : i32
      %and3A_2096 = vector.broadcast %and3A_2095 : i32 to vector<16xi32>
      %and3A_2097 = arith.andi %shift_right_logical3A_2094, %and3A_2096 : vector<16xi32>
      %eq3A_2098 = arith.constant 1 : i32
      %eq3A_2099 = vector.broadcast %eq3A_2098 : i32 to vector<16xi32>
      %eq3A_2100 = arith.cmpi eq, %and3A_2097, %eq3A_2099 : vector<16xi32>
      %add3A_2101 = arith.constant 8192 : i32
      %add3A_2102 = vector.broadcast %add3A_2101 : i32 to vector<16xi32>
      %add3A_2103 = arith.addi %and3A_1841, %add3A_2102 : vector<16xi32>
      %jit3A_2104 = arith.constant -1 : i32
      %broadcast_in_dim3A_2105 = vector.broadcast %jit3A_2104 : i32 to vector<16xi32>
      %select_n3A_2106 = arith.select %eq3A_2100, %add3A_2103, %broadcast_in_dim3A_2105 : vector<16xi1>, vector<16xi32>
      %swap3A_2107 = arith.constant 10 : i32
      %swap3A_2108 = arith.index_cast %swap3A_2107 : i32 to index
      %swap3A_2109 = arith.constant 0 : index
      %swap3A_2110 = tpu.vector_load %arg10[%swap3A_2108, %swap3A_2109] {strides = array<i32>} : memref<18x128xi32, #tpu.memory_space<vmem>>, vector<1x16xi32>,
      %swap3A_2111 = vector.shape_cast %swap3A_2110 : vector<1x16xi32> to vector<16xi32>
      %swap3A_2112 = vector.shape_cast %select_n3A_2106 : vector<16xi32> to vector<1x16xi32>
      tpu.vector_store %arg10[%swap3A_2108, %swap3A_2109], %swap3A_2112 {strides = array<i32>} : memref<18x128xi32, #tpu.memory_space<vmem>>, vector<1x16xi32>,
      %shift_right_logical3A_2113 = arith.constant 1 : i32
      %shift_right_logical3A_2114 = vector.broadcast %shift_right_logical3A_2113 : i32 to vector<16xi32>
      %shift_right_logical3A_2115 = arith.shrui %shift_right_logical3A_1855, %shift_right_logical3A_2114 : vector<16xi32>
      %and3A_2116 = arith.constant 1 : i32
      %and3A_2117 = vector.broadcast %and3A_2116 : i32 to vector<16xi32>
      %and3A_2118 = arith.andi %shift_right_logical3A_2115, %and3A_2117 : vector<16xi32>
      %eq3A_2119 = arith.constant 1 : i32
      %eq3A_2120 = vector.broadcast %eq3A_2119 : i32 to vector<16xi32>
      %eq3A_2121 = arith.cmpi eq, %and3A_2118, %eq3A_2120 : vector<16xi32>
      %add3A_2122 = arith.constant 8192 : i32
      %add3A_2123 = vector.broadcast %add3A_2122 : i32 to vector<16xi32>
      %add3A_2124 = arith.addi %and3A_1851, %add3A_2123 : vector<16xi32>
      %jit3A_2125 = arith.constant -1 : i32
      %broadcast_in_dim3A_2126 = vector.broadcast %jit3A_2125 : i32 to vector<16xi32>
      %select_n3A_2127 = arith.select %eq3A_2121, %add3A_2124, %broadcast_in_dim3A_2126 : vector<16xi1>, vector<16xi32>
      %swap3A_2128 = arith.constant 10 : i32
      %swap3A_2129 = arith.index_cast %swap3A_2128 : i32 to index
      %swap3A_2130 = arith.constant 16 : index
      %swap3A_2131 = tpu.vector_load %arg10[%swap3A_2129, %swap3A_2130] {strides = array<i32>} : memref<18x128xi32, #tpu.memory_space<vmem>>, vector<1x16xi32>,
      %swap3A_2132 = vector.shape_cast %swap3A_2131 : vector<1x16xi32> to vector<16xi32>
      %swap3A_2133 = vector.shape_cast %select_n3A_2127 : vector<16xi32> to vector<1x16xi32>
      tpu.vector_store %arg10[%swap3A_2129, %swap3A_2130], %swap3A_2133 {strides = array<i32>} : memref<18x128xi32, #tpu.memory_space<vmem>>, vector<1x16xi32>,
      %shift_right_logical3A_2134 = arith.constant 1 : i32
      %shift_right_logical3A_2135 = vector.broadcast %shift_right_logical3A_2134 : i32 to vector<16xi32>
      %shift_right_logical3A_2136 = arith.shrui %shift_right_logical3A_1865, %shift_right_logical3A_2135 : vector<16xi32>
      %and3A_2137 = arith.constant 1 : i32
      %and3A_2138 = vector.broadcast %and3A_2137 : i32 to vector<16xi32>
      %and3A_2139 = arith.andi %shift_right_logical3A_2136, %and3A_2138 : vector<16xi32>
      %eq3A_2140 = arith.constant 1 : i32
      %eq3A_2141 = vector.broadcast %eq3A_2140 : i32 to vector<16xi32>
      %eq3A_2142 = arith.cmpi eq, %and3A_2139, %eq3A_2141 : vector<16xi32>
      %add3A_2143 = arith.constant 8192 : i32
      %add3A_2144 = vector.broadcast %add3A_2143 : i32 to vector<16xi32>
      %add3A_2145 = arith.addi %and3A_1861, %add3A_2144 : vector<16xi32>
      %jit3A_2146 = arith.constant -1 : i32
      %broadcast_in_dim3A_2147 = vector.broadcast %jit3A_2146 : i32 to vector<16xi32>
      %select_n3A_2148 = arith.select %eq3A_2142, %add3A_2145, %broadcast_in_dim3A_2147 : vector<16xi1>, vector<16xi32>
      %swap3A_2149 = arith.constant 10 : i32
      %swap3A_2150 = arith.index_cast %swap3A_2149 : i32 to index
      %swap3A_2151 = arith.constant 32 : index
      %swap3A_2152 = tpu.vector_load %arg10[%swap3A_2150, %swap3A_2151] {strides = array<i32>} : memref<18x128xi32, #tpu.memory_space<vmem>>, vector<1x16xi32>,
      %swap3A_2153 = vector.shape_cast %swap3A_2152 : vector<1x16xi32> to vector<16xi32>
      %swap3A_2154 = vector.shape_cast %select_n3A_2148 : vector<16xi32> to vector<1x16xi32>
      tpu.vector_store %arg10[%swap3A_2150, %swap3A_2151], %swap3A_2154 {strides = array<i32>} : memref<18x128xi32, #tpu.memory_space<vmem>>, vector<1x16xi32>,
      %shift_right_logical3A_2155 = arith.constant 1 : i32
      %shift_right_logical3A_2156 = vector.broadcast %shift_right_logical3A_2155 : i32 to vector<16xi32>
      %shift_right_logical3A_2157 = arith.shrui %shift_right_logical3A_1875, %shift_right_logical3A_2156 : vector<16xi32>
      %and3A_2158 = arith.constant 1 : i32
      %and3A_2159 = vector.broadcast %and3A_2158 : i32 to vector<16xi32>
      %and3A_2160 = arith.andi %shift_right_logical3A_2157, %and3A_2159 : vector<16xi32>
      %eq3A_2161 = arith.constant 1 : i32
      %eq3A_2162 = vector.broadcast %eq3A_2161 : i32 to vector<16xi32>
      %eq3A_2163 = arith.cmpi eq, %and3A_2160, %eq3A_2162 : vector<16xi32>
      %add3A_2164 = arith.constant 8192 : i32
      %add3A_2165 = vector.broadcast %add3A_2164 : i32 to vector<16xi32>
      %add3A_2166 = arith.addi %and3A_1871, %add3A_2165 : vector<16xi32>
      %jit3A_2167 = arith.constant -1 : i32
      %broadcast_in_dim3A_2168 = vector.broadcast %jit3A_2167 : i32 to vector<16xi32>
      %select_n3A_2169 = arith.select %eq3A_2163, %add3A_2166, %broadcast_in_dim3A_2168 : vector<16xi1>, vector<16xi32>
      %swap3A_2170 = arith.constant 10 : i32
      %swap3A_2171 = arith.index_cast %swap3A_2170 : i32 to index
      %swap3A_2172 = arith.constant 48 : index
      %swap3A_2173 = tpu.vector_load %arg10[%swap3A_2171, %swap3A_2172] {strides = array<i32>} : memref<18x128xi32, #tpu.memory_space<vmem>>, vector<1x16xi32>,
      %swap3A_2174 = vector.shape_cast %swap3A_2173 : vector<1x16xi32> to vector<16xi32>
      %swap3A_2175 = vector.shape_cast %select_n3A_2169 : vector<16xi32> to vector<1x16xi32>
      tpu.vector_store %arg10[%swap3A_2171, %swap3A_2172], %swap3A_2175 {strides = array<i32>} : memref<18x128xi32, #tpu.memory_space<vmem>>, vector<1x16xi32>,
      %shift_right_logical3A_2176 = arith.constant 1 : i32
      %shift_right_logical3A_2177 = vector.broadcast %shift_right_logical3A_2176 : i32 to vector<16xi32>
      %shift_right_logical3A_2178 = arith.shrui %shift_right_logical3A_1885, %shift_right_logical3A_2177 : vector<16xi32>
      %and3A_2179 = arith.constant 1 : i32
      %and3A_2180 = vector.broadcast %and3A_2179 : i32 to vector<16xi32>
      %and3A_2181 = arith.andi %shift_right_logical3A_2178, %and3A_2180 : vector<16xi32>
      %eq3A_2182 = arith.constant 1 : i32
      %eq3A_2183 = vector.broadcast %eq3A_2182 : i32 to vector<16xi32>
      %eq3A_2184 = arith.cmpi eq, %and3A_2181, %eq3A_2183 : vector<16xi32>
      %add3A_2185 = arith.constant 8192 : i32
      %add3A_2186 = vector.broadcast %add3A_2185 : i32 to vector<16xi32>
      %add3A_2187 = arith.addi %and3A_1881, %add3A_2186 : vector<16xi32>
      %jit3A_2188 = arith.constant -1 : i32
      %broadcast_in_dim3A_2189 = vector.broadcast %jit3A_2188 : i32 to vector<16xi32>
      %select_n3A_2190 = arith.select %eq3A_2184, %add3A_2187, %broadcast_in_dim3A_2189 : vector<16xi1>, vector<16xi32>
      %swap3A_2191 = arith.constant 10 : i32
      %swap3A_2192 = arith.index_cast %swap3A_2191 : i32 to index
      %swap3A_2193 = arith.constant 64 : index
      %swap3A_2194 = tpu.vector_load %arg10[%swap3A_2192, %swap3A_2193] {strides = array<i32>} : memref<18x128xi32, #tpu.memory_space<vmem>>, vector<1x16xi32>,
      %swap3A_2195 = vector.shape_cast %swap3A_2194 : vector<1x16xi32> to vector<16xi32>
      %swap3A_2196 = vector.shape_cast %select_n3A_2190 : vector<16xi32> to vector<1x16xi32>
      tpu.vector_store %arg10[%swap3A_2192, %swap3A_2193], %swap3A_2196 {strides = array<i32>} : memref<18x128xi32, #tpu.memory_space<vmem>>, vector<1x16xi32>,
      %shift_right_logical3A_2197 = arith.constant 1 : i32
      %shift_right_logical3A_2198 = vector.broadcast %shift_right_logical3A_2197 : i32 to vector<16xi32>
      %shift_right_logical3A_2199 = arith.shrui %shift_right_logical3A_1895, %shift_right_logical3A_2198 : vector<16xi32>
      %and3A_2200 = arith.constant 1 : i32
      %and3A_2201 = vector.broadcast %and3A_2200 : i32 to vector<16xi32>
      %and3A_2202 = arith.andi %shift_right_logical3A_2199, %and3A_2201 : vector<16xi32>
      %eq3A_2203 = arith.constant 1 : i32
      %eq3A_2204 = vector.broadcast %eq3A_2203 : i32 to vector<16xi32>
      %eq3A_2205 = arith.cmpi eq, %and3A_2202, %eq3A_2204 : vector<16xi32>
      %add3A_2206 = arith.constant 8192 : i32
      %add3A_2207 = vector.broadcast %add3A_2206 : i32 to vector<16xi32>
      %add3A_2208 = arith.addi %and3A_1891, %add3A_2207 : vector<16xi32>
      %jit3A_2209 = arith.constant -1 : i32
      %broadcast_in_dim3A_2210 = vector.broadcast %jit3A_2209 : i32 to vector<16xi32>
      %select_n3A_2211 = arith.select %eq3A_2205, %add3A_2208, %broadcast_in_dim3A_2210 : vector<16xi1>, vector<16xi32>
      %swap3A_2212 = arith.constant 10 : i32
      %swap3A_2213 = arith.index_cast %swap3A_2212 : i32 to index
      %swap3A_2214 = arith.constant 80 : index
      %swap3A_2215 = tpu.vector_load %arg10[%swap3A_2213, %swap3A_2214] {strides = array<i32>} : memref<18x128xi32, #tpu.memory_space<vmem>>, vector<1x16xi32>,
      %swap3A_2216 = vector.shape_cast %swap3A_2215 : vector<1x16xi32> to vector<16xi32>
      %swap3A_2217 = vector.shape_cast %select_n3A_2211 : vector<16xi32> to vector<1x16xi32>
      tpu.vector_store %arg10[%swap3A_2213, %swap3A_2214], %swap3A_2217 {strides = array<i32>} : memref<18x128xi32, #tpu.memory_space<vmem>>, vector<1x16xi32>,
      %shift_right_logical3A_2218 = arith.constant 1 : i32
      %shift_right_logical3A_2219 = vector.broadcast %shift_right_logical3A_2218 : i32 to vector<16xi32>
      %shift_right_logical3A_2220 = arith.shrui %shift_right_logical3A_1905, %shift_right_logical3A_2219 : vector<16xi32>
      %and3A_2221 = arith.constant 1 : i32
      %and3A_2222 = vector.broadcast %and3A_2221 : i32 to vector<16xi32>
      %and3A_2223 = arith.andi %shift_right_logical3A_2220, %and3A_2222 : vector<16xi32>
      %eq3A_2224 = arith.constant 1 : i32
      %eq3A_2225 = vector.broadcast %eq3A_2224 : i32 to vector<16xi32>
      %eq3A_2226 = arith.cmpi eq, %and3A_2223, %eq3A_2225 : vector<16xi32>
      %add3A_2227 = arith.constant 8192 : i32
      %add3A_2228 = vector.broadcast %add3A_2227 : i32 to vector<16xi32>
      %add3A_2229 = arith.addi %and3A_1901, %add3A_2228 : vector<16xi32>
      %jit3A_2230 = arith.constant -1 : i32
      %broadcast_in_dim3A_2231 = vector.broadcast %jit3A_2230 : i32 to vector<16xi32>
      %select_n3A_2232 = arith.select %eq3A_2226, %add3A_2229, %broadcast_in_dim3A_2231 : vector<16xi1>, vector<16xi32>
      %swap3A_2233 = arith.constant 10 : i32
      %swap3A_2234 = arith.index_cast %swap3A_2233 : i32 to index
      %swap3A_2235 = arith.constant 96 : index
      %swap3A_2236 = tpu.vector_load %arg10[%swap3A_2234, %swap3A_2235] {strides = array<i32>} : memref<18x128xi32, #tpu.memory_space<vmem>>, vector<1x16xi32>,
      %swap3A_2237 = vector.shape_cast %swap3A_2236 : vector<1x16xi32> to vector<16xi32>
      %swap3A_2238 = vector.shape_cast %select_n3A_2232 : vector<16xi32> to vector<1x16xi32>
      tpu.vector_store %arg10[%swap3A_2234, %swap3A_2235], %swap3A_2238 {strides = array<i32>} : memref<18x128xi32, #tpu.memory_space<vmem>>, vector<1x16xi32>,
      %shift_right_logical3A_2239 = arith.constant 1 : i32
      %shift_right_logical3A_2240 = vector.broadcast %shift_right_logical3A_2239 : i32 to vector<16xi32>
      %shift_right_logical3A_2241 = arith.shrui %shift_right_logical3A_1915, %shift_right_logical3A_2240 : vector<16xi32>
      %and3A_2242 = arith.constant 1 : i32
      %and3A_2243 = vector.broadcast %and3A_2242 : i32 to vector<16xi32>
      %and3A_2244 = arith.andi %shift_right_logical3A_2241, %and3A_2243 : vector<16xi32>
      %eq3A_2245 = arith.constant 1 : i32
      %eq3A_2246 = vector.broadcast %eq3A_2245 : i32 to vector<16xi32>
      %eq3A_2247 = arith.cmpi eq, %and3A_2244, %eq3A_2246 : vector<16xi32>
      %add3A_2248 = arith.constant 8192 : i32
      %add3A_2249 = vector.broadcast %add3A_2248 : i32 to vector<16xi32>
      %add3A_2250 = arith.addi %and3A_1911, %add3A_2249 : vector<16xi32>
      %jit3A_2251 = arith.constant -1 : i32
      %broadcast_in_dim3A_2252 = vector.broadcast %jit3A_2251 : i32 to vector<16xi32>
      %select_n3A_2253 = arith.select %eq3A_2247, %add3A_2250, %broadcast_in_dim3A_2252 : vector<16xi1>, vector<16xi32>
      %swap3A_2254 = arith.constant 10 : i32
      %swap3A_2255 = arith.index_cast %swap3A_2254 : i32 to index
      %swap3A_2256 = arith.constant 112 : index
      %swap3A_2257 = tpu.vector_load %arg10[%swap3A_2255, %swap3A_2256] {strides = array<i32>} : memref<18x128xi32, #tpu.memory_space<vmem>>, vector<1x16xi32>,
      %swap3A_2258 = vector.shape_cast %swap3A_2257 : vector<1x16xi32> to vector<16xi32>
      %swap3A_2259 = vector.shape_cast %select_n3A_2253 : vector<16xi32> to vector<1x16xi32>
      tpu.vector_store %arg10[%swap3A_2255, %swap3A_2256], %swap3A_2259 {strides = array<i32>} : memref<18x128xi32, #tpu.memory_space<vmem>>, vector<1x16xi32>,
      %dma_start3A_2260 = arith.constant 10 : i32
      %dma_start3A_2261 = arith.constant 0 : i32
      %dma_start3A_2262 = tpu.memref_slice %arg10[%dma_start3A_2260, %dma_start3A_2261] : memref<18x128xi32, #tpu.memory_space<vmem>> -> memref<1x128xi32, #tpu.memory_space<vmem>>
      %dma_start3A_2263 = tpu.memref_squeeze %dma_start3A_2262 : memref<1x128xi32, #tpu.memory_space<vmem>> -> memref<128xi32, #tpu.memory_space<vmem>>
      %dma_start3A_2264 = arith.constant 0 : i32
      %dma_start3A_2265 = arith.constant 0 : i32
      %dma_start3A_2266 = tpu.memref_slice %arg16[%dma_start3A_2264, %dma_start3A_2265] : memref<73728x24xf32, #tpu.memory_space<vmem_shared>> -> memref<73728x24xf32, #tpu.memory_space<vmem_shared>>
      %dma_start3A_2267 = arith.constant -1 : i32
      tpu.enqueue_indirect_dma source(%arg7 : memref<128x24xf32, #tpu.memory_space<vmem>>) target(%dma_start3A_2266 : memref<73728x24xf32, #tpu.memory_space<vmem_shared>>) offsets(%dma_start3A_2263 : memref<128xi32, #tpu.memory_space<vmem>>) offset_filter(%dma_start3A_2267) semaphore(%arg15 : memref<!tpu.dma_semaphore, #tpu.memory_space<semaphore_mem>>) {add = true}
      %shift_right_logical3A_2268 = arith.constant 2 : i32
      %shift_right_logical3A_2269 = vector.broadcast %shift_right_logical3A_2268 : i32 to vector<16xi32>
      %shift_right_logical3A_2270 = arith.shrui %shift_right_logical3A_1845, %shift_right_logical3A_2269 : vector<16xi32>
      %and3A_2271 = arith.constant 1 : i32
      %and3A_2272 = vector.broadcast %and3A_2271 : i32 to vector<16xi32>
      %and3A_2273 = arith.andi %shift_right_logical3A_2270, %and3A_2272 : vector<16xi32>
      %eq3A_2274 = arith.constant 1 : i32
      %eq3A_2275 = vector.broadcast %eq3A_2274 : i32 to vector<16xi32>
      %eq3A_2276 = arith.cmpi eq, %and3A_2273, %eq3A_2275 : vector<16xi32>
      %add3A_2277 = arith.constant 16384 : i32
      %add3A_2278 = vector.broadcast %add3A_2277 : i32 to vector<16xi32>
      %add3A_2279 = arith.addi %and3A_1841, %add3A_2278 : vector<16xi32>
      %jit3A_2280 = arith.constant -1 : i32
      %broadcast_in_dim3A_2281 = vector.broadcast %jit3A_2280 : i32 to vector<16xi32>
      %select_n3A_2282 = arith.select %eq3A_2276, %add3A_2279, %broadcast_in_dim3A_2281 : vector<16xi1>, vector<16xi32>
      %swap3A_2283 = arith.constant 11 : i32
      %swap3A_2284 = arith.index_cast %swap3A_2283 : i32 to index
      %swap3A_2285 = arith.constant 0 : index
      %swap3A_2286 = tpu.vector_load %arg10[%swap3A_2284, %swap3A_2285] {strides = array<i32>} : memref<18x128xi32, #tpu.memory_space<vmem>>, vector<1x16xi32>,
      %swap3A_2287 = vector.shape_cast %swap3A_2286 : vector<1x16xi32> to vector<16xi32>
      %swap3A_2288 = vector.shape_cast %select_n3A_2282 : vector<16xi32> to vector<1x16xi32>
      tpu.vector_store %arg10[%swap3A_2284, %swap3A_2285], %swap3A_2288 {strides = array<i32>} : memref<18x128xi32, #tpu.memory_space<vmem>>, vector<1x16xi32>,
      %shift_right_logical3A_2289 = arith.constant 2 : i32
      %shift_right_logical3A_2290 = vector.broadcast %shift_right_logical3A_2289 : i32 to vector<16xi32>
      %shift_right_logical3A_2291 = arith.shrui %shift_right_logical3A_1855, %shift_right_logical3A_2290 : vector<16xi32>
      %and3A_2292 = arith.constant 1 : i32
      %and3A_2293 = vector.broadcast %and3A_2292 : i32 to vector<16xi32>
      %and3A_2294 = arith.andi %shift_right_logical3A_2291, %and3A_2293 : vector<16xi32>
      %eq3A_2295 = arith.constant 1 : i32
      %eq3A_2296 = vector.broadcast %eq3A_2295 : i32 to vector<16xi32>
      %eq3A_2297 = arith.cmpi eq, %and3A_2294, %eq3A_2296 : vector<16xi32>
      %add3A_2298 = arith.constant 16384 : i32
      %add3A_2299 = vector.broadcast %add3A_2298 : i32 to vector<16xi32>
      %add3A_2300 = arith.addi %and3A_1851, %add3A_2299 : vector<16xi32>
      %jit3A_2301 = arith.constant -1 : i32
      %broadcast_in_dim3A_2302 = vector.broadcast %jit3A_2301 : i32 to vector<16xi32>
      %select_n3A_2303 = arith.select %eq3A_2297, %add3A_2300, %broadcast_in_dim3A_2302 : vector<16xi1>, vector<16xi32>
      %swap3A_2304 = arith.constant 11 : i32
      %swap3A_2305 = arith.index_cast %swap3A_2304 : i32 to index
      %swap3A_2306 = arith.constant 16 : index
      %swap3A_2307 = tpu.vector_load %arg10[%swap3A_2305, %swap3A_2306] {strides = array<i32>} : memref<18x128xi32, #tpu.memory_space<vmem>>, vector<1x16xi32>,
      %swap3A_2308 = vector.shape_cast %swap3A_2307 : vector<1x16xi32> to vector<16xi32>
      %swap3A_2309 = vector.shape_cast %select_n3A_2303 : vector<16xi32> to vector<1x16xi32>
      tpu.vector_store %arg10[%swap3A_2305, %swap3A_2306], %swap3A_2309 {strides = array<i32>} : memref<18x128xi32, #tpu.memory_space<vmem>>, vector<1x16xi32>,
      %shift_right_logical3A_2310 = arith.constant 2 : i32
      %shift_right_logical3A_2311 = vector.broadcast %shift_right_logical3A_2310 : i32 to vector<16xi32>
      %shift_right_logical3A_2312 = arith.shrui %shift_right_logical3A_1865, %shift_right_logical3A_2311 : vector<16xi32>
      %and3A_2313 = arith.constant 1 : i32
      %and3A_2314 = vector.broadcast %and3A_2313 : i32 to vector<16xi32>
      %and3A_2315 = arith.andi %shift_right_logical3A_2312, %and3A_2314 : vector<16xi32>
      %eq3A_2316 = arith.constant 1 : i32
      %eq3A_2317 = vector.broadcast %eq3A_2316 : i32 to vector<16xi32>
      %eq3A_2318 = arith.cmpi eq, %and3A_2315, %eq3A_2317 : vector<16xi32>
      %add3A_2319 = arith.constant 16384 : i32
      %add3A_2320 = vector.broadcast %add3A_2319 : i32 to vector<16xi32>
      %add3A_2321 = arith.addi %and3A_1861, %add3A_2320 : vector<16xi32>
      %jit3A_2322 = arith.constant -1 : i32
      %broadcast_in_dim3A_2323 = vector.broadcast %jit3A_2322 : i32 to vector<16xi32>
      %select_n3A_2324 = arith.select %eq3A_2318, %add3A_2321, %broadcast_in_dim3A_2323 : vector<16xi1>, vector<16xi32>
      %swap3A_2325 = arith.constant 11 : i32
      %swap3A_2326 = arith.index_cast %swap3A_2325 : i32 to index
      %swap3A_2327 = arith.constant 32 : index
      %swap3A_2328 = tpu.vector_load %arg10[%swap3A_2326, %swap3A_2327] {strides = array<i32>} : memref<18x128xi32, #tpu.memory_space<vmem>>, vector<1x16xi32>,
      %swap3A_2329 = vector.shape_cast %swap3A_2328 : vector<1x16xi32> to vector<16xi32>
      %swap3A_2330 = vector.shape_cast %select_n3A_2324 : vector<16xi32> to vector<1x16xi32>
      tpu.vector_store %arg10[%swap3A_2326, %swap3A_2327], %swap3A_2330 {strides = array<i32>} : memref<18x128xi32, #tpu.memory_space<vmem>>, vector<1x16xi32>,
      %shift_right_logical3A_2331 = arith.constant 2 : i32
      %shift_right_logical3A_2332 = vector.broadcast %shift_right_logical3A_2331 : i32 to vector<16xi32>
      %shift_right_logical3A_2333 = arith.shrui %shift_right_logical3A_1875, %shift_right_logical3A_2332 : vector<16xi32>
      %and3A_2334 = arith.constant 1 : i32
      %and3A_2335 = vector.broadcast %and3A_2334 : i32 to vector<16xi32>
      %and3A_2336 = arith.andi %shift_right_logical3A_2333, %and3A_2335 : vector<16xi32>
      %eq3A_2337 = arith.constant 1 : i32
      %eq3A_2338 = vector.broadcast %eq3A_2337 : i32 to vector<16xi32>
      %eq3A_2339 = arith.cmpi eq, %and3A_2336, %eq3A_2338 : vector<16xi32>
      %add3A_2340 = arith.constant 16384 : i32
      %add3A_2341 = vector.broadcast %add3A_2340 : i32 to vector<16xi32>
      %add3A_2342 = arith.addi %and3A_1871, %add3A_2341 : vector<16xi32>
      %jit3A_2343 = arith.constant -1 : i32
      %broadcast_in_dim3A_2344 = vector.broadcast %jit3A_2343 : i32 to vector<16xi32>
      %select_n3A_2345 = arith.select %eq3A_2339, %add3A_2342, %broadcast_in_dim3A_2344 : vector<16xi1>, vector<16xi32>
      %swap3A_2346 = arith.constant 11 : i32
      %swap3A_2347 = arith.index_cast %swap3A_2346 : i32 to index
      %swap3A_2348 = arith.constant 48 : index
      %swap3A_2349 = tpu.vector_load %arg10[%swap3A_2347, %swap3A_2348] {strides = array<i32>} : memref<18x128xi32, #tpu.memory_space<vmem>>, vector<1x16xi32>,
      %swap3A_2350 = vector.shape_cast %swap3A_2349 : vector<1x16xi32> to vector<16xi32>
      %swap3A_2351 = vector.shape_cast %select_n3A_2345 : vector<16xi32> to vector<1x16xi32>
      tpu.vector_store %arg10[%swap3A_2347, %swap3A_2348], %swap3A_2351 {strides = array<i32>} : memref<18x128xi32, #tpu.memory_space<vmem>>, vector<1x16xi32>,
      %shift_right_logical3A_2352 = arith.constant 2 : i32
      %shift_right_logical3A_2353 = vector.broadcast %shift_right_logical3A_2352 : i32 to vector<16xi32>
      %shift_right_logical3A_2354 = arith.shrui %shift_right_logical3A_1885, %shift_right_logical3A_2353 : vector<16xi32>
      %and3A_2355 = arith.constant 1 : i32
      %and3A_2356 = vector.broadcast %and3A_2355 : i32 to vector<16xi32>
      %and3A_2357 = arith.andi %shift_right_logical3A_2354, %and3A_2356 : vector<16xi32>
      %eq3A_2358 = arith.constant 1 : i32
      %eq3A_2359 = vector.broadcast %eq3A_2358 : i32 to vector<16xi32>
      %eq3A_2360 = arith.cmpi eq, %and3A_2357, %eq3A_2359 : vector<16xi32>
      %add3A_2361 = arith.constant 16384 : i32
      %add3A_2362 = vector.broadcast %add3A_2361 : i32 to vector<16xi32>
      %add3A_2363 = arith.addi %and3A_1881, %add3A_2362 : vector<16xi32>
      %jit3A_2364 = arith.constant -1 : i32
      %broadcast_in_dim3A_2365 = vector.broadcast %jit3A_2364 : i32 to vector<16xi32>
      %select_n3A_2366 = arith.select %eq3A_2360, %add3A_2363, %broadcast_in_dim3A_2365 : vector<16xi1>, vector<16xi32>
      %swap3A_2367 = arith.constant 11 : i32
      %swap3A_2368 = arith.index_cast %swap3A_2367 : i32 to index
      %swap3A_2369 = arith.constant 64 : index
      %swap3A_2370 = tpu.vector_load %arg10[%swap3A_2368, %swap3A_2369] {strides = array<i32>} : memref<18x128xi32, #tpu.memory_space<vmem>>, vector<1x16xi32>,
      %swap3A_2371 = vector.shape_cast %swap3A_2370 : vector<1x16xi32> to vector<16xi32>
      %swap3A_2372 = vector.shape_cast %select_n3A_2366 : vector<16xi32> to vector<1x16xi32>
      tpu.vector_store %arg10[%swap3A_2368, %swap3A_2369], %swap3A_2372 {strides = array<i32>} : memref<18x128xi32, #tpu.memory_space<vmem>>, vector<1x16xi32>,
      %shift_right_logical3A_2373 = arith.constant 2 : i32
      %shift_right_logical3A_2374 = vector.broadcast %shift_right_logical3A_2373 : i32 to vector<16xi32>
      %shift_right_logical3A_2375 = arith.shrui %shift_right_logical3A_1895, %shift_right_logical3A_2374 : vector<16xi32>
      %and3A_2376 = arith.constant 1 : i32
      %and3A_2377 = vector.broadcast %and3A_2376 : i32 to vector<16xi32>
      %and3A_2378 = arith.andi %shift_right_logical3A_2375, %and3A_2377 : vector<16xi32>
      %eq3A_2379 = arith.constant 1 : i32
      %eq3A_2380 = vector.broadcast %eq3A_2379 : i32 to vector<16xi32>
      %eq3A_2381 = arith.cmpi eq, %and3A_2378, %eq3A_2380 : vector<16xi32>
      %add3A_2382 = arith.constant 16384 : i32
      %add3A_2383 = vector.broadcast %add3A_2382 : i32 to vector<16xi32>
      %add3A_2384 = arith.addi %and3A_1891, %add3A_2383 : vector<16xi32>
      %jit3A_2385 = arith.constant -1 : i32
      %broadcast_in_dim3A_2386 = vector.broadcast %jit3A_2385 : i32 to vector<16xi32>
      %select_n3A_2387 = arith.select %eq3A_2381, %add3A_2384, %broadcast_in_dim3A_2386 : vector<16xi1>, vector<16xi32>
      %swap3A_2388 = arith.constant 11 : i32
      %swap3A_2389 = arith.index_cast %swap3A_2388 : i32 to index
      %swap3A_2390 = arith.constant 80 : index
      %swap3A_2391 = tpu.vector_load %arg10[%swap3A_2389, %swap3A_2390] {strides = array<i32>} : memref<18x128xi32, #tpu.memory_space<vmem>>, vector<1x16xi32>,
      %swap3A_2392 = vector.shape_cast %swap3A_2391 : vector<1x16xi32> to vector<16xi32>
      %swap3A_2393 = vector.shape_cast %select_n3A_2387 : vector<16xi32> to vector<1x16xi32>
      tpu.vector_store %arg10[%swap3A_2389, %swap3A_2390], %swap3A_2393 {strides = array<i32>} : memref<18x128xi32, #tpu.memory_space<vmem>>, vector<1x16xi32>,
      %shift_right_logical3A_2394 = arith.constant 2 : i32
      %shift_right_logical3A_2395 = vector.broadcast %shift_right_logical3A_2394 : i32 to vector<16xi32>
      %shift_right_logical3A_2396 = arith.shrui %shift_right_logical3A_1905, %shift_right_logical3A_2395 : vector<16xi32>
      %and3A_2397 = arith.constant 1 : i32
      %and3A_2398 = vector.broadcast %and3A_2397 : i32 to vector<16xi32>
      %and3A_2399 = arith.andi %shift_right_logical3A_2396, %and3A_2398 : vector<16xi32>
      %eq3A_2400 = arith.constant 1 : i32
      %eq3A_2401 = vector.broadcast %eq3A_2400 : i32 to vector<16xi32>
      %eq3A_2402 = arith.cmpi eq, %and3A_2399, %eq3A_2401 : vector<16xi32>
      %add3A_2403 = arith.constant 16384 : i32
      %add3A_2404 = vector.broadcast %add3A_2403 : i32 to vector<16xi32>
      %add3A_2405 = arith.addi %and3A_1901, %add3A_2404 : vector<16xi32>
      %jit3A_2406 = arith.constant -1 : i32
      %broadcast_in_dim3A_2407 = vector.broadcast %jit3A_2406 : i32 to vector<16xi32>
      %select_n3A_2408 = arith.select %eq3A_2402, %add3A_2405, %broadcast_in_dim3A_2407 : vector<16xi1>, vector<16xi32>
      %swap3A_2409 = arith.constant 11 : i32
      %swap3A_2410 = arith.index_cast %swap3A_2409 : i32 to index
      %swap3A_2411 = arith.constant 96 : index
      %swap3A_2412 = tpu.vector_load %arg10[%swap3A_2410, %swap3A_2411] {strides = array<i32>} : memref<18x128xi32, #tpu.memory_space<vmem>>, vector<1x16xi32>,
      %swap3A_2413 = vector.shape_cast %swap3A_2412 : vector<1x16xi32> to vector<16xi32>
      %swap3A_2414 = vector.shape_cast %select_n3A_2408 : vector<16xi32> to vector<1x16xi32>
      tpu.vector_store %arg10[%swap3A_2410, %swap3A_2411], %swap3A_2414 {strides = array<i32>} : memref<18x128xi32, #tpu.memory_space<vmem>>, vector<1x16xi32>,
      %shift_right_logical3A_2415 = arith.constant 2 : i32
      %shift_right_logical3A_2416 = vector.broadcast %shift_right_logical3A_2415 : i32 to vector<16xi32>
      %shift_right_logical3A_2417 = arith.shrui %shift_right_logical3A_1915, %shift_right_logical3A_2416 : vector<16xi32>
      %and3A_2418 = arith.constant 1 : i32
      %and3A_2419 = vector.broadcast %and3A_2418 : i32 to vector<16xi32>
      %and3A_2420 = arith.andi %shift_right_logical3A_2417, %and3A_2419 : vector<16xi32>
      %eq3A_2421 = arith.constant 1 : i32
      %eq3A_2422 = vector.broadcast %eq3A_2421 : i32 to vector<16xi32>
      %eq3A_2423 = arith.cmpi eq, %and3A_2420, %eq3A_2422 : vector<16xi32>
      %add3A_2424 = arith.constant 16384 : i32
      %add3A_2425 = vector.broadcast %add3A_2424 : i32 to vector<16xi32>
      %add3A_2426 = arith.addi %and3A_1911, %add3A_2425 : vector<16xi32>
      %jit3A_2427 = arith.constant -1 : i32
      %broadcast_in_dim3A_2428 = vector.broadcast %jit3A_2427 : i32 to vector<16xi32>
      %select_n3A_2429 = arith.select %eq3A_2423, %add3A_2426, %broadcast_in_dim3A_2428 : vector<16xi1>, vector<16xi32>
      %swap3A_2430 = arith.constant 11 : i32
      %swap3A_2431 = arith.index_cast %swap3A_2430 : i32 to index
      %swap3A_2432 = arith.constant 112 : index
      %swap3A_2433 = tpu.vector_load %arg10[%swap3A_2431, %swap3A_2432] {strides = array<i32>} : memref<18x128xi32, #tpu.memory_space<vmem>>, vector<1x16xi32>,
      %swap3A_2434 = vector.shape_cast %swap3A_2433 : vector<1x16xi32> to vector<16xi32>
      %swap3A_2435 = vector.shape_cast %select_n3A_2429 : vector<16xi32> to vector<1x16xi32>
      tpu.vector_store %arg10[%swap3A_2431, %swap3A_2432], %swap3A_2435 {strides = array<i32>} : memref<18x128xi32, #tpu.memory_space<vmem>>, vector<1x16xi32>,
      %dma_start3A_2436 = arith.constant 11 : i32
      %dma_start3A_2437 = arith.constant 0 : i32
      %dma_start3A_2438 = tpu.memref_slice %arg10[%dma_start3A_2436, %dma_start3A_2437] : memref<18x128xi32, #tpu.memory_space<vmem>> -> memref<1x128xi32, #tpu.memory_space<vmem>>
      %dma_start3A_2439 = tpu.memref_squeeze %dma_start3A_2438 : memref<1x128xi32, #tpu.memory_space<vmem>> -> memref<128xi32, #tpu.memory_space<vmem>>
      %dma_start3A_2440 = arith.constant 0 : i32
      %dma_start3A_2441 = arith.constant 0 : i32
      %dma_start3A_2442 = tpu.memref_slice %arg16[%dma_start3A_2440, %dma_start3A_2441] : memref<73728x24xf32, #tpu.memory_space<vmem_shared>> -> memref<73728x24xf32, #tpu.memory_space<vmem_shared>>
      %dma_start3A_2443 = arith.constant -1 : i32
      tpu.enqueue_indirect_dma source(%arg7 : memref<128x24xf32, #tpu.memory_space<vmem>>) target(%dma_start3A_2442 : memref<73728x24xf32, #tpu.memory_space<vmem_shared>>) offsets(%dma_start3A_2439 : memref<128xi32, #tpu.memory_space<vmem>>) offset_filter(%dma_start3A_2443) semaphore(%arg15 : memref<!tpu.dma_semaphore, #tpu.memory_space<semaphore_mem>>) {add = true}
      %shift_right_logical3A_2444 = arith.constant 3 : i32
      %shift_right_logical3A_2445 = vector.broadcast %shift_right_logical3A_2444 : i32 to vector<16xi32>
      %shift_right_logical3A_2446 = arith.shrui %shift_right_logical3A_1845, %shift_right_logical3A_2445 : vector<16xi32>
      %and3A_2447 = arith.constant 1 : i32
      %and3A_2448 = vector.broadcast %and3A_2447 : i32 to vector<16xi32>
      %and3A_2449 = arith.andi %shift_right_logical3A_2446, %and3A_2448 : vector<16xi32>
      %eq3A_2450 = arith.constant 1 : i32
      %eq3A_2451 = vector.broadcast %eq3A_2450 : i32 to vector<16xi32>
      %eq3A_2452 = arith.cmpi eq, %and3A_2449, %eq3A_2451 : vector<16xi32>
      %add3A_2453 = arith.constant 24576 : i32
      %add3A_2454 = vector.broadcast %add3A_2453 : i32 to vector<16xi32>
      %add3A_2455 = arith.addi %and3A_1841, %add3A_2454 : vector<16xi32>
      %jit3A_2456 = arith.constant -1 : i32
      %broadcast_in_dim3A_2457 = vector.broadcast %jit3A_2456 : i32 to vector<16xi32>
      %select_n3A_2458 = arith.select %eq3A_2452, %add3A_2455, %broadcast_in_dim3A_2457 : vector<16xi1>, vector<16xi32>
      %swap3A_2459 = arith.constant 12 : i32
      %swap3A_2460 = arith.index_cast %swap3A_2459 : i32 to index
      %swap3A_2461 = arith.constant 0 : index
      %swap3A_2462 = tpu.vector_load %arg10[%swap3A_2460, %swap3A_2461] {strides = array<i32>} : memref<18x128xi32, #tpu.memory_space<vmem>>, vector<1x16xi32>,
      %swap3A_2463 = vector.shape_cast %swap3A_2462 : vector<1x16xi32> to vector<16xi32>
      %swap3A_2464 = vector.shape_cast %select_n3A_2458 : vector<16xi32> to vector<1x16xi32>
      tpu.vector_store %arg10[%swap3A_2460, %swap3A_2461], %swap3A_2464 {strides = array<i32>} : memref<18x128xi32, #tpu.memory_space<vmem>>, vector<1x16xi32>,
      %shift_right_logical3A_2465 = arith.constant 3 : i32
      %shift_right_logical3A_2466 = vector.broadcast %shift_right_logical3A_2465 : i32 to vector<16xi32>
      %shift_right_logical3A_2467 = arith.shrui %shift_right_logical3A_1855, %shift_right_logical3A_2466 : vector<16xi32>
      %and3A_2468 = arith.constant 1 : i32
      %and3A_2469 = vector.broadcast %and3A_2468 : i32 to vector<16xi32>
      %and3A_2470 = arith.andi %shift_right_logical3A_2467, %and3A_2469 : vector<16xi32>
      %eq3A_2471 = arith.constant 1 : i32
      %eq3A_2472 = vector.broadcast %eq3A_2471 : i32 to vector<16xi32>
      %eq3A_2473 = arith.cmpi eq, %and3A_2470, %eq3A_2472 : vector<16xi32>
      %add3A_2474 = arith.constant 24576 : i32
      %add3A_2475 = vector.broadcast %add3A_2474 : i32 to vector<16xi32>
      %add3A_2476 = arith.addi %and3A_1851, %add3A_2475 : vector<16xi32>
      %jit3A_2477 = arith.constant -1 : i32
      %broadcast_in_dim3A_2478 = vector.broadcast %jit3A_2477 : i32 to vector<16xi32>
      %select_n3A_2479 = arith.select %eq3A_2473, %add3A_2476, %broadcast_in_dim3A_2478 : vector<16xi1>, vector<16xi32>
      %swap3A_2480 = arith.constant 12 : i32
      %swap3A_2481 = arith.index_cast %swap3A_2480 : i32 to index
      %swap3A_2482 = arith.constant 16 : index
      %swap3A_2483 = tpu.vector_load %arg10[%swap3A_2481, %swap3A_2482] {strides = array<i32>} : memref<18x128xi32, #tpu.memory_space<vmem>>, vector<1x16xi32>,
      %swap3A_2484 = vector.shape_cast %swap3A_2483 : vector<1x16xi32> to vector<16xi32>
      %swap3A_2485 = vector.shape_cast %select_n3A_2479 : vector<16xi32> to vector<1x16xi32>
      tpu.vector_store %arg10[%swap3A_2481, %swap3A_2482], %swap3A_2485 {strides = array<i32>} : memref<18x128xi32, #tpu.memory_space<vmem>>, vector<1x16xi32>,
      %shift_right_logical3A_2486 = arith.constant 3 : i32
      %shift_right_logical3A_2487 = vector.broadcast %shift_right_logical3A_2486 : i32 to vector<16xi32>
      %shift_right_logical3A_2488 = arith.shrui %shift_right_logical3A_1865, %shift_right_logical3A_2487 : vector<16xi32>
      %and3A_2489 = arith.constant 1 : i32
      %and3A_2490 = vector.broadcast %and3A_2489 : i32 to vector<16xi32>
      %and3A_2491 = arith.andi %shift_right_logical3A_2488, %and3A_2490 : vector<16xi32>
      %eq3A_2492 = arith.constant 1 : i32
      %eq3A_2493 = vector.broadcast %eq3A_2492 : i32 to vector<16xi32>
      %eq3A_2494 = arith.cmpi eq, %and3A_2491, %eq3A_2493 : vector<16xi32>
      %add3A_2495 = arith.constant 24576 : i32
      %add3A_2496 = vector.broadcast %add3A_2495 : i32 to vector<16xi32>
      %add3A_2497 = arith.addi %and3A_1861, %add3A_2496 : vector<16xi32>
      %jit3A_2498 = arith.constant -1 : i32
      %broadcast_in_dim3A_2499 = vector.broadcast %jit3A_2498 : i32 to vector<16xi32>
      %select_n3A_2500 = arith.select %eq3A_2494, %add3A_2497, %broadcast_in_dim3A_2499 : vector<16xi1>, vector<16xi32>
      %swap3A_2501 = arith.constant 12 : i32
      %swap3A_2502 = arith.index_cast %swap3A_2501 : i32 to index
      %swap3A_2503 = arith.constant 32 : index
      %swap3A_2504 = tpu.vector_load %arg10[%swap3A_2502, %swap3A_2503] {strides = array<i32>} : memref<18x128xi32, #tpu.memory_space<vmem>>, vector<1x16xi32>,
      %swap3A_2505 = vector.shape_cast %swap3A_2504 : vector<1x16xi32> to vector<16xi32>
      %swap3A_2506 = vector.shape_cast %select_n3A_2500 : vector<16xi32> to vector<1x16xi32>
      tpu.vector_store %arg10[%swap3A_2502, %swap3A_2503], %swap3A_2506 {strides = array<i32>} : memref<18x128xi32, #tpu.memory_space<vmem>>, vector<1x16xi32>,
      %shift_right_logical3A_2507 = arith.constant 3 : i32
      %shift_right_logical3A_2508 = vector.broadcast %shift_right_logical3A_2507 : i32 to vector<16xi32>
      %shift_right_logical3A_2509 = arith.shrui %shift_right_logical3A_1875, %shift_right_logical3A_2508 : vector<16xi32>
      %and3A_2510 = arith.constant 1 : i32
      %and3A_2511 = vector.broadcast %and3A_2510 : i32 to vector<16xi32>
      %and3A_2512 = arith.andi %shift_right_logical3A_2509, %and3A_2511 : vector<16xi32>
      %eq3A_2513 = arith.constant 1 : i32
      %eq3A_2514 = vector.broadcast %eq3A_2513 : i32 to vector<16xi32>
      %eq3A_2515 = arith.cmpi eq, %and3A_2512, %eq3A_2514 : vector<16xi32>
      %add3A_2516 = arith.constant 24576 : i32
      %add3A_2517 = vector.broadcast %add3A_2516 : i32 to vector<16xi32>
      %add3A_2518 = arith.addi %and3A_1871, %add3A_2517 : vector<16xi32>
      %jit3A_2519 = arith.constant -1 : i32
      %broadcast_in_dim3A_2520 = vector.broadcast %jit3A_2519 : i32 to vector<16xi32>
      %select_n3A_2521 = arith.select %eq3A_2515, %add3A_2518, %broadcast_in_dim3A_2520 : vector<16xi1>, vector<16xi32>
      %swap3A_2522 = arith.constant 12 : i32
      %swap3A_2523 = arith.index_cast %swap3A_2522 : i32 to index
      %swap3A_2524 = arith.constant 48 : index
      %swap3A_2525 = tpu.vector_load %arg10[%swap3A_2523, %swap3A_2524] {strides = array<i32>} : memref<18x128xi32, #tpu.memory_space<vmem>>, vector<1x16xi32>,
      %swap3A_2526 = vector.shape_cast %swap3A_2525 : vector<1x16xi32> to vector<16xi32>
      %swap3A_2527 = vector.shape_cast %select_n3A_2521 : vector<16xi32> to vector<1x16xi32>
      tpu.vector_store %arg10[%swap3A_2523, %swap3A_2524], %swap3A_2527 {strides = array<i32>} : memref<18x128xi32, #tpu.memory_space<vmem>>, vector<1x16xi32>,
      %shift_right_logical3A_2528 = arith.constant 3 : i32
      %shift_right_logical3A_2529 = vector.broadcast %shift_right_logical3A_2528 : i32 to vector<16xi32>
      %shift_right_logical3A_2530 = arith.shrui %shift_right_logical3A_1885, %shift_right_logical3A_2529 : vector<16xi32>
      %and3A_2531 = arith.constant 1 : i32
      %and3A_2532 = vector.broadcast %and3A_2531 : i32 to vector<16xi32>
      %and3A_2533 = arith.andi %shift_right_logical3A_2530, %and3A_2532 : vector<16xi32>
      %eq3A_2534 = arith.constant 1 : i32
      %eq3A_2535 = vector.broadcast %eq3A_2534 : i32 to vector<16xi32>
      %eq3A_2536 = arith.cmpi eq, %and3A_2533, %eq3A_2535 : vector<16xi32>
      %add3A_2537 = arith.constant 24576 : i32
      %add3A_2538 = vector.broadcast %add3A_2537 : i32 to vector<16xi32>
      %add3A_2539 = arith.addi %and3A_1881, %add3A_2538 : vector<16xi32>
      %jit3A_2540 = arith.constant -1 : i32
      %broadcast_in_dim3A_2541 = vector.broadcast %jit3A_2540 : i32 to vector<16xi32>
      %select_n3A_2542 = arith.select %eq3A_2536, %add3A_2539, %broadcast_in_dim3A_2541 : vector<16xi1>, vector<16xi32>
      %swap3A_2543 = arith.constant 12 : i32
      %swap3A_2544 = arith.index_cast %swap3A_2543 : i32 to index
      %swap3A_2545 = arith.constant 64 : index
      %swap3A_2546 = tpu.vector_load %arg10[%swap3A_2544, %swap3A_2545] {strides = array<i32>} : memref<18x128xi32, #tpu.memory_space<vmem>>, vector<1x16xi32>,
      %swap3A_2547 = vector.shape_cast %swap3A_2546 : vector<1x16xi32> to vector<16xi32>
      %swap3A_2548 = vector.shape_cast %select_n3A_2542 : vector<16xi32> to vector<1x16xi32>
      tpu.vector_store %arg10[%swap3A_2544, %swap3A_2545], %swap3A_2548 {strides = array<i32>} : memref<18x128xi32, #tpu.memory_space<vmem>>, vector<1x16xi32>,
      %shift_right_logical3A_2549 = arith.constant 3 : i32
      %shift_right_logical3A_2550 = vector.broadcast %shift_right_logical3A_2549 : i32 to vector<16xi32>
      %shift_right_logical3A_2551 = arith.shrui %shift_right_logical3A_1895, %shift_right_logical3A_2550 : vector<16xi32>
      %and3A_2552 = arith.constant 1 : i32
      %and3A_2553 = vector.broadcast %and3A_2552 : i32 to vector<16xi32>
      %and3A_2554 = arith.andi %shift_right_logical3A_2551, %and3A_2553 : vector<16xi32>
      %eq3A_2555 = arith.constant 1 : i32
      %eq3A_2556 = vector.broadcast %eq3A_2555 : i32 to vector<16xi32>
      %eq3A_2557 = arith.cmpi eq, %and3A_2554, %eq3A_2556 : vector<16xi32>
      %add3A_2558 = arith.constant 24576 : i32
      %add3A_2559 = vector.broadcast %add3A_2558 : i32 to vector<16xi32>
      %add3A_2560 = arith.addi %and3A_1891, %add3A_2559 : vector<16xi32>
      %jit3A_2561 = arith.constant -1 : i32
      %broadcast_in_dim3A_2562 = vector.broadcast %jit3A_2561 : i32 to vector<16xi32>
      %select_n3A_2563 = arith.select %eq3A_2557, %add3A_2560, %broadcast_in_dim3A_2562 : vector<16xi1>, vector<16xi32>
      %swap3A_2564 = arith.constant 12 : i32
      %swap3A_2565 = arith.index_cast %swap3A_2564 : i32 to index
      %swap3A_2566 = arith.constant 80 : index
      %swap3A_2567 = tpu.vector_load %arg10[%swap3A_2565, %swap3A_2566] {strides = array<i32>} : memref<18x128xi32, #tpu.memory_space<vmem>>, vector<1x16xi32>,
      %swap3A_2568 = vector.shape_cast %swap3A_2567 : vector<1x16xi32> to vector<16xi32>
      %swap3A_2569 = vector.shape_cast %select_n3A_2563 : vector<16xi32> to vector<1x16xi32>
      tpu.vector_store %arg10[%swap3A_2565, %swap3A_2566], %swap3A_2569 {strides = array<i32>} : memref<18x128xi32, #tpu.memory_space<vmem>>, vector<1x16xi32>,
      %shift_right_logical3A_2570 = arith.constant 3 : i32
      %shift_right_logical3A_2571 = vector.broadcast %shift_right_logical3A_2570 : i32 to vector<16xi32>
      %shift_right_logical3A_2572 = arith.shrui %shift_right_logical3A_1905, %shift_right_logical3A_2571 : vector<16xi32>
      %and3A_2573 = arith.constant 1 : i32
      %and3A_2574 = vector.broadcast %and3A_2573 : i32 to vector<16xi32>
      %and3A_2575 = arith.andi %shift_right_logical3A_2572, %and3A_2574 : vector<16xi32>
      %eq3A_2576 = arith.constant 1 : i32
      %eq3A_2577 = vector.broadcast %eq3A_2576 : i32 to vector<16xi32>
      %eq3A_2578 = arith.cmpi eq, %and3A_2575, %eq3A_2577 : vector<16xi32>
      %add3A_2579 = arith.constant 24576 : i32
      %add3A_2580 = vector.broadcast %add3A_2579 : i32 to vector<16xi32>
      %add3A_2581 = arith.addi %and3A_1901, %add3A_2580 : vector<16xi32>
      %jit3A_2582 = arith.constant -1 : i32
      %broadcast_in_dim3A_2583 = vector.broadcast %jit3A_2582 : i32 to vector<16xi32>
      %select_n3A_2584 = arith.select %eq3A_2578, %add3A_2581, %broadcast_in_dim3A_2583 : vector<16xi1>, vector<16xi32>
      %swap3A_2585 = arith.constant 12 : i32
      %swap3A_2586 = arith.index_cast %swap3A_2585 : i32 to index
      %swap3A_2587 = arith.constant 96 : index
      %swap3A_2588 = tpu.vector_load %arg10[%swap3A_2586, %swap3A_2587] {strides = array<i32>} : memref<18x128xi32, #tpu.memory_space<vmem>>, vector<1x16xi32>,
      %swap3A_2589 = vector.shape_cast %swap3A_2588 : vector<1x16xi32> to vector<16xi32>
      %swap3A_2590 = vector.shape_cast %select_n3A_2584 : vector<16xi32> to vector<1x16xi32>
      tpu.vector_store %arg10[%swap3A_2586, %swap3A_2587], %swap3A_2590 {strides = array<i32>} : memref<18x128xi32, #tpu.memory_space<vmem>>, vector<1x16xi32>,
      %shift_right_logical3A_2591 = arith.constant 3 : i32
      %shift_right_logical3A_2592 = vector.broadcast %shift_right_logical3A_2591 : i32 to vector<16xi32>
      %shift_right_logical3A_2593 = arith.shrui %shift_right_logical3A_1915, %shift_right_logical3A_2592 : vector<16xi32>
      %and3A_2594 = arith.constant 1 : i32
      %and3A_2595 = vector.broadcast %and3A_2594 : i32 to vector<16xi32>
      %and3A_2596 = arith.andi %shift_right_logical3A_2593, %and3A_2595 : vector<16xi32>
      %eq3A_2597 = arith.constant 1 : i32
      %eq3A_2598 = vector.broadcast %eq3A_2597 : i32 to vector<16xi32>
      %eq3A_2599 = arith.cmpi eq, %and3A_2596, %eq3A_2598 : vector<16xi32>
      %add3A_2600 = arith.constant 24576 : i32
      %add3A_2601 = vector.broadcast %add3A_2600 : i32 to vector<16xi32>
      %add3A_2602 = arith.addi %and3A_1911, %add3A_2601 : vector<16xi32>
      %jit3A_2603 = arith.constant -1 : i32
      %broadcast_in_dim3A_2604 = vector.broadcast %jit3A_2603 : i32 to vector<16xi32>
      %select_n3A_2605 = arith.select %eq3A_2599, %add3A_2602, %broadcast_in_dim3A_2604 : vector<16xi1>, vector<16xi32>
      %swap3A_2606 = arith.constant 12 : i32
      %swap3A_2607 = arith.index_cast %swap3A_2606 : i32 to index
      %swap3A_2608 = arith.constant 112 : index
      %swap3A_2609 = tpu.vector_load %arg10[%swap3A_2607, %swap3A_2608] {strides = array<i32>} : memref<18x128xi32, #tpu.memory_space<vmem>>, vector<1x16xi32>,
      %swap3A_2610 = vector.shape_cast %swap3A_2609 : vector<1x16xi32> to vector<16xi32>
      %swap3A_2611 = vector.shape_cast %select_n3A_2605 : vector<16xi32> to vector<1x16xi32>
      tpu.vector_store %arg10[%swap3A_2607, %swap3A_2608], %swap3A_2611 {strides = array<i32>} : memref<18x128xi32, #tpu.memory_space<vmem>>, vector<1x16xi32>,
      %dma_start3A_2612 = arith.constant 12 : i32
      %dma_start3A_2613 = arith.constant 0 : i32
      %dma_start3A_2614 = tpu.memref_slice %arg10[%dma_start3A_2612, %dma_start3A_2613] : memref<18x128xi32, #tpu.memory_space<vmem>> -> memref<1x128xi32, #tpu.memory_space<vmem>>
      %dma_start3A_2615 = tpu.memref_squeeze %dma_start3A_2614 : memref<1x128xi32, #tpu.memory_space<vmem>> -> memref<128xi32, #tpu.memory_space<vmem>>
      %dma_start3A_2616 = arith.constant 0 : i32
      %dma_start3A_2617 = arith.constant 0 : i32
      %dma_start3A_2618 = tpu.memref_slice %arg16[%dma_start3A_2616, %dma_start3A_2617] : memref<73728x24xf32, #tpu.memory_space<vmem_shared>> -> memref<73728x24xf32, #tpu.memory_space<vmem_shared>>
      %dma_start3A_2619 = arith.constant -1 : i32
      tpu.enqueue_indirect_dma source(%arg7 : memref<128x24xf32, #tpu.memory_space<vmem>>) target(%dma_start3A_2618 : memref<73728x24xf32, #tpu.memory_space<vmem_shared>>) offsets(%dma_start3A_2615 : memref<128xi32, #tpu.memory_space<vmem>>) offset_filter(%dma_start3A_2619) semaphore(%arg15 : memref<!tpu.dma_semaphore, #tpu.memory_space<semaphore_mem>>) {add = true}
      %shift_right_logical3A_2620 = arith.constant 4 : i32
      %shift_right_logical3A_2621 = vector.broadcast %shift_right_logical3A_2620 : i32 to vector<16xi32>
      %shift_right_logical3A_2622 = arith.shrui %shift_right_logical3A_1845, %shift_right_logical3A_2621 : vector<16xi32>
      %and3A_2623 = arith.constant 1 : i32
      %and3A_2624 = vector.broadcast %and3A_2623 : i32 to vector<16xi32>
      %and3A_2625 = arith.andi %shift_right_logical3A_2622, %and3A_2624 : vector<16xi32>
      %eq3A_2626 = arith.constant 1 : i32
      %eq3A_2627 = vector.broadcast %eq3A_2626 : i32 to vector<16xi32>
      %eq3A_2628 = arith.cmpi eq, %and3A_2625, %eq3A_2627 : vector<16xi32>
      %add3A_2629 = arith.constant 32768 : i32
      %add3A_2630 = vector.broadcast %add3A_2629 : i32 to vector<16xi32>
      %add3A_2631 = arith.addi %and3A_1841, %add3A_2630 : vector<16xi32>
      %jit3A_2632 = arith.constant -1 : i32
      %broadcast_in_dim3A_2633 = vector.broadcast %jit3A_2632 : i32 to vector<16xi32>
      %select_n3A_2634 = arith.select %eq3A_2628, %add3A_2631, %broadcast_in_dim3A_2633 : vector<16xi1>, vector<16xi32>
      %swap3A_2635 = arith.constant 13 : i32
      %swap3A_2636 = arith.index_cast %swap3A_2635 : i32 to index
      %swap3A_2637 = arith.constant 0 : index
      %swap3A_2638 = tpu.vector_load %arg10[%swap3A_2636, %swap3A_2637] {strides = array<i32>} : memref<18x128xi32, #tpu.memory_space<vmem>>, vector<1x16xi32>,
      %swap3A_2639 = vector.shape_cast %swap3A_2638 : vector<1x16xi32> to vector<16xi32>
      %swap3A_2640 = vector.shape_cast %select_n3A_2634 : vector<16xi32> to vector<1x16xi32>
      tpu.vector_store %arg10[%swap3A_2636, %swap3A_2637], %swap3A_2640 {strides = array<i32>} : memref<18x128xi32, #tpu.memory_space<vmem>>, vector<1x16xi32>,
      %shift_right_logical3A_2641 = arith.constant 4 : i32
      %shift_right_logical3A_2642 = vector.broadcast %shift_right_logical3A_2641 : i32 to vector<16xi32>
      %shift_right_logical3A_2643 = arith.shrui %shift_right_logical3A_1855, %shift_right_logical3A_2642 : vector<16xi32>
      %and3A_2644 = arith.constant 1 : i32
      %and3A_2645 = vector.broadcast %and3A_2644 : i32 to vector<16xi32>
      %and3A_2646 = arith.andi %shift_right_logical3A_2643, %and3A_2645 : vector<16xi32>
      %eq3A_2647 = arith.constant 1 : i32
      %eq3A_2648 = vector.broadcast %eq3A_2647 : i32 to vector<16xi32>
      %eq3A_2649 = arith.cmpi eq, %and3A_2646, %eq3A_2648 : vector<16xi32>
      %add3A_2650 = arith.constant 32768 : i32
      %add3A_2651 = vector.broadcast %add3A_2650 : i32 to vector<16xi32>
      %add3A_2652 = arith.addi %and3A_1851, %add3A_2651 : vector<16xi32>
      %jit3A_2653 = arith.constant -1 : i32
      %broadcast_in_dim3A_2654 = vector.broadcast %jit3A_2653 : i32 to vector<16xi32>
      %select_n3A_2655 = arith.select %eq3A_2649, %add3A_2652, %broadcast_in_dim3A_2654 : vector<16xi1>, vector<16xi32>
      %swap3A_2656 = arith.constant 13 : i32
      %swap3A_2657 = arith.index_cast %swap3A_2656 : i32 to index
      %swap3A_2658 = arith.constant 16 : index
      %swap3A_2659 = tpu.vector_load %arg10[%swap3A_2657, %swap3A_2658] {strides = array<i32>} : memref<18x128xi32, #tpu.memory_space<vmem>>, vector<1x16xi32>,
      %swap3A_2660 = vector.shape_cast %swap3A_2659 : vector<1x16xi32> to vector<16xi32>
      %swap3A_2661 = vector.shape_cast %select_n3A_2655 : vector<16xi32> to vector<1x16xi32>
      tpu.vector_store %arg10[%swap3A_2657, %swap3A_2658], %swap3A_2661 {strides = array<i32>} : memref<18x128xi32, #tpu.memory_space<vmem>>, vector<1x16xi32>,
      %shift_right_logical3A_2662 = arith.constant 4 : i32
      %shift_right_logical3A_2663 = vector.broadcast %shift_right_logical3A_2662 : i32 to vector<16xi32>
      %shift_right_logical3A_2664 = arith.shrui %shift_right_logical3A_1865, %shift_right_logical3A_2663 : vector<16xi32>
      %and3A_2665 = arith.constant 1 : i32
      %and3A_2666 = vector.broadcast %and3A_2665 : i32 to vector<16xi32>
      %and3A_2667 = arith.andi %shift_right_logical3A_2664, %and3A_2666 : vector<16xi32>
      %eq3A_2668 = arith.constant 1 : i32
      %eq3A_2669 = vector.broadcast %eq3A_2668 : i32 to vector<16xi32>
      %eq3A_2670 = arith.cmpi eq, %and3A_2667, %eq3A_2669 : vector<16xi32>
      %add3A_2671 = arith.constant 32768 : i32
      %add3A_2672 = vector.broadcast %add3A_2671 : i32 to vector<16xi32>
      %add3A_2673 = arith.addi %and3A_1861, %add3A_2672 : vector<16xi32>
      %jit3A_2674 = arith.constant -1 : i32
      %broadcast_in_dim3A_2675 = vector.broadcast %jit3A_2674 : i32 to vector<16xi32>
      %select_n3A_2676 = arith.select %eq3A_2670, %add3A_2673, %broadcast_in_dim3A_2675 : vector<16xi1>, vector<16xi32>
      %swap3A_2677 = arith.constant 13 : i32
      %swap3A_2678 = arith.index_cast %swap3A_2677 : i32 to index
      %swap3A_2679 = arith.constant 32 : index
      %swap3A_2680 = tpu.vector_load %arg10[%swap3A_2678, %swap3A_2679] {strides = array<i32>} : memref<18x128xi32, #tpu.memory_space<vmem>>, vector<1x16xi32>,
      %swap3A_2681 = vector.shape_cast %swap3A_2680 : vector<1x16xi32> to vector<16xi32>
      %swap3A_2682 = vector.shape_cast %select_n3A_2676 : vector<16xi32> to vector<1x16xi32>
      tpu.vector_store %arg10[%swap3A_2678, %swap3A_2679], %swap3A_2682 {strides = array<i32>} : memref<18x128xi32, #tpu.memory_space<vmem>>, vector<1x16xi32>,
      %shift_right_logical3A_2683 = arith.constant 4 : i32
      %shift_right_logical3A_2684 = vector.broadcast %shift_right_logical3A_2683 : i32 to vector<16xi32>
      %shift_right_logical3A_2685 = arith.shrui %shift_right_logical3A_1875, %shift_right_logical3A_2684 : vector<16xi32>
      %and3A_2686 = arith.constant 1 : i32
      %and3A_2687 = vector.broadcast %and3A_2686 : i32 to vector<16xi32>
      %and3A_2688 = arith.andi %shift_right_logical3A_2685, %and3A_2687 : vector<16xi32>
      %eq3A_2689 = arith.constant 1 : i32
      %eq3A_2690 = vector.broadcast %eq3A_2689 : i32 to vector<16xi32>
      %eq3A_2691 = arith.cmpi eq, %and3A_2688, %eq3A_2690 : vector<16xi32>
      %add3A_2692 = arith.constant 32768 : i32
      %add3A_2693 = vector.broadcast %add3A_2692 : i32 to vector<16xi32>
      %add3A_2694 = arith.addi %and3A_1871, %add3A_2693 : vector<16xi32>
      %jit3A_2695 = arith.constant -1 : i32
      %broadcast_in_dim3A_2696 = vector.broadcast %jit3A_2695 : i32 to vector<16xi32>
      %select_n3A_2697 = arith.select %eq3A_2691, %add3A_2694, %broadcast_in_dim3A_2696 : vector<16xi1>, vector<16xi32>
      %swap3A_2698 = arith.constant 13 : i32
      %swap3A_2699 = arith.index_cast %swap3A_2698 : i32 to index
      %swap3A_2700 = arith.constant 48 : index
      %swap3A_2701 = tpu.vector_load %arg10[%swap3A_2699, %swap3A_2700] {strides = array<i32>} : memref<18x128xi32, #tpu.memory_space<vmem>>, vector<1x16xi32>,
      %swap3A_2702 = vector.shape_cast %swap3A_2701 : vector<1x16xi32> to vector<16xi32>
      %swap3A_2703 = vector.shape_cast %select_n3A_2697 : vector<16xi32> to vector<1x16xi32>
      tpu.vector_store %arg10[%swap3A_2699, %swap3A_2700], %swap3A_2703 {strides = array<i32>} : memref<18x128xi32, #tpu.memory_space<vmem>>, vector<1x16xi32>,
      %shift_right_logical3A_2704 = arith.constant 4 : i32
      %shift_right_logical3A_2705 = vector.broadcast %shift_right_logical3A_2704 : i32 to vector<16xi32>
      %shift_right_logical3A_2706 = arith.shrui %shift_right_logical3A_1885, %shift_right_logical3A_2705 : vector<16xi32>
      %and3A_2707 = arith.constant 1 : i32
      %and3A_2708 = vector.broadcast %and3A_2707 : i32 to vector<16xi32>
      %and3A_2709 = arith.andi %shift_right_logical3A_2706, %and3A_2708 : vector<16xi32>
      %eq3A_2710 = arith.constant 1 : i32
      %eq3A_2711 = vector.broadcast %eq3A_2710 : i32 to vector<16xi32>
      %eq3A_2712 = arith.cmpi eq, %and3A_2709, %eq3A_2711 : vector<16xi32>
      %add3A_2713 = arith.constant 32768 : i32
      %add3A_2714 = vector.broadcast %add3A_2713 : i32 to vector<16xi32>
      %add3A_2715 = arith.addi %and3A_1881, %add3A_2714 : vector<16xi32>
      %jit3A_2716 = arith.constant -1 : i32
      %broadcast_in_dim3A_2717 = vector.broadcast %jit3A_2716 : i32 to vector<16xi32>
      %select_n3A_2718 = arith.select %eq3A_2712, %add3A_2715, %broadcast_in_dim3A_2717 : vector<16xi1>, vector<16xi32>
      %swap3A_2719 = arith.constant 13 : i32
      %swap3A_2720 = arith.index_cast %swap3A_2719 : i32 to index
      %swap3A_2721 = arith.constant 64 : index
      %swap3A_2722 = tpu.vector_load %arg10[%swap3A_2720, %swap3A_2721] {strides = array<i32>} : memref<18x128xi32, #tpu.memory_space<vmem>>, vector<1x16xi32>,
      %swap3A_2723 = vector.shape_cast %swap3A_2722 : vector<1x16xi32> to vector<16xi32>
      %swap3A_2724 = vector.shape_cast %select_n3A_2718 : vector<16xi32> to vector<1x16xi32>
      tpu.vector_store %arg10[%swap3A_2720, %swap3A_2721], %swap3A_2724 {strides = array<i32>} : memref<18x128xi32, #tpu.memory_space<vmem>>, vector<1x16xi32>,
      %shift_right_logical3A_2725 = arith.constant 4 : i32
      %shift_right_logical3A_2726 = vector.broadcast %shift_right_logical3A_2725 : i32 to vector<16xi32>
      %shift_right_logical3A_2727 = arith.shrui %shift_right_logical3A_1895, %shift_right_logical3A_2726 : vector<16xi32>
      %and3A_2728 = arith.constant 1 : i32
      %and3A_2729 = vector.broadcast %and3A_2728 : i32 to vector<16xi32>
      %and3A_2730 = arith.andi %shift_right_logical3A_2727, %and3A_2729 : vector<16xi32>
      %eq3A_2731 = arith.constant 1 : i32
      %eq3A_2732 = vector.broadcast %eq3A_2731 : i32 to vector<16xi32>
      %eq3A_2733 = arith.cmpi eq, %and3A_2730, %eq3A_2732 : vector<16xi32>
      %add3A_2734 = arith.constant 32768 : i32
      %add3A_2735 = vector.broadcast %add3A_2734 : i32 to vector<16xi32>
      %add3A_2736 = arith.addi %and3A_1891, %add3A_2735 : vector<16xi32>
      %jit3A_2737 = arith.constant -1 : i32
      %broadcast_in_dim3A_2738 = vector.broadcast %jit3A_2737 : i32 to vector<16xi32>
      %select_n3A_2739 = arith.select %eq3A_2733, %add3A_2736, %broadcast_in_dim3A_2738 : vector<16xi1>, vector<16xi32>
      %swap3A_2740 = arith.constant 13 : i32
      %swap3A_2741 = arith.index_cast %swap3A_2740 : i32 to index
      %swap3A_2742 = arith.constant 80 : index
      %swap3A_2743 = tpu.vector_load %arg10[%swap3A_2741, %swap3A_2742] {strides = array<i32>} : memref<18x128xi32, #tpu.memory_space<vmem>>, vector<1x16xi32>,
      %swap3A_2744 = vector.shape_cast %swap3A_2743 : vector<1x16xi32> to vector<16xi32>
      %swap3A_2745 = vector.shape_cast %select_n3A_2739 : vector<16xi32> to vector<1x16xi32>
      tpu.vector_store %arg10[%swap3A_2741, %swap3A_2742], %swap3A_2745 {strides = array<i32>} : memref<18x128xi32, #tpu.memory_space<vmem>>, vector<1x16xi32>,
      %shift_right_logical3A_2746 = arith.constant 4 : i32
      %shift_right_logical3A_2747 = vector.broadcast %shift_right_logical3A_2746 : i32 to vector<16xi32>
      %shift_right_logical3A_2748 = arith.shrui %shift_right_logical3A_1905, %shift_right_logical3A_2747 : vector<16xi32>
      %and3A_2749 = arith.constant 1 : i32
      %and3A_2750 = vector.broadcast %and3A_2749 : i32 to vector<16xi32>
      %and3A_2751 = arith.andi %shift_right_logical3A_2748, %and3A_2750 : vector<16xi32>
      %eq3A_2752 = arith.constant 1 : i32
      %eq3A_2753 = vector.broadcast %eq3A_2752 : i32 to vector<16xi32>
      %eq3A_2754 = arith.cmpi eq, %and3A_2751, %eq3A_2753 : vector<16xi32>
      %add3A_2755 = arith.constant 32768 : i32
      %add3A_2756 = vector.broadcast %add3A_2755 : i32 to vector<16xi32>
      %add3A_2757 = arith.addi %and3A_1901, %add3A_2756 : vector<16xi32>
      %jit3A_2758 = arith.constant -1 : i32
      %broadcast_in_dim3A_2759 = vector.broadcast %jit3A_2758 : i32 to vector<16xi32>
      %select_n3A_2760 = arith.select %eq3A_2754, %add3A_2757, %broadcast_in_dim3A_2759 : vector<16xi1>, vector<16xi32>
      %swap3A_2761 = arith.constant 13 : i32
      %swap3A_2762 = arith.index_cast %swap3A_2761 : i32 to index
      %swap3A_2763 = arith.constant 96 : index
      %swap3A_2764 = tpu.vector_load %arg10[%swap3A_2762, %swap3A_2763] {strides = array<i32>} : memref<18x128xi32, #tpu.memory_space<vmem>>, vector<1x16xi32>,
      %swap3A_2765 = vector.shape_cast %swap3A_2764 : vector<1x16xi32> to vector<16xi32>
      %swap3A_2766 = vector.shape_cast %select_n3A_2760 : vector<16xi32> to vector<1x16xi32>
      tpu.vector_store %arg10[%swap3A_2762, %swap3A_2763], %swap3A_2766 {strides = array<i32>} : memref<18x128xi32, #tpu.memory_space<vmem>>, vector<1x16xi32>,
      %shift_right_logical3A_2767 = arith.constant 4 : i32
      %shift_right_logical3A_2768 = vector.broadcast %shift_right_logical3A_2767 : i32 to vector<16xi32>
      %shift_right_logical3A_2769 = arith.shrui %shift_right_logical3A_1915, %shift_right_logical3A_2768 : vector<16xi32>
      %and3A_2770 = arith.constant 1 : i32
      %and3A_2771 = vector.broadcast %and3A_2770 : i32 to vector<16xi32>
      %and3A_2772 = arith.andi %shift_right_logical3A_2769, %and3A_2771 : vector<16xi32>
      %eq3A_2773 = arith.constant 1 : i32
      %eq3A_2774 = vector.broadcast %eq3A_2773 : i32 to vector<16xi32>
      %eq3A_2775 = arith.cmpi eq, %and3A_2772, %eq3A_2774 : vector<16xi32>
      %add3A_2776 = arith.constant 32768 : i32
      %add3A_2777 = vector.broadcast %add3A_2776 : i32 to vector<16xi32>
      %add3A_2778 = arith.addi %and3A_1911, %add3A_2777 : vector<16xi32>
      %jit3A_2779 = arith.constant -1 : i32
      %broadcast_in_dim3A_2780 = vector.broadcast %jit3A_2779 : i32 to vector<16xi32>
      %select_n3A_2781 = arith.select %eq3A_2775, %add3A_2778, %broadcast_in_dim3A_2780 : vector<16xi1>, vector<16xi32>
      %swap3A_2782 = arith.constant 13 : i32
      %swap3A_2783 = arith.index_cast %swap3A_2782 : i32 to index
      %swap3A_2784 = arith.constant 112 : index
      %swap3A_2785 = tpu.vector_load %arg10[%swap3A_2783, %swap3A_2784] {strides = array<i32>} : memref<18x128xi32, #tpu.memory_space<vmem>>, vector<1x16xi32>,
      %swap3A_2786 = vector.shape_cast %swap3A_2785 : vector<1x16xi32> to vector<16xi32>
      %swap3A_2787 = vector.shape_cast %select_n3A_2781 : vector<16xi32> to vector<1x16xi32>
      tpu.vector_store %arg10[%swap3A_2783, %swap3A_2784], %swap3A_2787 {strides = array<i32>} : memref<18x128xi32, #tpu.memory_space<vmem>>, vector<1x16xi32>,
      %dma_start3A_2788 = arith.constant 13 : i32
      %dma_start3A_2789 = arith.constant 0 : i32
      %dma_start3A_2790 = tpu.memref_slice %arg10[%dma_start3A_2788, %dma_start3A_2789] : memref<18x128xi32, #tpu.memory_space<vmem>> -> memref<1x128xi32, #tpu.memory_space<vmem>>
      %dma_start3A_2791 = tpu.memref_squeeze %dma_start3A_2790 : memref<1x128xi32, #tpu.memory_space<vmem>> -> memref<128xi32, #tpu.memory_space<vmem>>
      %dma_start3A_2792 = arith.constant 0 : i32
      %dma_start3A_2793 = arith.constant 0 : i32
      %dma_start3A_2794 = tpu.memref_slice %arg16[%dma_start3A_2792, %dma_start3A_2793] : memref<73728x24xf32, #tpu.memory_space<vmem_shared>> -> memref<73728x24xf32, #tpu.memory_space<vmem_shared>>
      %dma_start3A_2795 = arith.constant -1 : i32
      tpu.enqueue_indirect_dma source(%arg7 : memref<128x24xf32, #tpu.memory_space<vmem>>) target(%dma_start3A_2794 : memref<73728x24xf32, #tpu.memory_space<vmem_shared>>) offsets(%dma_start3A_2791 : memref<128xi32, #tpu.memory_space<vmem>>) offset_filter(%dma_start3A_2795) semaphore(%arg15 : memref<!tpu.dma_semaphore, #tpu.memory_space<semaphore_mem>>) {add = true}
      %shift_right_logical3A_2796 = arith.constant 5 : i32
      %shift_right_logical3A_2797 = vector.broadcast %shift_right_logical3A_2796 : i32 to vector<16xi32>
      %shift_right_logical3A_2798 = arith.shrui %shift_right_logical3A_1845, %shift_right_logical3A_2797 : vector<16xi32>
      %and3A_2799 = arith.constant 1 : i32
      %and3A_2800 = vector.broadcast %and3A_2799 : i32 to vector<16xi32>
      %and3A_2801 = arith.andi %shift_right_logical3A_2798, %and3A_2800 : vector<16xi32>
      %eq3A_2802 = arith.constant 1 : i32
      %eq3A_2803 = vector.broadcast %eq3A_2802 : i32 to vector<16xi32>
      %eq3A_2804 = arith.cmpi eq, %and3A_2801, %eq3A_2803 : vector<16xi32>
      %add3A_2805 = arith.constant 40960 : i32
      %add3A_2806 = vector.broadcast %add3A_2805 : i32 to vector<16xi32>
      %add3A_2807 = arith.addi %and3A_1841, %add3A_2806 : vector<16xi32>
      %jit3A_2808 = arith.constant -1 : i32
      %broadcast_in_dim3A_2809 = vector.broadcast %jit3A_2808 : i32 to vector<16xi32>
      %select_n3A_2810 = arith.select %eq3A_2804, %add3A_2807, %broadcast_in_dim3A_2809 : vector<16xi1>, vector<16xi32>
      %swap3A_2811 = arith.constant 14 : i32
      %swap3A_2812 = arith.index_cast %swap3A_2811 : i32 to index
      %swap3A_2813 = arith.constant 0 : index
      %swap3A_2814 = tpu.vector_load %arg10[%swap3A_2812, %swap3A_2813] {strides = array<i32>} : memref<18x128xi32, #tpu.memory_space<vmem>>, vector<1x16xi32>,
      %swap3A_2815 = vector.shape_cast %swap3A_2814 : vector<1x16xi32> to vector<16xi32>
      %swap3A_2816 = vector.shape_cast %select_n3A_2810 : vector<16xi32> to vector<1x16xi32>
      tpu.vector_store %arg10[%swap3A_2812, %swap3A_2813], %swap3A_2816 {strides = array<i32>} : memref<18x128xi32, #tpu.memory_space<vmem>>, vector<1x16xi32>,
      %shift_right_logical3A_2817 = arith.constant 5 : i32
      %shift_right_logical3A_2818 = vector.broadcast %shift_right_logical3A_2817 : i32 to vector<16xi32>
      %shift_right_logical3A_2819 = arith.shrui %shift_right_logical3A_1855, %shift_right_logical3A_2818 : vector<16xi32>
      %and3A_2820 = arith.constant 1 : i32
      %and3A_2821 = vector.broadcast %and3A_2820 : i32 to vector<16xi32>
      %and3A_2822 = arith.andi %shift_right_logical3A_2819, %and3A_2821 : vector<16xi32>
      %eq3A_2823 = arith.constant 1 : i32
      %eq3A_2824 = vector.broadcast %eq3A_2823 : i32 to vector<16xi32>
      %eq3A_2825 = arith.cmpi eq, %and3A_2822, %eq3A_2824 : vector<16xi32>
      %add3A_2826 = arith.constant 40960 : i32
      %add3A_2827 = vector.broadcast %add3A_2826 : i32 to vector<16xi32>
      %add3A_2828 = arith.addi %and3A_1851, %add3A_2827 : vector<16xi32>
      %jit3A_2829 = arith.constant -1 : i32
      %broadcast_in_dim3A_2830 = vector.broadcast %jit3A_2829 : i32 to vector<16xi32>
      %select_n3A_2831 = arith.select %eq3A_2825, %add3A_2828, %broadcast_in_dim3A_2830 : vector<16xi1>, vector<16xi32>
      %swap3A_2832 = arith.constant 14 : i32
      %swap3A_2833 = arith.index_cast %swap3A_2832 : i32 to index
      %swap3A_2834 = arith.constant 16 : index
      %swap3A_2835 = tpu.vector_load %arg10[%swap3A_2833, %swap3A_2834] {strides = array<i32>} : memref<18x128xi32, #tpu.memory_space<vmem>>, vector<1x16xi32>,
      %swap3A_2836 = vector.shape_cast %swap3A_2835 : vector<1x16xi32> to vector<16xi32>
      %swap3A_2837 = vector.shape_cast %select_n3A_2831 : vector<16xi32> to vector<1x16xi32>
      tpu.vector_store %arg10[%swap3A_2833, %swap3A_2834], %swap3A_2837 {strides = array<i32>} : memref<18x128xi32, #tpu.memory_space<vmem>>, vector<1x16xi32>,
      %shift_right_logical3A_2838 = arith.constant 5 : i32
      %shift_right_logical3A_2839 = vector.broadcast %shift_right_logical3A_2838 : i32 to vector<16xi32>
      %shift_right_logical3A_2840 = arith.shrui %shift_right_logical3A_1865, %shift_right_logical3A_2839 : vector<16xi32>
      %and3A_2841 = arith.constant 1 : i32
      %and3A_2842 = vector.broadcast %and3A_2841 : i32 to vector<16xi32>
      %and3A_2843 = arith.andi %shift_right_logical3A_2840, %and3A_2842 : vector<16xi32>
      %eq3A_2844 = arith.constant 1 : i32
      %eq3A_2845 = vector.broadcast %eq3A_2844 : i32 to vector<16xi32>
      %eq3A_2846 = arith.cmpi eq, %and3A_2843, %eq3A_2845 : vector<16xi32>
      %add3A_2847 = arith.constant 40960 : i32
      %add3A_2848 = vector.broadcast %add3A_2847 : i32 to vector<16xi32>
      %add3A_2849 = arith.addi %and3A_1861, %add3A_2848 : vector<16xi32>
      %jit3A_2850 = arith.constant -1 : i32
      %broadcast_in_dim3A_2851 = vector.broadcast %jit3A_2850 : i32 to vector<16xi32>
      %select_n3A_2852 = arith.select %eq3A_2846, %add3A_2849, %broadcast_in_dim3A_2851 : vector<16xi1>, vector<16xi32>
      %swap3A_2853 = arith.constant 14 : i32
      %swap3A_2854 = arith.index_cast %swap3A_2853 : i32 to index
      %swap3A_2855 = arith.constant 32 : index
      %swap3A_2856 = tpu.vector_load %arg10[%swap3A_2854, %swap3A_2855] {strides = array<i32>} : memref<18x128xi32, #tpu.memory_space<vmem>>, vector<1x16xi32>,
      %swap3A_2857 = vector.shape_cast %swap3A_2856 : vector<1x16xi32> to vector<16xi32>
      %swap3A_2858 = vector.shape_cast %select_n3A_2852 : vector<16xi32> to vector<1x16xi32>
      tpu.vector_store %arg10[%swap3A_2854, %swap3A_2855], %swap3A_2858 {strides = array<i32>} : memref<18x128xi32, #tpu.memory_space<vmem>>, vector<1x16xi32>,
      %shift_right_logical3A_2859 = arith.constant 5 : i32
      %shift_right_logical3A_2860 = vector.broadcast %shift_right_logical3A_2859 : i32 to vector<16xi32>
      %shift_right_logical3A_2861 = arith.shrui %shift_right_logical3A_1875, %shift_right_logical3A_2860 : vector<16xi32>
      %and3A_2862 = arith.constant 1 : i32
      %and3A_2863 = vector.broadcast %and3A_2862 : i32 to vector<16xi32>
      %and3A_2864 = arith.andi %shift_right_logical3A_2861, %and3A_2863 : vector<16xi32>
      %eq3A_2865 = arith.constant 1 : i32
      %eq3A_2866 = vector.broadcast %eq3A_2865 : i32 to vector<16xi32>
      %eq3A_2867 = arith.cmpi eq, %and3A_2864, %eq3A_2866 : vector<16xi32>
      %add3A_2868 = arith.constant 40960 : i32
      %add3A_2869 = vector.broadcast %add3A_2868 : i32 to vector<16xi32>
      %add3A_2870 = arith.addi %and3A_1871, %add3A_2869 : vector<16xi32>
      %jit3A_2871 = arith.constant -1 : i32
      %broadcast_in_dim3A_2872 = vector.broadcast %jit3A_2871 : i32 to vector<16xi32>
      %select_n3A_2873 = arith.select %eq3A_2867, %add3A_2870, %broadcast_in_dim3A_2872 : vector<16xi1>, vector<16xi32>
      %swap3A_2874 = arith.constant 14 : i32
      %swap3A_2875 = arith.index_cast %swap3A_2874 : i32 to index
      %swap3A_2876 = arith.constant 48 : index
      %swap3A_2877 = tpu.vector_load %arg10[%swap3A_2875, %swap3A_2876] {strides = array<i32>} : memref<18x128xi32, #tpu.memory_space<vmem>>, vector<1x16xi32>,
      %swap3A_2878 = vector.shape_cast %swap3A_2877 : vector<1x16xi32> to vector<16xi32>
      %swap3A_2879 = vector.shape_cast %select_n3A_2873 : vector<16xi32> to vector<1x16xi32>
      tpu.vector_store %arg10[%swap3A_2875, %swap3A_2876], %swap3A_2879 {strides = array<i32>} : memref<18x128xi32, #tpu.memory_space<vmem>>, vector<1x16xi32>,
      %shift_right_logical3A_2880 = arith.constant 5 : i32
      %shift_right_logical3A_2881 = vector.broadcast %shift_right_logical3A_2880 : i32 to vector<16xi32>
      %shift_right_logical3A_2882 = arith.shrui %shift_right_logical3A_1885, %shift_right_logical3A_2881 : vector<16xi32>
      %and3A_2883 = arith.constant 1 : i32
      %and3A_2884 = vector.broadcast %and3A_2883 : i32 to vector<16xi32>
      %and3A_2885 = arith.andi %shift_right_logical3A_2882, %and3A_2884 : vector<16xi32>
      %eq3A_2886 = arith.constant 1 : i32
      %eq3A_2887 = vector.broadcast %eq3A_2886 : i32 to vector<16xi32>
      %eq3A_2888 = arith.cmpi eq, %and3A_2885, %eq3A_2887 : vector<16xi32>
      %add3A_2889 = arith.constant 40960 : i32
      %add3A_2890 = vector.broadcast %add3A_2889 : i32 to vector<16xi32>
      %add3A_2891 = arith.addi %and3A_1881, %add3A_2890 : vector<16xi32>
      %jit3A_2892 = arith.constant -1 : i32
      %broadcast_in_dim3A_2893 = vector.broadcast %jit3A_2892 : i32 to vector<16xi32>
      %select_n3A_2894 = arith.select %eq3A_2888, %add3A_2891, %broadcast_in_dim3A_2893 : vector<16xi1>, vector<16xi32>
      %swap3A_2895 = arith.constant 14 : i32
      %swap3A_2896 = arith.index_cast %swap3A_2895 : i32 to index
      %swap3A_2897 = arith.constant 64 : index
      %swap3A_2898 = tpu.vector_load %arg10[%swap3A_2896, %swap3A_2897] {strides = array<i32>} : memref<18x128xi32, #tpu.memory_space<vmem>>, vector<1x16xi32>,
      %swap3A_2899 = vector.shape_cast %swap3A_2898 : vector<1x16xi32> to vector<16xi32>
      %swap3A_2900 = vector.shape_cast %select_n3A_2894 : vector<16xi32> to vector<1x16xi32>
      tpu.vector_store %arg10[%swap3A_2896, %swap3A_2897], %swap3A_2900 {strides = array<i32>} : memref<18x128xi32, #tpu.memory_space<vmem>>, vector<1x16xi32>,
      %shift_right_logical3A_2901 = arith.constant 5 : i32
      %shift_right_logical3A_2902 = vector.broadcast %shift_right_logical3A_2901 : i32 to vector<16xi32>
      %shift_right_logical3A_2903 = arith.shrui %shift_right_logical3A_1895, %shift_right_logical3A_2902 : vector<16xi32>
      %and3A_2904 = arith.constant 1 : i32
      %and3A_2905 = vector.broadcast %and3A_2904 : i32 to vector<16xi32>
      %and3A_2906 = arith.andi %shift_right_logical3A_2903, %and3A_2905 : vector<16xi32>
      %eq3A_2907 = arith.constant 1 : i32
      %eq3A_2908 = vector.broadcast %eq3A_2907 : i32 to vector<16xi32>
      %eq3A_2909 = arith.cmpi eq, %and3A_2906, %eq3A_2908 : vector<16xi32>
      %add3A_2910 = arith.constant 40960 : i32
      %add3A_2911 = vector.broadcast %add3A_2910 : i32 to vector<16xi32>
      %add3A_2912 = arith.addi %and3A_1891, %add3A_2911 : vector<16xi32>
      %jit3A_2913 = arith.constant -1 : i32
      %broadcast_in_dim3A_2914 = vector.broadcast %jit3A_2913 : i32 to vector<16xi32>
      %select_n3A_2915 = arith.select %eq3A_2909, %add3A_2912, %broadcast_in_dim3A_2914 : vector<16xi1>, vector<16xi32>
      %swap3A_2916 = arith.constant 14 : i32
      %swap3A_2917 = arith.index_cast %swap3A_2916 : i32 to index
      %swap3A_2918 = arith.constant 80 : index
      %swap3A_2919 = tpu.vector_load %arg10[%swap3A_2917, %swap3A_2918] {strides = array<i32>} : memref<18x128xi32, #tpu.memory_space<vmem>>, vector<1x16xi32>,
      %swap3A_2920 = vector.shape_cast %swap3A_2919 : vector<1x16xi32> to vector<16xi32>
      %swap3A_2921 = vector.shape_cast %select_n3A_2915 : vector<16xi32> to vector<1x16xi32>
      tpu.vector_store %arg10[%swap3A_2917, %swap3A_2918], %swap3A_2921 {strides = array<i32>} : memref<18x128xi32, #tpu.memory_space<vmem>>, vector<1x16xi32>,
      %shift_right_logical3A_2922 = arith.constant 5 : i32
      %shift_right_logical3A_2923 = vector.broadcast %shift_right_logical3A_2922 : i32 to vector<16xi32>
      %shift_right_logical3A_2924 = arith.shrui %shift_right_logical3A_1905, %shift_right_logical3A_2923 : vector<16xi32>
      %and3A_2925 = arith.constant 1 : i32
      %and3A_2926 = vector.broadcast %and3A_2925 : i32 to vector<16xi32>
      %and3A_2927 = arith.andi %shift_right_logical3A_2924, %and3A_2926 : vector<16xi32>
      %eq3A_2928 = arith.constant 1 : i32
      %eq3A_2929 = vector.broadcast %eq3A_2928 : i32 to vector<16xi32>
      %eq3A_2930 = arith.cmpi eq, %and3A_2927, %eq3A_2929 : vector<16xi32>
      %add3A_2931 = arith.constant 40960 : i32
      %add3A_2932 = vector.broadcast %add3A_2931 : i32 to vector<16xi32>
      %add3A_2933 = arith.addi %and3A_1901, %add3A_2932 : vector<16xi32>
      %jit3A_2934 = arith.constant -1 : i32
      %broadcast_in_dim3A_2935 = vector.broadcast %jit3A_2934 : i32 to vector<16xi32>
      %select_n3A_2936 = arith.select %eq3A_2930, %add3A_2933, %broadcast_in_dim3A_2935 : vector<16xi1>, vector<16xi32>
      %swap3A_2937 = arith.constant 14 : i32
      %swap3A_2938 = arith.index_cast %swap3A_2937 : i32 to index
      %swap3A_2939 = arith.constant 96 : index
      %swap3A_2940 = tpu.vector_load %arg10[%swap3A_2938, %swap3A_2939] {strides = array<i32>} : memref<18x128xi32, #tpu.memory_space<vmem>>, vector<1x16xi32>,
      %swap3A_2941 = vector.shape_cast %swap3A_2940 : vector<1x16xi32> to vector<16xi32>
      %swap3A_2942 = vector.shape_cast %select_n3A_2936 : vector<16xi32> to vector<1x16xi32>
      tpu.vector_store %arg10[%swap3A_2938, %swap3A_2939], %swap3A_2942 {strides = array<i32>} : memref<18x128xi32, #tpu.memory_space<vmem>>, vector<1x16xi32>,
      %shift_right_logical3A_2943 = arith.constant 5 : i32
      %shift_right_logical3A_2944 = vector.broadcast %shift_right_logical3A_2943 : i32 to vector<16xi32>
      %shift_right_logical3A_2945 = arith.shrui %shift_right_logical3A_1915, %shift_right_logical3A_2944 : vector<16xi32>
      %and3A_2946 = arith.constant 1 : i32
      %and3A_2947 = vector.broadcast %and3A_2946 : i32 to vector<16xi32>
      %and3A_2948 = arith.andi %shift_right_logical3A_2945, %and3A_2947 : vector<16xi32>
      %eq3A_2949 = arith.constant 1 : i32
      %eq3A_2950 = vector.broadcast %eq3A_2949 : i32 to vector<16xi32>
      %eq3A_2951 = arith.cmpi eq, %and3A_2948, %eq3A_2950 : vector<16xi32>
      %add3A_2952 = arith.constant 40960 : i32
      %add3A_2953 = vector.broadcast %add3A_2952 : i32 to vector<16xi32>
      %add3A_2954 = arith.addi %and3A_1911, %add3A_2953 : vector<16xi32>
      %jit3A_2955 = arith.constant -1 : i32
      %broadcast_in_dim3A_2956 = vector.broadcast %jit3A_2955 : i32 to vector<16xi32>
      %select_n3A_2957 = arith.select %eq3A_2951, %add3A_2954, %broadcast_in_dim3A_2956 : vector<16xi1>, vector<16xi32>
      %swap3A_2958 = arith.constant 14 : i32
      %swap3A_2959 = arith.index_cast %swap3A_2958 : i32 to index
      %swap3A_2960 = arith.constant 112 : index
      %swap3A_2961 = tpu.vector_load %arg10[%swap3A_2959, %swap3A_2960] {strides = array<i32>} : memref<18x128xi32, #tpu.memory_space<vmem>>, vector<1x16xi32>,
      %swap3A_2962 = vector.shape_cast %swap3A_2961 : vector<1x16xi32> to vector<16xi32>
      %swap3A_2963 = vector.shape_cast %select_n3A_2957 : vector<16xi32> to vector<1x16xi32>
      tpu.vector_store %arg10[%swap3A_2959, %swap3A_2960], %swap3A_2963 {strides = array<i32>} : memref<18x128xi32, #tpu.memory_space<vmem>>, vector<1x16xi32>,
      %dma_start3A_2964 = arith.constant 14 : i32
      %dma_start3A_2965 = arith.constant 0 : i32
      %dma_start3A_2966 = tpu.memref_slice %arg10[%dma_start3A_2964, %dma_start3A_2965] : memref<18x128xi32, #tpu.memory_space<vmem>> -> memref<1x128xi32, #tpu.memory_space<vmem>>
      %dma_start3A_2967 = tpu.memref_squeeze %dma_start3A_2966 : memref<1x128xi32, #tpu.memory_space<vmem>> -> memref<128xi32, #tpu.memory_space<vmem>>
      %dma_start3A_2968 = arith.constant 0 : i32
      %dma_start3A_2969 = arith.constant 0 : i32
      %dma_start3A_2970 = tpu.memref_slice %arg16[%dma_start3A_2968, %dma_start3A_2969] : memref<73728x24xf32, #tpu.memory_space<vmem_shared>> -> memref<73728x24xf32, #tpu.memory_space<vmem_shared>>
      %dma_start3A_2971 = arith.constant -1 : i32
      tpu.enqueue_indirect_dma source(%arg7 : memref<128x24xf32, #tpu.memory_space<vmem>>) target(%dma_start3A_2970 : memref<73728x24xf32, #tpu.memory_space<vmem_shared>>) offsets(%dma_start3A_2967 : memref<128xi32, #tpu.memory_space<vmem>>) offset_filter(%dma_start3A_2971) semaphore(%arg15 : memref<!tpu.dma_semaphore, #tpu.memory_space<semaphore_mem>>) {add = true}
      %shift_right_logical3A_2972 = arith.constant 6 : i32
      %shift_right_logical3A_2973 = vector.broadcast %shift_right_logical3A_2972 : i32 to vector<16xi32>
      %shift_right_logical3A_2974 = arith.shrui %shift_right_logical3A_1845, %shift_right_logical3A_2973 : vector<16xi32>
      %and3A_2975 = arith.constant 1 : i32
      %and3A_2976 = vector.broadcast %and3A_2975 : i32 to vector<16xi32>
      %and3A_2977 = arith.andi %shift_right_logical3A_2974, %and3A_2976 : vector<16xi32>
      %eq3A_2978 = arith.constant 1 : i32
      %eq3A_2979 = vector.broadcast %eq3A_2978 : i32 to vector<16xi32>
      %eq3A_2980 = arith.cmpi eq, %and3A_2977, %eq3A_2979 : vector<16xi32>
      %add3A_2981 = arith.constant 49152 : i32
      %add3A_2982 = vector.broadcast %add3A_2981 : i32 to vector<16xi32>
      %add3A_2983 = arith.addi %and3A_1841, %add3A_2982 : vector<16xi32>
      %jit3A_2984 = arith.constant -1 : i32
      %broadcast_in_dim3A_2985 = vector.broadcast %jit3A_2984 : i32 to vector<16xi32>
      %select_n3A_2986 = arith.select %eq3A_2980, %add3A_2983, %broadcast_in_dim3A_2985 : vector<16xi1>, vector<16xi32>
      %swap3A_2987 = arith.constant 15 : i32
      %swap3A_2988 = arith.index_cast %swap3A_2987 : i32 to index
      %swap3A_2989 = arith.constant 0 : index
      %swap3A_2990 = tpu.vector_load %arg10[%swap3A_2988, %swap3A_2989] {strides = array<i32>} : memref<18x128xi32, #tpu.memory_space<vmem>>, vector<1x16xi32>,
      %swap3A_2991 = vector.shape_cast %swap3A_2990 : vector<1x16xi32> to vector<16xi32>
      %swap3A_2992 = vector.shape_cast %select_n3A_2986 : vector<16xi32> to vector<1x16xi32>
      tpu.vector_store %arg10[%swap3A_2988, %swap3A_2989], %swap3A_2992 {strides = array<i32>} : memref<18x128xi32, #tpu.memory_space<vmem>>, vector<1x16xi32>,
      %shift_right_logical3A_2993 = arith.constant 6 : i32
      %shift_right_logical3A_2994 = vector.broadcast %shift_right_logical3A_2993 : i32 to vector<16xi32>
      %shift_right_logical3A_2995 = arith.shrui %shift_right_logical3A_1855, %shift_right_logical3A_2994 : vector<16xi32>
      %and3A_2996 = arith.constant 1 : i32
      %and3A_2997 = vector.broadcast %and3A_2996 : i32 to vector<16xi32>
      %and3A_2998 = arith.andi %shift_right_logical3A_2995, %and3A_2997 : vector<16xi32>
      %eq3A_2999 = arith.constant 1 : i32
      %eq3A_3000 = vector.broadcast %eq3A_2999 : i32 to vector<16xi32>
      %eq3A_3001 = arith.cmpi eq, %and3A_2998, %eq3A_3000 : vector<16xi32>
      %add3A_3002 = arith.constant 49152 : i32
      %add3A_3003 = vector.broadcast %add3A_3002 : i32 to vector<16xi32>
      %add3A_3004 = arith.addi %and3A_1851, %add3A_3003 : vector<16xi32>
      %jit3A_3005 = arith.constant -1 : i32
      %broadcast_in_dim3A_3006 = vector.broadcast %jit3A_3005 : i32 to vector<16xi32>
      %select_n3A_3007 = arith.select %eq3A_3001, %add3A_3004, %broadcast_in_dim3A_3006 : vector<16xi1>, vector<16xi32>
      %swap3A_3008 = arith.constant 15 : i32
      %swap3A_3009 = arith.index_cast %swap3A_3008 : i32 to index
      %swap3A_3010 = arith.constant 16 : index
      %swap3A_3011 = tpu.vector_load %arg10[%swap3A_3009, %swap3A_3010] {strides = array<i32>} : memref<18x128xi32, #tpu.memory_space<vmem>>, vector<1x16xi32>,
      %swap3A_3012 = vector.shape_cast %swap3A_3011 : vector<1x16xi32> to vector<16xi32>
      %swap3A_3013 = vector.shape_cast %select_n3A_3007 : vector<16xi32> to vector<1x16xi32>
      tpu.vector_store %arg10[%swap3A_3009, %swap3A_3010], %swap3A_3013 {strides = array<i32>} : memref<18x128xi32, #tpu.memory_space<vmem>>, vector<1x16xi32>,
      %shift_right_logical3A_3014 = arith.constant 6 : i32
      %shift_right_logical3A_3015 = vector.broadcast %shift_right_logical3A_3014 : i32 to vector<16xi32>
      %shift_right_logical3A_3016 = arith.shrui %shift_right_logical3A_1865, %shift_right_logical3A_3015 : vector<16xi32>
      %and3A_3017 = arith.constant 1 : i32
      %and3A_3018 = vector.broadcast %and3A_3017 : i32 to vector<16xi32>
      %and3A_3019 = arith.andi %shift_right_logical3A_3016, %and3A_3018 : vector<16xi32>
      %eq3A_3020 = arith.constant 1 : i32
      %eq3A_3021 = vector.broadcast %eq3A_3020 : i32 to vector<16xi32>
      %eq3A_3022 = arith.cmpi eq, %and3A_3019, %eq3A_3021 : vector<16xi32>
      %add3A_3023 = arith.constant 49152 : i32
      %add3A_3024 = vector.broadcast %add3A_3023 : i32 to vector<16xi32>
      %add3A_3025 = arith.addi %and3A_1861, %add3A_3024 : vector<16xi32>
      %jit3A_3026 = arith.constant -1 : i32
      %broadcast_in_dim3A_3027 = vector.broadcast %jit3A_3026 : i32 to vector<16xi32>
      %select_n3A_3028 = arith.select %eq3A_3022, %add3A_3025, %broadcast_in_dim3A_3027 : vector<16xi1>, vector<16xi32>
      %swap3A_3029 = arith.constant 15 : i32
      %swap3A_3030 = arith.index_cast %swap3A_3029 : i32 to index
      %swap3A_3031 = arith.constant 32 : index
      %swap3A_3032 = tpu.vector_load %arg10[%swap3A_3030, %swap3A_3031] {strides = array<i32>} : memref<18x128xi32, #tpu.memory_space<vmem>>, vector<1x16xi32>,
      %swap3A_3033 = vector.shape_cast %swap3A_3032 : vector<1x16xi32> to vector<16xi32>
      %swap3A_3034 = vector.shape_cast %select_n3A_3028 : vector<16xi32> to vector<1x16xi32>
      tpu.vector_store %arg10[%swap3A_3030, %swap3A_3031], %swap3A_3034 {strides = array<i32>} : memref<18x128xi32, #tpu.memory_space<vmem>>, vector<1x16xi32>,
      %shift_right_logical3A_3035 = arith.constant 6 : i32
      %shift_right_logical3A_3036 = vector.broadcast %shift_right_logical3A_3035 : i32 to vector<16xi32>
      %shift_right_logical3A_3037 = arith.shrui %shift_right_logical3A_1875, %shift_right_logical3A_3036 : vector<16xi32>
      %and3A_3038 = arith.constant 1 : i32
      %and3A_3039 = vector.broadcast %and3A_3038 : i32 to vector<16xi32>
      %and3A_3040 = arith.andi %shift_right_logical3A_3037, %and3A_3039 : vector<16xi32>
      %eq3A_3041 = arith.constant 1 : i32
      %eq3A_3042 = vector.broadcast %eq3A_3041 : i32 to vector<16xi32>
      %eq3A_3043 = arith.cmpi eq, %and3A_3040, %eq3A_3042 : vector<16xi32>
      %add3A_3044 = arith.constant 49152 : i32
      %add3A_3045 = vector.broadcast %add3A_3044 : i32 to vector<16xi32>
      %add3A_3046 = arith.addi %and3A_1871, %add3A_3045 : vector<16xi32>
      %jit3A_3047 = arith.constant -1 : i32
      %broadcast_in_dim3A_3048 = vector.broadcast %jit3A_3047 : i32 to vector<16xi32>
      %select_n3A_3049 = arith.select %eq3A_3043, %add3A_3046, %broadcast_in_dim3A_3048 : vector<16xi1>, vector<16xi32>
      %swap3A_3050 = arith.constant 15 : i32
      %swap3A_3051 = arith.index_cast %swap3A_3050 : i32 to index
      %swap3A_3052 = arith.constant 48 : index
      %swap3A_3053 = tpu.vector_load %arg10[%swap3A_3051, %swap3A_3052] {strides = array<i32>} : memref<18x128xi32, #tpu.memory_space<vmem>>, vector<1x16xi32>,
      %swap3A_3054 = vector.shape_cast %swap3A_3053 : vector<1x16xi32> to vector<16xi32>
      %swap3A_3055 = vector.shape_cast %select_n3A_3049 : vector<16xi32> to vector<1x16xi32>
      tpu.vector_store %arg10[%swap3A_3051, %swap3A_3052], %swap3A_3055 {strides = array<i32>} : memref<18x128xi32, #tpu.memory_space<vmem>>, vector<1x16xi32>,
      %shift_right_logical3A_3056 = arith.constant 6 : i32
      %shift_right_logical3A_3057 = vector.broadcast %shift_right_logical3A_3056 : i32 to vector<16xi32>
      %shift_right_logical3A_3058 = arith.shrui %shift_right_logical3A_1885, %shift_right_logical3A_3057 : vector<16xi32>
      %and3A_3059 = arith.constant 1 : i32
      %and3A_3060 = vector.broadcast %and3A_3059 : i32 to vector<16xi32>
      %and3A_3061 = arith.andi %shift_right_logical3A_3058, %and3A_3060 : vector<16xi32>
      %eq3A_3062 = arith.constant 1 : i32
      %eq3A_3063 = vector.broadcast %eq3A_3062 : i32 to vector<16xi32>
      %eq3A_3064 = arith.cmpi eq, %and3A_3061, %eq3A_3063 : vector<16xi32>
      %add3A_3065 = arith.constant 49152 : i32
      %add3A_3066 = vector.broadcast %add3A_3065 : i32 to vector<16xi32>
      %add3A_3067 = arith.addi %and3A_1881, %add3A_3066 : vector<16xi32>
      %jit3A_3068 = arith.constant -1 : i32
      %broadcast_in_dim3A_3069 = vector.broadcast %jit3A_3068 : i32 to vector<16xi32>
      %select_n3A_3070 = arith.select %eq3A_3064, %add3A_3067, %broadcast_in_dim3A_3069 : vector<16xi1>, vector<16xi32>
      %swap3A_3071 = arith.constant 15 : i32
      %swap3A_3072 = arith.index_cast %swap3A_3071 : i32 to index
      %swap3A_3073 = arith.constant 64 : index
      %swap3A_3074 = tpu.vector_load %arg10[%swap3A_3072, %swap3A_3073] {strides = array<i32>} : memref<18x128xi32, #tpu.memory_space<vmem>>, vector<1x16xi32>,
      %swap3A_3075 = vector.shape_cast %swap3A_3074 : vector<1x16xi32> to vector<16xi32>
      %swap3A_3076 = vector.shape_cast %select_n3A_3070 : vector<16xi32> to vector<1x16xi32>
      tpu.vector_store %arg10[%swap3A_3072, %swap3A_3073], %swap3A_3076 {strides = array<i32>} : memref<18x128xi32, #tpu.memory_space<vmem>>, vector<1x16xi32>,
      %shift_right_logical3A_3077 = arith.constant 6 : i32
      %shift_right_logical3A_3078 = vector.broadcast %shift_right_logical3A_3077 : i32 to vector<16xi32>
      %shift_right_logical3A_3079 = arith.shrui %shift_right_logical3A_1895, %shift_right_logical3A_3078 : vector<16xi32>
      %and3A_3080 = arith.constant 1 : i32
      %and3A_3081 = vector.broadcast %and3A_3080 : i32 to vector<16xi32>
      %and3A_3082 = arith.andi %shift_right_logical3A_3079, %and3A_3081 : vector<16xi32>
      %eq3A_3083 = arith.constant 1 : i32
      %eq3A_3084 = vector.broadcast %eq3A_3083 : i32 to vector<16xi32>
      %eq3A_3085 = arith.cmpi eq, %and3A_3082, %eq3A_3084 : vector<16xi32>
      %add3A_3086 = arith.constant 49152 : i32
      %add3A_3087 = vector.broadcast %add3A_3086 : i32 to vector<16xi32>
      %add3A_3088 = arith.addi %and3A_1891, %add3A_3087 : vector<16xi32>
      %jit3A_3089 = arith.constant -1 : i32
      %broadcast_in_dim3A_3090 = vector.broadcast %jit3A_3089 : i32 to vector<16xi32>
      %select_n3A_3091 = arith.select %eq3A_3085, %add3A_3088, %broadcast_in_dim3A_3090 : vector<16xi1>, vector<16xi32>
      %swap3A_3092 = arith.constant 15 : i32
      %swap3A_3093 = arith.index_cast %swap3A_3092 : i32 to index
      %swap3A_3094 = arith.constant 80 : index
      %swap3A_3095 = tpu.vector_load %arg10[%swap3A_3093, %swap3A_3094] {strides = array<i32>} : memref<18x128xi32, #tpu.memory_space<vmem>>, vector<1x16xi32>,
      %swap3A_3096 = vector.shape_cast %swap3A_3095 : vector<1x16xi32> to vector<16xi32>
      %swap3A_3097 = vector.shape_cast %select_n3A_3091 : vector<16xi32> to vector<1x16xi32>
      tpu.vector_store %arg10[%swap3A_3093, %swap3A_3094], %swap3A_3097 {strides = array<i32>} : memref<18x128xi32, #tpu.memory_space<vmem>>, vector<1x16xi32>,
      %shift_right_logical3A_3098 = arith.constant 6 : i32
      %shift_right_logical3A_3099 = vector.broadcast %shift_right_logical3A_3098 : i32 to vector<16xi32>
      %shift_right_logical3A_3100 = arith.shrui %shift_right_logical3A_1905, %shift_right_logical3A_3099 : vector<16xi32>
      %and3A_3101 = arith.constant 1 : i32
      %and3A_3102 = vector.broadcast %and3A_3101 : i32 to vector<16xi32>
      %and3A_3103 = arith.andi %shift_right_logical3A_3100, %and3A_3102 : vector<16xi32>
      %eq3A_3104 = arith.constant 1 : i32
      %eq3A_3105 = vector.broadcast %eq3A_3104 : i32 to vector<16xi32>
      %eq3A_3106 = arith.cmpi eq, %and3A_3103, %eq3A_3105 : vector<16xi32>
      %add3A_3107 = arith.constant 49152 : i32
      %add3A_3108 = vector.broadcast %add3A_3107 : i32 to vector<16xi32>
      %add3A_3109 = arith.addi %and3A_1901, %add3A_3108 : vector<16xi32>
      %jit3A_3110 = arith.constant -1 : i32
      %broadcast_in_dim3A_3111 = vector.broadcast %jit3A_3110 : i32 to vector<16xi32>
      %select_n3A_3112 = arith.select %eq3A_3106, %add3A_3109, %broadcast_in_dim3A_3111 : vector<16xi1>, vector<16xi32>
      %swap3A_3113 = arith.constant 15 : i32
      %swap3A_3114 = arith.index_cast %swap3A_3113 : i32 to index
      %swap3A_3115 = arith.constant 96 : index
      %swap3A_3116 = tpu.vector_load %arg10[%swap3A_3114, %swap3A_3115] {strides = array<i32>} : memref<18x128xi32, #tpu.memory_space<vmem>>, vector<1x16xi32>,
      %swap3A_3117 = vector.shape_cast %swap3A_3116 : vector<1x16xi32> to vector<16xi32>
      %swap3A_3118 = vector.shape_cast %select_n3A_3112 : vector<16xi32> to vector<1x16xi32>
      tpu.vector_store %arg10[%swap3A_3114, %swap3A_3115], %swap3A_3118 {strides = array<i32>} : memref<18x128xi32, #tpu.memory_space<vmem>>, vector<1x16xi32>,
      %shift_right_logical3A_3119 = arith.constant 6 : i32
      %shift_right_logical3A_3120 = vector.broadcast %shift_right_logical3A_3119 : i32 to vector<16xi32>
      %shift_right_logical3A_3121 = arith.shrui %shift_right_logical3A_1915, %shift_right_logical3A_3120 : vector<16xi32>
      %and3A_3122 = arith.constant 1 : i32
      %and3A_3123 = vector.broadcast %and3A_3122 : i32 to vector<16xi32>
      %and3A_3124 = arith.andi %shift_right_logical3A_3121, %and3A_3123 : vector<16xi32>
      %eq3A_3125 = arith.constant 1 : i32
      %eq3A_3126 = vector.broadcast %eq3A_3125 : i32 to vector<16xi32>
      %eq3A_3127 = arith.cmpi eq, %and3A_3124, %eq3A_3126 : vector<16xi32>
      %add3A_3128 = arith.constant 49152 : i32
      %add3A_3129 = vector.broadcast %add3A_3128 : i32 to vector<16xi32>
      %add3A_3130 = arith.addi %and3A_1911, %add3A_3129 : vector<16xi32>
      %jit3A_3131 = arith.constant -1 : i32
      %broadcast_in_dim3A_3132 = vector.broadcast %jit3A_3131 : i32 to vector<16xi32>
      %select_n3A_3133 = arith.select %eq3A_3127, %add3A_3130, %broadcast_in_dim3A_3132 : vector<16xi1>, vector<16xi32>
      %swap3A_3134 = arith.constant 15 : i32
      %swap3A_3135 = arith.index_cast %swap3A_3134 : i32 to index
      %swap3A_3136 = arith.constant 112 : index
      %swap3A_3137 = tpu.vector_load %arg10[%swap3A_3135, %swap3A_3136] {strides = array<i32>} : memref<18x128xi32, #tpu.memory_space<vmem>>, vector<1x16xi32>,
      %swap3A_3138 = vector.shape_cast %swap3A_3137 : vector<1x16xi32> to vector<16xi32>
      %swap3A_3139 = vector.shape_cast %select_n3A_3133 : vector<16xi32> to vector<1x16xi32>
      tpu.vector_store %arg10[%swap3A_3135, %swap3A_3136], %swap3A_3139 {strides = array<i32>} : memref<18x128xi32, #tpu.memory_space<vmem>>, vector<1x16xi32>,
      %dma_start3A_3140 = arith.constant 15 : i32
      %dma_start3A_3141 = arith.constant 0 : i32
      %dma_start3A_3142 = tpu.memref_slice %arg10[%dma_start3A_3140, %dma_start3A_3141] : memref<18x128xi32, #tpu.memory_space<vmem>> -> memref<1x128xi32, #tpu.memory_space<vmem>>
      %dma_start3A_3143 = tpu.memref_squeeze %dma_start3A_3142 : memref<1x128xi32, #tpu.memory_space<vmem>> -> memref<128xi32, #tpu.memory_space<vmem>>
      %dma_start3A_3144 = arith.constant 0 : i32
      %dma_start3A_3145 = arith.constant 0 : i32
      %dma_start3A_3146 = tpu.memref_slice %arg16[%dma_start3A_3144, %dma_start3A_3145] : memref<73728x24xf32, #tpu.memory_space<vmem_shared>> -> memref<73728x24xf32, #tpu.memory_space<vmem_shared>>
      %dma_start3A_3147 = arith.constant -1 : i32
      tpu.enqueue_indirect_dma source(%arg7 : memref<128x24xf32, #tpu.memory_space<vmem>>) target(%dma_start3A_3146 : memref<73728x24xf32, #tpu.memory_space<vmem_shared>>) offsets(%dma_start3A_3143 : memref<128xi32, #tpu.memory_space<vmem>>) offset_filter(%dma_start3A_3147) semaphore(%arg15 : memref<!tpu.dma_semaphore, #tpu.memory_space<semaphore_mem>>) {add = true}
      %shift_right_logical3A_3148 = arith.constant 7 : i32
      %shift_right_logical3A_3149 = vector.broadcast %shift_right_logical3A_3148 : i32 to vector<16xi32>
      %shift_right_logical3A_3150 = arith.shrui %shift_right_logical3A_1845, %shift_right_logical3A_3149 : vector<16xi32>
      %and3A_3151 = arith.constant 1 : i32
      %and3A_3152 = vector.broadcast %and3A_3151 : i32 to vector<16xi32>
      %and3A_3153 = arith.andi %shift_right_logical3A_3150, %and3A_3152 : vector<16xi32>
      %eq3A_3154 = arith.constant 1 : i32
      %eq3A_3155 = vector.broadcast %eq3A_3154 : i32 to vector<16xi32>
      %eq3A_3156 = arith.cmpi eq, %and3A_3153, %eq3A_3155 : vector<16xi32>
      %add3A_3157 = arith.constant 57344 : i32
      %add3A_3158 = vector.broadcast %add3A_3157 : i32 to vector<16xi32>
      %add3A_3159 = arith.addi %and3A_1841, %add3A_3158 : vector<16xi32>
      %jit3A_3160 = arith.constant -1 : i32
      %broadcast_in_dim3A_3161 = vector.broadcast %jit3A_3160 : i32 to vector<16xi32>
      %select_n3A_3162 = arith.select %eq3A_3156, %add3A_3159, %broadcast_in_dim3A_3161 : vector<16xi1>, vector<16xi32>
      %swap3A_3163 = arith.constant 16 : i32
      %swap3A_3164 = arith.index_cast %swap3A_3163 : i32 to index
      %swap3A_3165 = arith.constant 0 : index
      %swap3A_3166 = tpu.vector_load %arg10[%swap3A_3164, %swap3A_3165] {strides = array<i32>} : memref<18x128xi32, #tpu.memory_space<vmem>>, vector<1x16xi32>,
      %swap3A_3167 = vector.shape_cast %swap3A_3166 : vector<1x16xi32> to vector<16xi32>
      %swap3A_3168 = vector.shape_cast %select_n3A_3162 : vector<16xi32> to vector<1x16xi32>
      tpu.vector_store %arg10[%swap3A_3164, %swap3A_3165], %swap3A_3168 {strides = array<i32>} : memref<18x128xi32, #tpu.memory_space<vmem>>, vector<1x16xi32>,
      %shift_right_logical3A_3169 = arith.constant 7 : i32
      %shift_right_logical3A_3170 = vector.broadcast %shift_right_logical3A_3169 : i32 to vector<16xi32>
      %shift_right_logical3A_3171 = arith.shrui %shift_right_logical3A_1855, %shift_right_logical3A_3170 : vector<16xi32>
      %and3A_3172 = arith.constant 1 : i32
      %and3A_3173 = vector.broadcast %and3A_3172 : i32 to vector<16xi32>
      %and3A_3174 = arith.andi %shift_right_logical3A_3171, %and3A_3173 : vector<16xi32>
      %eq3A_3175 = arith.constant 1 : i32
      %eq3A_3176 = vector.broadcast %eq3A_3175 : i32 to vector<16xi32>
      %eq3A_3177 = arith.cmpi eq, %and3A_3174, %eq3A_3176 : vector<16xi32>
      %add3A_3178 = arith.constant 57344 : i32
      %add3A_3179 = vector.broadcast %add3A_3178 : i32 to vector<16xi32>
      %add3A_3180 = arith.addi %and3A_1851, %add3A_3179 : vector<16xi32>
      %jit3A_3181 = arith.constant -1 : i32
      %broadcast_in_dim3A_3182 = vector.broadcast %jit3A_3181 : i32 to vector<16xi32>
      %select_n3A_3183 = arith.select %eq3A_3177, %add3A_3180, %broadcast_in_dim3A_3182 : vector<16xi1>, vector<16xi32>
      %swap3A_3184 = arith.constant 16 : i32
      %swap3A_3185 = arith.index_cast %swap3A_3184 : i32 to index
      %swap3A_3186 = arith.constant 16 : index
      %swap3A_3187 = tpu.vector_load %arg10[%swap3A_3185, %swap3A_3186] {strides = array<i32>} : memref<18x128xi32, #tpu.memory_space<vmem>>, vector<1x16xi32>,
      %swap3A_3188 = vector.shape_cast %swap3A_3187 : vector<1x16xi32> to vector<16xi32>
      %swap3A_3189 = vector.shape_cast %select_n3A_3183 : vector<16xi32> to vector<1x16xi32>
      tpu.vector_store %arg10[%swap3A_3185, %swap3A_3186], %swap3A_3189 {strides = array<i32>} : memref<18x128xi32, #tpu.memory_space<vmem>>, vector<1x16xi32>,
      %shift_right_logical3A_3190 = arith.constant 7 : i32
      %shift_right_logical3A_3191 = vector.broadcast %shift_right_logical3A_3190 : i32 to vector<16xi32>
      %shift_right_logical3A_3192 = arith.shrui %shift_right_logical3A_1865, %shift_right_logical3A_3191 : vector<16xi32>
      %and3A_3193 = arith.constant 1 : i32
      %and3A_3194 = vector.broadcast %and3A_3193 : i32 to vector<16xi32>
      %and3A_3195 = arith.andi %shift_right_logical3A_3192, %and3A_3194 : vector<16xi32>
      %eq3A_3196 = arith.constant 1 : i32
      %eq3A_3197 = vector.broadcast %eq3A_3196 : i32 to vector<16xi32>
      %eq3A_3198 = arith.cmpi eq, %and3A_3195, %eq3A_3197 : vector<16xi32>
      %add3A_3199 = arith.constant 57344 : i32
      %add3A_3200 = vector.broadcast %add3A_3199 : i32 to vector<16xi32>
      %add3A_3201 = arith.addi %and3A_1861, %add3A_3200 : vector<16xi32>
      %jit3A_3202 = arith.constant -1 : i32
      %broadcast_in_dim3A_3203 = vector.broadcast %jit3A_3202 : i32 to vector<16xi32>
      %select_n3A_3204 = arith.select %eq3A_3198, %add3A_3201, %broadcast_in_dim3A_3203 : vector<16xi1>, vector<16xi32>
      %swap3A_3205 = arith.constant 16 : i32
      %swap3A_3206 = arith.index_cast %swap3A_3205 : i32 to index
      %swap3A_3207 = arith.constant 32 : index
      %swap3A_3208 = tpu.vector_load %arg10[%swap3A_3206, %swap3A_3207] {strides = array<i32>} : memref<18x128xi32, #tpu.memory_space<vmem>>, vector<1x16xi32>,
      %swap3A_3209 = vector.shape_cast %swap3A_3208 : vector<1x16xi32> to vector<16xi32>
      %swap3A_3210 = vector.shape_cast %select_n3A_3204 : vector<16xi32> to vector<1x16xi32>
      tpu.vector_store %arg10[%swap3A_3206, %swap3A_3207], %swap3A_3210 {strides = array<i32>} : memref<18x128xi32, #tpu.memory_space<vmem>>, vector<1x16xi32>,
      %shift_right_logical3A_3211 = arith.constant 7 : i32
      %shift_right_logical3A_3212 = vector.broadcast %shift_right_logical3A_3211 : i32 to vector<16xi32>
      %shift_right_logical3A_3213 = arith.shrui %shift_right_logical3A_1875, %shift_right_logical3A_3212 : vector<16xi32>
      %and3A_3214 = arith.constant 1 : i32
      %and3A_3215 = vector.broadcast %and3A_3214 : i32 to vector<16xi32>
      %and3A_3216 = arith.andi %shift_right_logical3A_3213, %and3A_3215 : vector<16xi32>
      %eq3A_3217 = arith.constant 1 : i32
      %eq3A_3218 = vector.broadcast %eq3A_3217 : i32 to vector<16xi32>
      %eq3A_3219 = arith.cmpi eq, %and3A_3216, %eq3A_3218 : vector<16xi32>
      %add3A_3220 = arith.constant 57344 : i32
      %add3A_3221 = vector.broadcast %add3A_3220 : i32 to vector<16xi32>
      %add3A_3222 = arith.addi %and3A_1871, %add3A_3221 : vector<16xi32>
      %jit3A_3223 = arith.constant -1 : i32
      %broadcast_in_dim3A_3224 = vector.broadcast %jit3A_3223 : i32 to vector<16xi32>
      %select_n3A_3225 = arith.select %eq3A_3219, %add3A_3222, %broadcast_in_dim3A_3224 : vector<16xi1>, vector<16xi32>
      %swap3A_3226 = arith.constant 16 : i32
      %swap3A_3227 = arith.index_cast %swap3A_3226 : i32 to index
      %swap3A_3228 = arith.constant 48 : index
      %swap3A_3229 = tpu.vector_load %arg10[%swap3A_3227, %swap3A_3228] {strides = array<i32>} : memref<18x128xi32, #tpu.memory_space<vmem>>, vector<1x16xi32>,
      %swap3A_3230 = vector.shape_cast %swap3A_3229 : vector<1x16xi32> to vector<16xi32>
      %swap3A_3231 = vector.shape_cast %select_n3A_3225 : vector<16xi32> to vector<1x16xi32>
      tpu.vector_store %arg10[%swap3A_3227, %swap3A_3228], %swap3A_3231 {strides = array<i32>} : memref<18x128xi32, #tpu.memory_space<vmem>>, vector<1x16xi32>,
      %shift_right_logical3A_3232 = arith.constant 7 : i32
      %shift_right_logical3A_3233 = vector.broadcast %shift_right_logical3A_3232 : i32 to vector<16xi32>
      %shift_right_logical3A_3234 = arith.shrui %shift_right_logical3A_1885, %shift_right_logical3A_3233 : vector<16xi32>
      %and3A_3235 = arith.constant 1 : i32
      %and3A_3236 = vector.broadcast %and3A_3235 : i32 to vector<16xi32>
      %and3A_3237 = arith.andi %shift_right_logical3A_3234, %and3A_3236 : vector<16xi32>
      %eq3A_3238 = arith.constant 1 : i32
      %eq3A_3239 = vector.broadcast %eq3A_3238 : i32 to vector<16xi32>
      %eq3A_3240 = arith.cmpi eq, %and3A_3237, %eq3A_3239 : vector<16xi32>
      %add3A_3241 = arith.constant 57344 : i32
      %add3A_3242 = vector.broadcast %add3A_3241 : i32 to vector<16xi32>
      %add3A_3243 = arith.addi %and3A_1881, %add3A_3242 : vector<16xi32>
      %jit3A_3244 = arith.constant -1 : i32
      %broadcast_in_dim3A_3245 = vector.broadcast %jit3A_3244 : i32 to vector<16xi32>
      %select_n3A_3246 = arith.select %eq3A_3240, %add3A_3243, %broadcast_in_dim3A_3245 : vector<16xi1>, vector<16xi32>
      %swap3A_3247 = arith.constant 16 : i32
      %swap3A_3248 = arith.index_cast %swap3A_3247 : i32 to index
      %swap3A_3249 = arith.constant 64 : index
      %swap3A_3250 = tpu.vector_load %arg10[%swap3A_3248, %swap3A_3249] {strides = array<i32>} : memref<18x128xi32, #tpu.memory_space<vmem>>, vector<1x16xi32>,
      %swap3A_3251 = vector.shape_cast %swap3A_3250 : vector<1x16xi32> to vector<16xi32>
      %swap3A_3252 = vector.shape_cast %select_n3A_3246 : vector<16xi32> to vector<1x16xi32>
      tpu.vector_store %arg10[%swap3A_3248, %swap3A_3249], %swap3A_3252 {strides = array<i32>} : memref<18x128xi32, #tpu.memory_space<vmem>>, vector<1x16xi32>,
      %shift_right_logical3A_3253 = arith.constant 7 : i32
      %shift_right_logical3A_3254 = vector.broadcast %shift_right_logical3A_3253 : i32 to vector<16xi32>
      %shift_right_logical3A_3255 = arith.shrui %shift_right_logical3A_1895, %shift_right_logical3A_3254 : vector<16xi32>
      %and3A_3256 = arith.constant 1 : i32
      %and3A_3257 = vector.broadcast %and3A_3256 : i32 to vector<16xi32>
      %and3A_3258 = arith.andi %shift_right_logical3A_3255, %and3A_3257 : vector<16xi32>
      %eq3A_3259 = arith.constant 1 : i32
      %eq3A_3260 = vector.broadcast %eq3A_3259 : i32 to vector<16xi32>
      %eq3A_3261 = arith.cmpi eq, %and3A_3258, %eq3A_3260 : vector<16xi32>
      %add3A_3262 = arith.constant 57344 : i32
      %add3A_3263 = vector.broadcast %add3A_3262 : i32 to vector<16xi32>
      %add3A_3264 = arith.addi %and3A_1891, %add3A_3263 : vector<16xi32>
      %jit3A_3265 = arith.constant -1 : i32
      %broadcast_in_dim3A_3266 = vector.broadcast %jit3A_3265 : i32 to vector<16xi32>
      %select_n3A_3267 = arith.select %eq3A_3261, %add3A_3264, %broadcast_in_dim3A_3266 : vector<16xi1>, vector<16xi32>
      %swap3A_3268 = arith.constant 16 : i32
      %swap3A_3269 = arith.index_cast %swap3A_3268 : i32 to index
      %swap3A_3270 = arith.constant 80 : index
      %swap3A_3271 = tpu.vector_load %arg10[%swap3A_3269, %swap3A_3270] {strides = array<i32>} : memref<18x128xi32, #tpu.memory_space<vmem>>, vector<1x16xi32>,
      %swap3A_3272 = vector.shape_cast %swap3A_3271 : vector<1x16xi32> to vector<16xi32>
      %swap3A_3273 = vector.shape_cast %select_n3A_3267 : vector<16xi32> to vector<1x16xi32>
      tpu.vector_store %arg10[%swap3A_3269, %swap3A_3270], %swap3A_3273 {strides = array<i32>} : memref<18x128xi32, #tpu.memory_space<vmem>>, vector<1x16xi32>,
      %shift_right_logical3A_3274 = arith.constant 7 : i32
      %shift_right_logical3A_3275 = vector.broadcast %shift_right_logical3A_3274 : i32 to vector<16xi32>
      %shift_right_logical3A_3276 = arith.shrui %shift_right_logical3A_1905, %shift_right_logical3A_3275 : vector<16xi32>
      %and3A_3277 = arith.constant 1 : i32
      %and3A_3278 = vector.broadcast %and3A_3277 : i32 to vector<16xi32>
      %and3A_3279 = arith.andi %shift_right_logical3A_3276, %and3A_3278 : vector<16xi32>
      %eq3A_3280 = arith.constant 1 : i32
      %eq3A_3281 = vector.broadcast %eq3A_3280 : i32 to vector<16xi32>
      %eq3A_3282 = arith.cmpi eq, %and3A_3279, %eq3A_3281 : vector<16xi32>
      %add3A_3283 = arith.constant 57344 : i32
      %add3A_3284 = vector.broadcast %add3A_3283 : i32 to vector<16xi32>
      %add3A_3285 = arith.addi %and3A_1901, %add3A_3284 : vector<16xi32>
      %jit3A_3286 = arith.constant -1 : i32
      %broadcast_in_dim3A_3287 = vector.broadcast %jit3A_3286 : i32 to vector<16xi32>
      %select_n3A_3288 = arith.select %eq3A_3282, %add3A_3285, %broadcast_in_dim3A_3287 : vector<16xi1>, vector<16xi32>
      %swap3A_3289 = arith.constant 16 : i32
      %swap3A_3290 = arith.index_cast %swap3A_3289 : i32 to index
      %swap3A_3291 = arith.constant 96 : index
      %swap3A_3292 = tpu.vector_load %arg10[%swap3A_3290, %swap3A_3291] {strides = array<i32>} : memref<18x128xi32, #tpu.memory_space<vmem>>, vector<1x16xi32>,
      %swap3A_3293 = vector.shape_cast %swap3A_3292 : vector<1x16xi32> to vector<16xi32>
      %swap3A_3294 = vector.shape_cast %select_n3A_3288 : vector<16xi32> to vector<1x16xi32>
      tpu.vector_store %arg10[%swap3A_3290, %swap3A_3291], %swap3A_3294 {strides = array<i32>} : memref<18x128xi32, #tpu.memory_space<vmem>>, vector<1x16xi32>,
      %shift_right_logical3A_3295 = arith.constant 7 : i32
      %shift_right_logical3A_3296 = vector.broadcast %shift_right_logical3A_3295 : i32 to vector<16xi32>
      %shift_right_logical3A_3297 = arith.shrui %shift_right_logical3A_1915, %shift_right_logical3A_3296 : vector<16xi32>
      %and3A_3298 = arith.constant 1 : i32
      %and3A_3299 = vector.broadcast %and3A_3298 : i32 to vector<16xi32>
      %and3A_3300 = arith.andi %shift_right_logical3A_3297, %and3A_3299 : vector<16xi32>
      %eq3A_3301 = arith.constant 1 : i32
      %eq3A_3302 = vector.broadcast %eq3A_3301 : i32 to vector<16xi32>
      %eq3A_3303 = arith.cmpi eq, %and3A_3300, %eq3A_3302 : vector<16xi32>
      %add3A_3304 = arith.constant 57344 : i32
      %add3A_3305 = vector.broadcast %add3A_3304 : i32 to vector<16xi32>
      %add3A_3306 = arith.addi %and3A_1911, %add3A_3305 : vector<16xi32>
      %jit3A_3307 = arith.constant -1 : i32
      %broadcast_in_dim3A_3308 = vector.broadcast %jit3A_3307 : i32 to vector<16xi32>
      %select_n3A_3309 = arith.select %eq3A_3303, %add3A_3306, %broadcast_in_dim3A_3308 : vector<16xi1>, vector<16xi32>
      %swap3A_3310 = arith.constant 16 : i32
      %swap3A_3311 = arith.index_cast %swap3A_3310 : i32 to index
      %swap3A_3312 = arith.constant 112 : index
      %swap3A_3313 = tpu.vector_load %arg10[%swap3A_3311, %swap3A_3312] {strides = array<i32>} : memref<18x128xi32, #tpu.memory_space<vmem>>, vector<1x16xi32>,
      %swap3A_3314 = vector.shape_cast %swap3A_3313 : vector<1x16xi32> to vector<16xi32>
      %swap3A_3315 = vector.shape_cast %select_n3A_3309 : vector<16xi32> to vector<1x16xi32>
      tpu.vector_store %arg10[%swap3A_3311, %swap3A_3312], %swap3A_3315 {strides = array<i32>} : memref<18x128xi32, #tpu.memory_space<vmem>>, vector<1x16xi32>,
      %dma_start3A_3316 = arith.constant 16 : i32
      %dma_start3A_3317 = arith.constant 0 : i32
      %dma_start3A_3318 = tpu.memref_slice %arg10[%dma_start3A_3316, %dma_start3A_3317] : memref<18x128xi32, #tpu.memory_space<vmem>> -> memref<1x128xi32, #tpu.memory_space<vmem>>
      %dma_start3A_3319 = tpu.memref_squeeze %dma_start3A_3318 : memref<1x128xi32, #tpu.memory_space<vmem>> -> memref<128xi32, #tpu.memory_space<vmem>>
      %dma_start3A_3320 = arith.constant 0 : i32
      %dma_start3A_3321 = arith.constant 0 : i32
      %dma_start3A_3322 = tpu.memref_slice %arg16[%dma_start3A_3320, %dma_start3A_3321] : memref<73728x24xf32, #tpu.memory_space<vmem_shared>> -> memref<73728x24xf32, #tpu.memory_space<vmem_shared>>
      %dma_start3A_3323 = arith.constant -1 : i32
      tpu.enqueue_indirect_dma source(%arg7 : memref<128x24xf32, #tpu.memory_space<vmem>>) target(%dma_start3A_3322 : memref<73728x24xf32, #tpu.memory_space<vmem_shared>>) offsets(%dma_start3A_3319 : memref<128xi32, #tpu.memory_space<vmem>>) offset_filter(%dma_start3A_3323) semaphore(%arg15 : memref<!tpu.dma_semaphore, #tpu.memory_space<semaphore_mem>>) {add = true}
      %shift_right_logical3A_3324 = arith.constant 8 : i32
      %shift_right_logical3A_3325 = vector.broadcast %shift_right_logical3A_3324 : i32 to vector<16xi32>
      %shift_right_logical3A_3326 = arith.shrui %shift_right_logical3A_1845, %shift_right_logical3A_3325 : vector<16xi32>
      %and3A_3327 = arith.constant 1 : i32
      %and3A_3328 = vector.broadcast %and3A_3327 : i32 to vector<16xi32>
      %and3A_3329 = arith.andi %shift_right_logical3A_3326, %and3A_3328 : vector<16xi32>
      %eq3A_3330 = arith.constant 1 : i32
      %eq3A_3331 = vector.broadcast %eq3A_3330 : i32 to vector<16xi32>
      %eq3A_3332 = arith.cmpi eq, %and3A_3329, %eq3A_3331 : vector<16xi32>
      %add3A_3333 = arith.constant 65536 : i32
      %add3A_3334 = vector.broadcast %add3A_3333 : i32 to vector<16xi32>
      %add3A_3335 = arith.addi %and3A_1841, %add3A_3334 : vector<16xi32>
      %jit3A_3336 = arith.constant -1 : i32
      %broadcast_in_dim3A_3337 = vector.broadcast %jit3A_3336 : i32 to vector<16xi32>
      %select_n3A_3338 = arith.select %eq3A_3332, %add3A_3335, %broadcast_in_dim3A_3337 : vector<16xi1>, vector<16xi32>
      %swap3A_3339 = arith.constant 17 : i32
      %swap3A_3340 = arith.index_cast %swap3A_3339 : i32 to index
      %swap3A_3341 = arith.constant 0 : index
      %swap3A_3342 = tpu.vector_load %arg10[%swap3A_3340, %swap3A_3341] {strides = array<i32>} : memref<18x128xi32, #tpu.memory_space<vmem>>, vector<1x16xi32>,
      %swap3A_3343 = vector.shape_cast %swap3A_3342 : vector<1x16xi32> to vector<16xi32>
      %swap3A_3344 = vector.shape_cast %select_n3A_3338 : vector<16xi32> to vector<1x16xi32>
      tpu.vector_store %arg10[%swap3A_3340, %swap3A_3341], %swap3A_3344 {strides = array<i32>} : memref<18x128xi32, #tpu.memory_space<vmem>>, vector<1x16xi32>,
      %shift_right_logical3A_3345 = arith.constant 8 : i32
      %shift_right_logical3A_3346 = vector.broadcast %shift_right_logical3A_3345 : i32 to vector<16xi32>
      %shift_right_logical3A_3347 = arith.shrui %shift_right_logical3A_1855, %shift_right_logical3A_3346 : vector<16xi32>
      %and3A_3348 = arith.constant 1 : i32
      %and3A_3349 = vector.broadcast %and3A_3348 : i32 to vector<16xi32>
      %and3A_3350 = arith.andi %shift_right_logical3A_3347, %and3A_3349 : vector<16xi32>
      %eq3A_3351 = arith.constant 1 : i32
      %eq3A_3352 = vector.broadcast %eq3A_3351 : i32 to vector<16xi32>
      %eq3A_3353 = arith.cmpi eq, %and3A_3350, %eq3A_3352 : vector<16xi32>
      %add3A_3354 = arith.constant 65536 : i32
      %add3A_3355 = vector.broadcast %add3A_3354 : i32 to vector<16xi32>
      %add3A_3356 = arith.addi %and3A_1851, %add3A_3355 : vector<16xi32>
      %jit3A_3357 = arith.constant -1 : i32
      %broadcast_in_dim3A_3358 = vector.broadcast %jit3A_3357 : i32 to vector<16xi32>
      %select_n3A_3359 = arith.select %eq3A_3353, %add3A_3356, %broadcast_in_dim3A_3358 : vector<16xi1>, vector<16xi32>
      %swap3A_3360 = arith.constant 17 : i32
      %swap3A_3361 = arith.index_cast %swap3A_3360 : i32 to index
      %swap3A_3362 = arith.constant 16 : index
      %swap3A_3363 = tpu.vector_load %arg10[%swap3A_3361, %swap3A_3362] {strides = array<i32>} : memref<18x128xi32, #tpu.memory_space<vmem>>, vector<1x16xi32>,
      %swap3A_3364 = vector.shape_cast %swap3A_3363 : vector<1x16xi32> to vector<16xi32>
      %swap3A_3365 = vector.shape_cast %select_n3A_3359 : vector<16xi32> to vector<1x16xi32>
      tpu.vector_store %arg10[%swap3A_3361, %swap3A_3362], %swap3A_3365 {strides = array<i32>} : memref<18x128xi32, #tpu.memory_space<vmem>>, vector<1x16xi32>,
      %shift_right_logical3A_3366 = arith.constant 8 : i32
      %shift_right_logical3A_3367 = vector.broadcast %shift_right_logical3A_3366 : i32 to vector<16xi32>
      %shift_right_logical3A_3368 = arith.shrui %shift_right_logical3A_1865, %shift_right_logical3A_3367 : vector<16xi32>
      %and3A_3369 = arith.constant 1 : i32
      %and3A_3370 = vector.broadcast %and3A_3369 : i32 to vector<16xi32>
      %and3A_3371 = arith.andi %shift_right_logical3A_3368, %and3A_3370 : vector<16xi32>
      %eq3A_3372 = arith.constant 1 : i32
      %eq3A_3373 = vector.broadcast %eq3A_3372 : i32 to vector<16xi32>
      %eq3A_3374 = arith.cmpi eq, %and3A_3371, %eq3A_3373 : vector<16xi32>
      %add3A_3375 = arith.constant 65536 : i32
      %add3A_3376 = vector.broadcast %add3A_3375 : i32 to vector<16xi32>
      %add3A_3377 = arith.addi %and3A_1861, %add3A_3376 : vector<16xi32>
      %jit3A_3378 = arith.constant -1 : i32
      %broadcast_in_dim3A_3379 = vector.broadcast %jit3A_3378 : i32 to vector<16xi32>
      %select_n3A_3380 = arith.select %eq3A_3374, %add3A_3377, %broadcast_in_dim3A_3379 : vector<16xi1>, vector<16xi32>
      %swap3A_3381 = arith.constant 17 : i32
      %swap3A_3382 = arith.index_cast %swap3A_3381 : i32 to index
      %swap3A_3383 = arith.constant 32 : index
      %swap3A_3384 = tpu.vector_load %arg10[%swap3A_3382, %swap3A_3383] {strides = array<i32>} : memref<18x128xi32, #tpu.memory_space<vmem>>, vector<1x16xi32>,
      %swap3A_3385 = vector.shape_cast %swap3A_3384 : vector<1x16xi32> to vector<16xi32>
      %swap3A_3386 = vector.shape_cast %select_n3A_3380 : vector<16xi32> to vector<1x16xi32>
      tpu.vector_store %arg10[%swap3A_3382, %swap3A_3383], %swap3A_3386 {strides = array<i32>} : memref<18x128xi32, #tpu.memory_space<vmem>>, vector<1x16xi32>,
      %shift_right_logical3A_3387 = arith.constant 8 : i32
      %shift_right_logical3A_3388 = vector.broadcast %shift_right_logical3A_3387 : i32 to vector<16xi32>
      %shift_right_logical3A_3389 = arith.shrui %shift_right_logical3A_1875, %shift_right_logical3A_3388 : vector<16xi32>
      %and3A_3390 = arith.constant 1 : i32
      %and3A_3391 = vector.broadcast %and3A_3390 : i32 to vector<16xi32>
      %and3A_3392 = arith.andi %shift_right_logical3A_3389, %and3A_3391 : vector<16xi32>
      %eq3A_3393 = arith.constant 1 : i32
      %eq3A_3394 = vector.broadcast %eq3A_3393 : i32 to vector<16xi32>
      %eq3A_3395 = arith.cmpi eq, %and3A_3392, %eq3A_3394 : vector<16xi32>
      %add3A_3396 = arith.constant 65536 : i32
      %add3A_3397 = vector.broadcast %add3A_3396 : i32 to vector<16xi32>
      %add3A_3398 = arith.addi %and3A_1871, %add3A_3397 : vector<16xi32>
      %jit3A_3399 = arith.constant -1 : i32
      %broadcast_in_dim3A_3400 = vector.broadcast %jit3A_3399 : i32 to vector<16xi32>
      %select_n3A_3401 = arith.select %eq3A_3395, %add3A_3398, %broadcast_in_dim3A_3400 : vector<16xi1>, vector<16xi32>
      %swap3A_3402 = arith.constant 17 : i32
      %swap3A_3403 = arith.index_cast %swap3A_3402 : i32 to index
      %swap3A_3404 = arith.constant 48 : index
      %swap3A_3405 = tpu.vector_load %arg10[%swap3A_3403, %swap3A_3404] {strides = array<i32>} : memref<18x128xi32, #tpu.memory_space<vmem>>, vector<1x16xi32>,
      %swap3A_3406 = vector.shape_cast %swap3A_3405 : vector<1x16xi32> to vector<16xi32>
      %swap3A_3407 = vector.shape_cast %select_n3A_3401 : vector<16xi32> to vector<1x16xi32>
      tpu.vector_store %arg10[%swap3A_3403, %swap3A_3404], %swap3A_3407 {strides = array<i32>} : memref<18x128xi32, #tpu.memory_space<vmem>>, vector<1x16xi32>,
      %shift_right_logical3A_3408 = arith.constant 8 : i32
      %shift_right_logical3A_3409 = vector.broadcast %shift_right_logical3A_3408 : i32 to vector<16xi32>
      %shift_right_logical3A_3410 = arith.shrui %shift_right_logical3A_1885, %shift_right_logical3A_3409 : vector<16xi32>
      %and3A_3411 = arith.constant 1 : i32
      %and3A_3412 = vector.broadcast %and3A_3411 : i32 to vector<16xi32>
      %and3A_3413 = arith.andi %shift_right_logical3A_3410, %and3A_3412 : vector<16xi32>
      %eq3A_3414 = arith.constant 1 : i32
      %eq3A_3415 = vector.broadcast %eq3A_3414 : i32 to vector<16xi32>
      %eq3A_3416 = arith.cmpi eq, %and3A_3413, %eq3A_3415 : vector<16xi32>
      %add3A_3417 = arith.constant 65536 : i32
      %add3A_3418 = vector.broadcast %add3A_3417 : i32 to vector<16xi32>
      %add3A_3419 = arith.addi %and3A_1881, %add3A_3418 : vector<16xi32>
      %jit3A_3420 = arith.constant -1 : i32
      %broadcast_in_dim3A_3421 = vector.broadcast %jit3A_3420 : i32 to vector<16xi32>
      %select_n3A_3422 = arith.select %eq3A_3416, %add3A_3419, %broadcast_in_dim3A_3421 : vector<16xi1>, vector<16xi32>
      %swap3A_3423 = arith.constant 17 : i32
      %swap3A_3424 = arith.index_cast %swap3A_3423 : i32 to index
      %swap3A_3425 = arith.constant 64 : index
      %swap3A_3426 = tpu.vector_load %arg10[%swap3A_3424, %swap3A_3425] {strides = array<i32>} : memref<18x128xi32, #tpu.memory_space<vmem>>, vector<1x16xi32>,
      %swap3A_3427 = vector.shape_cast %swap3A_3426 : vector<1x16xi32> to vector<16xi32>
      %swap3A_3428 = vector.shape_cast %select_n3A_3422 : vector<16xi32> to vector<1x16xi32>
      tpu.vector_store %arg10[%swap3A_3424, %swap3A_3425], %swap3A_3428 {strides = array<i32>} : memref<18x128xi32, #tpu.memory_space<vmem>>, vector<1x16xi32>,
      %shift_right_logical3A_3429 = arith.constant 8 : i32
      %shift_right_logical3A_3430 = vector.broadcast %shift_right_logical3A_3429 : i32 to vector<16xi32>
      %shift_right_logical3A_3431 = arith.shrui %shift_right_logical3A_1895, %shift_right_logical3A_3430 : vector<16xi32>
      %and3A_3432 = arith.constant 1 : i32
      %and3A_3433 = vector.broadcast %and3A_3432 : i32 to vector<16xi32>
      %and3A_3434 = arith.andi %shift_right_logical3A_3431, %and3A_3433 : vector<16xi32>
      %eq3A_3435 = arith.constant 1 : i32
      %eq3A_3436 = vector.broadcast %eq3A_3435 : i32 to vector<16xi32>
      %eq3A_3437 = arith.cmpi eq, %and3A_3434, %eq3A_3436 : vector<16xi32>
      %add3A_3438 = arith.constant 65536 : i32
      %add3A_3439 = vector.broadcast %add3A_3438 : i32 to vector<16xi32>
      %add3A_3440 = arith.addi %and3A_1891, %add3A_3439 : vector<16xi32>
      %jit3A_3441 = arith.constant -1 : i32
      %broadcast_in_dim3A_3442 = vector.broadcast %jit3A_3441 : i32 to vector<16xi32>
      %select_n3A_3443 = arith.select %eq3A_3437, %add3A_3440, %broadcast_in_dim3A_3442 : vector<16xi1>, vector<16xi32>
      %swap3A_3444 = arith.constant 17 : i32
      %swap3A_3445 = arith.index_cast %swap3A_3444 : i32 to index
      %swap3A_3446 = arith.constant 80 : index
      %swap3A_3447 = tpu.vector_load %arg10[%swap3A_3445, %swap3A_3446] {strides = array<i32>} : memref<18x128xi32, #tpu.memory_space<vmem>>, vector<1x16xi32>,
      %swap3A_3448 = vector.shape_cast %swap3A_3447 : vector<1x16xi32> to vector<16xi32>
      %swap3A_3449 = vector.shape_cast %select_n3A_3443 : vector<16xi32> to vector<1x16xi32>
      tpu.vector_store %arg10[%swap3A_3445, %swap3A_3446], %swap3A_3449 {strides = array<i32>} : memref<18x128xi32, #tpu.memory_space<vmem>>, vector<1x16xi32>,
      %shift_right_logical3A_3450 = arith.constant 8 : i32
      %shift_right_logical3A_3451 = vector.broadcast %shift_right_logical3A_3450 : i32 to vector<16xi32>
      %shift_right_logical3A_3452 = arith.shrui %shift_right_logical3A_1905, %shift_right_logical3A_3451 : vector<16xi32>
      %and3A_3453 = arith.constant 1 : i32
      %and3A_3454 = vector.broadcast %and3A_3453 : i32 to vector<16xi32>
      %and3A_3455 = arith.andi %shift_right_logical3A_3452, %and3A_3454 : vector<16xi32>
      %eq3A_3456 = arith.constant 1 : i32
      %eq3A_3457 = vector.broadcast %eq3A_3456 : i32 to vector<16xi32>
      %eq3A_3458 = arith.cmpi eq, %and3A_3455, %eq3A_3457 : vector<16xi32>
      %add3A_3459 = arith.constant 65536 : i32
      %add3A_3460 = vector.broadcast %add3A_3459 : i32 to vector<16xi32>
      %add3A_3461 = arith.addi %and3A_1901, %add3A_3460 : vector<16xi32>
      %jit3A_3462 = arith.constant -1 : i32
      %broadcast_in_dim3A_3463 = vector.broadcast %jit3A_3462 : i32 to vector<16xi32>
      %select_n3A_3464 = arith.select %eq3A_3458, %add3A_3461, %broadcast_in_dim3A_3463 : vector<16xi1>, vector<16xi32>
      %swap3A_3465 = arith.constant 17 : i32
      %swap3A_3466 = arith.index_cast %swap3A_3465 : i32 to index
      %swap3A_3467 = arith.constant 96 : index
      %swap3A_3468 = tpu.vector_load %arg10[%swap3A_3466, %swap3A_3467] {strides = array<i32>} : memref<18x128xi32, #tpu.memory_space<vmem>>, vector<1x16xi32>,
      %swap3A_3469 = vector.shape_cast %swap3A_3468 : vector<1x16xi32> to vector<16xi32>
      %swap3A_3470 = vector.shape_cast %select_n3A_3464 : vector<16xi32> to vector<1x16xi32>
      tpu.vector_store %arg10[%swap3A_3466, %swap3A_3467], %swap3A_3470 {strides = array<i32>} : memref<18x128xi32, #tpu.memory_space<vmem>>, vector<1x16xi32>,
      %shift_right_logical3A_3471 = arith.constant 8 : i32
      %shift_right_logical3A_3472 = vector.broadcast %shift_right_logical3A_3471 : i32 to vector<16xi32>
      %shift_right_logical3A_3473 = arith.shrui %shift_right_logical3A_1915, %shift_right_logical3A_3472 : vector<16xi32>
      %and3A_3474 = arith.constant 1 : i32
      %and3A_3475 = vector.broadcast %and3A_3474 : i32 to vector<16xi32>
      %and3A_3476 = arith.andi %shift_right_logical3A_3473, %and3A_3475 : vector<16xi32>
      %eq3A_3477 = arith.constant 1 : i32
      %eq3A_3478 = vector.broadcast %eq3A_3477 : i32 to vector<16xi32>
      %eq3A_3479 = arith.cmpi eq, %and3A_3476, %eq3A_3478 : vector<16xi32>
      %add3A_3480 = arith.constant 65536 : i32
      %add3A_3481 = vector.broadcast %add3A_3480 : i32 to vector<16xi32>
      %add3A_3482 = arith.addi %and3A_1911, %add3A_3481 : vector<16xi32>
      %jit3A_3483 = arith.constant -1 : i32
      %broadcast_in_dim3A_3484 = vector.broadcast %jit3A_3483 : i32 to vector<16xi32>
      %select_n3A_3485 = arith.select %eq3A_3479, %add3A_3482, %broadcast_in_dim3A_3484 : vector<16xi1>, vector<16xi32>
      %swap3A_3486 = arith.constant 17 : i32
      %swap3A_3487 = arith.index_cast %swap3A_3486 : i32 to index
      %swap3A_3488 = arith.constant 112 : index
      %swap3A_3489 = tpu.vector_load %arg10[%swap3A_3487, %swap3A_3488] {strides = array<i32>} : memref<18x128xi32, #tpu.memory_space<vmem>>, vector<1x16xi32>,
      %swap3A_3490 = vector.shape_cast %swap3A_3489 : vector<1x16xi32> to vector<16xi32>
      %swap3A_3491 = vector.shape_cast %select_n3A_3485 : vector<16xi32> to vector<1x16xi32>
      tpu.vector_store %arg10[%swap3A_3487, %swap3A_3488], %swap3A_3491 {strides = array<i32>} : memref<18x128xi32, #tpu.memory_space<vmem>>, vector<1x16xi32>,
      %dma_start3A_3492 = arith.constant 17 : i32
      %dma_start3A_3493 = arith.constant 0 : i32
      %dma_start3A_3494 = tpu.memref_slice %arg10[%dma_start3A_3492, %dma_start3A_3493] : memref<18x128xi32, #tpu.memory_space<vmem>> -> memref<1x128xi32, #tpu.memory_space<vmem>>
      %dma_start3A_3495 = tpu.memref_squeeze %dma_start3A_3494 : memref<1x128xi32, #tpu.memory_space<vmem>> -> memref<128xi32, #tpu.memory_space<vmem>>
      %dma_start3A_3496 = arith.constant 0 : i32
      %dma_start3A_3497 = arith.constant 0 : i32
      %dma_start3A_3498 = tpu.memref_slice %arg16[%dma_start3A_3496, %dma_start3A_3497] : memref<73728x24xf32, #tpu.memory_space<vmem_shared>> -> memref<73728x24xf32, #tpu.memory_space<vmem_shared>>
      %dma_start3A_3499 = arith.constant -1 : i32
      tpu.enqueue_indirect_dma source(%arg7 : memref<128x24xf32, #tpu.memory_space<vmem>>) target(%dma_start3A_3498 : memref<73728x24xf32, #tpu.memory_space<vmem_shared>>) offsets(%dma_start3A_3495 : memref<128xi32, #tpu.memory_space<vmem>>) offset_filter(%dma_start3A_3499) semaphore(%arg15 : memref<!tpu.dma_semaphore, #tpu.memory_space<semaphore_mem>>) {add = true}
      %lt3A = arith.constant 49 : i32
      %lt3A_3500 = arith.cmpi slt, %scan3A_158, %lt3A : i32
      %convert_element_type3A = arith.extui %lt3A_3500 : i1 to i32
      %cond3A = arith.constant 0 : i32
      %cond3A_3501 = arith.cmpi ne, %convert_element_type3A, %cond3A : i32
      scf.if %cond3A_3501 {
        %dma_wait3A_3503 = arith.constant 0 : i32
        %dma_wait3A_3504 = arith.constant 0 : i32
        %dma_wait3A_3505 = tpu.memref_slice %arg10[%dma_wait3A_3503, %dma_wait3A_3504] : memref<18x128xi32, #tpu.memory_space<vmem>> -> memref<1x128xi32, #tpu.memory_space<vmem>>
        %dma_wait3A_3506 = tpu.memref_squeeze %dma_wait3A_3505 : memref<1x128xi32, #tpu.memory_space<vmem>> -> memref<128xi32, #tpu.memory_space<vmem>>
        %dma_wait3A_3507 = arith.constant 0 : i32
        %dma_wait3A_3508 = arith.constant 0 : i32
        %dma_wait3A_3509 = tpu.memref_slice %arg16[%dma_wait3A_3507, %dma_wait3A_3508] : memref<73728x24xf32, #tpu.memory_space<vmem_shared>> -> memref<73728x24xf32, #tpu.memory_space<vmem_shared>>
        tpu.wait_indirect_dma semaphore(%arg14 : memref<!tpu.dma_semaphore, #tpu.memory_space<semaphore_mem>>) src(%arg6 : memref<128x24xf32, #tpu.memory_space<vmem>>) dst(%dma_wait3A_3509 : memref<73728x24xf32, #tpu.memory_space<vmem_shared>>)
        %dma_wait3A_3510 = arith.constant 1 : i32
        %dma_wait3A_3511 = arith.constant 0 : i32
        %dma_wait3A_3512 = tpu.memref_slice %arg10[%dma_wait3A_3510, %dma_wait3A_3511] : memref<18x128xi32, #tpu.memory_space<vmem>> -> memref<1x128xi32, #tpu.memory_space<vmem>>
        %dma_wait3A_3513 = tpu.memref_squeeze %dma_wait3A_3512 : memref<1x128xi32, #tpu.memory_space<vmem>> -> memref<128xi32, #tpu.memory_space<vmem>>
        %dma_wait3A_3514 = arith.constant 0 : i32
        %dma_wait3A_3515 = arith.constant 0 : i32
        %dma_wait3A_3516 = tpu.memref_slice %arg16[%dma_wait3A_3514, %dma_wait3A_3515] : memref<73728x24xf32, #tpu.memory_space<vmem_shared>> -> memref<73728x24xf32, #tpu.memory_space<vmem_shared>>
        tpu.wait_indirect_dma semaphore(%arg14 : memref<!tpu.dma_semaphore, #tpu.memory_space<semaphore_mem>>) src(%arg6 : memref<128x24xf32, #tpu.memory_space<vmem>>) dst(%dma_wait3A_3516 : memref<73728x24xf32, #tpu.memory_space<vmem_shared>>)
        %dma_wait3A_3517 = arith.constant 2 : i32
        %dma_wait3A_3518 = arith.constant 0 : i32
        %dma_wait3A_3519 = tpu.memref_slice %arg10[%dma_wait3A_3517, %dma_wait3A_3518] : memref<18x128xi32, #tpu.memory_space<vmem>> -> memref<1x128xi32, #tpu.memory_space<vmem>>
        %dma_wait3A_3520 = tpu.memref_squeeze %dma_wait3A_3519 : memref<1x128xi32, #tpu.memory_space<vmem>> -> memref<128xi32, #tpu.memory_space<vmem>>
        %dma_wait3A_3521 = arith.constant 0 : i32
        %dma_wait3A_3522 = arith.constant 0 : i32
        %dma_wait3A_3523 = tpu.memref_slice %arg16[%dma_wait3A_3521, %dma_wait3A_3522] : memref<73728x24xf32, #tpu.memory_space<vmem_shared>> -> memref<73728x24xf32, #tpu.memory_space<vmem_shared>>
        tpu.wait_indirect_dma semaphore(%arg14 : memref<!tpu.dma_semaphore, #tpu.memory_space<semaphore_mem>>) src(%arg6 : memref<128x24xf32, #tpu.memory_space<vmem>>) dst(%dma_wait3A_3523 : memref<73728x24xf32, #tpu.memory_space<vmem_shared>>)
        %dma_wait3A_3524 = arith.constant 3 : i32
        %dma_wait3A_3525 = arith.constant 0 : i32
        %dma_wait3A_3526 = tpu.memref_slice %arg10[%dma_wait3A_3524, %dma_wait3A_3525] : memref<18x128xi32, #tpu.memory_space<vmem>> -> memref<1x128xi32, #tpu.memory_space<vmem>>
        %dma_wait3A_3527 = tpu.memref_squeeze %dma_wait3A_3526 : memref<1x128xi32, #tpu.memory_space<vmem>> -> memref<128xi32, #tpu.memory_space<vmem>>
        %dma_wait3A_3528 = arith.constant 0 : i32
        %dma_wait3A_3529 = arith.constant 0 : i32
        %dma_wait3A_3530 = tpu.memref_slice %arg16[%dma_wait3A_3528, %dma_wait3A_3529] : memref<73728x24xf32, #tpu.memory_space<vmem_shared>> -> memref<73728x24xf32, #tpu.memory_space<vmem_shared>>
        tpu.wait_indirect_dma semaphore(%arg14 : memref<!tpu.dma_semaphore, #tpu.memory_space<semaphore_mem>>) src(%arg6 : memref<128x24xf32, #tpu.memory_space<vmem>>) dst(%dma_wait3A_3530 : memref<73728x24xf32, #tpu.memory_space<vmem_shared>>)
        %dma_wait3A_3531 = arith.constant 4 : i32
        %dma_wait3A_3532 = arith.constant 0 : i32
        %dma_wait3A_3533 = tpu.memref_slice %arg10[%dma_wait3A_3531, %dma_wait3A_3532] : memref<18x128xi32, #tpu.memory_space<vmem>> -> memref<1x128xi32, #tpu.memory_space<vmem>>
        %dma_wait3A_3534 = tpu.memref_squeeze %dma_wait3A_3533 : memref<1x128xi32, #tpu.memory_space<vmem>> -> memref<128xi32, #tpu.memory_space<vmem>>
        %dma_wait3A_3535 = arith.constant 0 : i32
        %dma_wait3A_3536 = arith.constant 0 : i32
        %dma_wait3A_3537 = tpu.memref_slice %arg16[%dma_wait3A_3535, %dma_wait3A_3536] : memref<73728x24xf32, #tpu.memory_space<vmem_shared>> -> memref<73728x24xf32, #tpu.memory_space<vmem_shared>>
        tpu.wait_indirect_dma semaphore(%arg14 : memref<!tpu.dma_semaphore, #tpu.memory_space<semaphore_mem>>) src(%arg6 : memref<128x24xf32, #tpu.memory_space<vmem>>) dst(%dma_wait3A_3537 : memref<73728x24xf32, #tpu.memory_space<vmem_shared>>)
        %dma_wait3A_3538 = arith.constant 5 : i32
        %dma_wait3A_3539 = arith.constant 0 : i32
        %dma_wait3A_3540 = tpu.memref_slice %arg10[%dma_wait3A_3538, %dma_wait3A_3539] : memref<18x128xi32, #tpu.memory_space<vmem>> -> memref<1x128xi32, #tpu.memory_space<vmem>>
        %dma_wait3A_3541 = tpu.memref_squeeze %dma_wait3A_3540 : memref<1x128xi32, #tpu.memory_space<vmem>> -> memref<128xi32, #tpu.memory_space<vmem>>
        %dma_wait3A_3542 = arith.constant 0 : i32
        %dma_wait3A_3543 = arith.constant 0 : i32
        %dma_wait3A_3544 = tpu.memref_slice %arg16[%dma_wait3A_3542, %dma_wait3A_3543] : memref<73728x24xf32, #tpu.memory_space<vmem_shared>> -> memref<73728x24xf32, #tpu.memory_space<vmem_shared>>
        tpu.wait_indirect_dma semaphore(%arg14 : memref<!tpu.dma_semaphore, #tpu.memory_space<semaphore_mem>>) src(%arg6 : memref<128x24xf32, #tpu.memory_space<vmem>>) dst(%dma_wait3A_3544 : memref<73728x24xf32, #tpu.memory_space<vmem_shared>>)
        %dma_wait3A_3545 = arith.constant 6 : i32
        %dma_wait3A_3546 = arith.constant 0 : i32
        %dma_wait3A_3547 = tpu.memref_slice %arg10[%dma_wait3A_3545, %dma_wait3A_3546] : memref<18x128xi32, #tpu.memory_space<vmem>> -> memref<1x128xi32, #tpu.memory_space<vmem>>
        %dma_wait3A_3548 = tpu.memref_squeeze %dma_wait3A_3547 : memref<1x128xi32, #tpu.memory_space<vmem>> -> memref<128xi32, #tpu.memory_space<vmem>>
        %dma_wait3A_3549 = arith.constant 0 : i32
        %dma_wait3A_3550 = arith.constant 0 : i32
        %dma_wait3A_3551 = tpu.memref_slice %arg16[%dma_wait3A_3549, %dma_wait3A_3550] : memref<73728x24xf32, #tpu.memory_space<vmem_shared>> -> memref<73728x24xf32, #tpu.memory_space<vmem_shared>>
        tpu.wait_indirect_dma semaphore(%arg14 : memref<!tpu.dma_semaphore, #tpu.memory_space<semaphore_mem>>) src(%arg6 : memref<128x24xf32, #tpu.memory_space<vmem>>) dst(%dma_wait3A_3551 : memref<73728x24xf32, #tpu.memory_space<vmem_shared>>)
        %dma_wait3A_3552 = arith.constant 7 : i32
        %dma_wait3A_3553 = arith.constant 0 : i32
        %dma_wait3A_3554 = tpu.memref_slice %arg10[%dma_wait3A_3552, %dma_wait3A_3553] : memref<18x128xi32, #tpu.memory_space<vmem>> -> memref<1x128xi32, #tpu.memory_space<vmem>>
        %dma_wait3A_3555 = tpu.memref_squeeze %dma_wait3A_3554 : memref<1x128xi32, #tpu.memory_space<vmem>> -> memref<128xi32, #tpu.memory_space<vmem>>
        %dma_wait3A_3556 = arith.constant 0 : i32
        %dma_wait3A_3557 = arith.constant 0 : i32
        %dma_wait3A_3558 = tpu.memref_slice %arg16[%dma_wait3A_3556, %dma_wait3A_3557] : memref<73728x24xf32, #tpu.memory_space<vmem_shared>> -> memref<73728x24xf32, #tpu.memory_space<vmem_shared>>
        tpu.wait_indirect_dma semaphore(%arg14 : memref<!tpu.dma_semaphore, #tpu.memory_space<semaphore_mem>>) src(%arg6 : memref<128x24xf32, #tpu.memory_space<vmem>>) dst(%dma_wait3A_3558 : memref<73728x24xf32, #tpu.memory_space<vmem_shared>>)
        %dma_wait3A_3559 = arith.constant 8 : i32
        %dma_wait3A_3560 = arith.constant 0 : i32
        %dma_wait3A_3561 = tpu.memref_slice %arg10[%dma_wait3A_3559, %dma_wait3A_3560] : memref<18x128xi32, #tpu.memory_space<vmem>> -> memref<1x128xi32, #tpu.memory_space<vmem>>
        %dma_wait3A_3562 = tpu.memref_squeeze %dma_wait3A_3561 : memref<1x128xi32, #tpu.memory_space<vmem>> -> memref<128xi32, #tpu.memory_space<vmem>>
        %dma_wait3A_3563 = arith.constant 0 : i32
        %dma_wait3A_3564 = arith.constant 0 : i32
        %dma_wait3A_3565 = tpu.memref_slice %arg16[%dma_wait3A_3563, %dma_wait3A_3564] : memref<73728x24xf32, #tpu.memory_space<vmem_shared>> -> memref<73728x24xf32, #tpu.memory_space<vmem_shared>>
        tpu.wait_indirect_dma semaphore(%arg14 : memref<!tpu.dma_semaphore, #tpu.memory_space<semaphore_mem>>) src(%arg6 : memref<128x24xf32, #tpu.memory_space<vmem>>) dst(%dma_wait3A_3565 : memref<73728x24xf32, #tpu.memory_space<vmem_shared>>)
        %mul3A_3566 = arith.constant 2 : i32
        %mul3A_3567 = arith.muli %mul3A_3566, %scan3A_158 : i32
        %add3A_3568 = arith.constant 2 : i32
        %add3A_3569 = arith.addi %mul3A_3567, %add3A_3568 : i32
        %add3A_3570 = arith.constant 0 : i32
        %add3A_3571 = arith.addi %add3A_3569, %add3A_3570 : i32
        %mul3A_3572 = arith.constant 128 : i32
        %mul3A_3573 = arith.muli %add3A_3571, %mul3A_3572 : i32
        %add3A_3574 = arith.addi %mul3A_4, %mul3A_3573 : i32
        %dma_start3A_3575 = arith.constant 0 : i32
        %dma_start3A_3576 = tpu.memref_slice %arg2[%add3A_3574, %dma_start3A_3575] : memref<204800x24xf32, #tpu.memory_space<hbm>> -> memref<128x24xf32, #tpu.memory_space<hbm>>
        %dma_start3A_3577 = arith.constant 0 : i32
        %dma_start3A_3578 = tpu.memref_slice %arg2[%add3A_3574, %dma_start3A_3577] : memref<204800x24xf32, #tpu.memory_space<hbm>> -> memref<128x24xf32, #tpu.memory_space<hbm>>
        tpu.enqueue_dma source(%dma_start3A_3578 : memref<128x24xf32, #tpu.memory_space<hbm>>) target(%arg6 : memref<128x24xf32, #tpu.memory_space<vmem>>) target_semaphore(%arg12 : memref<!tpu.dma_semaphore, #tpu.memory_space<semaphore_mem>>)
        %dma_start3A_3579 = tpu.memref_slice %arg3[%add3A_3574] : memref<204800xi32, #tpu.memory_space<hbm>> -> memref<128xi32, #tpu.memory_space<hbm>>
        %dma_start3A_3580 = tpu.memref_slice %arg3[%add3A_3574] : memref<204800xi32, #tpu.memory_space<hbm>> -> memref<128xi32, #tpu.memory_space<hbm>>
        tpu.enqueue_dma source(%dma_start3A_3580 : memref<128xi32, #tpu.memory_space<hbm>>) target(%arg8 : memref<128xi32, #tpu.memory_space<vmem>>) target_semaphore(%arg12 : memref<!tpu.dma_semaphore, #tpu.memory_space<semaphore_mem>>)
        %dma_wait3A_3581 = arith.constant 9 : i32
        %dma_wait3A_3582 = arith.constant 0 : i32
        %dma_wait3A_3583 = tpu.memref_slice %arg10[%dma_wait3A_3581, %dma_wait3A_3582] : memref<18x128xi32, #tpu.memory_space<vmem>> -> memref<1x128xi32, #tpu.memory_space<vmem>>
        %dma_wait3A_3584 = tpu.memref_squeeze %dma_wait3A_3583 : memref<1x128xi32, #tpu.memory_space<vmem>> -> memref<128xi32, #tpu.memory_space<vmem>>
        %dma_wait3A_3585 = arith.constant 0 : i32
        %dma_wait3A_3586 = arith.constant 0 : i32
        %dma_wait3A_3587 = tpu.memref_slice %arg16[%dma_wait3A_3585, %dma_wait3A_3586] : memref<73728x24xf32, #tpu.memory_space<vmem_shared>> -> memref<73728x24xf32, #tpu.memory_space<vmem_shared>>
        tpu.wait_indirect_dma semaphore(%arg15 : memref<!tpu.dma_semaphore, #tpu.memory_space<semaphore_mem>>) src(%arg7 : memref<128x24xf32, #tpu.memory_space<vmem>>) dst(%dma_wait3A_3587 : memref<73728x24xf32, #tpu.memory_space<vmem_shared>>)
        %dma_wait3A_3588 = arith.constant 10 : i32
        %dma_wait3A_3589 = arith.constant 0 : i32
        %dma_wait3A_3590 = tpu.memref_slice %arg10[%dma_wait3A_3588, %dma_wait3A_3589] : memref<18x128xi32, #tpu.memory_space<vmem>> -> memref<1x128xi32, #tpu.memory_space<vmem>>
        %dma_wait3A_3591 = tpu.memref_squeeze %dma_wait3A_3590 : memref<1x128xi32, #tpu.memory_space<vmem>> -> memref<128xi32, #tpu.memory_space<vmem>>
        %dma_wait3A_3592 = arith.constant 0 : i32
        %dma_wait3A_3593 = arith.constant 0 : i32
        %dma_wait3A_3594 = tpu.memref_slice %arg16[%dma_wait3A_3592, %dma_wait3A_3593] : memref<73728x24xf32, #tpu.memory_space<vmem_shared>> -> memref<73728x24xf32, #tpu.memory_space<vmem_shared>>
        tpu.wait_indirect_dma semaphore(%arg15 : memref<!tpu.dma_semaphore, #tpu.memory_space<semaphore_mem>>) src(%arg7 : memref<128x24xf32, #tpu.memory_space<vmem>>) dst(%dma_wait3A_3594 : memref<73728x24xf32, #tpu.memory_space<vmem_shared>>)
        %dma_wait3A_3595 = arith.constant 11 : i32
        %dma_wait3A_3596 = arith.constant 0 : i32
        %dma_wait3A_3597 = tpu.memref_slice %arg10[%dma_wait3A_3595, %dma_wait3A_3596] : memref<18x128xi32, #tpu.memory_space<vmem>> -> memref<1x128xi32, #tpu.memory_space<vmem>>
        %dma_wait3A_3598 = tpu.memref_squeeze %dma_wait3A_3597 : memref<1x128xi32, #tpu.memory_space<vmem>> -> memref<128xi32, #tpu.memory_space<vmem>>
        %dma_wait3A_3599 = arith.constant 0 : i32
        %dma_wait3A_3600 = arith.constant 0 : i32
        %dma_wait3A_3601 = tpu.memref_slice %arg16[%dma_wait3A_3599, %dma_wait3A_3600] : memref<73728x24xf32, #tpu.memory_space<vmem_shared>> -> memref<73728x24xf32, #tpu.memory_space<vmem_shared>>
        tpu.wait_indirect_dma semaphore(%arg15 : memref<!tpu.dma_semaphore, #tpu.memory_space<semaphore_mem>>) src(%arg7 : memref<128x24xf32, #tpu.memory_space<vmem>>) dst(%dma_wait3A_3601 : memref<73728x24xf32, #tpu.memory_space<vmem_shared>>)
        %dma_wait3A_3602 = arith.constant 12 : i32
        %dma_wait3A_3603 = arith.constant 0 : i32
        %dma_wait3A_3604 = tpu.memref_slice %arg10[%dma_wait3A_3602, %dma_wait3A_3603] : memref<18x128xi32, #tpu.memory_space<vmem>> -> memref<1x128xi32, #tpu.memory_space<vmem>>
        %dma_wait3A_3605 = tpu.memref_squeeze %dma_wait3A_3604 : memref<1x128xi32, #tpu.memory_space<vmem>> -> memref<128xi32, #tpu.memory_space<vmem>>
        %dma_wait3A_3606 = arith.constant 0 : i32
        %dma_wait3A_3607 = arith.constant 0 : i32
        %dma_wait3A_3608 = tpu.memref_slice %arg16[%dma_wait3A_3606, %dma_wait3A_3607] : memref<73728x24xf32, #tpu.memory_space<vmem_shared>> -> memref<73728x24xf32, #tpu.memory_space<vmem_shared>>
        tpu.wait_indirect_dma semaphore(%arg15 : memref<!tpu.dma_semaphore, #tpu.memory_space<semaphore_mem>>) src(%arg7 : memref<128x24xf32, #tpu.memory_space<vmem>>) dst(%dma_wait3A_3608 : memref<73728x24xf32, #tpu.memory_space<vmem_shared>>)
        %dma_wait3A_3609 = arith.constant 13 : i32
        %dma_wait3A_3610 = arith.constant 0 : i32
        %dma_wait3A_3611 = tpu.memref_slice %arg10[%dma_wait3A_3609, %dma_wait3A_3610] : memref<18x128xi32, #tpu.memory_space<vmem>> -> memref<1x128xi32, #tpu.memory_space<vmem>>
        %dma_wait3A_3612 = tpu.memref_squeeze %dma_wait3A_3611 : memref<1x128xi32, #tpu.memory_space<vmem>> -> memref<128xi32, #tpu.memory_space<vmem>>
        %dma_wait3A_3613 = arith.constant 0 : i32
        %dma_wait3A_3614 = arith.constant 0 : i32
        %dma_wait3A_3615 = tpu.memref_slice %arg16[%dma_wait3A_3613, %dma_wait3A_3614] : memref<73728x24xf32, #tpu.memory_space<vmem_shared>> -> memref<73728x24xf32, #tpu.memory_space<vmem_shared>>
        tpu.wait_indirect_dma semaphore(%arg15 : memref<!tpu.dma_semaphore, #tpu.memory_space<semaphore_mem>>) src(%arg7 : memref<128x24xf32, #tpu.memory_space<vmem>>) dst(%dma_wait3A_3615 : memref<73728x24xf32, #tpu.memory_space<vmem_shared>>)
        %dma_wait3A_3616 = arith.constant 14 : i32
        %dma_wait3A_3617 = arith.constant 0 : i32
        %dma_wait3A_3618 = tpu.memref_slice %arg10[%dma_wait3A_3616, %dma_wait3A_3617] : memref<18x128xi32, #tpu.memory_space<vmem>> -> memref<1x128xi32, #tpu.memory_space<vmem>>
        %dma_wait3A_3619 = tpu.memref_squeeze %dma_wait3A_3618 : memref<1x128xi32, #tpu.memory_space<vmem>> -> memref<128xi32, #tpu.memory_space<vmem>>
        %dma_wait3A_3620 = arith.constant 0 : i32
        %dma_wait3A_3621 = arith.constant 0 : i32
        %dma_wait3A_3622 = tpu.memref_slice %arg16[%dma_wait3A_3620, %dma_wait3A_3621] : memref<73728x24xf32, #tpu.memory_space<vmem_shared>> -> memref<73728x24xf32, #tpu.memory_space<vmem_shared>>
        tpu.wait_indirect_dma semaphore(%arg15 : memref<!tpu.dma_semaphore, #tpu.memory_space<semaphore_mem>>) src(%arg7 : memref<128x24xf32, #tpu.memory_space<vmem>>) dst(%dma_wait3A_3622 : memref<73728x24xf32, #tpu.memory_space<vmem_shared>>)
        %dma_wait3A_3623 = arith.constant 15 : i32
        %dma_wait3A_3624 = arith.constant 0 : i32
        %dma_wait3A_3625 = tpu.memref_slice %arg10[%dma_wait3A_3623, %dma_wait3A_3624] : memref<18x128xi32, #tpu.memory_space<vmem>> -> memref<1x128xi32, #tpu.memory_space<vmem>>
        %dma_wait3A_3626 = tpu.memref_squeeze %dma_wait3A_3625 : memref<1x128xi32, #tpu.memory_space<vmem>> -> memref<128xi32, #tpu.memory_space<vmem>>
        %dma_wait3A_3627 = arith.constant 0 : i32
        %dma_wait3A_3628 = arith.constant 0 : i32
        %dma_wait3A_3629 = tpu.memref_slice %arg16[%dma_wait3A_3627, %dma_wait3A_3628] : memref<73728x24xf32, #tpu.memory_space<vmem_shared>> -> memref<73728x24xf32, #tpu.memory_space<vmem_shared>>
        tpu.wait_indirect_dma semaphore(%arg15 : memref<!tpu.dma_semaphore, #tpu.memory_space<semaphore_mem>>) src(%arg7 : memref<128x24xf32, #tpu.memory_space<vmem>>) dst(%dma_wait3A_3629 : memref<73728x24xf32, #tpu.memory_space<vmem_shared>>)
        %dma_wait3A_3630 = arith.constant 16 : i32
        %dma_wait3A_3631 = arith.constant 0 : i32
        %dma_wait3A_3632 = tpu.memref_slice %arg10[%dma_wait3A_3630, %dma_wait3A_3631] : memref<18x128xi32, #tpu.memory_space<vmem>> -> memref<1x128xi32, #tpu.memory_space<vmem>>
        %dma_wait3A_3633 = tpu.memref_squeeze %dma_wait3A_3632 : memref<1x128xi32, #tpu.memory_space<vmem>> -> memref<128xi32, #tpu.memory_space<vmem>>
        %dma_wait3A_3634 = arith.constant 0 : i32
        %dma_wait3A_3635 = arith.constant 0 : i32
        %dma_wait3A_3636 = tpu.memref_slice %arg16[%dma_wait3A_3634, %dma_wait3A_3635] : memref<73728x24xf32, #tpu.memory_space<vmem_shared>> -> memref<73728x24xf32, #tpu.memory_space<vmem_shared>>
        tpu.wait_indirect_dma semaphore(%arg15 : memref<!tpu.dma_semaphore, #tpu.memory_space<semaphore_mem>>) src(%arg7 : memref<128x24xf32, #tpu.memory_space<vmem>>) dst(%dma_wait3A_3636 : memref<73728x24xf32, #tpu.memory_space<vmem_shared>>)
        %dma_wait3A_3637 = arith.constant 17 : i32
        %dma_wait3A_3638 = arith.constant 0 : i32
        %dma_wait3A_3639 = tpu.memref_slice %arg10[%dma_wait3A_3637, %dma_wait3A_3638] : memref<18x128xi32, #tpu.memory_space<vmem>> -> memref<1x128xi32, #tpu.memory_space<vmem>>
        %dma_wait3A_3640 = tpu.memref_squeeze %dma_wait3A_3639 : memref<1x128xi32, #tpu.memory_space<vmem>> -> memref<128xi32, #tpu.memory_space<vmem>>
        %dma_wait3A_3641 = arith.constant 0 : i32
        %dma_wait3A_3642 = arith.constant 0 : i32
        %dma_wait3A_3643 = tpu.memref_slice %arg16[%dma_wait3A_3641, %dma_wait3A_3642] : memref<73728x24xf32, #tpu.memory_space<vmem_shared>> -> memref<73728x24xf32, #tpu.memory_space<vmem_shared>>
        tpu.wait_indirect_dma semaphore(%arg15 : memref<!tpu.dma_semaphore, #tpu.memory_space<semaphore_mem>>) src(%arg7 : memref<128x24xf32, #tpu.memory_space<vmem>>) dst(%dma_wait3A_3643 : memref<73728x24xf32, #tpu.memory_space<vmem_shared>>)
        %mul3A_3644 = arith.constant 2 : i32
        %mul3A_3645 = arith.muli %mul3A_3644, %scan3A_158 : i32
        %add3A_3646 = arith.constant 2 : i32
        %add3A_3647 = arith.addi %mul3A_3645, %add3A_3646 : i32
        %add3A_3648 = arith.constant 1 : i32
        %add3A_3649 = arith.addi %add3A_3647, %add3A_3648 : i32
        %mul3A_3650 = arith.constant 128 : i32
        %mul3A_3651 = arith.muli %add3A_3649, %mul3A_3650 : i32
        %add3A_3652 = arith.addi %mul3A_4, %mul3A_3651 : i32
        %dma_start3A_3653 = arith.constant 0 : i32
        %dma_start3A_3654 = tpu.memref_slice %arg2[%add3A_3652, %dma_start3A_3653] : memref<204800x24xf32, #tpu.memory_space<hbm>> -> memref<128x24xf32, #tpu.memory_space<hbm>>
        %dma_start3A_3655 = arith.constant 0 : i32
        %dma_start3A_3656 = tpu.memref_slice %arg2[%add3A_3652, %dma_start3A_3655] : memref<204800x24xf32, #tpu.memory_space<hbm>> -> memref<128x24xf32, #tpu.memory_space<hbm>>
        tpu.enqueue_dma source(%dma_start3A_3656 : memref<128x24xf32, #tpu.memory_space<hbm>>) target(%arg7 : memref<128x24xf32, #tpu.memory_space<vmem>>) target_semaphore(%arg13 : memref<!tpu.dma_semaphore, #tpu.memory_space<semaphore_mem>>)
        %dma_start3A_3657 = tpu.memref_slice %arg3[%add3A_3652] : memref<204800xi32, #tpu.memory_space<hbm>> -> memref<128xi32, #tpu.memory_space<hbm>>
        %dma_start3A_3658 = tpu.memref_slice %arg3[%add3A_3652] : memref<204800xi32, #tpu.memory_space<hbm>> -> memref<128xi32, #tpu.memory_space<hbm>>
        tpu.enqueue_dma source(%dma_start3A_3658 : memref<128xi32, #tpu.memory_space<hbm>>) target(%arg9 : memref<128xi32, #tpu.memory_space<vmem>>) target_semaphore(%arg13 : memref<!tpu.dma_semaphore, #tpu.memory_space<semaphore_mem>>)
      } else {
      }
      %scan3A_3502 = arith.constant 0 : i32
      scf.yield %scan3A_3502 : i32
    }
    %scan3A_24 = arith.constant 50 : i32
    %dma_wait3A = arith.constant 0 : i32
    %dma_wait3A_25 = arith.constant 0 : i32
    %dma_wait3A_26 = tpu.memref_slice %arg10[%dma_wait3A, %dma_wait3A_25] : memref<18x128xi32, #tpu.memory_space<vmem>> -> memref<1x128xi32, #tpu.memory_space<vmem>>
    %dma_wait3A_27 = tpu.memref_squeeze %dma_wait3A_26 : memref<1x128xi32, #tpu.memory_space<vmem>> -> memref<128xi32, #tpu.memory_space<vmem>>
    %dma_wait3A_28 = arith.constant 0 : i32
    %dma_wait3A_29 = arith.constant 0 : i32
    %dma_wait3A_30 = tpu.memref_slice %arg16[%dma_wait3A_28, %dma_wait3A_29] : memref<73728x24xf32, #tpu.memory_space<vmem_shared>> -> memref<73728x24xf32, #tpu.memory_space<vmem_shared>>
    tpu.wait_indirect_dma semaphore(%arg14 : memref<!tpu.dma_semaphore, #tpu.memory_space<semaphore_mem>>) src(%arg6 : memref<128x24xf32, #tpu.memory_space<vmem>>) dst(%dma_wait3A_30 : memref<73728x24xf32, #tpu.memory_space<vmem_shared>>)
    %dma_wait3A_31 = arith.constant 1 : i32
    %dma_wait3A_32 = arith.constant 0 : i32
    %dma_wait3A_33 = tpu.memref_slice %arg10[%dma_wait3A_31, %dma_wait3A_32] : memref<18x128xi32, #tpu.memory_space<vmem>> -> memref<1x128xi32, #tpu.memory_space<vmem>>
    %dma_wait3A_34 = tpu.memref_squeeze %dma_wait3A_33 : memref<1x128xi32, #tpu.memory_space<vmem>> -> memref<128xi32, #tpu.memory_space<vmem>>
    %dma_wait3A_35 = arith.constant 0 : i32
    %dma_wait3A_36 = arith.constant 0 : i32
    %dma_wait3A_37 = tpu.memref_slice %arg16[%dma_wait3A_35, %dma_wait3A_36] : memref<73728x24xf32, #tpu.memory_space<vmem_shared>> -> memref<73728x24xf32, #tpu.memory_space<vmem_shared>>
    tpu.wait_indirect_dma semaphore(%arg14 : memref<!tpu.dma_semaphore, #tpu.memory_space<semaphore_mem>>) src(%arg6 : memref<128x24xf32, #tpu.memory_space<vmem>>) dst(%dma_wait3A_37 : memref<73728x24xf32, #tpu.memory_space<vmem_shared>>)
    %dma_wait3A_38 = arith.constant 2 : i32
    %dma_wait3A_39 = arith.constant 0 : i32
    %dma_wait3A_40 = tpu.memref_slice %arg10[%dma_wait3A_38, %dma_wait3A_39] : memref<18x128xi32, #tpu.memory_space<vmem>> -> memref<1x128xi32, #tpu.memory_space<vmem>>
    %dma_wait3A_41 = tpu.memref_squeeze %dma_wait3A_40 : memref<1x128xi32, #tpu.memory_space<vmem>> -> memref<128xi32, #tpu.memory_space<vmem>>
    %dma_wait3A_42 = arith.constant 0 : i32
    %dma_wait3A_43 = arith.constant 0 : i32
    %dma_wait3A_44 = tpu.memref_slice %arg16[%dma_wait3A_42, %dma_wait3A_43] : memref<73728x24xf32, #tpu.memory_space<vmem_shared>> -> memref<73728x24xf32, #tpu.memory_space<vmem_shared>>
    tpu.wait_indirect_dma semaphore(%arg14 : memref<!tpu.dma_semaphore, #tpu.memory_space<semaphore_mem>>) src(%arg6 : memref<128x24xf32, #tpu.memory_space<vmem>>) dst(%dma_wait3A_44 : memref<73728x24xf32, #tpu.memory_space<vmem_shared>>)
    %dma_wait3A_45 = arith.constant 3 : i32
    %dma_wait3A_46 = arith.constant 0 : i32
    %dma_wait3A_47 = tpu.memref_slice %arg10[%dma_wait3A_45, %dma_wait3A_46] : memref<18x128xi32, #tpu.memory_space<vmem>> -> memref<1x128xi32, #tpu.memory_space<vmem>>
    %dma_wait3A_48 = tpu.memref_squeeze %dma_wait3A_47 : memref<1x128xi32, #tpu.memory_space<vmem>> -> memref<128xi32, #tpu.memory_space<vmem>>
    %dma_wait3A_49 = arith.constant 0 : i32
    %dma_wait3A_50 = arith.constant 0 : i32
    %dma_wait3A_51 = tpu.memref_slice %arg16[%dma_wait3A_49, %dma_wait3A_50] : memref<73728x24xf32, #tpu.memory_space<vmem_shared>> -> memref<73728x24xf32, #tpu.memory_space<vmem_shared>>
    tpu.wait_indirect_dma semaphore(%arg14 : memref<!tpu.dma_semaphore, #tpu.memory_space<semaphore_mem>>) src(%arg6 : memref<128x24xf32, #tpu.memory_space<vmem>>) dst(%dma_wait3A_51 : memref<73728x24xf32, #tpu.memory_space<vmem_shared>>)
    %dma_wait3A_52 = arith.constant 4 : i32
    %dma_wait3A_53 = arith.constant 0 : i32
    %dma_wait3A_54 = tpu.memref_slice %arg10[%dma_wait3A_52, %dma_wait3A_53] : memref<18x128xi32, #tpu.memory_space<vmem>> -> memref<1x128xi32, #tpu.memory_space<vmem>>
    %dma_wait3A_55 = tpu.memref_squeeze %dma_wait3A_54 : memref<1x128xi32, #tpu.memory_space<vmem>> -> memref<128xi32, #tpu.memory_space<vmem>>
    %dma_wait3A_56 = arith.constant 0 : i32
    %dma_wait3A_57 = arith.constant 0 : i32
    %dma_wait3A_58 = tpu.memref_slice %arg16[%dma_wait3A_56, %dma_wait3A_57] : memref<73728x24xf32, #tpu.memory_space<vmem_shared>> -> memref<73728x24xf32, #tpu.memory_space<vmem_shared>>
    tpu.wait_indirect_dma semaphore(%arg14 : memref<!tpu.dma_semaphore, #tpu.memory_space<semaphore_mem>>) src(%arg6 : memref<128x24xf32, #tpu.memory_space<vmem>>) dst(%dma_wait3A_58 : memref<73728x24xf32, #tpu.memory_space<vmem_shared>>)
    %dma_wait3A_59 = arith.constant 5 : i32
    %dma_wait3A_60 = arith.constant 0 : i32
    %dma_wait3A_61 = tpu.memref_slice %arg10[%dma_wait3A_59, %dma_wait3A_60] : memref<18x128xi32, #tpu.memory_space<vmem>> -> memref<1x128xi32, #tpu.memory_space<vmem>>
    %dma_wait3A_62 = tpu.memref_squeeze %dma_wait3A_61 : memref<1x128xi32, #tpu.memory_space<vmem>> -> memref<128xi32, #tpu.memory_space<vmem>>
    %dma_wait3A_63 = arith.constant 0 : i32
    %dma_wait3A_64 = arith.constant 0 : i32
    %dma_wait3A_65 = tpu.memref_slice %arg16[%dma_wait3A_63, %dma_wait3A_64] : memref<73728x24xf32, #tpu.memory_space<vmem_shared>> -> memref<73728x24xf32, #tpu.memory_space<vmem_shared>>
    tpu.wait_indirect_dma semaphore(%arg14 : memref<!tpu.dma_semaphore, #tpu.memory_space<semaphore_mem>>) src(%arg6 : memref<128x24xf32, #tpu.memory_space<vmem>>) dst(%dma_wait3A_65 : memref<73728x24xf32, #tpu.memory_space<vmem_shared>>)
    %dma_wait3A_66 = arith.constant 6 : i32
    %dma_wait3A_67 = arith.constant 0 : i32
    %dma_wait3A_68 = tpu.memref_slice %arg10[%dma_wait3A_66, %dma_wait3A_67] : memref<18x128xi32, #tpu.memory_space<vmem>> -> memref<1x128xi32, #tpu.memory_space<vmem>>
    %dma_wait3A_69 = tpu.memref_squeeze %dma_wait3A_68 : memref<1x128xi32, #tpu.memory_space<vmem>> -> memref<128xi32, #tpu.memory_space<vmem>>
    %dma_wait3A_70 = arith.constant 0 : i32
    %dma_wait3A_71 = arith.constant 0 : i32
    %dma_wait3A_72 = tpu.memref_slice %arg16[%dma_wait3A_70, %dma_wait3A_71] : memref<73728x24xf32, #tpu.memory_space<vmem_shared>> -> memref<73728x24xf32, #tpu.memory_space<vmem_shared>>
    tpu.wait_indirect_dma semaphore(%arg14 : memref<!tpu.dma_semaphore, #tpu.memory_space<semaphore_mem>>) src(%arg6 : memref<128x24xf32, #tpu.memory_space<vmem>>) dst(%dma_wait3A_72 : memref<73728x24xf32, #tpu.memory_space<vmem_shared>>)
    %dma_wait3A_73 = arith.constant 7 : i32
    %dma_wait3A_74 = arith.constant 0 : i32
    %dma_wait3A_75 = tpu.memref_slice %arg10[%dma_wait3A_73, %dma_wait3A_74] : memref<18x128xi32, #tpu.memory_space<vmem>> -> memref<1x128xi32, #tpu.memory_space<vmem>>
    %dma_wait3A_76 = tpu.memref_squeeze %dma_wait3A_75 : memref<1x128xi32, #tpu.memory_space<vmem>> -> memref<128xi32, #tpu.memory_space<vmem>>
    %dma_wait3A_77 = arith.constant 0 : i32
    %dma_wait3A_78 = arith.constant 0 : i32
    %dma_wait3A_79 = tpu.memref_slice %arg16[%dma_wait3A_77, %dma_wait3A_78] : memref<73728x24xf32, #tpu.memory_space<vmem_shared>> -> memref<73728x24xf32, #tpu.memory_space<vmem_shared>>
    tpu.wait_indirect_dma semaphore(%arg14 : memref<!tpu.dma_semaphore, #tpu.memory_space<semaphore_mem>>) src(%arg6 : memref<128x24xf32, #tpu.memory_space<vmem>>) dst(%dma_wait3A_79 : memref<73728x24xf32, #tpu.memory_space<vmem_shared>>)
    %dma_wait3A_80 = arith.constant 8 : i32
    %dma_wait3A_81 = arith.constant 0 : i32
    %dma_wait3A_82 = tpu.memref_slice %arg10[%dma_wait3A_80, %dma_wait3A_81] : memref<18x128xi32, #tpu.memory_space<vmem>> -> memref<1x128xi32, #tpu.memory_space<vmem>>
    %dma_wait3A_83 = tpu.memref_squeeze %dma_wait3A_82 : memref<1x128xi32, #tpu.memory_space<vmem>> -> memref<128xi32, #tpu.memory_space<vmem>>
    %dma_wait3A_84 = arith.constant 0 : i32
    %dma_wait3A_85 = arith.constant 0 : i32
    %dma_wait3A_86 = tpu.memref_slice %arg16[%dma_wait3A_84, %dma_wait3A_85] : memref<73728x24xf32, #tpu.memory_space<vmem_shared>> -> memref<73728x24xf32, #tpu.memory_space<vmem_shared>>
    tpu.wait_indirect_dma semaphore(%arg14 : memref<!tpu.dma_semaphore, #tpu.memory_space<semaphore_mem>>) src(%arg6 : memref<128x24xf32, #tpu.memory_space<vmem>>) dst(%dma_wait3A_86 : memref<73728x24xf32, #tpu.memory_space<vmem_shared>>)
    %dma_wait3A_87 = arith.constant 9 : i32
    %dma_wait3A_88 = arith.constant 0 : i32
    %dma_wait3A_89 = tpu.memref_slice %arg10[%dma_wait3A_87, %dma_wait3A_88] : memref<18x128xi32, #tpu.memory_space<vmem>> -> memref<1x128xi32, #tpu.memory_space<vmem>>
    %dma_wait3A_90 = tpu.memref_squeeze %dma_wait3A_89 : memref<1x128xi32, #tpu.memory_space<vmem>> -> memref<128xi32, #tpu.memory_space<vmem>>
    %dma_wait3A_91 = arith.constant 0 : i32
    %dma_wait3A_92 = arith.constant 0 : i32
    %dma_wait3A_93 = tpu.memref_slice %arg16[%dma_wait3A_91, %dma_wait3A_92] : memref<73728x24xf32, #tpu.memory_space<vmem_shared>> -> memref<73728x24xf32, #tpu.memory_space<vmem_shared>>
    tpu.wait_indirect_dma semaphore(%arg15 : memref<!tpu.dma_semaphore, #tpu.memory_space<semaphore_mem>>) src(%arg7 : memref<128x24xf32, #tpu.memory_space<vmem>>) dst(%dma_wait3A_93 : memref<73728x24xf32, #tpu.memory_space<vmem_shared>>)
    %dma_wait3A_94 = arith.constant 10 : i32
    %dma_wait3A_95 = arith.constant 0 : i32
    %dma_wait3A_96 = tpu.memref_slice %arg10[%dma_wait3A_94, %dma_wait3A_95] : memref<18x128xi32, #tpu.memory_space<vmem>> -> memref<1x128xi32, #tpu.memory_space<vmem>>
    %dma_wait3A_97 = tpu.memref_squeeze %dma_wait3A_96 : memref<1x128xi32, #tpu.memory_space<vmem>> -> memref<128xi32, #tpu.memory_space<vmem>>
    %dma_wait3A_98 = arith.constant 0 : i32
    %dma_wait3A_99 = arith.constant 0 : i32
    %dma_wait3A_100 = tpu.memref_slice %arg16[%dma_wait3A_98, %dma_wait3A_99] : memref<73728x24xf32, #tpu.memory_space<vmem_shared>> -> memref<73728x24xf32, #tpu.memory_space<vmem_shared>>
    tpu.wait_indirect_dma semaphore(%arg15 : memref<!tpu.dma_semaphore, #tpu.memory_space<semaphore_mem>>) src(%arg7 : memref<128x24xf32, #tpu.memory_space<vmem>>) dst(%dma_wait3A_100 : memref<73728x24xf32, #tpu.memory_space<vmem_shared>>)
    %dma_wait3A_101 = arith.constant 11 : i32
    %dma_wait3A_102 = arith.constant 0 : i32
    %dma_wait3A_103 = tpu.memref_slice %arg10[%dma_wait3A_101, %dma_wait3A_102] : memref<18x128xi32, #tpu.memory_space<vmem>> -> memref<1x128xi32, #tpu.memory_space<vmem>>
    %dma_wait3A_104 = tpu.memref_squeeze %dma_wait3A_103 : memref<1x128xi32, #tpu.memory_space<vmem>> -> memref<128xi32, #tpu.memory_space<vmem>>
    %dma_wait3A_105 = arith.constant 0 : i32
    %dma_wait3A_106 = arith.constant 0 : i32
    %dma_wait3A_107 = tpu.memref_slice %arg16[%dma_wait3A_105, %dma_wait3A_106] : memref<73728x24xf32, #tpu.memory_space<vmem_shared>> -> memref<73728x24xf32, #tpu.memory_space<vmem_shared>>
    tpu.wait_indirect_dma semaphore(%arg15 : memref<!tpu.dma_semaphore, #tpu.memory_space<semaphore_mem>>) src(%arg7 : memref<128x24xf32, #tpu.memory_space<vmem>>) dst(%dma_wait3A_107 : memref<73728x24xf32, #tpu.memory_space<vmem_shared>>)
    %dma_wait3A_108 = arith.constant 12 : i32
    %dma_wait3A_109 = arith.constant 0 : i32
    %dma_wait3A_110 = tpu.memref_slice %arg10[%dma_wait3A_108, %dma_wait3A_109] : memref<18x128xi32, #tpu.memory_space<vmem>> -> memref<1x128xi32, #tpu.memory_space<vmem>>
    %dma_wait3A_111 = tpu.memref_squeeze %dma_wait3A_110 : memref<1x128xi32, #tpu.memory_space<vmem>> -> memref<128xi32, #tpu.memory_space<vmem>>
    %dma_wait3A_112 = arith.constant 0 : i32
    %dma_wait3A_113 = arith.constant 0 : i32
    %dma_wait3A_114 = tpu.memref_slice %arg16[%dma_wait3A_112, %dma_wait3A_113] : memref<73728x24xf32, #tpu.memory_space<vmem_shared>> -> memref<73728x24xf32, #tpu.memory_space<vmem_shared>>
    tpu.wait_indirect_dma semaphore(%arg15 : memref<!tpu.dma_semaphore, #tpu.memory_space<semaphore_mem>>) src(%arg7 : memref<128x24xf32, #tpu.memory_space<vmem>>) dst(%dma_wait3A_114 : memref<73728x24xf32, #tpu.memory_space<vmem_shared>>)
    %dma_wait3A_115 = arith.constant 13 : i32
    %dma_wait3A_116 = arith.constant 0 : i32
    %dma_wait3A_117 = tpu.memref_slice %arg10[%dma_wait3A_115, %dma_wait3A_116] : memref<18x128xi32, #tpu.memory_space<vmem>> -> memref<1x128xi32, #tpu.memory_space<vmem>>
    %dma_wait3A_118 = tpu.memref_squeeze %dma_wait3A_117 : memref<1x128xi32, #tpu.memory_space<vmem>> -> memref<128xi32, #tpu.memory_space<vmem>>
    %dma_wait3A_119 = arith.constant 0 : i32
    %dma_wait3A_120 = arith.constant 0 : i32
    %dma_wait3A_121 = tpu.memref_slice %arg16[%dma_wait3A_119, %dma_wait3A_120] : memref<73728x24xf32, #tpu.memory_space<vmem_shared>> -> memref<73728x24xf32, #tpu.memory_space<vmem_shared>>
    tpu.wait_indirect_dma semaphore(%arg15 : memref<!tpu.dma_semaphore, #tpu.memory_space<semaphore_mem>>) src(%arg7 : memref<128x24xf32, #tpu.memory_space<vmem>>) dst(%dma_wait3A_121 : memref<73728x24xf32, #tpu.memory_space<vmem_shared>>)
    %dma_wait3A_122 = arith.constant 14 : i32
    %dma_wait3A_123 = arith.constant 0 : i32
    %dma_wait3A_124 = tpu.memref_slice %arg10[%dma_wait3A_122, %dma_wait3A_123] : memref<18x128xi32, #tpu.memory_space<vmem>> -> memref<1x128xi32, #tpu.memory_space<vmem>>
    %dma_wait3A_125 = tpu.memref_squeeze %dma_wait3A_124 : memref<1x128xi32, #tpu.memory_space<vmem>> -> memref<128xi32, #tpu.memory_space<vmem>>
    %dma_wait3A_126 = arith.constant 0 : i32
    %dma_wait3A_127 = arith.constant 0 : i32
    %dma_wait3A_128 = tpu.memref_slice %arg16[%dma_wait3A_126, %dma_wait3A_127] : memref<73728x24xf32, #tpu.memory_space<vmem_shared>> -> memref<73728x24xf32, #tpu.memory_space<vmem_shared>>
    tpu.wait_indirect_dma semaphore(%arg15 : memref<!tpu.dma_semaphore, #tpu.memory_space<semaphore_mem>>) src(%arg7 : memref<128x24xf32, #tpu.memory_space<vmem>>) dst(%dma_wait3A_128 : memref<73728x24xf32, #tpu.memory_space<vmem_shared>>)
    %dma_wait3A_129 = arith.constant 15 : i32
    %dma_wait3A_130 = arith.constant 0 : i32
    %dma_wait3A_131 = tpu.memref_slice %arg10[%dma_wait3A_129, %dma_wait3A_130] : memref<18x128xi32, #tpu.memory_space<vmem>> -> memref<1x128xi32, #tpu.memory_space<vmem>>
    %dma_wait3A_132 = tpu.memref_squeeze %dma_wait3A_131 : memref<1x128xi32, #tpu.memory_space<vmem>> -> memref<128xi32, #tpu.memory_space<vmem>>
    %dma_wait3A_133 = arith.constant 0 : i32
    %dma_wait3A_134 = arith.constant 0 : i32
    %dma_wait3A_135 = tpu.memref_slice %arg16[%dma_wait3A_133, %dma_wait3A_134] : memref<73728x24xf32, #tpu.memory_space<vmem_shared>> -> memref<73728x24xf32, #tpu.memory_space<vmem_shared>>
    tpu.wait_indirect_dma semaphore(%arg15 : memref<!tpu.dma_semaphore, #tpu.memory_space<semaphore_mem>>) src(%arg7 : memref<128x24xf32, #tpu.memory_space<vmem>>) dst(%dma_wait3A_135 : memref<73728x24xf32, #tpu.memory_space<vmem_shared>>)
    %dma_wait3A_136 = arith.constant 16 : i32
    %dma_wait3A_137 = arith.constant 0 : i32
    %dma_wait3A_138 = tpu.memref_slice %arg10[%dma_wait3A_136, %dma_wait3A_137] : memref<18x128xi32, #tpu.memory_space<vmem>> -> memref<1x128xi32, #tpu.memory_space<vmem>>
    %dma_wait3A_139 = tpu.memref_squeeze %dma_wait3A_138 : memref<1x128xi32, #tpu.memory_space<vmem>> -> memref<128xi32, #tpu.memory_space<vmem>>
    %dma_wait3A_140 = arith.constant 0 : i32
    %dma_wait3A_141 = arith.constant 0 : i32
    %dma_wait3A_142 = tpu.memref_slice %arg16[%dma_wait3A_140, %dma_wait3A_141] : memref<73728x24xf32, #tpu.memory_space<vmem_shared>> -> memref<73728x24xf32, #tpu.memory_space<vmem_shared>>
    tpu.wait_indirect_dma semaphore(%arg15 : memref<!tpu.dma_semaphore, #tpu.memory_space<semaphore_mem>>) src(%arg7 : memref<128x24xf32, #tpu.memory_space<vmem>>) dst(%dma_wait3A_142 : memref<73728x24xf32, #tpu.memory_space<vmem_shared>>)
    %dma_wait3A_143 = arith.constant 17 : i32
    %dma_wait3A_144 = arith.constant 0 : i32
    %dma_wait3A_145 = tpu.memref_slice %arg10[%dma_wait3A_143, %dma_wait3A_144] : memref<18x128xi32, #tpu.memory_space<vmem>> -> memref<1x128xi32, #tpu.memory_space<vmem>>
    %dma_wait3A_146 = tpu.memref_squeeze %dma_wait3A_145 : memref<1x128xi32, #tpu.memory_space<vmem>> -> memref<128xi32, #tpu.memory_space<vmem>>
    %dma_wait3A_147 = arith.constant 0 : i32
    %dma_wait3A_148 = arith.constant 0 : i32
    %dma_wait3A_149 = tpu.memref_slice %arg16[%dma_wait3A_147, %dma_wait3A_148] : memref<73728x24xf32, #tpu.memory_space<vmem_shared>> -> memref<73728x24xf32, #tpu.memory_space<vmem_shared>>
    tpu.wait_indirect_dma semaphore(%arg15 : memref<!tpu.dma_semaphore, #tpu.memory_space<semaphore_mem>>) src(%arg7 : memref<128x24xf32, #tpu.memory_space<vmem>>) dst(%dma_wait3A_149 : memref<73728x24xf32, #tpu.memory_space<vmem_shared>>)
    %barrier3A_150 = arith.constant 0 : index
    tpu.barrier barrier_id(%barrier3A_150)
    %scan3A_151 = arith.constant 0 : i32
    %scan3A_152 = arith.constant 0 : i32
    %scan3A_153 = arith.constant 36 : i32
    %scan3A_154 = arith.addi %scan3A_152, %scan3A_153 : i32
    %scan3A_155 = arith.constant 1 : i32
    %scan3A_156 = scf.for %scan3A_158 = %scan3A_152 to %scan3A_154 step %scan3A_155 iter_args(%scan3A_159 = %scan3A_151) -> (i32)  : i32 {
      %mul3A_160 = arith.constant 4608 : i32
      %mul3A_161 = arith.muli %arg1, %mul3A_160 : i32
      %mul3A_162 = arith.constant 128 : i32
      %mul3A_163 = arith.muli %scan3A_158, %mul3A_162 : i32
      %add3A_164 = arith.addi %mul3A_161, %mul3A_163 : i32
      "tpu.region"() ({
        %run_scoped3A = tpu.sem_alloc : memref<!tpu.dma_semaphore, #tpu.memory_space<semaphore_mem>>
        %dma_start3A_181 = arith.constant 0 : i32
        %dma_start3A_182 = tpu.memref_slice %arg16[%add3A_164, %dma_start3A_181] : memref<73728x24xf32, #tpu.memory_space<vmem_shared>> -> memref<128x24xf32, #tpu.memory_space<vmem_shared>>
        %dma_start3A_183 = arith.constant 0 : i32
        %dma_start3A_184 = tpu.memref_slice %arg16[%add3A_164, %dma_start3A_183] : memref<73728x24xf32, #tpu.memory_space<vmem_shared>> -> memref<128x24xf32, #tpu.memory_space<vmem_shared>>
        tpu.enqueue_dma source(%dma_start3A_184 : memref<128x24xf32, #tpu.memory_space<vmem_shared>>) target(%arg6 : memref<128x24xf32, #tpu.memory_space<vmem>>) target_semaphore(%run_scoped3A : memref<!tpu.dma_semaphore, #tpu.memory_space<semaphore_mem>>)
        %dma_wait3A_185 = arith.constant 0 : i32
        %dma_wait3A_186 = tpu.memref_slice %arg16[%add3A_164, %dma_wait3A_185] : memref<73728x24xf32, #tpu.memory_space<vmem_shared>> -> memref<128x24xf32, #tpu.memory_space<vmem_shared>>
        %dma_wait3A_187 = arith.constant 0 : i32
        %dma_wait3A_188 = tpu.memref_slice %arg16[%add3A_164, %dma_wait3A_187] : memref<73728x24xf32, #tpu.memory_space<vmem_shared>> -> memref<128x24xf32, #tpu.memory_space<vmem_shared>>
        tpu.wait_dma2 semaphore(%run_scoped3A : memref<!tpu.dma_semaphore, #tpu.memory_space<semaphore_mem>>) src(%dma_wait3A_188 : memref<128x24xf32, #tpu.memory_space<vmem_shared>>) dst(%arg6 : memref<128x24xf32, #tpu.memory_space<vmem>>)
        tpu.yield
      }) : () -> ()
      %scan3A_165 = arith.constant 0 : i32
      %scan3A_166 = arith.constant 0 : i32
      %scan3A_167 = arith.constant 128 : i32
      %scan3A_168 = arith.addi %scan3A_166, %scan3A_167 : i32
      %scan3A_169 = arith.constant 1 : i32
      %scan3A_170 = scf.for %scan3A_181 = %scan3A_166 to %scan3A_168 step %scan3A_169 iter_args(%scan3A_182 = %scan3A_165) -> (i32)  : i32 {
        %get3A = arith.index_cast %scan3A_181 : i32 to index
        %get3A_183 = arith.constant 7 : index
        %get3A_184 = tpu.vector_load %arg6[%get3A, %get3A_183] {strides = array<i32>} : memref<128x24xf32, #tpu.memory_space<vmem>>, vector<1x16xf32>,
        %get3A_185 = vector.shape_cast %get3A_184 : vector<1x16xf32> to vector<16xf32>
        %get3A_186 = arith.index_cast %scan3A_181 : i32 to index
        %get3A_187 = arith.constant 8 : index
        %get3A_188 = tpu.vector_load %arg6[%get3A_186, %get3A_187] {strides = array<i32>} : memref<128x24xf32, #tpu.memory_space<vmem>>, vector<1x16xf32>,
        %get3A_189 = vector.shape_cast %get3A_188 : vector<1x16xf32> to vector<16xf32>
        %max3A = arith.constant 1.000000e+00 : f32
        %max3A_190 = vector.broadcast %max3A : f32 to vector<16xf32>
        %max3A_191 = arith.maximumf %get3A_189, %max3A_190 : vector<16xf32>
        %div3A = arith.constant 1.000000e+00 : f32
        %div3A_192 = vector.broadcast %div3A : f32 to vector<16xf32>
        %div3A_193 = arith.divf %div3A_192, %max3A_191 : vector<16xf32>
        %slice3A = vector.extract_strided_slice %div3A_193 {offsets = [15], sizes = [1], strides = [1]} : vector<16xf32> to vector<1xf32>
        %squeeze3A = vector.extract %slice3A[0] : f32 from vector<1xf32>
        %get3A_194 = arith.index_cast %scan3A_181 : i32 to index
        %get3A_195 = arith.constant 2 : index
        %get3A_196 = tpu.vector_load %arg6[%get3A_194, %get3A_195] {strides = array<i32>} : memref<128x24xf32, #tpu.memory_space<vmem>>, vector<1x16xf32>,
        %get3A_197 = vector.shape_cast %get3A_196 : vector<1x16xf32> to vector<16xf32>
        %mul3A_198 = vector.broadcast %squeeze3A : f32 to vector<16xf32>
        %mul3A_199 = arith.mulf %get3A_197, %mul3A_198 : vector<16xf32>
        %swap3A = arith.index_cast %scan3A_181 : i32 to index
        %swap3A_200 = arith.constant 0 : index
        %swap3A_201 = tpu.vector_load %arg11[%swap3A, %swap3A_200] {strides = array<i32>} : memref<128x21xf32, #tpu.memory_space<vmem>>, vector<1x16xf32>,
        %swap3A_202 = vector.shape_cast %swap3A_201 : vector<1x16xf32> to vector<16xf32>
        %swap3A_203 = vector.shape_cast %mul3A_199 : vector<16xf32> to vector<1x16xf32>
        tpu.vector_store %arg11[%swap3A, %swap3A_200], %swap3A_203 {strides = array<i32>} : memref<128x21xf32, #tpu.memory_space<vmem>>, vector<1x16xf32>,
        %mul3A_204 = vector.broadcast %squeeze3A : f32 to vector<16xf32>
        %mul3A_205 = arith.mulf %get3A_185, %mul3A_204 : vector<16xf32>
        %swap3A_206 = arith.index_cast %scan3A_181 : i32 to index
        %swap3A_207 = arith.constant 5 : index
        %swap3A_208 = tpu.vector_load %arg11[%swap3A_206, %swap3A_207] {strides = array<i32>} : memref<128x21xf32, #tpu.memory_space<vmem>>, vector<1x16xf32>,
        %swap3A_209 = vector.shape_cast %swap3A_208 : vector<1x16xf32> to vector<16xf32>
        %swap3A_210 = vector.shape_cast %mul3A_205 : vector<16xf32> to vector<1x16xf32>
        tpu.vector_store %arg11[%swap3A_206, %swap3A_207], %swap3A_210 {strides = array<i32>} : memref<128x21xf32, #tpu.memory_space<vmem>>, vector<1x16xf32>,
        %scan3A_211 = arith.constant 0 : i32
        scf.yield %scan3A_211 : i32
      }
      %scan3A_171 = arith.constant 128 : i32
      %mul3A_172 = arith.constant 73728 : i32
      %mul3A_173 = arith.muli %arg0, %mul3A_172 : i32
      %mul3A_174 = arith.constant 4608 : i32
      %mul3A_175 = arith.muli %arg1, %mul3A_174 : i32
      %add3A_176 = arith.addi %mul3A_173, %mul3A_175 : i32
      %mul3A_177 = arith.constant 128 : i32
      %mul3A_178 = arith.muli %scan3A_158, %mul3A_177 : i32
      %add3A_179 = arith.addi %add3A_176, %mul3A_178 : i32
      "tpu.region"() ({
        %run_scoped3A = tpu.sem_alloc : memref<!tpu.dma_semaphore, #tpu.memory_space<semaphore_mem>>
        %dma_start3A_181 = arith.constant 0 : i32
        %dma_start3A_182 = tpu.memref_slice %arg5[%add3A_179, %dma_start3A_181] : memref<147456x21xf32, #tpu.memory_space<hbm>> -> memref<128x21xf32, #tpu.memory_space<hbm>>
        %dma_start3A_183 = arith.constant 0 : i32
        %dma_start3A_184 = tpu.memref_slice %arg5[%add3A_179, %dma_start3A_183] : memref<147456x21xf32, #tpu.memory_space<hbm>> -> memref<128x21xf32, #tpu.memory_space<hbm>>
        tpu.enqueue_dma source(%arg11 : memref<128x21xf32, #tpu.memory_space<vmem>>) target(%dma_start3A_184 : memref<128x21xf32, #tpu.memory_space<hbm>>) target_semaphore(%run_scoped3A : memref<!tpu.dma_semaphore, #tpu.memory_space<semaphore_mem>>)
        %dma_wait3A_185 = arith.constant 0 : i32
        %dma_wait3A_186 = tpu.memref_slice %arg5[%add3A_179, %dma_wait3A_185] : memref<147456x21xf32, #tpu.memory_space<hbm>> -> memref<128x21xf32, #tpu.memory_space<hbm>>
        %dma_wait3A_187 = arith.constant 0 : i32
        %dma_wait3A_188 = tpu.memref_slice %arg5[%add3A_179, %dma_wait3A_187] : memref<147456x21xf32, #tpu.memory_space<hbm>> -> memref<128x21xf32, #tpu.memory_space<hbm>>
        tpu.wait_dma2 semaphore(%run_scoped3A : memref<!tpu.dma_semaphore, #tpu.memory_space<semaphore_mem>>) src(%arg11 : memref<128x21xf32, #tpu.memory_space<vmem>>) dst(%dma_wait3A_188 : memref<128x21xf32, #tpu.memory_space<hbm>>)
        tpu.yield
      }) : () -> ()
      %scan3A_180 = arith.constant 0 : i32
      scf.yield %scan3A_180 : i32
    }
    %scan3A_157 = arith.constant 36 : i32
    return
  }
}

module attributes {stable_mosaic.version = 14 : i64} {
  func.func @_prep_body(%arg0: i32, %arg1: memref<20x5120xf32, #tpu.memory_space<vmem>>, %arg2: memref<3x5120xf32, #tpu.memory_space<vmem>>, %arg3: memref<3x5120xf32, #tpu.memory_space<vmem>>, %arg4: memref<1x5120xi32, #tpu.memory_space<vmem>>, %arg5: memref<5120x24xf32, #tpu.memory_space<vmem>>, %arg6: memref<5120xi32, #tpu.memory_space<vmem>>) attributes {dimension_semantics = [#tpu.dimension_semantics<arbitrary>], iteration_bounds = array<i64: 40>, scalar_prefetch = 0 : i64, scratch_operands = 0 : i64, tpu.core_type = #tpu.core_type<tc>, window_params = [{transform_indices = @transform_0, window_bounds = array<i64: 20, 5120>}, {transform_indices = @transform_1, window_bounds = array<i64: 3, 5120>}, {transform_indices = @transform_2, window_bounds = array<i64: 3, 5120>}, {transform_indices = @transform_3, window_bounds = array<i64: 1, 5120>}, {transform_indices = @transform_4, window_bounds = array<i64: 5120, 24>}, {transform_indices = @transform_5, window_bounds = array<i64: 5120>}]} {
    %get3A = arith.constant 0 : index
    %get3A_0 = arith.constant 0 : index
    %get3A_1 = vector.load %arg1[%get3A, %get3A_0] : memref<20x5120xf32, #tpu.memory_space<vmem>>, vector<20x5120xf32>
    %reduce_max3A = arith.constant dense<0xFF800000> : vector<5120xf32>
    %reduce_max3A_2 = vector.multi_reduction <maximumf>, %get3A_1, %reduce_max3A [0] : vector<20x5120xf32> to vector<5120xf32>
    %broadcast_in_dim3A = vector.shape_cast %reduce_max3A_2 : vector<5120xf32> to vector<1x5120xf32>
    %sub3A = vector.broadcast %broadcast_in_dim3A : vector<1x5120xf32> to vector<20x5120xf32>
    %sub3A_3 = arith.subf %get3A_1, %sub3A : vector<20x5120xf32>
    %exp3A = math.exp %sub3A_3 : vector<20x5120xf32>
    %reduce_sum3A = arith.constant dense<0.000000e+00> : vector<5120xf32>
    %reduce_sum3A_4 = vector.multi_reduction <add>, %exp3A, %reduce_sum3A [0] : vector<20x5120xf32> to vector<5120xf32>
    %broadcast_in_dim3A_5 = vector.shape_cast %reduce_sum3A_4 : vector<5120xf32> to vector<1x5120xf32>
    %div3A = vector.broadcast %broadcast_in_dim3A_5 : vector<1x5120xf32> to vector<20x5120xf32>
    %div3A_6 = arith.divf %exp3A, %div3A : vector<20x5120xf32>
    %slice3A = vector.extract_strided_slice %div3A_6 {offsets = [2, 0], sizes = [18, 5120], strides = [1, 1]} : vector<20x5120xf32> to vector<18x5120xf32>
    %gt3A = arith.constant 5.000000e-02 : f32
    %gt3A_7 = vector.broadcast %gt3A : f32 to vector<18x5120xf32>
    %gt3A_8 = arith.cmpf ogt, %slice3A, %gt3A_7 : vector<18x5120xf32>
    %convert_element_type3A = arith.extui %gt3A_8 : vector<18x5120xi1> to vector<18x5120xi32>
    %iota3A = tpu.iota {dimensions = array<i32: 0>} : vector<18x1xi32>
    %add3A = arith.constant 13 : i32
    %add3A_9 = vector.broadcast %add3A : i32 to vector<18x1xi32>
    %add3A_10 = arith.addi %iota3A, %add3A_9 : vector<18x1xi32>
    %shift_left3A = vector.broadcast %add3A_10 : vector<18x1xi32> to vector<18x5120xi32>
    %shift_left3A_11 = arith.shli %convert_element_type3A, %shift_left3A : vector<18x5120xi32>
    %reduce_sum3A_12 = arith.constant dense<0> : vector<5120xi32>
    %reduce_sum3A_13 = vector.multi_reduction <add>, %shift_left3A_11, %reduce_sum3A_12 [0] : vector<18x5120xi32> to vector<5120xi32>
    %broadcast_in_dim3A_14 = vector.shape_cast %reduce_sum3A_13 : vector<5120xi32> to vector<1x5120xi32>
    %get3A_15 = arith.constant 0 : index
    %get3A_16 = arith.constant 0 : index
    %get3A_17 = vector.load %arg3[%get3A_15, %get3A_16] : memref<3x5120xf32, #tpu.memory_space<vmem>>, vector<3x5120xf32>
    %get3A_18 = arith.constant 0 : index
    %get3A_19 = arith.constant 0 : index
    %get3A_20 = vector.load %arg2[%get3A_18, %get3A_19] : memref<3x5120xf32, #tpu.memory_space<vmem>>, vector<3x5120xf32>
    %add3A_21 = arith.addf %get3A_17, %get3A_20 : vector<3x5120xf32>
    %div3A_22 = arith.constant 4.000000e-02 : f32
    %div3A_23 = vector.broadcast %div3A_22 : f32 to vector<3x5120xf32>
    %div3A_24 = arith.divf %add3A_21, %div3A_23 : vector<3x5120xf32>
    %floor3A = math.floor %div3A_24 : vector<3x5120xf32>
    %convert_element_type3A_25 = arith.fptosi %floor3A : vector<3x5120xf32> to vector<3x5120xi32>
    %slice3A_26 = vector.extract_strided_slice %convert_element_type3A_25 {offsets = [0, 0], sizes = [1, 5120], strides = [1, 1]} : vector<3x5120xi32> to vector<1x5120xi32>
    %mul3A = arith.constant 73856093 : i32
    %mul3A_27 = vector.broadcast %mul3A : i32 to vector<1x5120xi32>
    %mul3A_28 = arith.muli %slice3A_26, %mul3A_27 : vector<1x5120xi32>
    %slice3A_29 = vector.extract_strided_slice %convert_element_type3A_25 {offsets = [1, 0], sizes = [1, 5120], strides = [1, 1]} : vector<3x5120xi32> to vector<1x5120xi32>
    %mul3A_30 = arith.constant 19349663 : i32
    %mul3A_31 = vector.broadcast %mul3A_30 : i32 to vector<1x5120xi32>
    %mul3A_32 = arith.muli %slice3A_29, %mul3A_31 : vector<1x5120xi32>
    %xor3A = arith.xori %mul3A_28, %mul3A_32 : vector<1x5120xi32>
    %slice3A_33 = vector.extract_strided_slice %convert_element_type3A_25 {offsets = [2, 0], sizes = [1, 5120], strides = [1, 1]} : vector<3x5120xi32> to vector<1x5120xi32>
    %mul3A_34 = arith.constant 83492791 : i32
    %mul3A_35 = vector.broadcast %mul3A_34 : i32 to vector<1x5120xi32>
    %mul3A_36 = arith.muli %slice3A_33, %mul3A_35 : vector<1x5120xi32>
    %xor3A_37 = arith.xori %xor3A, %mul3A_36 : vector<1x5120xi32>
    %get3A_38 = arith.constant 0 : index
    %get3A_39 = arith.constant 0 : index
    %get3A_40 = vector.load %arg4[%get3A_38, %get3A_39] : memref<1x5120xi32, #tpu.memory_space<vmem>>, vector<1x5120xi32>
    %mul3A_41 = arith.constant 1000003 : i32
    %mul3A_42 = vector.broadcast %mul3A_41 : i32 to vector<1x5120xi32>
    %mul3A_43 = arith.muli %get3A_40, %mul3A_42 : vector<1x5120xi32>
    %xor3A_44 = arith.xori %xor3A_37, %mul3A_43 : vector<1x5120xi32>
    %abs3A = math.absi %xor3A_44 : vector<1x5120xi32>
    %and3A = arith.constant 8191 : i32
    %and3A_45 = vector.broadcast %and3A : i32 to vector<1x5120xi32>
    %and3A_46 = arith.andi %abs3A, %and3A_45 : vector<1x5120xi32>
    %or3A = arith.ori %and3A_46, %broadcast_in_dim3A_14 : vector<1x5120xi32>
    %reshape3A = vector.shape_cast %or3A : vector<1x5120xi32> to vector<5120xi32>
    %swap3A = arith.constant 0 : index
    %swap3A_47 = vector.load %arg6[%swap3A] : memref<5120xi32, #tpu.memory_space<vmem>>, vector<5120xi32>
    tpu.vector_store %arg6[%swap3A], %reshape3A {strides = array<i32>} : memref<5120xi32, #tpu.memory_space<vmem>>, vector<5120xi32>,
    %broadcast_in_dim3A_48 = arith.constant 1.000000e+00 : f32
    %broadcast_in_dim3A_49 = vector.broadcast %broadcast_in_dim3A_48 : f32 to vector<1x5120xf32>
    %concatenate3A = tpu.concatenate %get3A_1, %add3A_21, %broadcast_in_dim3A_49 in 0 : vector<20x5120xf32>, vector<3x5120xf32>, vector<1x5120xf32> -> vector<24x5120xf32>
    %transpose3A = tpu.transpose %concatenate3A, [1, 0] : vector<24x5120xf32> -> vector<5120x24xf32>
    %swap3A_50 = arith.constant 0 : index
    %swap3A_51 = arith.constant 0 : index
    %swap3A_52 = vector.load %arg5[%swap3A_50, %swap3A_51] : memref<5120x24xf32, #tpu.memory_space<vmem>>, vector<5120x24xf32>
    tpu.vector_store %arg5[%swap3A_50, %swap3A_51], %transpose3A {strides = array<i32>} : memref<5120x24xf32, #tpu.memory_space<vmem>>, vector<5120x24xf32>,
    return
  }
  func.func @transform_0(%arg0: i32) -> (i32, i32) {
    %c0_i32 = arith.constant 0 : i32
    %c0_i32_0 = arith.constant 0 : i32
    return %c0_i32, %arg0 : i32, i32
  }
  func.func @transform_1(%arg0: i32) -> (i32, i32) {
    %c0_i32 = arith.constant 0 : i32
    %c0_i32_0 = arith.constant 0 : i32
    return %c0_i32, %arg0 : i32, i32
  }
  func.func @transform_2(%arg0: i32) -> (i32, i32) {
    %c0_i32 = arith.constant 0 : i32
    %c0_i32_0 = arith.constant 0 : i32
    return %c0_i32, %arg0 : i32, i32
  }
  func.func @transform_3(%arg0: i32) -> (i32, i32) {
    %c0_i32 = arith.constant 0 : i32
    %c0_i32_0 = arith.constant 0 : i32
    return %c0_i32, %arg0 : i32, i32
  }
  func.func @transform_4(%arg0: i32) -> (i32, i32) {
    %c0_i32 = arith.constant 0 : i32
    %c0_i32_0 = arith.constant 0 : i32
    return %arg0, %c0_i32 : i32, i32
  }
  func.func @transform_5(%arg0: i32) -> i32 {
    %c0_i32 = arith.constant 0 : i32
    return %arg0 : i32
  }
}

</mosaic_0001>

<sc_bundles>
// kernel: kernel.4.cloned.1.call-start
scs
__scs_entry_jumppad:
0x0: {  	(pc) =	sbr.rel $0x88, $3  }
0x1: {  	(tag) =	ssettag $0x0;
	lr =	simm.s32 $0x1  }
0x2: {  	[smem:$0x3F9D] =	sst lr;
	_ =	strace $0xD0000000  }
0x3: {  	_ = 	snop  }
0x4: {  	_ = 	snop  }
0x5: {  	_ = 	snop  }
0x6: {  	_ = 	snop  }
0x7: {  	_ = 	snop  }
__scs_overlays_trampoline_lowered:
0x8: {  	[smem:$0x3FAC] =	sst s0  }
0x9: {  	[smem:$0x3FAD] =	sst s1  }
0xa: {  	[smem:$0x3FAE] =	sst s2  }
0xb: {  	[smem:$0x3FAF] =	sst s3  }
0xc: {  	[smem:$0x3FB0] =	sst s4  }
0xd: {  	[smem:$0x3FB1] =	sst s5  }
0xe: {  	[smem:$0x3FB2] =	sst s6  }
0xf: {  	[smem:$0x3FB3] =	sst s7  }
0x10: {  	[smem:$0x3FB4] =	sst s8  }
0x11: {  	[smem:$0x3FB5] =	sst s9;
	s0 =	simm.s32 @!p0 $0x0  }
0x12: {  	s1 =	sld [smem:$0x3F9B];
	s0 =	simm.s32 @p0 $0x1  }
0x13: {  	[smem:$0x3FB6] =	sst s0;
	s0 =	simm.s32 @!p1 $0x0  }
0x14: {  	s2 =	sld [smem:$0x3F9A];
	s0 =	simm.s32 @p1 $0x1  }
0x15: {  	[smem:$0x3FB7] =	sst s0;
	s0 =	simm.s32 @!p2 $0x0  }
0x16: {  	s3 =	sld [smem:$0x3FDB];
	s0 =	simm.s32 @p2 $0x1  }
0x17: {  	s4 =	simm.s32 $0x1BF5;
	[smem:$0x3FB9] =	sst s0  }
0x18: {  	s0 =	sld [smem:$0x3F9C];
	_ =	swait.ge [sflag:s4], $0x0  }
0x19: {  	s7 =	sld [smem:$0x3F9D]  }
0x1a: {  	s8 =	sadd.s32 $0xFFFFE003, lr  }
0x1b: {  	s9 =	sadd.s32 $0xFFFFFEF7, lr;
	s5 =	simm.s32 $0xFFFFFFFF;
	p2 =	slt.u32 s8, $0xFFFFF086  }
0x1c: {  	p1 =	slt.u32 s9, $0xF7A;
	s5 =	simm.s32 @!p2 $0x0  }
0x1d: {  	s5 =	simm.s32 @p1 $0x1;
	p0 =	seq.s32 s7, s2  }
0x1e: {  	s7 =	smul.u32 @!p0 $0xF7A, s2;
	p2 =	seq.s32 @!p0 s5, $0x0  }
0x1f: {  	s9 =	smul.u32 $0xF7A, s1;
	s8 =	simm.s32 @!p0 $0x1BF5;
	p2 =	por !p2, p0  }
0x20: {  	[sflag:s8] =	ssyncset.s32 @!p0 $0xFFFFF086;
	s6 =	sadd.s32 @!p0 s3, s7;
	s7 =	simm.s32 @!p0 $0x108  }
0x21: {  	s3 =	sadd.s32 s3, s9;
	s6 =	sadd.s32 @!p0 $0x88, s6;
	s7 =	simm.s32 @p2 $0x1082  }
0x22: {  	[simem:s7], [sflag:s8] =	dma.local @!p0 [hbm:s6], $0xF7A  }
0x23: {  	s9 =	sor.u32 $0xD0000000, s2;
	s6 =	simm.s32 $0x108;
	_ =	swait.ge @!p0 [sflag:s8], $0x0  }
0x24: {  	s3 =	sadd.s32 $0x88, s3;
	s6 =	simm.s32 @!p1 $0x1082;
	[sflag:s4] =	ssyncset.s32 $0xFFFFF086  }
0x25: {  	[simem:s6], [sflag:s4] =	dma.local [hbm:s3], $0xF7A  }
0x26: {  	[smem:$0x3F9D] =	sst s1;
	(tag) =	ssettag s2;
	_ =	strace s9  }
0x27: {  	s1 =	sld [smem:$0x3FAD]  }
0x28: {  	s2 =	sld [smem:$0x3FAE]  }
0x29: {  	s4 =	sld [smem:$0x3FB0]  }
0x2a: {  	p0 =	seq.s32 s5, $0x0;
	s5 =	sld [smem:$0x3FB1]  }
0x2b: {  	s6 =	sld [smem:$0x3FB2]  }
0x2c: {  	s7 =	sld [smem:$0x3FB3]  }
0x2d: {  	s3 =	simm.s32 $0x108;
	s8 =	sld [smem:$0x3FB4]  }
0x2e: {  	s3 =	simm.s32 @!p0 $0x1082;
	s9 =	sld [smem:$0x3FB5]  }
0x2f: {  	lr =	sadd.s32 s0, s3;
	s0 =	sld [smem:$0x3FAC]  }
0x30: {  	s3 =	sld [smem:$0x3FAF]  }
0x31: {  	[smem:$0x3FB8] =	sst s10  }
0x32: {  	s10 =	sld [smem:$0x3FB6];
	_ =	sdelay $0x3  }
0x33: {  	p0 =	seq.s32 s10, $0x1;
	s10 =	sld [smem:$0x3FB8];
	_ =	sdelay $0x3  }
0x34: {  	[smem:$0x3FB8] =	sst s10  }
0x35: {  	s10 =	sld [smem:$0x3FB7];
	_ =	sdelay $0x3  }
0x36: {  	p1 =	seq.s32 s10, $0x1;
	s10 =	sld [smem:$0x3FB8];
	_ =	sdelay $0x3  }
0x37: {  	[smem:$0x3FB8] =	sst s10  }
0x38: {  	s10 =	sld [smem:$0x3FB9]  }
0x39: {  	_ = 	snop;
	(pc) =	sbr.ind lr, $3  }
0x3a: {  	_ = 	snop  }
0x3b: {  	_ = 	snop  }
0x3c: {  	p2 =	seq.s32 s10, $0x1;
	s10 =	sld [smem:$0x3FB8]  }
0x3d: {  	_ =	shalt  }
0x3e: {  	_ =	shalt  }
0x3f: {  	_ =	shalt  }
0x40: {  	_ =	shalt  }
0x41: {  	_ =	shalt  }
0x42: {  	_ =	shalt  }
0x43: {  	_ =	shalt  }
0x44: {  	_ =	shalt  }
0x45: {  	_ =	shalt  }
0x46: {  	_ =	shalt  }
0x47: {  	_ =	shalt  }
0x48: {  	_ =	shalt  }
0x49: {  	_ =	shalt  }
0x4a: {  	_ =	shalt  }
0x4b: {  	_ =	shalt  }
0x4c: {  	_ =	shalt  }
0x4d: {  	_ =	shalt  }
0x4e: {  	_ =	shalt  }
0x4f: {  	_ =	shalt  }
0x50: {  	_ =	shalt  }
0x51: {  	_ =	shalt  }
0x52: {  	_ =	shalt  }
0x53: {  	_ =	shalt  }
0x54: {  	_ =	shalt  }
0x55: {  	_ =	shalt  }
0x56: {  	_ =	shalt  }
0x57: {  	_ =	shalt  }
0x58: {  	_ =	shalt  }
0x59: {  	_ =	shalt  }
0x5a: {  	_ =	shalt  }
0x5b: {  	_ =	shalt  }
0x5c: {  	_ =	shalt  }
0x5d: {  	_ =	shalt  }
0x5e: {  	_ =	shalt  }
0x5f: {  	_ =	shalt  }
0x60: {  	_ =	shalt  }
0x61: {  	_ =	shalt  }
0x62: {  	_ =	shalt  }
0x63: {  	_ =	shalt  }
0x64: {  	_ =	shalt  }
0x65: {  	_ =	shalt  }
0x66: {  	_ =	shalt  }
0x67: {  	_ =	shalt  }
0x68: {  	_ =	shalt  }
0x69: {  	_ =	shalt  }
0x6a: {  	_ =	shalt  }
0x6b: {  	_ =	shalt  }
0x6c: {  	_ =	shalt  }
0x6d: {  	_ =	shalt  }
0x6e: {  	_ =	shalt  }
0x6f: {  	_ =	shalt  }
0x70: {  	_ =	shalt  }
0x71: {  	_ =	shalt  }
0x72: {  	_ =	shalt  }
0x73: {  	_ =	shalt  }
0x74: {  	_ =	shalt  }
0x75: {  	_ =	shalt  }
0x76: {  	_ =	shalt  }
0x77: {  	_ =	shalt  }
0x78: {  	_ =	shalt  }
0x79: {  	_ =	shalt  }
0x7a: {  	_ =	shalt  }
0x7b: {  	_ =	shalt  }
0x7c: {  	_ =	shalt  }
0x7d: {  	_ =	shalt  }
0x7e: {  	_ =	shalt  }
0x7f: {  	_ =	shalt  }
0x80: {  	_ =	shalt  }
0x81: {  	_ =	shalt  }
0x82: {  	_ =	shalt  }
0x83: {  	_ =	shalt  }
0x84: {  	_ =	shalt  }
0x85: {  	_ =	shalt  }
0x86: {  	_ =	shalt  }
0x87: {  	_ =	shalt  }
.Lfunc_end0:
.L_simem_size_0:
called_computation_lowered:
.L_overlay_start_0:
0x88: {  	s2 =	sld [smem:$0x3FD9]  }
0x89: {  	s3 =	sld [smem:$0x3FFE];
	_ =	sdelay $0x1  }
0x8a: {  	s1 =	srdreg.scid  }
0x8b: {  	s0 =	sand.u32 $0x1, s1  }
0x8c: {  	s17 =	sshll.u32 s0, $0xA;
	s2 =	sadd.s32 s3, s2  }
0x8d: {  	s2 =	sadd.s32 s2, s17  }
0x8e: {  	[smem:$0x3FC4] =	sst s2  }
0x8f: {  	_ = 	snop  }
0x90: {  	s2 =	sld [smem:$0x3FD0];
	(tm) =	ssettm $0x1  }
0x91: {  	s18 =	sld [smem:$0x3FFB];
	_ =	sdelay $0x3  }
0x92: {  	_ =	strace s18  }
0x93: {  	s3 =	sld [smem:$0x3FFC];
	_ =	sdelay $0x3  }
0x94: {  	_ =	strace s3  }
0x95: {  	s3 =	sld [smem:$0x3FFD];
	_ =	sdelay $0x3  }
0x96: {  	_ =	strace s3  }
0x97: {  	_ =	strace $0x8FFFFFFF  }
0x98: {  	s19 =	sld [smem:$0x3FDB];
	_ =	sdelay $0x1  }
0x99: {  	s4 =	simm.s32 $_scs_section_size  }
0x9a: {  	s5 =	simm.s32 $_size__tile_overlayer_lowered;
	s6 =	simm.s32 $_tile_overlayer_lowered  }
0x9b: {  	s22 =	simm.s32 $0x1BFF;
	s21 =	sshll.u32 s6, $0x1;
	s3 =	sadd.s32 s4, s19  }
0x9c: {  	s7 =	simm.s32 $0x0;
	s20 =	sshll.u32 s5, $0x1;
	s5 =	sadd.s32 s21, s3  }
0x9d: {  	[timem:s7], [sflag:s22] =	dma.local [hbm:s5], s20  }
0x9e: {  	_ =	swait.ge [sflag:s22], s20  }
0x9f: {  	s4 =	ssub.s32 $0x0, s20;
	[sflag:s22] =	ssyncset.done $0x0  }
0xa0: {  	[sflag:s22] =	ssyncadd.s32 s4;
	_ =	sdelay $0x1  }
0xa1: {  	s23 =	simm.s32 $0x1B8B  }
0xa2: {  	_ =	swait.ge [sflag:s23], $0x1  }
0xa3: {  	[sflag:s23] =	ssyncset.done $0x0  }
0xa4: {  	s25 =	simm.s32 $0x1B8E;
	s24 =	sld [smem:$0x3FFE];
	[sflag:s23] =	ssyncadd.s32 $0xFFFFFFFF  }
0xa5: {  	s26 =	simm.s32 $execute0_lowered;
	[smem:$0x3FD2] =	sst s25  }
0xa6: {  	s5 =	sshll.u32 s26, $0x1;
	_ =	strace $0x80000046;
	[dreg:$0x1] =	wrdreg $0xFFFFFFFF  }
0xa7: {  	s28 =	simm.s32 $_size_execute0_lowered;
	s3 =	sadd.s32 s3, s5;
	[dreg:$0x0] =	wrdreg $0x0  }
0xa8: {  	s5 =	sshll.u32 s28, $0x1;
	[dreg:$0x2] =	wrdreg s3  }
0xa9: {  	[dreg:$0x3] =	wrdreg s5  }
0xaa: {  	[dreg:$0x4] =	wrdreg $0xC0  }
0xab: {  	_ =	task [dreg:s7], $0x5FFFF  }
0xac: {  	[dreg:$0x1] =	wrdreg $0xFFFFFFFF  }
0xad: {  	[dreg:$0x0] =	wrdreg $0x60  }
0xae: {  	[dreg:$0x2] =	wrdreg s24  }
0xaf: {  	[dreg:$0x3] =	wrdreg s2  }
0xb0: {  	[dreg:$0x4] =	wrdreg $0x2E000  }
0xb1: {  	[dreg:$0x5] =	wrdreg $0x9  }
0xb2: {  	_ =	task.clear_ibuf [dreg:s7], $0x6FFFF;
	_ =	strace $0x90000046  }
0xb3: {  	s29 =	simm.s32 $0x9;
	_ =	strace $0x80000048  }
0xb4: {  	_ =	swait.ge [sflag:s29], $0x1  }
0xb5: {  	[sflag:s29] =	ssyncadd.s32 $0xFFFFFFFF  }
0xb6: {  	_ =	strace $0x90000048  }
0xb7: {  	_ =	sfence  }
0xb8: {  	s30 =	sld [smem:$0x0];
	_ =	sdelay $0x2  }
0xb9: {  	s31 =	sshll.u32 s1, $0xD;
	s1 =	sshrl.u32 s1, $0x2  }
0xba: {  	s3 =	sand.u32 $0x4000, s31;
	s1 =	sadd.s32 s1, s30  }
0xbb: {  	s0 =	sor.u32 s3, s0;
	s1 =	sshll.u32 s1, $0x11  }
0xbc: {  	s0 =	sor.u32 s1, s0  }
0xbd: {  	s0 =	sadd.s32 $0x8F2B, s0  }
0xbe: {  	[sflag:s0] =	ssyncadd.remote.s32 $0x1  }
0xbf: {  	_ =	sfence.sel $0xFFFF  }
0xc0: {  	[dreg:$0x0] =	wrdreg $0xFFFFFFFF;
	(pc) =	sbr.abs _section_cstart, $3  }
0xc1: {  	[dreg:$0x1] =	wrdreg $0xFFFFFFFF  }
0xc2: {  	_ =	task.clear_ibuf [dreg:s7], $0x2FFFF;
	_ =	strace $0x9FFFFFFF  }
0xc3: {  	(tm) =	ssettm $0x7FFFFFFF  }
tec
execute0_lowered:
.L_overlay_start_1:
0x0: {  	(tag) =	ssettag $0x1  }
0x1: {  	s0 =	rddreg [dreg:$0x0]  }
0x2: {  	s2 =	rddreg [dreg:$0x2];
	s3 =	simm.s32 $0x0;
	s4 =	srdreg.scid  }
0x3: {  	s14 =	stileid.u32;
	s16 =	simm.s32 $0x5;
	s18 =	simm.s32 $0xC00  }
0x4: {  	s28 =	simm.s32 $0x1880;
	s29 =	simm.s32 $0x1900;
	s30 =	simm.s32 $0x1980  }
0x5: {  	s31 =	simm.s32 $0x1D00;
	s15 =	simm.s32 $0x2100;
	s6 =	smul.u32 $0x6C000, s14  }
0x6: {  	s19 =	simm.s32 $0x2200;
	[smem:$0x7FF] =	sst s3;
	s10 =	smul.u32 $0x3200, s14  }
0x7: {  	s1 =	sadd.s32 $0x3B6E00, s0;
	s5 =	sadd.s32 $0xE00, s0;
	s11 =	smul.u32 $0x9600, s14  }
0x8: {  	s4 =	sand.u32 $0x1, s4;
	s0 =	sadd.s32 $0x7200, s0;
	s22 =	smul.u32 $0x640, s14  }
0x9: {  	s21 =	sshll.u32 s14, $0x6;
	_ =	strace $0x80000047;
	s7 =	smul.u32 $0x9, s4  }
0xa: {  	[dreg:$0x4] =	wrdreg s0;
	s20 =	ssub.s32 $0x2, s4;
	s4 =	smul.u32 $0x12000, s4  }
0xb: {  	s8 =	sshrl.u32 s20, $0x1;
	s9 =	sshrl.u32 s6, $0x2;
	s6 =	smul.u32 $0x1200, s14  }
0xc: {  	s12 =	sor.u32 $0x80, s10;
	s10 =	sshrl.u32 s10, $0x3;
	s24 =	sadd.s32 s22, s5  }
0xd: {  	s14 =	simm.s32 $0x2180;
	s0 =	ssub.s32 s20, s8;
	s9 =	sadd.s32 s9, s2  }
0xe: {  	s8 =	sor.u32 $0x1C05, s21;
	s13 =	smul.u32 $0x3, s12;
	s10 =	sadd.s32 s5, s10  }
0xf: {  	s23 =	sshrl.u32 s12, $0x3;
	s17 =	sadd.s32 $0xD, s7;
	s25 =	sadd.s32 $0x30, s24  }
0x10: {  	s20 =	simm.s32 $0x1;
	s21 =	simm.s32 $0x80;
	[dreg:$0x5] =	wrdreg s8  }
0x11: {  	s7 =	simm.s32 $0x1E80;
	s8 =	sadd.s32 s1, s11;
	[dreg:$0x6] =	wrdreg s10  }
0x12: {  	s12 =	sadd.s32 s6, s4;
	s0 =	smax.u32 s0, $0x1;
	[dreg:$0xa] =	wrdreg s25  }
0x13: {  	s26 =	sshrl.u32 s9, $0x3;
	s4 =	simm.s32 $0x1D80;
	s9 =	simm.s32 $0x1F00  }
0x14: {  	s10 =	simm.s32 $0x1F80;
	s11 =	simm.s32 $0x2000;
	[dreg:$0x9] =	wrdreg s0  }
0x15: {  	v0 =	vmov s17;
	s17 =	simm.s32 $0x4;
	s1 =	sadd.s32 s1, s13;
	[dreg:$0xb] =	wrdreg s26  }
0x16: {  	s26 =	simm.s32 $0x1800;
	s0 =	simm.s32 $0x2;
	s13 =	simm.s32 $0x2080  }
0x17: {  	[dreg:$0x7] =	wrdreg s1;
	s1 =	sadd.s32 s5, s23;
	s5 =	simm.s32 $0x1E00  }
0x18: {  	s23 =	simm.s32 $0x0;
	[dreg:$0x8] =	wrdreg s1;
	s1 =	simm.s32 $0x3  }
.LBB2_1:
0x19: {  	[dreg:$0xc] =	wrdreg s23  }
0x1a: {  	s22 =	rddreg [dreg:$0x4]  }
0x1b: {  	s25 =	rddreg [dreg:$0x5]  }
0x1c: {  	s24 =	rddreg [dreg:$0xb]  }
0x1d: {  	[spmem:s24], [sflag:s25] =	dma.local [hbm:s22], $0x3600  }
0x1e: {  	_ =	swait.ge [sflag:s16], $0x3600  }
0x1f: {  	[sflag:s16] =	ssyncset.done $0x0  }
0x20: {  	[sflag:s16] =	ssyncadd.s32 $0xFFFFCA00  }
0x21: {  	[bflag:$0x0] =	sbarrier.arrive $0xFFFF  }
0x22: {  	[tilespmem:s3], [sflag:$0x1] =	stream.linear.gather [hbm4b:s8+s3], $0xC00, $0x38;
	[tilespmem:$0x1DE00] =	vst v63  }
0x23: {  	s23 =	rddreg [dreg:$0x6]  }
0x24: {  	s24 =	rddreg [dreg:$0x7]  }
0x25: {  	[tilespmem:s26], [sflag:$0x1] =	stream.linear.gather [hbm4b:s23+s3], $0x80, $0x38;
	[tilespmem:$0x1DE00] =	vst v63  }
0x26: {  	s25 =	rddreg [dreg:$0x8]  }
0x27: {  	[tilespmem:s18], [sflag:$0x2] =	stream.linear.gather [hbm4b:s24+s3], $0xC00, $0x38;
	[tilespmem:$0x1DE00] =	vst v63  }
0x28: {  	s22 =	rddreg [dreg:$0xa];
	s23 =	simm.s32 $0x0  }
0x29: {  	[tilespmem:s28], [sflag:$0x2] =	stream.linear.gather [hbm4b:s25+s3], $0x80, $0x38;
	[tilespmem:$0x1DE00] =	vst v63  }
.LBB2_2:
0x2a: {  	_ =	swait.ge [sflag:s20], $0xC00  }
0x2b: {  	[sflag:s20] =	ssyncset.done $0x0  }
0x2c: {  	[sflag:s20] =	ssyncadd.s32 $0xFFFFF400  }
0x2d: {  	_ =	swait.ge [sflag:s20], $0x80  }
0x2e: {  	[sflag:s20] =	ssyncset.done $0x0  }
0x2f: {  	[sflag:s20] =	ssyncadd.s32 $0xFFFFFF80  }
0x30: {  	v1 =	vld [tilespmem:$0x1800]  }
0x31: {  	v2 =	vld [tilespmem:$0x1810]  }
0x32: {  	v3 =	vld [tilespmem:$0x1820]  }
0x33: {  	v4 =	vld [tilespmem:$0x1830]  }
0x34: {  	v6 =	vld [tilespmem:$0x1840]  }
0x35: {  	v8 =	vld [tilespmem:$0x1850]  }
0x36: {  	v17 =	vld [tilespmem:$0x1860]  }
0x37: {  	v18 =	vld [tilespmem:$0x1870];
	v13 =	vand.u32 $0x1FFF, v1  }
0x38: {  	v16 =	vshrl.u32 v1, v0;
	v11 =	vand.u32 $0x1FFF, v2;
	v15 =	vshrl.u32 v2, v0  }
0x39: {  	v12 =	vand.u32 $0x1FFF, v3;
	v14 =	vshrl.u32 v3, v0;
	v7 =	vand.u32 $0x1FFF, v4  }
0x3a: {  	v10 =	vshrl.u32 v4, v0;
	v5 =	vand.u32 $0x1FFF, v6;
	v9 =	vshrl.u32 v6, v0  }
0x3b: {  	v6 =	vand.u32 $0x1FFF, v8;
	v8 =	vshrl.u32 v8, v0;
	v2 =	vand.u32 $0x1FFF, v17  }
0x3c: {  	v4 =	vshrl.u32 v17, v0;
	v1 =	vand.u32 $0x1FFF, v18;
	v3 =	vshrl.u32 v18, v0  }
0x3d: {  	v39 =	vand.u32 $0x1, v16;
	v40 =	vand.u32 $0x1, v15;
	v42 =	vand.u32 $0x1, v14  }
0x3e: {  	v43 =	vand.u32 $0x1, v10;
	v44 =	vand.u32 $0x1, v9;
	v45 =	vand.u32 $0x1, v8  }
0x3f: {  	v46 =	vand.u32 $0x1, v4;
	v47 =	vand.u32 $0x1, v3;
	v49 =	vand.u32 $0x2, v16  }
0x40: {  	v51 =	vand.u32 $0x2, v15;
	v52 =	vor.u32 $0x2000, v13;
	v53 =	vor.u32 $0x2000, v11  }
0x41: {  	v54 =	vand.u32 $0x2, v14;
	v55 =	vor.u32 $0x2000, v12;
	v56 =	vand.u32 $0x2, v10  }
0x42: {  	v57 =	vand.u32 $0x2, v9;
	v58 =	vor.u32 $0x2000, v7;
	v59 =	vor.u32 $0x2000, v5  }
0x43: {  	v61 =	vand.u32 $0x2, v8;
	v62 =	vor.u32 $0x2000, v6;
	v63 =	vand.u32 $0x2, v4  }
0x44: {  	v24 =	vand.u32 $0x2, v3;
	v25 =	vor.u32 $0x2000, v2;
	v26 =	vor.u32 $0x2000, v1  }
0x45: {  	v29 =	vand.u32 $0x4, v16;
	v30 =	vor.u32 $0x4000, v13;
	v31 =	vand.u32 $0x4, v15  }
0x46: {  	v33 =	vand.u32 $0x4, v14;
	v34 =	vor.u32 $0x4000, v11;
	v35 =	vor.u32 $0x4000, v12  }
0x47: {  	v36 =	vand.u32 $0x4, v10;
	v37 =	vor.u32 $0x4000, v7;
	v38 =	vand.u32 $0x4, v9  }
0x48: {  	vm0 =	veq.s32 v39, $0x0;
	vm6 =	veq.s32 v40, $0x0;
	vm7 =	veq.s32 v42, $0x0  }
0x49: {  	vm8 =	veq.s32 v43, $0x0;
	vm9 =	veq.s32 v44, $0x0;
	vm10 =	veq.s32 v45, $0x0  }
0x4a: {  	vm11 =	veq.s32 v46, $0x0;
	vm12 =	veq.s32 v47, $0x0;
	vm13 =	veq.s32 v49, $0x0  }
0x4b: {  	vm1 =	veq.s32 v51, $0x0;
	vm14 =	veq.s32 v54, $0x0;
	v41 =	vsel vm0, $0xFFFFFFFF, v13  }
0x4c: {  	vm15 =	veq.s32 v56, $0x0;
	vm4 =	veq.s32 v57, $0x0;
	v19 =	vsel vm6, $0xFFFFFFFF, v11;
	[tilespmem:$0x1900] =	vst v41  }
0x4d: {  	vm5 =	veq.s32 v61, $0x0;
	v39 =	vand.u32 $0x4, v8;
	v20 =	vsel vm7, $0xFFFFFFFF, v12;
	[tilespmem:$0x1910] =	vst v19  }
0x4e: {  	v40 =	vor.u32 $0x4000, v5;
	v42 =	vand.u32 $0x4, v4;
	v21 =	vsel vm8, $0xFFFFFFFF, v7;
	[tilespmem:$0x1920] =	vst v20  }
0x4f: {  	v43 =	vor.u32 $0x4000, v2;
	v44 =	vand.u32 $0x4, v3;
	v22 =	vsel vm9, $0xFFFFFFFF, v5;
	[tilespmem:$0x1930] =	vst v21  }
0x50: {  	v45 =	vand.u32 $0x8, v16;
	v46 =	vor.u32 $0x4000, v1;
	v23 =	vsel vm10, $0xFFFFFFFF, v6;
	[tilespmem:$0x1940] =	vst v22  }
0x51: {  	v47 =	vor.u32 $0x6000, v13;
	v49 =	vand.u32 $0x8, v15;
	v48 =	vsel vm11, $0xFFFFFFFF, v2;
	[tilespmem:$0x1950] =	vst v23  }
0x52: {  	v51 =	vand.u32 $0x8, v14;
	v54 =	vor.u32 $0x6000, v12;
	v50 =	vsel vm12, $0xFFFFFFFF, v1;
	[tilespmem:$0x1960] =	vst v48  }
0x53: {  	v61 =	vand.u32 $0x8, v4;
	v17 =	vsel vm1, $0xFFFFFFFF, v53;
	v18 =	vsel vm15, $0xFFFFFFFF, v58;
	[tilespmem:$0x1970] =	vst v50;
	(ifvalue) =	ssetifvalue $0xFFFFFFFF  }
0x54: {  	v60 =	vsel vm4, $0xFFFFFFFF, v59;
	vm6 =	veq.s32 v63, $0x0;
	v20 =	vsel vm13, $0xFFFFFFFF, v52;
	[spmem:s2] =	stream.indirect.scatter.add.f32 [tilespmem:s3], [sflag:$0x3], $0x18, s29, s21, $0x40b8;
	[tilespmem:$0x1DE00] =	vst v63  }
0x55: {  	vm7 =	veq.s32 v24, $0x0;
	vm8 =	veq.s32 v29, $0x0;
	vm9 =	veq.s32 v31, $0x0;
	[tilespmem:$0x1980] =	vst v20  }
0x56: {  	vm10 =	veq.s32 v33, $0x0;
	vm11 =	veq.s32 v36, $0x0;
	v21 =	vsel vm14, $0xFFFFFFFF, v55;
	[tilespmem:$0x1990] =	vst v17  }
0x57: {  	vm12 =	veq.s32 v38, $0x0;
	vm15 =	veq.s32 v44, $0x0;
	vm4 =	veq.s32 v45, $0x0;
	[tilespmem:$0x19A0] =	vst v21  }
0x58: {  	v53 =	vand.u32 $0x8, v10;
	v58 =	vand.u32 $0x8, v9;
	v59 =	vor.u32 $0x6000, v5;
	[tilespmem:$0x19B0] =	vst v18  }
0x59: {  	v63 =	vor.u32 $0x6000, v2;
	v29 =	vor.u32 $0x8000, v13;
	v22 =	vsel vm5, $0xFFFFFFFF, v62;
	[tilespmem:$0x19C0] =	vst v60  }
0x5a: {  	v33 =	vor.u32 $0x8000, v12;
	v36 =	vand.u32 $0x10, v9;
	v27 =	vsel vm6, $0xFFFFFFFF, v25;
	[tilespmem:$0x19D0] =	vst v22  }
0x5b: {  	v38 =	vor.u32 $0x8000, v5;
	v44 =	vor.u32 $0x8000, v2;
	v28 =	vsel vm7, $0xFFFFFFFF, v26;
	[tilespmem:$0x19E0] =	vst v27  }
0x5c: {  	v45 =	vor.u32 $0x8000, v1;
	v32 =	vsel vm8, $0xFFFFFFFF, v30;
	v19 =	vsel vm9, $0xFFFFFFFF, v34;
	[tilespmem:$0x19F0] =	vst v28;
	(ifvalue) =	ssetifvalue $0xFFFFFFFF  }
0x5d: {  	vm13 =	veq.s32 v39, $0x0;
	v41 =	vor.u32 $0x4000, v6;
	vm14 =	veq.s32 v42, $0x0;
	[spmem:s2] =	stream.indirect.scatter.add.f32 [tilespmem:s3], [sflag:$0x3], $0x18, s30, s21, $0x40b8;
	[tilespmem:$0x1DE00] =	vst v63  }
0x5e: {  	v48 =	vsel vm15, $0xFFFFFFFF, v46;
	vm5 =	veq.s32 v49, $0x0;
	v50 =	vor.u32 $0x6000, v11;
	[tilespmem:$0x1A00] =	vst v32  }
0x5f: {  	vm6 =	veq.s32 v51, $0x0;
	vm7 =	veq.s32 v53, $0x0;
	v21 =	vsel vm10, $0xFFFFFFFF, v35;
	[tilespmem:$0x1A10] =	vst v19  }
0x60: {  	v55 =	vor.u32 $0x6000, v7;
	vm8 =	veq.s32 v58, $0x0;
	v17 =	vsel vm11, $0xFFFFFFFF, v37;
	[tilespmem:$0x1A20] =	vst v21  }
0x61: {  	v62 =	vor.u32 $0x6000, v6;
	v25 =	vand.u32 $0x8, v3;
	v22 =	vsel vm12, $0xFFFFFFFF, v40;
	[tilespmem:$0x1A30] =	vst v17  }
0x62: {  	v26 =	vor.u32 $0x6000, v1;
	v30 =	vor.u32 $0x8000, v11;
	v20 =	vsel vm13, $0xFFFFFFFF, v41;
	[tilespmem:$0x1A40] =	vst v22  }
0x63: {  	v34 =	vand.u32 $0x10, v10;
	v39 =	vand.u32 $0x10, v8;
	v18 =	vsel vm14, $0xFFFFFFFF, v43;
	[tilespmem:$0x1A50] =	vst v20  }
0x64: {  	v46 =	vand.u32 $0x20, v16;
	v51 =	vor.u32 $0xA000, v11;
	v58 =	vor.u32 $0xA000, v5;
	[tilespmem:$0x1A60] =	vst v18  }
0x65: {  	s24 =	simm.s32 $0x1A00;
	v52 =	vsel vm5, $0xFFFFFFFF, v50;
	v56 =	vsel vm6, $0xFFFFFFFF, v54;
	v57 =	vsel vm7, $0xFFFFFFFF, v55;
	[tilespmem:$0x1A70] =	vst v48;
	(ifvalue) =	ssetifvalue $0xFFFFFFFF  }
0x66: {  	v60 =	vand.u32 $0x8, v8;
	vm10 =	veq.s32 v61, $0x0;
	v19 =	vsel vm4, $0xFFFFFFFF, v47;
	[spmem:s2] =	stream.indirect.scatter.add.f32 [tilespmem:s3], [sflag:$0x3], $0x18, s24, s21, $0x40b8;
	[tilespmem:$0x1DE00] =	vst v63  }
0x67: {  	vm11 =	veq.s32 v25, $0x0;
	v27 =	vand.u32 $0x10, v16;
	v28 =	vand.u32 $0x10, v15;
	[tilespmem:$0x1A80] =	vst v19  }
0x68: {  	vm15 =	veq.s32 v34, $0x0;
	v37 =	vor.u32 $0x8000, v7;
	vm5 =	veq.s32 v39, $0x0;
	[tilespmem:$0x1A90] =	vst v52  }
0x69: {  	v40 =	vor.u32 $0x8000, v6;
	v41 =	vand.u32 $0x10, v4;
	v43 =	vand.u32 $0x10, v3;
	[tilespmem:$0x1AA0] =	vst v56  }
0x6a: {  	v50 =	vand.u32 $0x20, v14;
	v54 =	vand.u32 $0x20, v10;
	v21 =	vsel vm8, $0xFFFFFFFF, v59;
	[tilespmem:$0x1AB0] =	vst v57  }
0x6b: {  	v55 =	vor.u32 $0xA000, v7;
	v25 =	vand.u32 $0x40, v16;
	v24 =	vsel vm10, $0xFFFFFFFF, v63;
	[tilespmem:$0x1AC0] =	vst v21  }
0x6c: {  	v34 =	vor.u32 $0xC000, v12;
	vm9 =	veq.s32 v60, $0x0;
	v17 =	vsel vm11, $0xFFFFFFFF, v26;
	[tilespmem:$0x1AE0] =	vst v24  }
0x6d: {  	vm12 =	veq.s32 v27, $0x0;
	vm13 =	veq.s32 v28, $0x0;
	v19 =	vsel vm9, $0xFFFFFFFF, v62;
	[tilespmem:$0x1AF0] =	vst v17  }
0x6e: {  	s25 =	simm.s32 $0x1A80;
	v32 =	vand.u32 $0x10, v14;
	vm4 =	veq.s32 v36, $0x0;
	v42 =	vsel vm5, $0xFFFFFFFF, v40;
	[tilespmem:$0x1AD0] =	vst v19;
	(ifvalue) =	ssetifvalue $0xFFFFFFFF  }
0x6f: {  	vm6 =	veq.s32 v41, $0x0;
	vm7 =	veq.s32 v43, $0x0;
	v31 =	vsel vm12, $0xFFFFFFFF, v29;
	[spmem:s2] =	stream.indirect.scatter.add.f32 [tilespmem:s3], [sflag:$0x3], $0x18, s25, s21, $0x40b8;
	[tilespmem:$0x1DE00] =	vst v63  }
0x70: {  	vm8 =	veq.s32 v46, $0x0;
	v18 =	vsel vm13, $0xFFFFFFFF, v30;
	vm14 =	veq.s32 v32, $0x0;
	[tilespmem:$0x1B00] =	vst v31  }
0x71: {  	v47 =	vor.u32 $0xA000, v13;
	v48 =	vand.u32 $0x20, v15;
	v35 =	vsel vm14, $0xFFFFFFFF, v33;
	[tilespmem:$0x1B10] =	vst v18  }
0x72: {  	vm10 =	veq.s32 v50, $0x0;
	vm11 =	veq.s32 v54, $0x0;
	v21 =	vsel vm15, $0xFFFFFFFF, v37;
	[tilespmem:$0x1B20] =	vst v35  }
0x73: {  	v59 =	vor.u32 $0xA000, v6;
	v63 =	vor.u32 $0xA000, v2;
	v20 =	vsel vm4, $0xFFFFFFFF, v38;
	[tilespmem:$0x1B30] =	vst v21  }
0x74: {  	v26 =	vor.u32 $0xA000, v1;
	v27 =	vor.u32 $0xC000, v13;
	v36 =	vand.u32 $0x40, v9;
	[tilespmem:$0x1B40] =	vst v20  }
0x75: {  	v40 =	vand.u32 $0x40, v4;
	v41 =	vor.u32 $0xC000, v6;
	v17 =	vsel vm6, $0xFFFFFFFF, v44;
	[tilespmem:$0x1B50] =	vst v42  }
0x76: {  	v46 =	vand.u32 $0x80, v16;
	v54 =	vand.u32 $0x80, v10;
	v19 =	vsel vm7, $0xFFFFFFFF, v45;
	[tilespmem:$0x1B60] =	vst v17  }
0x77: {  	v22 =	vor.u32 $0xE000, v1;
	v16 =	vand.u32 $0x100, v16;
	v49 =	vsel vm8, $0xFFFFFFFF, v47;
	s25 =	simm.s32 $0x1B00;
	[tilespmem:$0x1B70] =	vst v19;
	(ifvalue) =	ssetifvalue $0xFFFFFFFF  }
0x78: {  	vm9 =	veq.s32 v48, $0x0;
	v52 =	vor.u32 $0xA000, v12;
	v56 =	vand.u32 $0x20, v9;
	[spmem:s2] =	stream.indirect.scatter.add.f32 [tilespmem:s3], [sflag:$0x3], $0x18, s25, s21, $0x40b8;
	[tilespmem:$0x1DE00] =	vst v63  }
0x79: {  	v57 =	vand.u32 $0x20, v8;
	v62 =	vand.u32 $0x20, v4;
	v17 =	vsel vm9, $0xFFFFFFFF, v51;
	[tilespmem:$0x1B80] =	vst v49  }
0x7a: {  	v24 =	vand.u32 $0x20, v3;
	vm4 =	veq.s32 v25, $0x0;
	v53 =	vsel vm10, $0xFFFFFFFF, v52;
	[tilespmem:$0x1B90] =	vst v17  }
0x7b: {  	v29 =	vand.u32 $0x40, v15;
	vm12 =	veq.s32 v56, $0x0;
	v20 =	vsel vm11, $0xFFFFFFFF, v55;
	[tilespmem:$0x1BA0] =	vst v53  }
0x7c: {  	v30 =	vor.u32 $0xC000, v11;
	vm13 =	veq.s32 v57, $0x0;
	v60 =	vsel vm12, $0xFFFFFFFF, v58;
	[tilespmem:$0x1BB0] =	vst v20  }
0x7d: {  	vm8 =	veq.s32 v36, $0x0;
	vm14 =	veq.s32 v62, $0x0;
	v61 =	vsel vm13, $0xFFFFFFFF, v59;
	[tilespmem:$0x1BC0] =	vst v60  }
0x7e: {  	v37 =	vor.u32 $0xC000, v5;
	vm15 =	veq.s32 v24, $0x0;
	v19 =	vsel vm14, $0xFFFFFFFF, v63;
	[tilespmem:$0x1BD0] =	vst v61  }
0x7f: {  	v38 =	vand.u32 $0x40, v8;
	v44 =	vand.u32 $0x40, v3;
	v17 =	vsel vm15, $0xFFFFFFFF, v26;
	[tilespmem:$0x1BE0] =	vst v19  }
0x80: {  	v47 =	vand.u32 $0x80, v15;
	v48 =	vor.u32 $0xE000, v13;
	v13 =	vor.u32 $0x10000, v13;
	s25 =	simm.s32 $0x1B80;
	[tilespmem:$0x1BF0] =	vst v17;
	(ifvalue) =	ssetifvalue $0xFFFFFFFF  }
0x81: {  	v28 =	vsel vm4, $0xFFFFFFFF, v27;
	vm5 =	veq.s32 v29, $0x0;
	v31 =	vand.u32 $0x40, v14;
	[spmem:s2] =	stream.indirect.scatter.add.f32 [tilespmem:s3], [sflag:$0x3], $0x18, s25, s21, $0x40b8;
	[tilespmem:$0x1DE00] =	vst v63  }
0x82: {  	v33 =	vand.u32 $0x40, v10;
	v32 =	vsel vm5, $0xFFFFFFFF, v30;
	vm6 =	veq.s32 v31, $0x0;
	[tilespmem:$0x1C00] =	vst v28  }
0x83: {  	vm7 =	veq.s32 v33, $0x0;
	v35 =	vor.u32 $0xC000, v7;
	v20 =	vsel vm6, $0xFFFFFFFF, v34;
	[tilespmem:$0x1C10] =	vst v32  }
0x84: {  	v15 =	vand.u32 $0x100, v15;
	v39 =	vsel vm8, $0xFFFFFFFF, v37;
	v19 =	vsel vm7, $0xFFFFFFFF, v35;
	[tilespmem:$0x1C20] =	vst v20  }
0x85: {  	vm10 =	veq.s32 v40, $0x0;
	v45 =	vor.u32 $0xC000, v1;
	vm9 =	veq.s32 v38, $0x0;
	[tilespmem:$0x1C30] =	vst v19  }
0x86: {  	v52 =	vand.u32 $0x80, v14;
	v42 =	vor.u32 $0xC000, v2;
	v43 =	vsel vm9, $0xFFFFFFFF, v41;
	[tilespmem:$0x1C40] =	vst v39  }
0x87: {  	v56 =	vor.u32 $0xE000, v7;
	vm11 =	veq.s32 v44, $0x0;
	v18 =	vsel vm10, $0xFFFFFFFF, v42;
	[tilespmem:$0x1C50] =	vst v43  }
0x88: {  	v57 =	vor.u32 $0xE000, v5;
	vm8 =	veq.s32 v16, $0x0;
	v17 =	vsel vm11, $0xFFFFFFFF, v45;
	[tilespmem:$0x1C60] =	vst v18  }
0x89: {  	vm12 =	veq.s32 v46, $0x0;
	vm13 =	veq.s32 v47, $0x0;
	vm14 =	veq.s32 v52, $0x0;
	s25 =	simm.s32 $0x1C00;
	[tilespmem:$0x1C70] =	vst v17;
	(ifvalue) =	ssetifvalue $0xFFFFFFFF  }
0x8a: {  	v55 =	vand.u32 $0x80, v9;
	v49 =	vor.u32 $0xE000, v11;
	v50 =	vsel vm12, $0xFFFFFFFF, v48;
	[spmem:s2] =	stream.indirect.scatter.add.f32 [tilespmem:s3], [sflag:$0x3], $0x18, s25, s21, $0x40b8;
	[tilespmem:$0x1DE00] =	vst v63  }
0x8b: {  	v59 =	vand.u32 $0x80, v8;
	v53 =	vor.u32 $0xE000, v12;
	v51 =	vsel vm13, $0xFFFFFFFF, v49;
	[tilespmem:$0x1C80] =	vst v50  }
0x8c: {  	v63 =	vand.u32 $0x80, v3;
	vm15 =	veq.s32 v54, $0x0;
	v19 =	vsel vm14, $0xFFFFFFFF, v53;
	[tilespmem:$0x1C90] =	vst v51  }
0x8d: {  	vm4 =	veq.s32 v55, $0x0;
	vm5 =	veq.s32 v59, $0x0;
	v17 =	vsel vm15, $0xFFFFFFFF, v56;
	[tilespmem:$0x1CA0] =	vst v19  }
0x8e: {  	v60 =	vor.u32 $0xE000, v6;
	v61 =	vand.u32 $0x80, v4;
	v58 =	vsel vm4, $0xFFFFFFFF, v57;
	[tilespmem:$0x1CB0] =	vst v17  }
0x8f: {  	v21 =	vor.u32 $0xE000, v2;
	v62 =	vsel vm5, $0xFFFFFFFF, v60;
	vm6 =	veq.s32 v61, $0x0;
	[tilespmem:$0x1CC0] =	vst v58  }
0x90: {  	v10 =	vand.u32 $0x100, v10;
	vm7 =	veq.s32 v63, $0x0;
	v23 =	vsel vm6, $0xFFFFFFFF, v21;
	[tilespmem:$0x1CD0] =	vst v62  }
0x91: {  	v5 =	vor.u32 $0x10000, v5;
	v13 =	vsel vm8, $0xFFFFFFFF, v13;
	v24 =	vsel vm7, $0xFFFFFFFF, v22;
	[tilespmem:$0x1CE0] =	vst v23  }
0x92: {  	v14 =	vand.u32 $0x100, v14;
	v7 =	vor.u32 $0x10000, v7;
	v9 =	vand.u32 $0x100, v9;
	s25 =	simm.s32 $0x1C80;
	[tilespmem:$0x1CF0] =	vst v24;
	(ifvalue) =	ssetifvalue $0xFFFFFFFF  }
0x93: {  	v8 =	vand.u32 $0x100, v8;
	vm9 =	veq.s32 v15, $0x0;
	v11 =	vor.u32 $0x10000, v11;
	[spmem:s2] =	stream.indirect.scatter.add.f32 [tilespmem:s3], [sflag:$0x3], $0x18, s25, s21, $0x40b8;
	[tilespmem:$0x1DE00] =	vst v63  }
0x94: {  	vm10 =	veq.s32 v14, $0x0;
	v12 =	vor.u32 $0x10000, v12;
	v11 =	vsel vm9, $0xFFFFFFFF, v11;
	[tilespmem:$0x1D00] =	vst v13  }
0x95: {  	v2 =	vor.u32 $0x10000, v2;
	v12 =	vsel vm10, $0xFFFFFFFF, v12;
	vm11 =	veq.s32 v10, $0x0;
	[tilespmem:$0x1D10] =	vst v11  }
0x96: {  	vm12 =	veq.s32 v9, $0x0;
	v6 =	vor.u32 $0x10000, v6;
	v7 =	vsel vm11, $0xFFFFFFFF, v7;
	[tilespmem:$0x1D20] =	vst v12  }
0x97: {  	v4 =	vand.u32 $0x100, v4;
	vm13 =	veq.s32 v8, $0x0;
	v5 =	vsel vm12, $0xFFFFFFFF, v5;
	[tilespmem:$0x1D30] =	vst v7  }
0x98: {  	v3 =	vand.u32 $0x100, v3;
	v6 =	vsel vm13, $0xFFFFFFFF, v6;
	vm14 =	veq.s32 v4, $0x0;
	[tilespmem:$0x1D40] =	vst v5  }
0x99: {  	v1 =	vor.u32 $0x10000, v1;
	vm15 =	veq.s32 v3, $0x0;
	v2 =	vsel vm14, $0xFFFFFFFF, v2;
	[tilespmem:$0x1D50] =	vst v6  }
0x9a: {  	v1 =	vsel vm15, $0xFFFFFFFF, v1;
	[tilespmem:$0x1D60] =	vst v2  }
0x9b: {  	[tilespmem:$0x1D70] =	vst v1;
	(ifvalue) =	ssetifvalue $0xFFFFFFFF  }
0x9c: {  	[spmem:s2] =	stream.indirect.scatter.add.f32 [tilespmem:s3], [sflag:$0x3], $0x18, s31, s21, $0x40b8;
	[tilespmem:$0x1DE00] =	vst v63  }
0x9d: {  	_ =	swait.ge [sflag:s0], $0xC00  }
0x9e: {  	[sflag:s0] =	ssyncset.done $0x0  }
0x9f: {  	[sflag:s0] =	ssyncadd.s32 $0xFFFFF400  }
0xa0: {  	_ =	swait.ge [sflag:s0], $0x80  }
0xa1: {  	[sflag:s0] =	ssyncset.done $0x0  }
0xa2: {  	[sflag:s0] =	ssyncadd.s32 $0xFFFFFF80  }
0xa3: {  	v1 =	vld [tilespmem:$0x1880]  }
0xa4: {  	v2 =	vld [tilespmem:$0x1890]  }
0xa5: {  	v3 =	vld [tilespmem:$0x18A0]  }
0xa6: {  	v25 =	vld [tilespmem:$0x18B0]  }
0xa7: {  	v26 =	vld [tilespmem:$0x18C0]  }
0xa8: {  	v27 =	vld [tilespmem:$0x18D0]  }
0xa9: {  	v28 =	vld [tilespmem:$0x18E0]  }
0xaa: {  	v29 =	vld [tilespmem:$0x18F0];
	v13 =	vand.u32 $0x1FFF, v1  }
0xab: {  	v16 =	vshrl.u32 v1, v0;
	v11 =	vand.u32 $0x1FFF, v2;
	v15 =	vshrl.u32 v2, v0  }
0xac: {  	v12 =	vand.u32 $0x1FFF, v3;
	v14 =	vshrl.u32 v3, v0;
	v7 =	vand.u32 $0x1FFF, v25  }
0xad: {  	v10 =	vshrl.u32 v25, v0;
	v5 =	vand.u32 $0x1FFF, v26;
	v9 =	vshrl.u32 v26, v0  }
0xae: {  	v6 =	vand.u32 $0x1FFF, v27;
	v8 =	vshrl.u32 v27, v0;
	v2 =	vand.u32 $0x1FFF, v28  }
0xaf: {  	v4 =	vshrl.u32 v28, v0;
	v1 =	vand.u32 $0x1FFF, v29;
	v3 =	vshrl.u32 v29, v0  }
0xb0: {  	v30 =	vand.u32 $0x1, v16;
	v31 =	vand.u32 $0x1, v15;
	v33 =	vand.u32 $0x1, v14  }
0xb1: {  	v35 =	vand.u32 $0x1, v10;
	v37 =	vand.u32 $0x1, v9;
	v39 =	vand.u32 $0x1, v8  }
0xb2: {  	v41 =	vand.u32 $0x1, v4;
	v43 =	vand.u32 $0x1, v3;
	v45 =	vand.u32 $0x2, v16  }
0xb3: {  	v47 =	vand.u32 $0x2, v15;
	v48 =	vor.u32 $0x2000, v13;
	v49 =	vor.u32 $0x2000, v11  }
0xb4: {  	v50 =	vand.u32 $0x2, v14;
	v51 =	vor.u32 $0x2000, v12;
	v52 =	vand.u32 $0x2, v10  }
0xb5: {  	v53 =	vand.u32 $0x2, v9;
	v54 =	vor.u32 $0x2000, v7;
	v55 =	vor.u32 $0x2000, v5  }
0xb6: {  	v57 =	vand.u32 $0x2, v8;
	v58 =	vor.u32 $0x2000, v6;
	v59 =	vand.u32 $0x2, v4  }
0xb7: {  	v60 =	vand.u32 $0x2, v3;
	v61 =	vor.u32 $0x2000, v2;
	v62 =	vor.u32 $0x2000, v1  }
0xb8: {  	v25 =	vand.u32 $0x4, v16;
	v26 =	vor.u32 $0x4000, v13;
	v27 =	vand.u32 $0x4, v15  }
0xb9: {  	v29 =	vand.u32 $0x4, v14;
	vm4 =	veq.s32 v30, $0x0;
	vm5 =	veq.s32 v31, $0x0  }
0xba: {  	vm6 =	veq.s32 v33, $0x0;
	vm7 =	veq.s32 v35, $0x0;
	vm8 =	veq.s32 v37, $0x0  }
0xbb: {  	vm9 =	veq.s32 v39, $0x0;
	vm10 =	veq.s32 v41, $0x0;
	vm11 =	veq.s32 v43, $0x0  }
0xbc: {  	vm12 =	veq.s32 v45, $0x0;
	vm13 =	veq.s32 v47, $0x0;
	vm14 =	veq.s32 v50, $0x0  }
0xbd: {  	vm15 =	veq.s32 v52, $0x0;
	v30 =	vor.u32 $0x4000, v11;
	v31 =	vor.u32 $0x4000, v12  }
0xbe: {  	v33 =	vor.u32 $0x4000, v7;
	v35 =	vand.u32 $0x4, v8;
	v32 =	vsel vm4, $0xFFFFFFFF, v13  }
0xbf: {  	v37 =	vor.u32 $0x4000, v6;
	v39 =	vor.u32 $0x4000, v2;
	v34 =	vsel vm5, $0xFFFFFFFF, v11;
	[tilespmem:$0x1D80] =	vst v32  }
0xc0: {  	v41 =	vand.u32 $0x8, v16;
	v43 =	vor.u32 $0x6000, v13;
	v36 =	vsel vm6, $0xFFFFFFFF, v12;
	[tilespmem:$0x1D90] =	vst v34  }
0xc1: {  	v45 =	vand.u32 $0x8, v15;
	v47 =	vand.u32 $0x8, v14;
	v38 =	vsel vm7, $0xFFFFFFFF, v7;
	[tilespmem:$0x1DA0] =	vst v36  }
0xc2: {  	v50 =	vor.u32 $0x6000, v12;
	v40 =	vsel vm8, $0xFFFFFFFF, v5;
	v42 =	vsel vm9, $0xFFFFFFFF, v6;
	[tilespmem:$0x1DB0] =	vst v38  }
0xc3: {  	v44 =	vsel vm10, $0xFFFFFFFF, v2;
	v46 =	vsel vm11, $0xFFFFFFFF, v1;
	v20 =	vsel vm12, $0xFFFFFFFF, v48;
	[tilespmem:$0x1DC0] =	vst v40  }
0xc4: {  	v17 =	vsel vm13, $0xFFFFFFFF, v49;
	v21 =	vsel vm14, $0xFFFFFFFF, v51;
	vm4 =	veq.s32 v53, $0x0;
	[tilespmem:$0x1DD0] =	vst v42  }
0xc5: {  	v18 =	vsel vm15, $0xFFFFFFFF, v54;
	vm5 =	veq.s32 v57, $0x0;
	vm6 =	veq.s32 v59, $0x0;
	[tilespmem:$0x1DE0] =	vst v44  }
0xc6: {  	vm7 =	veq.s32 v60, $0x0;
	vm8 =	veq.s32 v25, $0x0;
	vm9 =	veq.s32 v27, $0x0;
	[tilespmem:$0x1DF0] =	vst v46;
	(ifvalue) =	ssetifvalue $0xFFFFFFFF  }
0xc7: {  	vm10 =	veq.s32 v29, $0x0;
	vm13 =	veq.s32 v35, $0x0;
	v49 =	vand.u32 $0x8, v10;
	[spmem:s2] =	stream.indirect.scatter.add.f32 [tilespmem:s18], [sflag:$0x4], $0x18, s4, s21, $0x40b8;
	[tilespmem:$0x1DE00] =	vst v63  }
0xc8: {  	v51 =	vor.u32 $0x6000, v7;
	v54 =	vand.u32 $0x8, v9;
	v57 =	vand.u32 $0x8, v4;
	[tilespmem:$0x1E00] =	vst v20  }
0xc9: {  	v59 =	vor.u32 $0x6000, v2;
	v25 =	vor.u32 $0x8000, v13;
	v29 =	vor.u32 $0x8000, v12;
	[tilespmem:$0x1E10] =	vst v17  }
0xca: {  	v35 =	vand.u32 $0x10, v8;
	v56 =	vsel vm4, $0xFFFFFFFF, v55;
	v22 =	vsel vm5, $0xFFFFFFFF, v58;
	[tilespmem:$0x1E20] =	vst v21  }
0xcb: {  	v63 =	vsel vm6, $0xFFFFFFFF, v61;
	v24 =	vsel vm7, $0xFFFFFFFF, v62;
	v28 =	vsel vm8, $0xFFFFFFFF, v26;
	[tilespmem:$0x1E30] =	vst v18  }
0xcc: {  	v19 =	vsel vm9, $0xFFFFFFFF, v30;
	v32 =	vand.u32 $0x4, v10;
	v34 =	vand.u32 $0x4, v9;
	[tilespmem:$0x1E40] =	vst v56  }
0xcd: {  	v36 =	vor.u32 $0x4000, v5;
	v38 =	vand.u32 $0x4, v4;
	v40 =	vand.u32 $0x4, v3;
	[tilespmem:$0x1E50] =	vst v22  }
0xce: {  	v42 =	vor.u32 $0x4000, v1;
	vm4 =	veq.s32 v41, $0x0;
	vm5 =	veq.s32 v45, $0x0;
	[tilespmem:$0x1E60] =	vst v63  }
0xcf: {  	v46 =	vor.u32 $0x6000, v11;
	vm6 =	veq.s32 v47, $0x0;
	vm7 =	veq.s32 v49, $0x0;
	[tilespmem:$0x1E70] =	vst v24;
	(ifvalue) =	ssetifvalue $0xFFFFFFFF  }
0xd0: {  	vm8 =	veq.s32 v54, $0x0;
	v55 =	vor.u32 $0x6000, v5;
	v58 =	vor.u32 $0x6000, v6;
	[spmem:s2] =	stream.indirect.scatter.add.f32 [tilespmem:s18], [sflag:$0x4], $0x18, s5, s21, $0x40b8;
	[tilespmem:$0x1DE00] =	vst v63  }
0xd1: {  	v61 =	vand.u32 $0x8, v3;
	v62 =	vor.u32 $0x6000, v1;
	v26 =	vor.u32 $0x8000, v11;
	[tilespmem:$0x1E80] =	vst v28  }
0xd2: {  	v30 =	vand.u32 $0x10, v10;
	v41 =	vor.u32 $0x8000, v1;
	v21 =	vsel vm10, $0xFFFFFFFF, v31;
	[tilespmem:$0x1E90] =	vst v19  }
0xd3: {  	v47 =	vor.u32 $0xA000, v11;
	vm11 =	veq.s32 v32, $0x0;
	v20 =	vsel vm13, $0xFFFFFFFF, v37;
	[tilespmem:$0x1EA0] =	vst v21  }
0xd4: {  	v54 =	vor.u32 $0xA000, v5;
	vm12 =	veq.s32 v34, $0x0;
	v17 =	vsel vm11, $0xFFFFFFFF, v33;
	[tilespmem:$0x1ED0] =	vst v20  }
0xd5: {  	vm14 =	veq.s32 v38, $0x0;
	vm15 =	veq.s32 v40, $0x0;
	v22 =	vsel vm12, $0xFFFFFFFF, v36;
	[tilespmem:$0x1EB0] =	vst v17  }
0xd6: {  	v48 =	vsel vm5, $0xFFFFFFFF, v46;
	v52 =	vsel vm6, $0xFFFFFFFF, v50;
	v18 =	vsel vm14, $0xFFFFFFFF, v39;
	[tilespmem:$0x1EC0] =	vst v22  }
0xd7: {  	v53 =	vsel vm7, $0xFFFFFFFF, v51;
	v56 =	vand.u32 $0x8, v8;
	v44 =	vsel vm15, $0xFFFFFFFF, v42;
	[tilespmem:$0x1EE0] =	vst v18  }
0xd8: {  	vm10 =	veq.s32 v57, $0x0;
	v63 =	vand.u32 $0x10, v16;
	v24 =	vand.u32 $0x10, v15;
	[tilespmem:$0x1EF0] =	vst v44;
	(ifvalue) =	ssetifvalue $0xFFFFFFFF  }
0xd9: {  	v32 =	vand.u32 $0x10, v9;
	v34 =	vor.u32 $0x8000, v5;
	v19 =	vsel vm4, $0xFFFFFFFF, v43;
	[spmem:s2] =	stream.indirect.scatter.add.f32 [tilespmem:s18], [sflag:$0x4], $0x18, s7, s21, $0x40b8;
	[tilespmem:$0x1DE00] =	vst v63  }
0xda: {  	vm5 =	veq.s32 v35, $0x0;
	v37 =	vand.u32 $0x10, v4;
	v40 =	vor.u32 $0x8000, v2;
	[tilespmem:$0x1F00] =	vst v19  }
0xdb: {  	v46 =	vand.u32 $0x20, v14;
	v50 =	vand.u32 $0x20, v10;
	v51 =	vor.u32 $0xA000, v7;
	[tilespmem:$0x1F10] =	vst v48  }
0xdc: {  	v21 =	vsel vm8, $0xFFFFFFFF, v55;
	vm9 =	veq.s32 v56, $0x0;
	v60 =	vsel vm10, $0xFFFFFFFF, v59;
	[tilespmem:$0x1F20] =	vst v52  }
0xdd: {  	vm11 =	veq.s32 v61, $0x0;
	vm12 =	veq.s32 v63, $0x0;
	vm13 =	veq.s32 v24, $0x0;
	[tilespmem:$0x1F30] =	vst v53  }
0xde: {  	v28 =	vand.u32 $0x10, v14;
	vm15 =	veq.s32 v30, $0x0;
	v33 =	vor.u32 $0x8000, v7;
	[tilespmem:$0x1F40] =	vst v21  }
0xdf: {  	vm4 =	veq.s32 v32, $0x0;
	v36 =	vor.u32 $0x8000, v6;
	v17 =	vsel vm11, $0xFFFFFFFF, v62;
	[tilespmem:$0x1F60] =	vst v60  }
0xe0: {  	vm6 =	veq.s32 v37, $0x0;
	v39 =	vand.u32 $0x10, v3;
	v19 =	vsel vm9, $0xFFFFFFFF, v58;
	[tilespmem:$0x1F70] =	vst v17  }
0xe1: {  	v42 =	vand.u32 $0x20, v16;
	v43 =	vor.u32 $0xA000, v13;
	vm10 =	veq.s32 v46, $0x0;
	[tilespmem:$0x1F50] =	vst v19;
	(ifvalue) =	ssetifvalue $0xFFFFFFFF  }
0xe2: {  	v55 =	vor.u32 $0xA000, v6;
	v59 =	vor.u32 $0xA000, v2;
	v27 =	vsel vm12, $0xFFFFFFFF, v25;
	[spmem:s2] =	stream.indirect.scatter.add.f32 [tilespmem:s18], [sflag:$0x4], $0x18, s9, s21, $0x40b8;
	[tilespmem:$0x1DE00] =	vst v63  }
0xe3: {  	v61 =	vand.u32 $0x40, v16;
	v18 =	vsel vm13, $0xFFFFFFFF, v26;
	vm14 =	veq.s32 v28, $0x0;
	[tilespmem:$0x1F80] =	vst v27  }
0xe4: {  	v63 =	vor.u32 $0xC000, v13;
	v30 =	vor.u32 $0xC000, v12;
	v31 =	vsel vm14, $0xFFFFFFFF, v29;
	[tilespmem:$0x1F90] =	vst v18  }
0xe5: {  	v32 =	vand.u32 $0x40, v9;
	v37 =	vor.u32 $0xC000, v6;
	v21 =	vsel vm15, $0xFFFFFFFF, v33;
	[tilespmem:$0x1FA0] =	vst v31  }
0xe6: {  	v20 =	vsel vm4, $0xFFFFFFFF, v34;
	v38 =	vsel vm5, $0xFFFFFFFF, v36;
	vm7 =	veq.s32 v39, $0x0;
	[tilespmem:$0x1FB0] =	vst v21  }
0xe7: {  	vm8 =	veq.s32 v42, $0x0;
	v44 =	vand.u32 $0x20, v15;
	vm11 =	veq.s32 v50, $0x0;
	[tilespmem:$0x1FC0] =	vst v20  }
0xe8: {  	v62 =	vor.u32 $0xA000, v1;
	vm4 =	veq.s32 v61, $0x0;
	v17 =	vsel vm6, $0xFFFFFFFF, v40;
	[tilespmem:$0x1FD0] =	vst v38  }
0xe9: {  	v25 =	vand.u32 $0x40, v15;
	v26 =	vor.u32 $0xC000, v11;
	v19 =	vsel vm7, $0xFFFFFFFF, v41;
	[tilespmem:$0x1FE0] =	vst v17  }
0xea: {  	v34 =	vand.u32 $0x40, v8;
	v36 =	vand.u32 $0x40, v4;
	v42 =	vand.u32 $0x80, v16;
	[tilespmem:$0x1FF0] =	vst v19;
	(ifvalue) =	ssetifvalue $0xFFFFFFFF  }
0xeb: {  	v50 =	vand.u32 $0x80, v10;
	v45 =	vsel vm8, $0xFFFFFFFF, v43;
	vm9 =	veq.s32 v44, $0x0;
	[spmem:s2] =	stream.indirect.scatter.add.f32 [tilespmem:s18], [sflag:$0x4], $0x18, s10, s21, $0x40b8;
	[tilespmem:$0x1DE00] =	vst v63  }
0xec: {  	v61 =	vor.u32 $0xE000, v1;
	v48 =	vor.u32 $0xA000, v12;
	v17 =	vsel vm9, $0xFFFFFFFF, v47;
	[tilespmem:$0x2000] =	vst v45  }
0xed: {  	v16 =	vand.u32 $0x100, v16;
	v52 =	vand.u32 $0x20, v9;
	v49 =	vsel vm10, $0xFFFFFFFF, v48;
	[tilespmem:$0x2010] =	vst v17  }
0xee: {  	v53 =	vand.u32 $0x20, v8;
	vm12 =	veq.s32 v52, $0x0;
	v20 =	vsel vm11, $0xFFFFFFFF, v51;
	[tilespmem:$0x2020] =	vst v49  }
0xef: {  	v58 =	vand.u32 $0x20, v4;
	vm13 =	veq.s32 v53, $0x0;
	v56 =	vsel vm12, $0xFFFFFFFF, v54;
	[tilespmem:$0x2030] =	vst v20  }
0xf0: {  	v60 =	vand.u32 $0x20, v3;
	vm14 =	veq.s32 v58, $0x0;
	v57 =	vsel vm13, $0xFFFFFFFF, v55;
	[tilespmem:$0x2040] =	vst v56  }
0xf1: {  	v24 =	vsel vm4, $0xFFFFFFFF, v63;
	vm15 =	veq.s32 v60, $0x0;
	v19 =	vsel vm14, $0xFFFFFFFF, v59;
	[tilespmem:$0x2050] =	vst v57  }
0xf2: {  	vm5 =	veq.s32 v25, $0x0;
	v29 =	vand.u32 $0x40, v10;
	v17 =	vsel vm15, $0xFFFFFFFF, v62;
	[tilespmem:$0x2060] =	vst v19  }
0xf3: {  	vm8 =	veq.s32 v32, $0x0;
	v33 =	vor.u32 $0xC000, v5;
	v40 =	vand.u32 $0x40, v3;
	[tilespmem:$0x2070] =	vst v17;
	(ifvalue) =	ssetifvalue $0xFFFFFFFF  }
0xf4: {  	v43 =	vand.u32 $0x80, v15;
	v44 =	vor.u32 $0xE000, v13;
	v27 =	vand.u32 $0x40, v14;
	[spmem:s2] =	stream.indirect.scatter.add.f32 [tilespmem:s18], [sflag:$0x4], $0x18, s11, s21, $0x40b8;
	[tilespmem:$0x1DE00] =	vst v63  }
0xf5: {  	v13 =	vor.u32 $0x10000, v13;
	v28 =	vsel vm5, $0xFFFFFFFF, v26;
	vm6 =	veq.s32 v27, $0x0;
	[tilespmem:$0x2080] =	vst v24  }
0xf6: {  	vm7 =	veq.s32 v29, $0x0;
	v31 =	vor.u32 $0xC000, v7;
	v20 =	vsel vm6, $0xFFFFFFFF, v30;
	[tilespmem:$0x2090] =	vst v28  }
0xf7: {  	v15 =	vand.u32 $0x100, v15;
	v10 =	vand.u32 $0x100, v10;
	v19 =	vsel vm7, $0xFFFFFFFF, v31;
	[tilespmem:$0x20A0] =	vst v20  }
0xf8: {  	v35 =	vsel vm8, $0xFFFFFFFF, v33;
	vm10 =	veq.s32 v36, $0x0;
	vm9 =	veq.s32 v34, $0x0;
	[tilespmem:$0x20B0] =	vst v19  }
0xf9: {  	v41 =	vor.u32 $0xC000, v1;
	v38 =	vor.u32 $0xC000, v2;
	v39 =	vsel vm9, $0xFFFFFFFF, v37;
	[tilespmem:$0x20C0] =	vst v35  }
0xfa: {  	v48 =	vand.u32 $0x80, v14;
	vm11 =	veq.s32 v40, $0x0;
	v18 =	vsel vm10, $0xFFFFFFFF, v38;
	[tilespmem:$0x20D0] =	vst v39  }
0xfb: {  	v52 =	vor.u32 $0xE000, v7;
	v53 =	vor.u32 $0xE000, v5;
	v17 =	vsel vm11, $0xFFFFFFFF, v41;
	[tilespmem:$0x20E0] =	vst v18  }
0xfc: {  	v60 =	vor.u32 $0xE000, v2;
	vm12 =	veq.s32 v42, $0x0;
	vm13 =	veq.s32 v43, $0x0;
	[tilespmem:$0x20F0] =	vst v17;
	(ifvalue) =	ssetifvalue $0xFFFFFFFF  }
0xfd: {  	vm14 =	veq.s32 v48, $0x0;
	v45 =	vor.u32 $0xE000, v11;
	v46 =	vsel vm12, $0xFFFFFFFF, v44;
	[spmem:s2] =	stream.indirect.scatter.add.f32 [tilespmem:s18], [sflag:$0x4], $0x18, s13, s21, $0x40b8;
	[tilespmem:$0x1DE00] =	vst v63  }
0xfe: {  	v51 =	vand.u32 $0x80, v9;
	v49 =	vor.u32 $0xE000, v12;
	v47 =	vsel vm13, $0xFFFFFFFF, v45;
	[tilespmem:$0x2100] =	vst v46  }
0xff: {  	v55 =	vand.u32 $0x80, v8;
	vm15 =	veq.s32 v50, $0x0;
	v19 =	vsel vm14, $0xFFFFFFFF, v49;
	[tilespmem:$0x2110] =	vst v47  }
0x100: {  	vm4 =	veq.s32 v51, $0x0;
	vm5 =	veq.s32 v55, $0x0;
	v17 =	vsel vm15, $0xFFFFFFFF, v52;
	[tilespmem:$0x2120] =	vst v19  }
0x101: {  	v56 =	vor.u32 $0xE000, v6;
	v57 =	vand.u32 $0x80, v4;
	v54 =	vsel vm4, $0xFFFFFFFF, v53;
	[tilespmem:$0x2130] =	vst v17  }
0x102: {  	v59 =	vand.u32 $0x80, v3;
	v58 =	vsel vm5, $0xFFFFFFFF, v56;
	vm6 =	veq.s32 v57, $0x0;
	[tilespmem:$0x2140] =	vst v54  }
0x103: {  	vm8 =	veq.s32 v16, $0x0;
	vm7 =	veq.s32 v59, $0x0;
	v62 =	vsel vm6, $0xFFFFFFFF, v60;
	[tilespmem:$0x2150] =	vst v58  }
0x104: {  	v5 =	vor.u32 $0x10000, v5;
	v13 =	vsel vm8, $0xFFFFFFFF, v13;
	v63 =	vsel vm7, $0xFFFFFFFF, v61;
	[tilespmem:$0x2160] =	vst v62  }
0x105: {  	v14 =	vand.u32 $0x100, v14;
	v7 =	vor.u32 $0x10000, v7;
	v9 =	vand.u32 $0x100, v9;
	[tilespmem:$0x2170] =	vst v63;
	(ifvalue) =	ssetifvalue $0xFFFFFFFF  }
0x106: {  	v8 =	vand.u32 $0x100, v8;
	vm9 =	veq.s32 v15, $0x0;
	v11 =	vor.u32 $0x10000, v11;
	[spmem:s2] =	stream.indirect.scatter.add.f32 [tilespmem:s18], [sflag:$0x4], $0x18, s15, s21, $0x40b8;
	[tilespmem:$0x1DE00] =	vst v63  }
0x107: {  	vm10 =	veq.s32 v14, $0x0;
	v12 =	vor.u32 $0x10000, v12;
	v11 =	vsel vm9, $0xFFFFFFFF, v11;
	[tilespmem:$0x2180] =	vst v13  }
0x108: {  	v2 =	vor.u32 $0x10000, v2;
	v12 =	vsel vm10, $0xFFFFFFFF, v12;
	vm11 =	veq.s32 v10, $0x0;
	[tilespmem:$0x2190] =	vst v11  }
0x109: {  	vm12 =	veq.s32 v9, $0x0;
	v6 =	vor.u32 $0x10000, v6;
	v7 =	vsel vm11, $0xFFFFFFFF, v7;
	[tilespmem:$0x21A0] =	vst v12  }
0x10a: {  	v4 =	vand.u32 $0x100, v4;
	vm13 =	veq.s32 v8, $0x0;
	v5 =	vsel vm12, $0xFFFFFFFF, v5;
	[tilespmem:$0x21B0] =	vst v7  }
0x10b: {  	v3 =	vand.u32 $0x100, v3;
	v6 =	vsel vm13, $0xFFFFFFFF, v6;
	vm14 =	veq.s32 v4, $0x0;
	[tilespmem:$0x21C0] =	vst v5  }
0x10c: {  	v1 =	vor.u32 $0x10000, v1;
	vm15 =	veq.s32 v3, $0x0;
	v2 =	vsel vm14, $0xFFFFFFFF, v2;
	[tilespmem:$0x21D0] =	vst v6  }
0x10d: {  	v1 =	vsel vm15, $0xFFFFFFFF, v1;
	[tilespmem:$0x21E0] =	vst v2  }
0x10e: {  	[tilespmem:$0x21F0] =	vst v1;
	(ifvalue) =	ssetifvalue $0xFFFFFFFF  }
0x10f: {  	[spmem:s2] =	stream.indirect.scatter.add.f32 [tilespmem:s18], [sflag:$0x4], $0x18, s14, s21, $0x40b8;
	[tilespmem:$0x1DE00] =	vst v63  }
0x110: {  	_ =	swait.ge [sflag:s1], $0xC00  }
0x111: {  	[sflag:s1] =	ssyncset.done $0x0  }
0x112: {  	[sflag:s1] =	ssyncadd.s32 $0xFFFFF400  }
0x113: {  	_ =	swait.ge [sflag:s1], $0xC00  }
0x114: {  	[sflag:s1] =	ssyncset.done $0x0  }
0x115: {  	[sflag:s1] =	ssyncadd.s32 $0xFFFFF400  }
0x116: {  	_ =	swait.ge [sflag:s1], $0xC00  }
0x117: {  	[sflag:s1] =	ssyncset.done $0x0  }
0x118: {  	[sflag:s1] =	ssyncadd.s32 $0xFFFFF400  }
0x119: {  	_ =	swait.ge [sflag:s1], $0xC00  }
0x11a: {  	[sflag:s1] =	ssyncset.done $0x0  }
0x11b: {  	[sflag:s1] =	ssyncadd.s32 $0xFFFFF400  }
0x11c: {  	_ =	swait.ge [sflag:s1], $0xC00  }
0x11d: {  	[sflag:s1] =	ssyncset.done $0x0  }
0x11e: {  	[sflag:s1] =	ssyncadd.s32 $0xFFFFF400  }
0x11f: {  	_ =	swait.ge [sflag:s1], $0xC00  }
0x120: {  	[sflag:s1] =	ssyncset.done $0x0  }
0x121: {  	[sflag:s1] =	ssyncadd.s32 $0xFFFFF400  }
0x122: {  	_ =	swait.ge [sflag:s1], $0xC00  }
0x123: {  	[sflag:s1] =	ssyncset.done $0x0  }
0x124: {  	[sflag:s1] =	ssyncadd.s32 $0xFFFFF400  }
0x125: {  	p0 =	seq.s32 s23, $0x9300;
	_ =	swait.ge [sflag:s1], $0xC00  }
.Ltmp0:
0x126: {  	[sflag:s1] =	ssyncset.done $0x0;
	(pc) =	sbr.rel @p0 .LBB2_4-.Ltmp0, $4  }
0x127: {  	[sflag:s1] =	ssyncadd.s32 $0xFFFFF400  }
0x128: {  	_ =	swait.ge [sflag:s1], $0xC00  }
0x129: {  	[sflag:s1] =	ssyncset.done $0x0  }
0x12a: {  	[sflag:s1] =	ssyncadd.s32 $0xFFFFF400  }
0x12b: {  	s24 =	sadd.s32 s23, s8  }
0x12c: {  	s25 =	sadd.s32 $0x300, s24  }
0x12d: {  	[tilespmem:s3], [sflag:$0x1] =	stream.linear.gather [hbm4b:s25+s3], $0xC00, $0x38;
	[tilespmem:$0x1DE00] =	vst v63  }
0x12e: {  	s25 =	sadd.s32 $0xFFFFFFF0, s22  }
0x12f: {  	[tilespmem:s26], [sflag:$0x1] =	stream.linear.gather [hbm4b:s25+s3], $0x80, $0x38;
	[tilespmem:$0x1DE00] =	vst v63  }
0x130: {  	_ =	swait.ge [sflag:s17], $0xC00  }
0x131: {  	[sflag:s17] =	ssyncset.done $0x0  }
0x132: {  	[sflag:s17] =	ssyncadd.s32 $0xFFFFF400  }
0x133: {  	_ =	swait.ge [sflag:s17], $0xC00  }
0x134: {  	[sflag:s17] =	ssyncset.done $0x0  }
0x135: {  	[sflag:s17] =	ssyncadd.s32 $0xFFFFF400  }
0x136: {  	_ =	swait.ge [sflag:s17], $0xC00  }
0x137: {  	[sflag:s17] =	ssyncset.done $0x0  }
0x138: {  	[sflag:s17] =	ssyncadd.s32 $0xFFFFF400  }
0x139: {  	_ =	swait.ge [sflag:s17], $0xC00  }
0x13a: {  	[sflag:s17] =	ssyncset.done $0x0  }
0x13b: {  	[sflag:s17] =	ssyncadd.s32 $0xFFFFF400  }
0x13c: {  	_ =	swait.ge [sflag:s17], $0xC00  }
0x13d: {  	[sflag:s17] =	ssyncset.done $0x0  }
0x13e: {  	[sflag:s17] =	ssyncadd.s32 $0xFFFFF400  }
0x13f: {  	_ =	swait.ge [sflag:s17], $0xC00  }
0x140: {  	[sflag:s17] =	ssyncset.done $0x0  }
0x141: {  	[sflag:s17] =	ssyncadd.s32 $0xFFFFF400  }
0x142: {  	_ =	swait.ge [sflag:s17], $0xC00  }
0x143: {  	[sflag:s17] =	ssyncset.done $0x0  }
0x144: {  	[sflag:s17] =	ssyncadd.s32 $0xFFFFF400  }
0x145: {  	_ =	swait.ge [sflag:s17], $0xC00  }
0x146: {  	[sflag:s17] =	ssyncset.done $0x0  }
0x147: {  	[sflag:s17] =	ssyncadd.s32 $0xFFFFF400  }
0x148: {  	_ =	swait.ge [sflag:s17], $0xC00  }
0x149: {  	[sflag:s17] =	ssyncset.done $0x0  }
.Ltmp1:
0x14a: {  	s24 =	sadd.s32 $0x480, s24;
	[sflag:s17] =	ssyncadd.s32 $0xFFFFF400;
	(pc) =	sbr.rel .LBB2_2-.Ltmp1, $4  }
0x14b: {  	[tilespmem:s18], [sflag:$0x2] =	stream.linear.gather [hbm4b:s24+s3], $0xC00, $0x38;
	[tilespmem:$0x1DE00] =	vst v63  }
0x14c: {  	_ = 	snop  }
0x14d: {  	[tilespmem:s28], [sflag:$0x2] =	stream.linear.gather [hbm4b:s22+s3], $0x80, $0x38;
	[tilespmem:$0x1DE00] =	vst v63  }
0x14e: {  	s23 =	sadd.s32 $0x300, s23;
	s22 =	sadd.s32 $0x20, s22  }
.LBB2_4:
0x14f: {  	_ =	swait.ge [sflag:s17], $0xC00  }
0x150: {  	[sflag:s17] =	ssyncset.done $0x0  }
0x151: {  	[sflag:s17] =	ssyncadd.s32 $0xFFFFF400  }
0x152: {  	_ =	swait.ge [sflag:s17], $0xC00  }
0x153: {  	[sflag:s17] =	ssyncset.done $0x0  }
0x154: {  	[sflag:s17] =	ssyncadd.s32 $0xFFFFF400  }
0x155: {  	_ =	swait.ge [sflag:s17], $0xC00  }
0x156: {  	[sflag:s17] =	ssyncset.done $0x0  }
0x157: {  	[sflag:s17] =	ssyncadd.s32 $0xFFFFF400  }
0x158: {  	_ =	swait.ge [sflag:s17], $0xC00  }
0x159: {  	[sflag:s17] =	ssyncset.done $0x0  }
0x15a: {  	[sflag:s17] =	ssyncadd.s32 $0xFFFFF400  }
0x15b: {  	_ =	swait.ge [sflag:s17], $0xC00  }
0x15c: {  	[sflag:s17] =	ssyncset.done $0x0  }
0x15d: {  	[sflag:s17] =	ssyncadd.s32 $0xFFFFF400  }
0x15e: {  	_ =	swait.ge [sflag:s17], $0xC00  }
0x15f: {  	[sflag:s17] =	ssyncset.done $0x0  }
0x160: {  	[sflag:s17] =	ssyncadd.s32 $0xFFFFF400  }
0x161: {  	_ =	swait.ge [sflag:s17], $0xC00  }
0x162: {  	[sflag:s17] =	ssyncset.done $0x0  }
0x163: {  	[sflag:s17] =	ssyncadd.s32 $0xFFFFF400  }
0x164: {  	_ =	swait.ge [sflag:s17], $0xC00  }
0x165: {  	[sflag:s17] =	ssyncset.done $0x0  }
0x166: {  	[sflag:s17] =	ssyncadd.s32 $0xFFFFF400  }
0x167: {  	_ =	swait.ge [sflag:s17], $0xC00  }
0x168: {  	[sflag:s17] =	ssyncset.done $0x0  }
0x169: {  	[sflag:s17] =	ssyncadd.s32 $0xFFFFF400  }
0x16a: {  	s22 =	simm.s32 $0x0;
	s23 =	simm.s32 $0x0;
	[bflag:$0x0] =	sbarrier.arrive $0xFFFF  }
.LBB2_5:
0x16b: {  	s24 =	sshll.u32 s23, $0x7  }
0x16c: {  	s25 =	sadd.s32 s6, s24  }
0x16d: {  	s25 =	smul.u32 $0x60, s25;
	_ =	sdelay $0x1  }
0x16e: {  	s25 =	sshra.s32 s25, $0x2  }
0x16f: {  	s25 =	sadd.s32 s25, s2  }
0x170: {  	[tilespmem:s22], [sflag:$0x5] =	stream.linear.gather [spmem:s25], $0xC00, $0x38;
	[tilespmem:$0x1DE00] =	vst v63  }
0x171: {  	_ =	swait.ge [sflag:s16], $0xC00  }
0x172: {  	[sflag:s16] =	ssyncset.done $0x0  }
0x173: {  	s28 =	simm.s32 $0x0;
	[sflag:s16] =	ssyncadd.s32 $0xFFFFF400  }
0x174: {  	v1 =	vld [tilespmem:s28+$0x8];
	_ =	sdelay $0x4  }
0x175: {  	v1 =	vmax.f32 v1, $1.000000000e+00  }
0x176: {  	(erf) = vrcp.f32 v1;
	_ =	sdelay $0x1  }
0x177: {  	s26 =	simm.s32 $0x18  }
0x178: {  	v2 =	vld [tilespmem:s26+$0x8];
	_ =	sdelay $0x4  }
0x179: {  	s25 =	simm.s32 $0x30;
	v3 =	vmax.f32 v2, $1.000000000e+00  }
0x17a: {  	v1 =	vld [tilespmem:s25+$0x8];
	v4 =	vpop (erf);
	(erf) = vrcp.f32 v3  }
0x17b: {  	v2 =	vld [tilespmem:s28+$0x2]  }
0x17c: {  	v3 =	vld [tilespmem:s28+$0x7];
	_ =	sdelay $0x1  }
0x17d: {  	s29 =	simm.s32 $0x120;
	v4 =	vbroadcast v4, $0xF  }
.LBB2_6:
0x17e: {  	s30 =	sshra.s32 s29, $0x2;
	v5 =	vmax.f32 v1, $1.000000000e+00;
	p0 =	sne.s32 s29, $0x2FA0  }
.Ltmp2:
0x17f: {  	s29 =	sadd.s32 $0x60, s29;
	v1 =	vld [tilespmem:s30+$0x8];
	(erf) = vrcp.f32 v5;
	v6 =	vmul.f32 v4, v2;
	(pc) =	sbr.rel @p0 .LBB2_6-.Ltmp2, $4  }
0x180: {  	v2 =	vld [tilespmem:s26+$0x2];
	v4 =	vmul.f32 v4, v3  }
0x181: {  	v3 =	vld [tilespmem:s26+$0x7];
	[tilespmem:s28+$0x2200] =	vst v6  }
0x182: {  	v5 =	vpop (erf);
	[tilespmem:s28+$0x2205] =	vst v4;
	s28 =	smov.u32 s26;
	s26 =	smov.u32 s25;
	s25 =	smov.u32 s30  }
0x183: {  	v4 =	vbroadcast v5, $0xF  }
0x184: {  	v1 =	vmax.f32 v1, $1.000000000e+00  }
0x185: {  	(erf) = vrcp.f32 v1;
	_ =	sdelay $0x2  }
0x186: {  	v1 =	vmul.f32 v4, v2  }
0x187: {  	v63 =	vld [tilespmem:s26+$0x7];
	v3 =	vmul.f32 v4, v3  }
0x188: {  	v2 =	vld [tilespmem:s26+$0x2];
	[tilespmem:s28+$0x2200] =	vst v1  }
0x189: {  	[tilespmem:s28+$0x2205] =	vst v3  }
0x18a: {  	v1 =	vpop (erf);
	v3 =	vld [tilespmem:s25+$0x2]  }
0x18b: {  	v5 =	vld [tilespmem:s25+$0x7];
	v1 =	vbroadcast v1, $0xF  }
0x18c: {  	v6 =	vpop (erf)  }
0x18d: {  	v2 =	vmul.f32 v1, v2;
	v6 =	vbroadcast v6, $0xF  }
0x18e: {  	v1 =	vmul.f32 v1, v63  }
0x18f: {  	s24 =	sadd.s32 s24, s12;
	[tilespmem:s26+$0x2200] =	vst v2;
	v2 =	vmul.f32 v6, v3  }
0x190: {  	s23 =	sadd.s32 $0x1, s23;
	s24 =	smul.u32 $0x3, s24;
	[tilespmem:s26+$0x2205] =	vst v1;
	v1 =	vmul.f32 v6, v5  }
0x191: {  	s30 =	rddreg [dreg:$0x1];
	p0 =	sne.s32 s23, $0x24;
	[tilespmem:s25+$0x2200] =	vst v2  }
.Ltmp3:
0x192: {  	s24 =	sadd.s32 s30, s24;
	[tilespmem:s25+$0x2205] =	vst v1;
	(pc) =	sbr.rel @p0 .LBB2_5-.Ltmp3, $4  }
0x193: {  	[hbm4b:s24+s3] =	stream.linear.scatter [tilespmem:s19], [sflag:$0x5], $0xC00, $0x38;
	[tilespmem:$0x1DE00] =	vst v63  }
0x194: {  	_ =	swait.ge [sflag:s16], $0xC00  }
0x195: {  	[sflag:s16] =	ssyncset.done $0x0  }
0x196: {  	[sflag:s16] =	ssyncadd.s32 $0xFFFFF400  }
0x197: {  	s23 =	rddreg [dreg:$0xc]  }
0x198: {  	s22 =	rddreg [dreg:$0x9];
	s23 =	sadd.s32 $0x1, s23  }
0x199: {  	p0 =	sne.s32 s23, s22  }
.Ltmp4:
0x19a: {  	_ = 	snop;
	(pc) =	sbr.rel @p0 .LBB2_1-.Ltmp4, $3  }
0x19b: {  	_ =	sdelay $0x1  }
0x19c: {  	s26 =	simm.s32 $0x1800  }
0x19d: {  	s28 =	simm.s32 $0x1880;
	s29 =	simm.s32 $0x1900;
	s30 =	simm.s32 $0x1980  }
0x19e: {  	_ =	sfence.sel $0x180000  }
0x19f: {  	[bflag:$0x0] =	sbarrier.arrive $0xFFFF  }
0x1a0: {  	_ =	strace $0x90000047  }
0x1a1: {  	s0 =	stileid.u32;
	[bflag:$0x2] =	sbarrier.arrive $0xFFFF  }
0x1a2: {  	p0 =	sne.s32 s0, $0x0;
	s0 =	rddreg [dreg:$0x3]  }
0x1a3: {  	s0 =	sadd.s32 @!p0 $0x100000, s0  }
0x1a4: {  	[sflag:s0] =	ssyncadd.tile.s32 @!p0 $0x1;
	_ =	shalt  }
.Lfunc_end2:
_tile_overlayer_lowered:
.L_overlay_start_2:
0x1a5: {  	(tag) =	ssettag $0x2  }
0x1a6: {  	s0 =	rddreg [dreg:$0x0];
	s2 =	stileid.u32  }
0x1a7: {  	s1 =	rddreg [dreg:$0x1];
	p0 =	sne.s32 s2, $0x0  }
0x1a8: {  	s3 =	rddreg [dreg:$0x2];
	[bflag:$0x3] =	sbarrier.arrive $0xFFFF;
	s2 =	simm.s32 @!p0 $0x1C05  }
0x1a9: {  	[timem:s3], [sflag:s2] =	dma.local @!p0 [hbm:s0], s1  }
0x1aa: {  	s0 =	simm.s32 @!p0 $0x5  }
0x1ab: {  	_ =	swait.ge @!p0 [sflag:s0], s1  }
0x1ac: {  	s1 =	ssub.s32 @!p0 $0x0, s1;
	[sflag:s0] =	ssyncset.done @!p0 $0x0  }
0x1ad: {  	[sflag:s0] =	ssyncadd.s32 @!p0 s1  }
0x1ae: {  	[bflag:$0x3] =	sbarrier.arrive $0xFFFF  }
0x1af: {  	_ =	shalt  }

</sc_bundles>
